<compile_context>
chip_gen: v7x
topology: tpu7x:2x2x1
jax: 0.10.2.dev20260603
libtpu: 0.0.44.dev20260713+nightly
codegen_flags: <defaults>
</compile_context>

<pallas_src>
import functools
import jax
import jax.numpy as jnp
from jax import lax
from jax.experimental import pallas as pl
from jax.experimental.pallas import tpu as pltpu
from jax.experimental.pallas import tpu_sc as plsc

_LANE_OFFS = (0, 16, 32, 34)


def _mm_body(emb_ref, att_ref, w_ref, a_ref, b_ref):
    BL = emb_ref.shape[0] * emb_ref.shape[1]
    D = emb_ref.shape[2]
    e2d = emb_ref[...].reshape(BL, D)
    neg_inf = jnp.float32(-jnp.inf)
    a = jax.lax.dot_general(e2d, w_ref[:, :D], (((1,), (1,)), ((), ())),
                            preferred_element_type=jnp.float32)
    bv = jax.lax.dot_general(e2d, w_ref[:, D:], (((1,), (1,)), ((), ())),
                             preferred_element_type=jnp.float32)
    a_ref[...] = jnp.where(att_ref[...] > 0, a, neg_inf)
    b_ref[...] = jnp.where(att_ref[...] > 0, bv, neg_inf)


def _sc_body(a_hbm, bv_hbm, out_hbm, a_vm, b_vm, ob):
    L = 64
    JW = 16
    cid = lax.axis_index("c")
    sid = lax.axis_index("s")
    w = sid * 2 + cid
    b = w // 4
    j0 = (w % 4) * JW

    pltpu.sync_copy(a_hbm.at[pl.ds(b * L, L), :], a_vm)
    pltpu.sync_copy(bv_hbm.at[pl.ds(b * L + j0, JW), :], b_vm)

    neg_inf = jnp.full((16,), -jnp.inf, dtype=jnp.float32)

    def step(jj, carry):
        j = j0 + jj
        brow = [b_vm[jj, pl.ds(off, 16)] for off in _LANE_OFFS]
        for k in range(L):
            for t, off in enumerate(_LANE_OFFS):
                ob[k, pl.ds(off, 16)] = a_vm[k, pl.ds(off, 16)] + brow[t]
        for off in _LANE_OFFS:
            ob[j, pl.ds(off, 16)] = neg_inf
        pltpu.sync_copy(ob, out_hbm.at[b, pl.ds(j * L, L), :])
        return carry

    lax.fori_loop(0, JW, step, 0)


def kernel(emb_sentences, att_sentences, W):
    B, L, D = emb_sentences.shape
    NL = W.shape[0]
    att_col = att_sentences.astype(jnp.float32).reshape(B * L, 1)

    a_part, b_part = pl.pallas_call(
        _mm_body,
        in_specs=[
            pl.BlockSpec((B, L, D), lambda: (0, 0, 0)),
            pl.BlockSpec((B * L, 1), lambda: (0, 0)),
            pl.BlockSpec((NL, 2 * D), lambda: (0, 0)),
        ],
        out_specs=[
            pl.BlockSpec((B * L, NL), lambda: (0, 0)),
            pl.BlockSpec((B * L, NL), lambda: (0, 0)),
        ],
        out_shape=[
            jax.ShapeDtypeStruct((B * L, NL), jnp.float32),
            jax.ShapeDtypeStruct((B * L, NL), jnp.float32),
        ],
    )(emb_sentences, att_col, W)

    sc = functools.partial(
        pl.kernel,
        out_type=jax.ShapeDtypeStruct((B, L * L, NL), jnp.float32),
        mesh=plsc.VectorSubcoreMesh(core_axis_name="c", subcore_axis_name="s"),
        scratch_types=[
            pltpu.VMEM((L, NL), jnp.float32),
            pltpu.VMEM((16, NL), jnp.float32),
            pltpu.VMEM((L, NL), jnp.float32),
        ],
        compiler_params=pltpu.CompilerParams(use_tc_tiling_on_sc=True),
    )(_sc_body)
    return sc(a_part, b_part)

# --- scband reference (transcript-rebuilt; emitter-appended) ---
"""Pipeline reference for scband-dependency-label-classifier-16681652977791 (READ-ONLY COPY).

The authoritative reference and input builder live on the scoring server;
editing this copy changes nothing except your own understanding.
"""

import jax, jax.numpy as jnp
import numpy as np


def setup_inputs(seed: int = 0) -> dict:
    key = jax.random.key(seed)
    k1, k2 = jax.random.split(key)
    B, L, D = 8, 64, 512
    num_labels = 50
    emb_sentences = jax.random.normal(k1, (B, L, D), dtype=jnp.float32)
    att_sentences = jnp.ones((B, L), dtype=bool)
    W = jax.random.normal(k2, (num_labels, 2 * D), dtype=jnp.float32) * (1.0 / np.sqrt(2 * D))
    return {"emb_sentences": emb_sentences, "att_sentences": att_sentences, "W": W}


def reference(emb_sentences, att_sentences, W):
    # Faithful vectorized translation of DependencyLabelClassifier.forward.
    B, L, D = emb_sentences.shape
    # att_sentences_expanded[i, j*L + k] = att[i,j] & att[i,k] & (j != k)
    offdiag = ~jnp.eye(L, dtype=bool)
    att_exp = (att_sentences[:, :, None] & att_sentences[:, None, :]) & offdiag[None]
    att_exp = att_exp.reshape(B, L * L)
    # emb_sentences_expanded[b, j*L + k] = concat(emb[b, k], emb[b, j] if k != j else ones)
    first = jnp.broadcast_to(emb_sentences[:, None, :, :], (B, L, L, D))   # [b, j, k] -> emb[b, k]
    second = jnp.broadcast_to(emb_sentences[:, :, None, :], (B, L, L, D))  # [b, j, k] -> emb[b, j]
    start_token = jnp.ones((D,), dtype=emb_sentences.dtype)
    second = jnp.where(jnp.eye(L, dtype=bool)[None, :, :, None], start_token, second)
    emb_exp = jnp.concatenate([first, second], axis=-1).reshape(B, L * L, 2 * D)
    # logits = -inf everywhere; at masked pair positions, scatter mlp(emb_pair)
    mlp_out = jnp.einsum('bnd,ld->bnl', emb_exp, W)
    logits = jnp.where(att_exp[:, :, None], mlp_out, jnp.float32(-jnp.inf))
    return logits

if __name__ == "__main__":
    import jax
    _d = setup_inputs()
    print(jax.jit(kernel)(*tuple(_d.values())))

</pallas_src>

<mosaic_0001>
#map = affine_map<(d0, d1) -> (0, 0)>
#map1 = affine_map<(d0, d1) -> (0, 0, 0)>
module attributes {stable_mosaic.version = 14 : i64} {
  func.func @_sc_body(%arg0: i32, %arg1: i32, %arg2: memref<512x50xf32, #tpu.memory_space<hbm>>, %arg3: memref<512x50xf32, #tpu.memory_space<hbm>>, %arg4: memref<8x4096x50xf32, #tpu.memory_space<hbm>>, %arg5: memref<64x50xf32, #tpu.memory_space<vmem>>, %arg6: memref<16x50xf32, #tpu.memory_space<vmem>>, %arg7: memref<64x50xf32, #tpu.memory_space<vmem>>) attributes {dimension_semantics = [#tpu.dimension_semantics<core_parallel>, #tpu.dimension_semantics<subcore_parallel>], iteration_bounds = array<i64: 2, 16>, scalar_prefetch = 0 : i64, scratch_operands = 3 : i64, tpu.core_type = #tpu.core_type<sc_vector_subcore>, window_params = [{transform_indices = #map}, {transform_indices = #map}, {transform_indices = #map1}]} {
    %mul3A = arith.constant 2 : i32
    %mul3A_0 = arith.muli %arg1, %mul3A : i32
    %add3A = arith.addi %mul3A_0, %arg0 : i32
    %jit3A = arith.constant 4 : i32
    %div3A = arith.divsi %add3A, %jit3A : i32
    %sign3A = arith.constant 0 : i32
    %sign3A_1 = arith.cmpi sgt, %add3A, %sign3A : i32
    %sign3A_2 = arith.extui %sign3A_1 : i1 to i32
    %sign3A_3 = arith.constant 0 : i32
    %sign3A_4 = arith.cmpi slt, %add3A, %sign3A_3 : i32
    %sign3A_5 = arith.extui %sign3A_4 : i1 to i32
    %sign3A_6 = arith.subi %sign3A_2, %sign3A_5 : i32
    %sign3A_7 = arith.constant 0 : i32
    %sign3A_8 = arith.cmpi sgt, %jit3A, %sign3A_7 : i32
    %sign3A_9 = arith.extui %sign3A_8 : i1 to i32
    %sign3A_10 = arith.constant 0 : i32
    %sign3A_11 = arith.cmpi slt, %jit3A, %sign3A_10 : i32
    %sign3A_12 = arith.extui %sign3A_11 : i1 to i32
    %sign3A_13 = arith.subi %sign3A_9, %sign3A_12 : i32
    %ne3A = arith.cmpi ne, %sign3A_6, %sign3A_13 : i32
    %rem3A = arith.remsi %add3A, %jit3A : i32
    %ne3A_14 = arith.constant 0 : i32
    %ne3A_15 = arith.cmpi ne, %rem3A, %ne3A_14 : i32
    %and3A = arith.andi %ne3A, %ne3A_15 : i1
    %sub3A = arith.constant 1 : i32
    %sub3A_16 = arith.subi %div3A, %sub3A : i32
    %select_n3A = arith.select %and3A, %sub3A_16, %div3A : i32
    %jit3A_17 = arith.constant 4 : i32
    %eq3A = arith.constant 0 : i32
    %eq3A_18 = arith.cmpi eq, %jit3A_17, %eq3A : i32
    %jit3A_19 = arith.constant 1 : i32
    %select_n3A_20 = arith.select %eq3A_18, %jit3A_19, %jit3A_17 : i32
    %rem3A_21 = arith.remsi %add3A, %select_n3A_20 : i32
    %ne3A_22 = arith.constant 0 : i32
    %ne3A_23 = arith.cmpi ne, %rem3A_21, %ne3A_22 : i32
    %lt3A = arith.constant 0 : i32
    %lt3A_24 = arith.cmpi slt, %rem3A_21, %lt3A : i32
    %lt3A_25 = arith.constant 0 : i32
    %lt3A_26 = arith.cmpi slt, %select_n3A_20, %lt3A_25 : i32
    %ne3A_27 = arith.xori %lt3A_24, %lt3A_26 : i1
    %and3A_28 = arith.andi %ne3A_27, %ne3A_23 : i1
    %add3A_29 = arith.addi %rem3A_21, %select_n3A_20 : i32
    %select_n3A_30 = arith.select %and3A_28, %add3A_29, %rem3A_21 : i32
    %mul3A_31 = arith.constant 16 : i32
    %mul3A_32 = arith.muli %select_n3A_30, %mul3A_31 : i32
    %mul3A_33 = arith.constant 64 : i32
    %mul3A_34 = arith.muli %select_n3A, %mul3A_33 : i32
    "tpu.region"() ({
      %run_scoped3A = tpu.sem_alloc : memref<!tpu.dma_semaphore, #tpu.memory_space<semaphore_mem>>
      %dma_start3A = arith.constant 0 : i32
      %dma_start3A_44 = tpu.memref_slice %arg2[%mul3A_34, %dma_start3A] : memref<512x50xf32, #tpu.memory_space<hbm>> -> memref<64x50xf32, #tpu.memory_space<hbm>>
      %dma_start3A_45 = arith.constant 0 : i32
      %dma_start3A_46 = tpu.memref_slice %arg2[%mul3A_34, %dma_start3A_45] : memref<512x50xf32, #tpu.memory_space<hbm>> -> memref<64x50xf32, #tpu.memory_space<hbm>>
      tpu.enqueue_dma source(%dma_start3A_46 : memref<64x50xf32, #tpu.memory_space<hbm>>) target(%arg5 : memref<64x50xf32, #tpu.memory_space<vmem>>) target_semaphore(%run_scoped3A : memref<!tpu.dma_semaphore, #tpu.memory_space<semaphore_mem>>)
      %dma_wait3A = arith.constant 0 : i32
      %dma_wait3A_47 = tpu.memref_slice %arg2[%mul3A_34, %dma_wait3A] : memref<512x50xf32, #tpu.memory_space<hbm>> -> memref<64x50xf32, #tpu.memory_space<hbm>>
      %dma_wait3A_48 = arith.constant 0 : i32
      %dma_wait3A_49 = tpu.memref_slice %arg2[%mul3A_34, %dma_wait3A_48] : memref<512x50xf32, #tpu.memory_space<hbm>> -> memref<64x50xf32, #tpu.memory_space<hbm>>
      tpu.wait_dma2 semaphore(%run_scoped3A : memref<!tpu.dma_semaphore, #tpu.memory_space<semaphore_mem>>) src(%dma_wait3A_49 : memref<64x50xf32, #tpu.memory_space<hbm>>) dst(%arg5 : memref<64x50xf32, #tpu.memory_space<vmem>>)
      tpu.yield
    }) : () -> ()
    %mul3A_35 = arith.constant 64 : i32
    %mul3A_36 = arith.muli %select_n3A, %mul3A_35 : i32
    %add3A_37 = arith.addi %mul3A_36, %mul3A_32 : i32
    "tpu.region"() ({
      %run_scoped3A = tpu.sem_alloc : memref<!tpu.dma_semaphore, #tpu.memory_space<semaphore_mem>>
      %dma_start3A = arith.constant 0 : i32
      %dma_start3A_44 = tpu.memref_slice %arg3[%add3A_37, %dma_start3A] : memref<512x50xf32, #tpu.memory_space<hbm>> -> memref<16x50xf32, #tpu.memory_space<hbm>>
      %dma_start3A_45 = arith.constant 0 : i32
      %dma_start3A_46 = tpu.memref_slice %arg3[%add3A_37, %dma_start3A_45] : memref<512x50xf32, #tpu.memory_space<hbm>> -> memref<16x50xf32, #tpu.memory_space<hbm>>
      tpu.enqueue_dma source(%dma_start3A_46 : memref<16x50xf32, #tpu.memory_space<hbm>>) target(%arg6 : memref<16x50xf32, #tpu.memory_space<vmem>>) target_semaphore(%run_scoped3A : memref<!tpu.dma_semaphore, #tpu.memory_space<semaphore_mem>>)
      %dma_wait3A = arith.constant 0 : i32
      %dma_wait3A_47 = tpu.memref_slice %arg3[%add3A_37, %dma_wait3A] : memref<512x50xf32, #tpu.memory_space<hbm>> -> memref<16x50xf32, #tpu.memory_space<hbm>>
      %dma_wait3A_48 = arith.constant 0 : i32
      %dma_wait3A_49 = tpu.memref_slice %arg3[%add3A_37, %dma_wait3A_48] : memref<512x50xf32, #tpu.memory_space<hbm>> -> memref<16x50xf32, #tpu.memory_space<hbm>>
      tpu.wait_dma2 semaphore(%run_scoped3A : memref<!tpu.dma_semaphore, #tpu.memory_space<semaphore_mem>>) src(%dma_wait3A_49 : memref<16x50xf32, #tpu.memory_space<hbm>>) dst(%arg6 : memref<16x50xf32, #tpu.memory_space<vmem>>)
      tpu.yield
    }) : () -> ()
    %broadcast_in_dim3A = arith.constant 0xFF800000 : f32
    %broadcast_in_dim3A_38 = vector.broadcast %broadcast_in_dim3A : f32 to vector<16xf32>
    %scan3A = arith.constant 0 : i32
    %scan3A_39 = arith.constant 0 : i32
    %scan3A_40 = arith.constant 16 : i32
    %scan3A_41 = arith.addi %scan3A_39, %scan3A_40 : i32
    %scan3A_42 = arith.constant 1 : i32
    scf.for %scan3A_44 = %scan3A_39 to %scan3A_41 step %scan3A_42  : i32 {
      %add3A_45 = arith.addi %mul3A_32, %scan3A_44 : i32
      %get3A = arith.index_cast %scan3A_44 : i32 to index
      %get3A_46 = arith.constant 0 : index
      %get3A_47 = tpu.vector_load %arg6[%get3A, %get3A_46] {strides = array<i32>} : memref<16x50xf32, #tpu.memory_space<vmem>>, vector<1x16xf32>,
      %get3A_48 = vector.shape_cast %get3A_47 : vector<1x16xf32> to vector<16xf32>
      %get3A_49 = arith.index_cast %scan3A_44 : i32 to index
      %get3A_50 = arith.constant 16 : index
      %get3A_51 = tpu.vector_load %arg6[%get3A_49, %get3A_50] {strides = array<i32>} : memref<16x50xf32, #tpu.memory_space<vmem>>, vector<1x16xf32>,
      %get3A_52 = vector.shape_cast %get3A_51 : vector<1x16xf32> to vector<16xf32>
      %get3A_53 = arith.index_cast %scan3A_44 : i32 to index
      %get3A_54 = arith.constant 32 : index
      %get3A_55 = tpu.vector_load %arg6[%get3A_53, %get3A_54] {strides = array<i32>} : memref<16x50xf32, #tpu.memory_space<vmem>>, vector<1x16xf32>,
      %get3A_56 = vector.shape_cast %get3A_55 : vector<1x16xf32> to vector<16xf32>
      %get3A_57 = arith.index_cast %scan3A_44 : i32 to index
      %get3A_58 = arith.constant 34 : index
      %get3A_59 = tpu.vector_load %arg6[%get3A_57, %get3A_58] {strides = array<i32>} : memref<16x50xf32, #tpu.memory_space<vmem>>, vector<1x16xf32>,
      %get3A_60 = vector.shape_cast %get3A_59 : vector<1x16xf32> to vector<16xf32>
      %get3A_61 = arith.constant 0 : i32
      %get3A_62 = arith.index_cast %get3A_61 : i32 to index
      %get3A_63 = arith.constant 0 : index
      %get3A_64 = tpu.vector_load %arg5[%get3A_62, %get3A_63] {strides = array<i32>} : memref<64x50xf32, #tpu.memory_space<vmem>>, vector<1x16xf32>,
      %get3A_65 = vector.shape_cast %get3A_64 : vector<1x16xf32> to vector<16xf32>
      %add3A_66 = arith.addf %get3A_65, %get3A_48 : vector<16xf32>
      %swap3A = arith.constant 0 : i32
      %swap3A_67 = arith.index_cast %swap3A : i32 to index
      %swap3A_68 = arith.constant 0 : index
      %swap3A_69 = tpu.vector_load %arg7[%swap3A_67, %swap3A_68] {strides = array<i32>} : memref<64x50xf32, #tpu.memory_space<vmem>>, vector<1x16xf32>,
      %swap3A_70 = vector.shape_cast %swap3A_69 : vector<1x16xf32> to vector<16xf32>
      %swap3A_71 = vector.shape_cast %add3A_66 : vector<16xf32> to vector<1x16xf32>
      tpu.vector_store %arg7[%swap3A_67, %swap3A_68], %swap3A_71 {strides = array<i32>} : memref<64x50xf32, #tpu.memory_space<vmem>>, vector<1x16xf32>,
      %get3A_72 = arith.constant 0 : i32
      %get3A_73 = arith.index_cast %get3A_72 : i32 to index
      %get3A_74 = arith.constant 16 : index
      %get3A_75 = tpu.vector_load %arg5[%get3A_73, %get3A_74] {strides = array<i32>} : memref<64x50xf32, #tpu.memory_space<vmem>>, vector<1x16xf32>,
      %get3A_76 = vector.shape_cast %get3A_75 : vector<1x16xf32> to vector<16xf32>
      %add3A_77 = arith.addf %get3A_76, %get3A_52 : vector<16xf32>
      %swap3A_78 = arith.constant 0 : i32
      %swap3A_79 = arith.index_cast %swap3A_78 : i32 to index
      %swap3A_80 = arith.constant 16 : index
      %swap3A_81 = tpu.vector_load %arg7[%swap3A_79, %swap3A_80] {strides = array<i32>} : memref<64x50xf32, #tpu.memory_space<vmem>>, vector<1x16xf32>,
      %swap3A_82 = vector.shape_cast %swap3A_81 : vector<1x16xf32> to vector<16xf32>
      %swap3A_83 = vector.shape_cast %add3A_77 : vector<16xf32> to vector<1x16xf32>
      tpu.vector_store %arg7[%swap3A_79, %swap3A_80], %swap3A_83 {strides = array<i32>} : memref<64x50xf32, #tpu.memory_space<vmem>>, vector<1x16xf32>,
      %get3A_84 = arith.constant 0 : i32
      %get3A_85 = arith.index_cast %get3A_84 : i32 to index
      %get3A_86 = arith.constant 32 : index
      %get3A_87 = tpu.vector_load %arg5[%get3A_85, %get3A_86] {strides = array<i32>} : memref<64x50xf32, #tpu.memory_space<vmem>>, vector<1x16xf32>,
      %get3A_88 = vector.shape_cast %get3A_87 : vector<1x16xf32> to vector<16xf32>
      %add3A_89 = arith.addf %get3A_88, %get3A_56 : vector<16xf32>
      %swap3A_90 = arith.constant 0 : i32
      %swap3A_91 = arith.index_cast %swap3A_90 : i32 to index
      %swap3A_92 = arith.constant 32 : index
      %swap3A_93 = tpu.vector_load %arg7[%swap3A_91, %swap3A_92] {strides = array<i32>} : memref<64x50xf32, #tpu.memory_space<vmem>>, vector<1x16xf32>,
      %swap3A_94 = vector.shape_cast %swap3A_93 : vector<1x16xf32> to vector<16xf32>
      %swap3A_95 = vector.shape_cast %add3A_89 : vector<16xf32> to vector<1x16xf32>
      tpu.vector_store %arg7[%swap3A_91, %swap3A_92], %swap3A_95 {strides = array<i32>} : memref<64x50xf32, #tpu.memory_space<vmem>>, vector<1x16xf32>,
      %get3A_96 = arith.constant 0 : i32
      %get3A_97 = arith.index_cast %get3A_96 : i32 to index
      %get3A_98 = arith.constant 34 : index
      %get3A_99 = tpu.vector_load %arg5[%get3A_97, %get3A_98] {strides = array<i32>} : memref<64x50xf32, #tpu.memory_space<vmem>>, vector<1x16xf32>,
      %get3A_100 = vector.shape_cast %get3A_99 : vector<1x16xf32> to vector<16xf32>
      %add3A_101 = arith.addf %get3A_100, %get3A_60 : vector<16xf32>
      %swap3A_102 = arith.constant 0 : i32
      %swap3A_103 = arith.index_cast %swap3A_102 : i32 to index
      %swap3A_104 = arith.constant 34 : index
      %swap3A_105 = tpu.vector_load %arg7[%swap3A_103, %swap3A_104] {strides = array<i32>} : memref<64x50xf32, #tpu.memory_space<vmem>>, vector<1x16xf32>,
      %swap3A_106 = vector.shape_cast %swap3A_105 : vector<1x16xf32> to vector<16xf32>
      %swap3A_107 = vector.shape_cast %add3A_101 : vector<16xf32> to vector<1x16xf32>
      tpu.vector_store %arg7[%swap3A_103, %swap3A_104], %swap3A_107 {strides = array<i32>} : memref<64x50xf32, #tpu.memory_space<vmem>>, vector<1x16xf32>,
      %get3A_108 = arith.constant 1 : i32
      %get3A_109 = arith.index_cast %get3A_108 : i32 to index
      %get3A_110 = arith.constant 0 : index
      %get3A_111 = tpu.vector_load %arg5[%get3A_109, %get3A_110] {strides = array<i32>} : memref<64x50xf32, #tpu.memory_space<vmem>>, vector<1x16xf32>,
      %get3A_112 = vector.shape_cast %get3A_111 : vector<1x16xf32> to vector<16xf32>
      %add3A_113 = arith.addf %get3A_112, %get3A_48 : vector<16xf32>
      %swap3A_114 = arith.constant 1 : i32
      %swap3A_115 = arith.index_cast %swap3A_114 : i32 to index
      %swap3A_116 = arith.constant 0 : index
      %swap3A_117 = tpu.vector_load %arg7[%swap3A_115, %swap3A_116] {strides = array<i32>} : memref<64x50xf32, #tpu.memory_space<vmem>>, vector<1x16xf32>,
      %swap3A_118 = vector.shape_cast %swap3A_117 : vector<1x16xf32> to vector<16xf32>
      %swap3A_119 = vector.shape_cast %add3A_113 : vector<16xf32> to vector<1x16xf32>
      tpu.vector_store %arg7[%swap3A_115, %swap3A_116], %swap3A_119 {strides = array<i32>} : memref<64x50xf32, #tpu.memory_space<vmem>>, vector<1x16xf32>,
      %get3A_120 = arith.constant 1 : i32
      %get3A_121 = arith.index_cast %get3A_120 : i32 to index
      %get3A_122 = arith.constant 16 : index
      %get3A_123 = tpu.vector_load %arg5[%get3A_121, %get3A_122] {strides = array<i32>} : memref<64x50xf32, #tpu.memory_space<vmem>>, vector<1x16xf32>,
      %get3A_124 = vector.shape_cast %get3A_123 : vector<1x16xf32> to vector<16xf32>
      %add3A_125 = arith.addf %get3A_124, %get3A_52 : vector<16xf32>
      %swap3A_126 = arith.constant 1 : i32
      %swap3A_127 = arith.index_cast %swap3A_126 : i32 to index
      %swap3A_128 = arith.constant 16 : index
      %swap3A_129 = tpu.vector_load %arg7[%swap3A_127, %swap3A_128] {strides = array<i32>} : memref<64x50xf32, #tpu.memory_space<vmem>>, vector<1x16xf32>,
      %swap3A_130 = vector.shape_cast %swap3A_129 : vector<1x16xf32> to vector<16xf32>
      %swap3A_131 = vector.shape_cast %add3A_125 : vector<16xf32> to vector<1x16xf32>
      tpu.vector_store %arg7[%swap3A_127, %swap3A_128], %swap3A_131 {strides = array<i32>} : memref<64x50xf32, #tpu.memory_space<vmem>>, vector<1x16xf32>,
      %get3A_132 = arith.constant 1 : i32
      %get3A_133 = arith.index_cast %get3A_132 : i32 to index
      %get3A_134 = arith.constant 32 : index
      %get3A_135 = tpu.vector_load %arg5[%get3A_133, %get3A_134] {strides = array<i32>} : memref<64x50xf32, #tpu.memory_space<vmem>>, vector<1x16xf32>,
      %get3A_136 = vector.shape_cast %get3A_135 : vector<1x16xf32> to vector<16xf32>
      %add3A_137 = arith.addf %get3A_136, %get3A_56 : vector<16xf32>
      %swap3A_138 = arith.constant 1 : i32
      %swap3A_139 = arith.index_cast %swap3A_138 : i32 to index
      %swap3A_140 = arith.constant 32 : index
      %swap3A_141 = tpu.vector_load %arg7[%swap3A_139, %swap3A_140] {strides = array<i32>} : memref<64x50xf32, #tpu.memory_space<vmem>>, vector<1x16xf32>,
      %swap3A_142 = vector.shape_cast %swap3A_141 : vector<1x16xf32> to vector<16xf32>
      %swap3A_143 = vector.shape_cast %add3A_137 : vector<16xf32> to vector<1x16xf32>
      tpu.vector_store %arg7[%swap3A_139, %swap3A_140], %swap3A_143 {strides = array<i32>} : memref<64x50xf32, #tpu.memory_space<vmem>>, vector<1x16xf32>,
      %get3A_144 = arith.constant 1 : i32
      %get3A_145 = arith.index_cast %get3A_144 : i32 to index
      %get3A_146 = arith.constant 34 : index
      %get3A_147 = tpu.vector_load %arg5[%get3A_145, %get3A_146] {strides = array<i32>} : memref<64x50xf32, #tpu.memory_space<vmem>>, vector<1x16xf32>,
      %get3A_148 = vector.shape_cast %get3A_147 : vector<1x16xf32> to vector<16xf32>
      %add3A_149 = arith.addf %get3A_148, %get3A_60 : vector<16xf32>
      %swap3A_150 = arith.constant 1 : i32
      %swap3A_151 = arith.index_cast %swap3A_150 : i32 to index
      %swap3A_152 = arith.constant 34 : index
      %swap3A_153 = tpu.vector_load %arg7[%swap3A_151, %swap3A_152] {strides = array<i32>} : memref<64x50xf32, #tpu.memory_space<vmem>>, vector<1x16xf32>,
      %swap3A_154 = vector.shape_cast %swap3A_153 : vector<1x16xf32> to vector<16xf32>
      %swap3A_155 = vector.shape_cast %add3A_149 : vector<16xf32> to vector<1x16xf32>
      tpu.vector_store %arg7[%swap3A_151, %swap3A_152], %swap3A_155 {strides = array<i32>} : memref<64x50xf32, #tpu.memory_space<vmem>>, vector<1x16xf32>,
      %get3A_156 = arith.constant 2 : i32
      %get3A_157 = arith.index_cast %get3A_156 : i32 to index
      %get3A_158 = arith.constant 0 : index
      %get3A_159 = tpu.vector_load %arg5[%get3A_157, %get3A_158] {strides = array<i32>} : memref<64x50xf32, #tpu.memory_space<vmem>>, vector<1x16xf32>,
      %get3A_160 = vector.shape_cast %get3A_159 : vector<1x16xf32> to vector<16xf32>
      %add3A_161 = arith.addf %get3A_160, %get3A_48 : vector<16xf32>
      %swap3A_162 = arith.constant 2 : i32
      %swap3A_163 = arith.index_cast %swap3A_162 : i32 to index
      %swap3A_164 = arith.constant 0 : index
      %swap3A_165 = tpu.vector_load %arg7[%swap3A_163, %swap3A_164] {strides = array<i32>} : memref<64x50xf32, #tpu.memory_space<vmem>>, vector<1x16xf32>,
      %swap3A_166 = vector.shape_cast %swap3A_165 : vector<1x16xf32> to vector<16xf32>
      %swap3A_167 = vector.shape_cast %add3A_161 : vector<16xf32> to vector<1x16xf32>
      tpu.vector_store %arg7[%swap3A_163, %swap3A_164], %swap3A_167 {strides = array<i32>} : memref<64x50xf32, #tpu.memory_space<vmem>>, vector<1x16xf32>,
      %get3A_168 = arith.constant 2 : i32
      %get3A_169 = arith.index_cast %get3A_168 : i32 to index
      %get3A_170 = arith.constant 16 : index
      %get3A_171 = tpu.vector_load %arg5[%get3A_169, %get3A_170] {strides = array<i32>} : memref<64x50xf32, #tpu.memory_space<vmem>>, vector<1x16xf32>,
      %get3A_172 = vector.shape_cast %get3A_171 : vector<1x16xf32> to vector<16xf32>
      %add3A_173 = arith.addf %get3A_172, %get3A_52 : vector<16xf32>
      %swap3A_174 = arith.constant 2 : i32
      %swap3A_175 = arith.index_cast %swap3A_174 : i32 to index
      %swap3A_176 = arith.constant 16 : index
      %swap3A_177 = tpu.vector_load %arg7[%swap3A_175, %swap3A_176] {strides = array<i32>} : memref<64x50xf32, #tpu.memory_space<vmem>>, vector<1x16xf32>,
      %swap3A_178 = vector.shape_cast %swap3A_177 : vector<1x16xf32> to vector<16xf32>
      %swap3A_179 = vector.shape_cast %add3A_173 : vector<16xf32> to vector<1x16xf32>
      tpu.vector_store %arg7[%swap3A_175, %swap3A_176], %swap3A_179 {strides = array<i32>} : memref<64x50xf32, #tpu.memory_space<vmem>>, vector<1x16xf32>,
      %get3A_180 = arith.constant 2 : i32
      %get3A_181 = arith.index_cast %get3A_180 : i32 to index
      %get3A_182 = arith.constant 32 : index
      %get3A_183 = tpu.vector_load %arg5[%get3A_181, %get3A_182] {strides = array<i32>} : memref<64x50xf32, #tpu.memory_space<vmem>>, vector<1x16xf32>,
      %get3A_184 = vector.shape_cast %get3A_183 : vector<1x16xf32> to vector<16xf32>
      %add3A_185 = arith.addf %get3A_184, %get3A_56 : vector<16xf32>
      %swap3A_186 = arith.constant 2 : i32
      %swap3A_187 = arith.index_cast %swap3A_186 : i32 to index
      %swap3A_188 = arith.constant 32 : index
      %swap3A_189 = tpu.vector_load %arg7[%swap3A_187, %swap3A_188] {strides = array<i32>} : memref<64x50xf32, #tpu.memory_space<vmem>>, vector<1x16xf32>,
      %swap3A_190 = vector.shape_cast %swap3A_189 : vector<1x16xf32> to vector<16xf32>
      %swap3A_191 = vector.shape_cast %add3A_185 : vector<16xf32> to vector<1x16xf32>
      tpu.vector_store %arg7[%swap3A_187, %swap3A_188], %swap3A_191 {strides = array<i32>} : memref<64x50xf32, #tpu.memory_space<vmem>>, vector<1x16xf32>,
      %get3A_192 = arith.constant 2 : i32
      %get3A_193 = arith.index_cast %get3A_192 : i32 to index
      %get3A_194 = arith.constant 34 : index
      %get3A_195 = tpu.vector_load %arg5[%get3A_193, %get3A_194] {strides = array<i32>} : memref<64x50xf32, #tpu.memory_space<vmem>>, vector<1x16xf32>,
      %get3A_196 = vector.shape_cast %get3A_195 : vector<1x16xf32> to vector<16xf32>
      %add3A_197 = arith.addf %get3A_196, %get3A_60 : vector<16xf32>
      %swap3A_198 = arith.constant 2 : i32
      %swap3A_199 = arith.index_cast %swap3A_198 : i32 to index
      %swap3A_200 = arith.constant 34 : index
      %swap3A_201 = tpu.vector_load %arg7[%swap3A_199, %swap3A_200] {strides = array<i32>} : memref<64x50xf32, #tpu.memory_space<vmem>>, vector<1x16xf32>,
      %swap3A_202 = vector.shape_cast %swap3A_201 : vector<1x16xf32> to vector<16xf32>
      %swap3A_203 = vector.shape_cast %add3A_197 : vector<16xf32> to vector<1x16xf32>
      tpu.vector_store %arg7[%swap3A_199, %swap3A_200], %swap3A_203 {strides = array<i32>} : memref<64x50xf32, #tpu.memory_space<vmem>>, vector<1x16xf32>,
      %get3A_204 = arith.constant 3 : i32
      %get3A_205 = arith.index_cast %get3A_204 : i32 to index
      %get3A_206 = arith.constant 0 : index
      %get3A_207 = tpu.vector_load %arg5[%get3A_205, %get3A_206] {strides = array<i32>} : memref<64x50xf32, #tpu.memory_space<vmem>>, vector<1x16xf32>,
      %get3A_208 = vector.shape_cast %get3A_207 : vector<1x16xf32> to vector<16xf32>
      %add3A_209 = arith.addf %get3A_208, %get3A_48 : vector<16xf32>
      %swap3A_210 = arith.constant 3 : i32
      %swap3A_211 = arith.index_cast %swap3A_210 : i32 to index
      %swap3A_212 = arith.constant 0 : index
      %swap3A_213 = tpu.vector_load %arg7[%swap3A_211, %swap3A_212] {strides = array<i32>} : memref<64x50xf32, #tpu.memory_space<vmem>>, vector<1x16xf32>,
      %swap3A_214 = vector.shape_cast %swap3A_213 : vector<1x16xf32> to vector<16xf32>
      %swap3A_215 = vector.shape_cast %add3A_209 : vector<16xf32> to vector<1x16xf32>
      tpu.vector_store %arg7[%swap3A_211, %swap3A_212], %swap3A_215 {strides = array<i32>} : memref<64x50xf32, #tpu.memory_space<vmem>>, vector<1x16xf32>,
      %get3A_216 = arith.constant 3 : i32
      %get3A_217 = arith.index_cast %get3A_216 : i32 to index
      %get3A_218 = arith.constant 16 : index
      %get3A_219 = tpu.vector_load %arg5[%get3A_217, %get3A_218] {strides = array<i32>} : memref<64x50xf32, #tpu.memory_space<vmem>>, vector<1x16xf32>,
      %get3A_220 = vector.shape_cast %get3A_219 : vector<1x16xf32> to vector<16xf32>
      %add3A_221 = arith.addf %get3A_220, %get3A_52 : vector<16xf32>
      %swap3A_222 = arith.constant 3 : i32
      %swap3A_223 = arith.index_cast %swap3A_222 : i32 to index
      %swap3A_224 = arith.constant 16 : index
      %swap3A_225 = tpu.vector_load %arg7[%swap3A_223, %swap3A_224] {strides = array<i32>} : memref<64x50xf32, #tpu.memory_space<vmem>>, vector<1x16xf32>,
      %swap3A_226 = vector.shape_cast %swap3A_225 : vector<1x16xf32> to vector<16xf32>
      %swap3A_227 = vector.shape_cast %add3A_221 : vector<16xf32> to vector<1x16xf32>
      tpu.vector_store %arg7[%swap3A_223, %swap3A_224], %swap3A_227 {strides = array<i32>} : memref<64x50xf32, #tpu.memory_space<vmem>>, vector<1x16xf32>,
      %get3A_228 = arith.constant 3 : i32
      %get3A_229 = arith.index_cast %get3A_228 : i32 to index
      %get3A_230 = arith.constant 32 : index
      %get3A_231 = tpu.vector_load %arg5[%get3A_229, %get3A_230] {strides = array<i32>} : memref<64x50xf32, #tpu.memory_space<vmem>>, vector<1x16xf32>,
      %get3A_232 = vector.shape_cast %get3A_231 : vector<1x16xf32> to vector<16xf32>
      %add3A_233 = arith.addf %get3A_232, %get3A_56 : vector<16xf32>
      %swap3A_234 = arith.constant 3 : i32
      %swap3A_235 = arith.index_cast %swap3A_234 : i32 to index
      %swap3A_236 = arith.constant 32 : index
      %swap3A_237 = tpu.vector_load %arg7[%swap3A_235, %swap3A_236] {strides = array<i32>} : memref<64x50xf32, #tpu.memory_space<vmem>>, vector<1x16xf32>,
      %swap3A_238 = vector.shape_cast %swap3A_237 : vector<1x16xf32> to vector<16xf32>
      %swap3A_239 = vector.shape_cast %add3A_233 : vector<16xf32> to vector<1x16xf32>
      tpu.vector_store %arg7[%swap3A_235, %swap3A_236], %swap3A_239 {strides = array<i32>} : memref<64x50xf32, #tpu.memory_space<vmem>>, vector<1x16xf32>,
      %get3A_240 = arith.constant 3 : i32
      %get3A_241 = arith.index_cast %get3A_240 : i32 to index
      %get3A_242 = arith.constant 34 : index
      %get3A_243 = tpu.vector_load %arg5[%get3A_241, %get3A_242] {strides = array<i32>} : memref<64x50xf32, #tpu.memory_space<vmem>>, vector<1x16xf32>,
      %get3A_244 = vector.shape_cast %get3A_243 : vector<1x16xf32> to vector<16xf32>
      %add3A_245 = arith.addf %get3A_244, %get3A_60 : vector<16xf32>
      %swap3A_246 = arith.constant 3 : i32
      %swap3A_247 = arith.index_cast %swap3A_246 : i32 to index
      %swap3A_248 = arith.constant 34 : index
      %swap3A_249 = tpu.vector_load %arg7[%swap3A_247, %swap3A_248] {strides = array<i32>} : memref<64x50xf32, #tpu.memory_space<vmem>>, vector<1x16xf32>,
      %swap3A_250 = vector.shape_cast %swap3A_249 : vector<1x16xf32> to vector<16xf32>
      %swap3A_251 = vector.shape_cast %add3A_245 : vector<16xf32> to vector<1x16xf32>
      tpu.vector_store %arg7[%swap3A_247, %swap3A_248], %swap3A_251 {strides = array<i32>} : memref<64x50xf32, #tpu.memory_space<vmem>>, vector<1x16xf32>,
      %get3A_252 = arith.constant 4 : i32
      %get3A_253 = arith.index_cast %get3A_252 : i32 to index
      %get3A_254 = arith.constant 0 : index
      %get3A_255 = tpu.vector_load %arg5[%get3A_253, %get3A_254] {strides = array<i32>} : memref<64x50xf32, #tpu.memory_space<vmem>>, vector<1x16xf32>,
      %get3A_256 = vector.shape_cast %get3A_255 : vector<1x16xf32> to vector<16xf32>
      %add3A_257 = arith.addf %get3A_256, %get3A_48 : vector<16xf32>
      %swap3A_258 = arith.constant 4 : i32
      %swap3A_259 = arith.index_cast %swap3A_258 : i32 to index
      %swap3A_260 = arith.constant 0 : index
      %swap3A_261 = tpu.vector_load %arg7[%swap3A_259, %swap3A_260] {strides = array<i32>} : memref<64x50xf32, #tpu.memory_space<vmem>>, vector<1x16xf32>,
      %swap3A_262 = vector.shape_cast %swap3A_261 : vector<1x16xf32> to vector<16xf32>
      %swap3A_263 = vector.shape_cast %add3A_257 : vector<16xf32> to vector<1x16xf32>
      tpu.vector_store %arg7[%swap3A_259, %swap3A_260], %swap3A_263 {strides = array<i32>} : memref<64x50xf32, #tpu.memory_space<vmem>>, vector<1x16xf32>,
      %get3A_264 = arith.constant 4 : i32
      %get3A_265 = arith.index_cast %get3A_264 : i32 to index
      %get3A_266 = arith.constant 16 : index
      %get3A_267 = tpu.vector_load %arg5[%get3A_265, %get3A_266] {strides = array<i32>} : memref<64x50xf32, #tpu.memory_space<vmem>>, vector<1x16xf32>,
      %get3A_268 = vector.shape_cast %get3A_267 : vector<1x16xf32> to vector<16xf32>
      %add3A_269 = arith.addf %get3A_268, %get3A_52 : vector<16xf32>
      %swap3A_270 = arith.constant 4 : i32
      %swap3A_271 = arith.index_cast %swap3A_270 : i32 to index
      %swap3A_272 = arith.constant 16 : index
      %swap3A_273 = tpu.vector_load %arg7[%swap3A_271, %swap3A_272] {strides = array<i32>} : memref<64x50xf32, #tpu.memory_space<vmem>>, vector<1x16xf32>,
      %swap3A_274 = vector.shape_cast %swap3A_273 : vector<1x16xf32> to vector<16xf32>
      %swap3A_275 = vector.shape_cast %add3A_269 : vector<16xf32> to vector<1x16xf32>
      tpu.vector_store %arg7[%swap3A_271, %swap3A_272], %swap3A_275 {strides = array<i32>} : memref<64x50xf32, #tpu.memory_space<vmem>>, vector<1x16xf32>,
      %get3A_276 = arith.constant 4 : i32
      %get3A_277 = arith.index_cast %get3A_276 : i32 to index
      %get3A_278 = arith.constant 32 : index
      %get3A_279 = tpu.vector_load %arg5[%get3A_277, %get3A_278] {strides = array<i32>} : memref<64x50xf32, #tpu.memory_space<vmem>>, vector<1x16xf32>,
      %get3A_280 = vector.shape_cast %get3A_279 : vector<1x16xf32> to vector<16xf32>
      %add3A_281 = arith.addf %get3A_280, %get3A_56 : vector<16xf32>
      %swap3A_282 = arith.constant 4 : i32
      %swap3A_283 = arith.index_cast %swap3A_282 : i32 to index
      %swap3A_284 = arith.constant 32 : index
      %swap3A_285 = tpu.vector_load %arg7[%swap3A_283, %swap3A_284] {strides = array<i32>} : memref<64x50xf32, #tpu.memory_space<vmem>>, vector<1x16xf32>,
      %swap3A_286 = vector.shape_cast %swap3A_285 : vector<1x16xf32> to vector<16xf32>
      %swap3A_287 = vector.shape_cast %add3A_281 : vector<16xf32> to vector<1x16xf32>
      tpu.vector_store %arg7[%swap3A_283, %swap3A_284], %swap3A_287 {strides = array<i32>} : memref<64x50xf32, #tpu.memory_space<vmem>>, vector<1x16xf32>,
      %get3A_288 = arith.constant 4 : i32
      %get3A_289 = arith.index_cast %get3A_288 : i32 to index
      %get3A_290 = arith.constant 34 : index
      %get3A_291 = tpu.vector_load %arg5[%get3A_289, %get3A_290] {strides = array<i32>} : memref<64x50xf32, #tpu.memory_space<vmem>>, vector<1x16xf32>,
      %get3A_292 = vector.shape_cast %get3A_291 : vector<1x16xf32> to vector<16xf32>
      %add3A_293 = arith.addf %get3A_292, %get3A_60 : vector<16xf32>
      %swap3A_294 = arith.constant 4 : i32
      %swap3A_295 = arith.index_cast %swap3A_294 : i32 to index
      %swap3A_296 = arith.constant 34 : index
      %swap3A_297 = tpu.vector_load %arg7[%swap3A_295, %swap3A_296] {strides = array<i32>} : memref<64x50xf32, #tpu.memory_space<vmem>>, vector<1x16xf32>,
      %swap3A_298 = vector.shape_cast %swap3A_297 : vector<1x16xf32> to vector<16xf32>
      %swap3A_299 = vector.shape_cast %add3A_293 : vector<16xf32> to vector<1x16xf32>
      tpu.vector_store %arg7[%swap3A_295, %swap3A_296], %swap3A_299 {strides = array<i32>} : memref<64x50xf32, #tpu.memory_space<vmem>>, vector<1x16xf32>,
      %get3A_300 = arith.constant 5 : i32
      %get3A_301 = arith.index_cast %get3A_300 : i32 to index
      %get3A_302 = arith.constant 0 : index
      %get3A_303 = tpu.vector_load %arg5[%get3A_301, %get3A_302] {strides = array<i32>} : memref<64x50xf32, #tpu.memory_space<vmem>>, vector<1x16xf32>,
      %get3A_304 = vector.shape_cast %get3A_303 : vector<1x16xf32> to vector<16xf32>
      %add3A_305 = arith.addf %get3A_304, %get3A_48 : vector<16xf32>
      %swap3A_306 = arith.constant 5 : i32
      %swap3A_307 = arith.index_cast %swap3A_306 : i32 to index
      %swap3A_308 = arith.constant 0 : index
      %swap3A_309 = tpu.vector_load %arg7[%swap3A_307, %swap3A_308] {strides = array<i32>} : memref<64x50xf32, #tpu.memory_space<vmem>>, vector<1x16xf32>,
      %swap3A_310 = vector.shape_cast %swap3A_309 : vector<1x16xf32> to vector<16xf32>
      %swap3A_311 = vector.shape_cast %add3A_305 : vector<16xf32> to vector<1x16xf32>
      tpu.vector_store %arg7[%swap3A_307, %swap3A_308], %swap3A_311 {strides = array<i32>} : memref<64x50xf32, #tpu.memory_space<vmem>>, vector<1x16xf32>,
      %get3A_312 = arith.constant 5 : i32
      %get3A_313 = arith.index_cast %get3A_312 : i32 to index
      %get3A_314 = arith.constant 16 : index
      %get3A_315 = tpu.vector_load %arg5[%get3A_313, %get3A_314] {strides = array<i32>} : memref<64x50xf32, #tpu.memory_space<vmem>>, vector<1x16xf32>,
      %get3A_316 = vector.shape_cast %get3A_315 : vector<1x16xf32> to vector<16xf32>
      %add3A_317 = arith.addf %get3A_316, %get3A_52 : vector<16xf32>
      %swap3A_318 = arith.constant 5 : i32
      %swap3A_319 = arith.index_cast %swap3A_318 : i32 to index
      %swap3A_320 = arith.constant 16 : index
      %swap3A_321 = tpu.vector_load %arg7[%swap3A_319, %swap3A_320] {strides = array<i32>} : memref<64x50xf32, #tpu.memory_space<vmem>>, vector<1x16xf32>,
      %swap3A_322 = vector.shape_cast %swap3A_321 : vector<1x16xf32> to vector<16xf32>
      %swap3A_323 = vector.shape_cast %add3A_317 : vector<16xf32> to vector<1x16xf32>
      tpu.vector_store %arg7[%swap3A_319, %swap3A_320], %swap3A_323 {strides = array<i32>} : memref<64x50xf32, #tpu.memory_space<vmem>>, vector<1x16xf32>,
      %get3A_324 = arith.constant 5 : i32
      %get3A_325 = arith.index_cast %get3A_324 : i32 to index
      %get3A_326 = arith.constant 32 : index
      %get3A_327 = tpu.vector_load %arg5[%get3A_325, %get3A_326] {strides = array<i32>} : memref<64x50xf32, #tpu.memory_space<vmem>>, vector<1x16xf32>,
      %get3A_328 = vector.shape_cast %get3A_327 : vector<1x16xf32> to vector<16xf32>
      %add3A_329 = arith.addf %get3A_328, %get3A_56 : vector<16xf32>
      %swap3A_330 = arith.constant 5 : i32
      %swap3A_331 = arith.index_cast %swap3A_330 : i32 to index
      %swap3A_332 = arith.constant 32 : index
      %swap3A_333 = tpu.vector_load %arg7[%swap3A_331, %swap3A_332] {strides = array<i32>} : memref<64x50xf32, #tpu.memory_space<vmem>>, vector<1x16xf32>,
      %swap3A_334 = vector.shape_cast %swap3A_333 : vector<1x16xf32> to vector<16xf32>
      %swap3A_335 = vector.shape_cast %add3A_329 : vector<16xf32> to vector<1x16xf32>
      tpu.vector_store %arg7[%swap3A_331, %swap3A_332], %swap3A_335 {strides = array<i32>} : memref<64x50xf32, #tpu.memory_space<vmem>>, vector<1x16xf32>,
      %get3A_336 = arith.constant 5 : i32
      %get3A_337 = arith.index_cast %get3A_336 : i32 to index
      %get3A_338 = arith.constant 34 : index
      %get3A_339 = tpu.vector_load %arg5[%get3A_337, %get3A_338] {strides = array<i32>} : memref<64x50xf32, #tpu.memory_space<vmem>>, vector<1x16xf32>,
      %get3A_340 = vector.shape_cast %get3A_339 : vector<1x16xf32> to vector<16xf32>
      %add3A_341 = arith.addf %get3A_340, %get3A_60 : vector<16xf32>
      %swap3A_342 = arith.constant 5 : i32
      %swap3A_343 = arith.index_cast %swap3A_342 : i32 to index
      %swap3A_344 = arith.constant 34 : index
      %swap3A_345 = tpu.vector_load %arg7[%swap3A_343, %swap3A_344] {strides = array<i32>} : memref<64x50xf32, #tpu.memory_space<vmem>>, vector<1x16xf32>,
      %swap3A_346 = vector.shape_cast %swap3A_345 : vector<1x16xf32> to vector<16xf32>
      %swap3A_347 = vector.shape_cast %add3A_341 : vector<16xf32> to vector<1x16xf32>
      tpu.vector_store %arg7[%swap3A_343, %swap3A_344], %swap3A_347 {strides = array<i32>} : memref<64x50xf32, #tpu.memory_space<vmem>>, vector<1x16xf32>,
      %get3A_348 = arith.constant 6 : i32
      %get3A_349 = arith.index_cast %get3A_348 : i32 to index
      %get3A_350 = arith.constant 0 : index
      %get3A_351 = tpu.vector_load %arg5[%get3A_349, %get3A_350] {strides = array<i32>} : memref<64x50xf32, #tpu.memory_space<vmem>>, vector<1x16xf32>,
      %get3A_352 = vector.shape_cast %get3A_351 : vector<1x16xf32> to vector<16xf32>
      %add3A_353 = arith.addf %get3A_352, %get3A_48 : vector<16xf32>
      %swap3A_354 = arith.constant 6 : i32
      %swap3A_355 = arith.index_cast %swap3A_354 : i32 to index
      %swap3A_356 = arith.constant 0 : index
      %swap3A_357 = tpu.vector_load %arg7[%swap3A_355, %swap3A_356] {strides = array<i32>} : memref<64x50xf32, #tpu.memory_space<vmem>>, vector<1x16xf32>,
      %swap3A_358 = vector.shape_cast %swap3A_357 : vector<1x16xf32> to vector<16xf32>
      %swap3A_359 = vector.shape_cast %add3A_353 : vector<16xf32> to vector<1x16xf32>
      tpu.vector_store %arg7[%swap3A_355, %swap3A_356], %swap3A_359 {strides = array<i32>} : memref<64x50xf32, #tpu.memory_space<vmem>>, vector<1x16xf32>,
      %get3A_360 = arith.constant 6 : i32
      %get3A_361 = arith.index_cast %get3A_360 : i32 to index
      %get3A_362 = arith.constant 16 : index
      %get3A_363 = tpu.vector_load %arg5[%get3A_361, %get3A_362] {strides = array<i32>} : memref<64x50xf32, #tpu.memory_space<vmem>>, vector<1x16xf32>,
      %get3A_364 = vector.shape_cast %get3A_363 : vector<1x16xf32> to vector<16xf32>
      %add3A_365 = arith.addf %get3A_364, %get3A_52 : vector<16xf32>
      %swap3A_366 = arith.constant 6 : i32
      %swap3A_367 = arith.index_cast %swap3A_366 : i32 to index
      %swap3A_368 = arith.constant 16 : index
      %swap3A_369 = tpu.vector_load %arg7[%swap3A_367, %swap3A_368] {strides = array<i32>} : memref<64x50xf32, #tpu.memory_space<vmem>>, vector<1x16xf32>,
      %swap3A_370 = vector.shape_cast %swap3A_369 : vector<1x16xf32> to vector<16xf32>
      %swap3A_371 = vector.shape_cast %add3A_365 : vector<16xf32> to vector<1x16xf32>
      tpu.vector_store %arg7[%swap3A_367, %swap3A_368], %swap3A_371 {strides = array<i32>} : memref<64x50xf32, #tpu.memory_space<vmem>>, vector<1x16xf32>,
      %get3A_372 = arith.constant 6 : i32
      %get3A_373 = arith.index_cast %get3A_372 : i32 to index
      %get3A_374 = arith.constant 32 : index
      %get3A_375 = tpu.vector_load %arg5[%get3A_373, %get3A_374] {strides = array<i32>} : memref<64x50xf32, #tpu.memory_space<vmem>>, vector<1x16xf32>,
      %get3A_376 = vector.shape_cast %get3A_375 : vector<1x16xf32> to vector<16xf32>
      %add3A_377 = arith.addf %get3A_376, %get3A_56 : vector<16xf32>
      %swap3A_378 = arith.constant 6 : i32
      %swap3A_379 = arith.index_cast %swap3A_378 : i32 to index
      %swap3A_380 = arith.constant 32 : index
      %swap3A_381 = tpu.vector_load %arg7[%swap3A_379, %swap3A_380] {strides = array<i32>} : memref<64x50xf32, #tpu.memory_space<vmem>>, vector<1x16xf32>,
      %swap3A_382 = vector.shape_cast %swap3A_381 : vector<1x16xf32> to vector<16xf32>
      %swap3A_383 = vector.shape_cast %add3A_377 : vector<16xf32> to vector<1x16xf32>
      tpu.vector_store %arg7[%swap3A_379, %swap3A_380], %swap3A_383 {strides = array<i32>} : memref<64x50xf32, #tpu.memory_space<vmem>>, vector<1x16xf32>,
      %get3A_384 = arith.constant 6 : i32
      %get3A_385 = arith.index_cast %get3A_384 : i32 to index
      %get3A_386 = arith.constant 34 : index
      %get3A_387 = tpu.vector_load %arg5[%get3A_385, %get3A_386] {strides = array<i32>} : memref<64x50xf32, #tpu.memory_space<vmem>>, vector<1x16xf32>,
      %get3A_388 = vector.shape_cast %get3A_387 : vector<1x16xf32> to vector<16xf32>
      %add3A_389 = arith.addf %get3A_388, %get3A_60 : vector<16xf32>
      %swap3A_390 = arith.constant 6 : i32
      %swap3A_391 = arith.index_cast %swap3A_390 : i32 to index
      %swap3A_392 = arith.constant 34 : index
      %swap3A_393 = tpu.vector_load %arg7[%swap3A_391, %swap3A_392] {strides = array<i32>} : memref<64x50xf32, #tpu.memory_space<vmem>>, vector<1x16xf32>,
      %swap3A_394 = vector.shape_cast %swap3A_393 : vector<1x16xf32> to vector<16xf32>
      %swap3A_395 = vector.shape_cast %add3A_389 : vector<16xf32> to vector<1x16xf32>
      tpu.vector_store %arg7[%swap3A_391, %swap3A_392], %swap3A_395 {strides = array<i32>} : memref<64x50xf32, #tpu.memory_space<vmem>>, vector<1x16xf32>,
      %get3A_396 = arith.constant 7 : i32
      %get3A_397 = arith.index_cast %get3A_396 : i32 to index
      %get3A_398 = arith.constant 0 : index
      %get3A_399 = tpu.vector_load %arg5[%get3A_397, %get3A_398] {strides = array<i32>} : memref<64x50xf32, #tpu.memory_space<vmem>>, vector<1x16xf32>,
      %get3A_400 = vector.shape_cast %get3A_399 : vector<1x16xf32> to vector<16xf32>
      %add3A_401 = arith.addf %get3A_400, %get3A_48 : vector<16xf32>
      %swap3A_402 = arith.constant 7 : i32
      %swap3A_403 = arith.index_cast %swap3A_402 : i32 to index
      %swap3A_404 = arith.constant 0 : index
      %swap3A_405 = tpu.vector_load %arg7[%swap3A_403, %swap3A_404] {strides = array<i32>} : memref<64x50xf32, #tpu.memory_space<vmem>>, vector<1x16xf32>,
      %swap3A_406 = vector.shape_cast %swap3A_405 : vector<1x16xf32> to vector<16xf32>
      %swap3A_407 = vector.shape_cast %add3A_401 : vector<16xf32> to vector<1x16xf32>
      tpu.vector_store %arg7[%swap3A_403, %swap3A_404], %swap3A_407 {strides = array<i32>} : memref<64x50xf32, #tpu.memory_space<vmem>>, vector<1x16xf32>,
      %get3A_408 = arith.constant 7 : i32
      %get3A_409 = arith.index_cast %get3A_408 : i32 to index
      %get3A_410 = arith.constant 16 : index
      %get3A_411 = tpu.vector_load %arg5[%get3A_409, %get3A_410] {strides = array<i32>} : memref<64x50xf32, #tpu.memory_space<vmem>>, vector<1x16xf32>,
      %get3A_412 = vector.shape_cast %get3A_411 : vector<1x16xf32> to vector<16xf32>
      %add3A_413 = arith.addf %get3A_412, %get3A_52 : vector<16xf32>
      %swap3A_414 = arith.constant 7 : i32
      %swap3A_415 = arith.index_cast %swap3A_414 : i32 to index
      %swap3A_416 = arith.constant 16 : index
      %swap3A_417 = tpu.vector_load %arg7[%swap3A_415, %swap3A_416] {strides = array<i32>} : memref<64x50xf32, #tpu.memory_space<vmem>>, vector<1x16xf32>,
      %swap3A_418 = vector.shape_cast %swap3A_417 : vector<1x16xf32> to vector<16xf32>
      %swap3A_419 = vector.shape_cast %add3A_413 : vector<16xf32> to vector<1x16xf32>
      tpu.vector_store %arg7[%swap3A_415, %swap3A_416], %swap3A_419 {strides = array<i32>} : memref<64x50xf32, #tpu.memory_space<vmem>>, vector<1x16xf32>,
      %get3A_420 = arith.constant 7 : i32
      %get3A_421 = arith.index_cast %get3A_420 : i32 to index
      %get3A_422 = arith.constant 32 : index
      %get3A_423 = tpu.vector_load %arg5[%get3A_421, %get3A_422] {strides = array<i32>} : memref<64x50xf32, #tpu.memory_space<vmem>>, vector<1x16xf32>,
      %get3A_424 = vector.shape_cast %get3A_423 : vector<1x16xf32> to vector<16xf32>
      %add3A_425 = arith.addf %get3A_424, %get3A_56 : vector<16xf32>
      %swap3A_426 = arith.constant 7 : i32
      %swap3A_427 = arith.index_cast %swap3A_426 : i32 to index
      %swap3A_428 = arith.constant 32 : index
      %swap3A_429 = tpu.vector_load %arg7[%swap3A_427, %swap3A_428] {strides = array<i32>} : memref<64x50xf32, #tpu.memory_space<vmem>>, vector<1x16xf32>,
      %swap3A_430 = vector.shape_cast %swap3A_429 : vector<1x16xf32> to vector<16xf32>
      %swap3A_431 = vector.shape_cast %add3A_425 : vector<16xf32> to vector<1x16xf32>
      tpu.vector_store %arg7[%swap3A_427, %swap3A_428], %swap3A_431 {strides = array<i32>} : memref<64x50xf32, #tpu.memory_space<vmem>>, vector<1x16xf32>,
      %get3A_432 = arith.constant 7 : i32
      %get3A_433 = arith.index_cast %get3A_432 : i32 to index
      %get3A_434 = arith.constant 34 : index
      %get3A_435 = tpu.vector_load %arg5[%get3A_433, %get3A_434] {strides = array<i32>} : memref<64x50xf32, #tpu.memory_space<vmem>>, vector<1x16xf32>,
      %get3A_436 = vector.shape_cast %get3A_435 : vector<1x16xf32> to vector<16xf32>
      %add3A_437 = arith.addf %get3A_436, %get3A_60 : vector<16xf32>
      %swap3A_438 = arith.constant 7 : i32
      %swap3A_439 = arith.index_cast %swap3A_438 : i32 to index
      %swap3A_440 = arith.constant 34 : index
      %swap3A_441 = tpu.vector_load %arg7[%swap3A_439, %swap3A_440] {strides = array<i32>} : memref<64x50xf32, #tpu.memory_space<vmem>>, vector<1x16xf32>,
      %swap3A_442 = vector.shape_cast %swap3A_441 : vector<1x16xf32> to vector<16xf32>
      %swap3A_443 = vector.shape_cast %add3A_437 : vector<16xf32> to vector<1x16xf32>
      tpu.vector_store %arg7[%swap3A_439, %swap3A_440], %swap3A_443 {strides = array<i32>} : memref<64x50xf32, #tpu.memory_space<vmem>>, vector<1x16xf32>,
      %get3A_444 = arith.constant 8 : i32
      %get3A_445 = arith.index_cast %get3A_444 : i32 to index
      %get3A_446 = arith.constant 0 : index
      %get3A_447 = tpu.vector_load %arg5[%get3A_445, %get3A_446] {strides = array<i32>} : memref<64x50xf32, #tpu.memory_space<vmem>>, vector<1x16xf32>,
      %get3A_448 = vector.shape_cast %get3A_447 : vector<1x16xf32> to vector<16xf32>
      %add3A_449 = arith.addf %get3A_448, %get3A_48 : vector<16xf32>
      %swap3A_450 = arith.constant 8 : i32
      %swap3A_451 = arith.index_cast %swap3A_450 : i32 to index
      %swap3A_452 = arith.constant 0 : index
      %swap3A_453 = tpu.vector_load %arg7[%swap3A_451, %swap3A_452] {strides = array<i32>} : memref<64x50xf32, #tpu.memory_space<vmem>>, vector<1x16xf32>,
      %swap3A_454 = vector.shape_cast %swap3A_453 : vector<1x16xf32> to vector<16xf32>
      %swap3A_455 = vector.shape_cast %add3A_449 : vector<16xf32> to vector<1x16xf32>
      tpu.vector_store %arg7[%swap3A_451, %swap3A_452], %swap3A_455 {strides = array<i32>} : memref<64x50xf32, #tpu.memory_space<vmem>>, vector<1x16xf32>,
      %get3A_456 = arith.constant 8 : i32
      %get3A_457 = arith.index_cast %get3A_456 : i32 to index
      %get3A_458 = arith.constant 16 : index
      %get3A_459 = tpu.vector_load %arg5[%get3A_457, %get3A_458] {strides = array<i32>} : memref<64x50xf32, #tpu.memory_space<vmem>>, vector<1x16xf32>,
      %get3A_460 = vector.shape_cast %get3A_459 : vector<1x16xf32> to vector<16xf32>
      %add3A_461 = arith.addf %get3A_460, %get3A_52 : vector<16xf32>
      %swap3A_462 = arith.constant 8 : i32
      %swap3A_463 = arith.index_cast %swap3A_462 : i32 to index
      %swap3A_464 = arith.constant 16 : index
      %swap3A_465 = tpu.vector_load %arg7[%swap3A_463, %swap3A_464] {strides = array<i32>} : memref<64x50xf32, #tpu.memory_space<vmem>>, vector<1x16xf32>,
      %swap3A_466 = vector.shape_cast %swap3A_465 : vector<1x16xf32> to vector<16xf32>
      %swap3A_467 = vector.shape_cast %add3A_461 : vector<16xf32> to vector<1x16xf32>
      tpu.vector_store %arg7[%swap3A_463, %swap3A_464], %swap3A_467 {strides = array<i32>} : memref<64x50xf32, #tpu.memory_space<vmem>>, vector<1x16xf32>,
      %get3A_468 = arith.constant 8 : i32
      %get3A_469 = arith.index_cast %get3A_468 : i32 to index
      %get3A_470 = arith.constant 32 : index
      %get3A_471 = tpu.vector_load %arg5[%get3A_469, %get3A_470] {strides = array<i32>} : memref<64x50xf32, #tpu.memory_space<vmem>>, vector<1x16xf32>,
      %get3A_472 = vector.shape_cast %get3A_471 : vector<1x16xf32> to vector<16xf32>
      %add3A_473 = arith.addf %get3A_472, %get3A_56 : vector<16xf32>
      %swap3A_474 = arith.constant 8 : i32
      %swap3A_475 = arith.index_cast %swap3A_474 : i32 to index
      %swap3A_476 = arith.constant 32 : index
      %swap3A_477 = tpu.vector_load %arg7[%swap3A_475, %swap3A_476] {strides = array<i32>} : memref<64x50xf32, #tpu.memory_space<vmem>>, vector<1x16xf32>,
      %swap3A_478 = vector.shape_cast %swap3A_477 : vector<1x16xf32> to vector<16xf32>
      %swap3A_479 = vector.shape_cast %add3A_473 : vector<16xf32> to vector<1x16xf32>
      tpu.vector_store %arg7[%swap3A_475, %swap3A_476], %swap3A_479 {strides = array<i32>} : memref<64x50xf32, #tpu.memory_space<vmem>>, vector<1x16xf32>,
      %get3A_480 = arith.constant 8 : i32
      %get3A_481 = arith.index_cast %get3A_480 : i32 to index
      %get3A_482 = arith.constant 34 : index
      %get3A_483 = tpu.vector_load %arg5[%get3A_481, %get3A_482] {strides = array<i32>} : memref<64x50xf32, #tpu.memory_space<vmem>>, vector<1x16xf32>,
      %get3A_484 = vector.shape_cast %get3A_483 : vector<1x16xf32> to vector<16xf32>
      %add3A_485 = arith.addf %get3A_484, %get3A_60 : vector<16xf32>
      %swap3A_486 = arith.constant 8 : i32
      %swap3A_487 = arith.index_cast %swap3A_486 : i32 to index
      %swap3A_488 = arith.constant 34 : index
      %swap3A_489 = tpu.vector_load %arg7[%swap3A_487, %swap3A_488] {strides = array<i32>} : memref<64x50xf32, #tpu.memory_space<vmem>>, vector<1x16xf32>,
      %swap3A_490 = vector.shape_cast %swap3A_489 : vector<1x16xf32> to vector<16xf32>
      %swap3A_491 = vector.shape_cast %add3A_485 : vector<16xf32> to vector<1x16xf32>
      tpu.vector_store %arg7[%swap3A_487, %swap3A_488], %swap3A_491 {strides = array<i32>} : memref<64x50xf32, #tpu.memory_space<vmem>>, vector<1x16xf32>,
      %get3A_492 = arith.constant 9 : i32
      %get3A_493 = arith.index_cast %get3A_492 : i32 to index
      %get3A_494 = arith.constant 0 : index
      %get3A_495 = tpu.vector_load %arg5[%get3A_493, %get3A_494] {strides = array<i32>} : memref<64x50xf32, #tpu.memory_space<vmem>>, vector<1x16xf32>,
      %get3A_496 = vector.shape_cast %get3A_495 : vector<1x16xf32> to vector<16xf32>
      %add3A_497 = arith.addf %get3A_496, %get3A_48 : vector<16xf32>
      %swap3A_498 = arith.constant 9 : i32
      %swap3A_499 = arith.index_cast %swap3A_498 : i32 to index
      %swap3A_500 = arith.constant 0 : index
      %swap3A_501 = tpu.vector_load %arg7[%swap3A_499, %swap3A_500] {strides = array<i32>} : memref<64x50xf32, #tpu.memory_space<vmem>>, vector<1x16xf32>,
      %swap3A_502 = vector.shape_cast %swap3A_501 : vector<1x16xf32> to vector<16xf32>
      %swap3A_503 = vector.shape_cast %add3A_497 : vector<16xf32> to vector<1x16xf32>
      tpu.vector_store %arg7[%swap3A_499, %swap3A_500], %swap3A_503 {strides = array<i32>} : memref<64x50xf32, #tpu.memory_space<vmem>>, vector<1x16xf32>,
      %get3A_504 = arith.constant 9 : i32
      %get3A_505 = arith.index_cast %get3A_504 : i32 to index
      %get3A_506 = arith.constant 16 : index
      %get3A_507 = tpu.vector_load %arg5[%get3A_505, %get3A_506] {strides = array<i32>} : memref<64x50xf32, #tpu.memory_space<vmem>>, vector<1x16xf32>,
      %get3A_508 = vector.shape_cast %get3A_507 : vector<1x16xf32> to vector<16xf32>
      %add3A_509 = arith.addf %get3A_508, %get3A_52 : vector<16xf32>
      %swap3A_510 = arith.constant 9 : i32
      %swap3A_511 = arith.index_cast %swap3A_510 : i32 to index
      %swap3A_512 = arith.constant 16 : index
      %swap3A_513 = tpu.vector_load %arg7[%swap3A_511, %swap3A_512] {strides = array<i32>} : memref<64x50xf32, #tpu.memory_space<vmem>>, vector<1x16xf32>,
      %swap3A_514 = vector.shape_cast %swap3A_513 : vector<1x16xf32> to vector<16xf32>
      %swap3A_515 = vector.shape_cast %add3A_509 : vector<16xf32> to vector<1x16xf32>
      tpu.vector_store %arg7[%swap3A_511, %swap3A_512], %swap3A_515 {strides = array<i32>} : memref<64x50xf32, #tpu.memory_space<vmem>>, vector<1x16xf32>,
      %get3A_516 = arith.constant 9 : i32
      %get3A_517 = arith.index_cast %get3A_516 : i32 to index
      %get3A_518 = arith.constant 32 : index
      %get3A_519 = tpu.vector_load %arg5[%get3A_517, %get3A_518] {strides = array<i32>} : memref<64x50xf32, #tpu.memory_space<vmem>>, vector<1x16xf32>,
      %get3A_520 = vector.shape_cast %get3A_519 : vector<1x16xf32> to vector<16xf32>
      %add3A_521 = arith.addf %get3A_520, %get3A_56 : vector<16xf32>
      %swap3A_522 = arith.constant 9 : i32
      %swap3A_523 = arith.index_cast %swap3A_522 : i32 to index
      %swap3A_524 = arith.constant 32 : index
      %swap3A_525 = tpu.vector_load %arg7[%swap3A_523, %swap3A_524] {strides = array<i32>} : memref<64x50xf32, #tpu.memory_space<vmem>>, vector<1x16xf32>,
      %swap3A_526 = vector.shape_cast %swap3A_525 : vector<1x16xf32> to vector<16xf32>
      %swap3A_527 = vector.shape_cast %add3A_521 : vector<16xf32> to vector<1x16xf32>
      tpu.vector_store %arg7[%swap3A_523, %swap3A_524], %swap3A_527 {strides = array<i32>} : memref<64x50xf32, #tpu.memory_space<vmem>>, vector<1x16xf32>,
      %get3A_528 = arith.constant 9 : i32
      %get3A_529 = arith.index_cast %get3A_528 : i32 to index
      %get3A_530 = arith.constant 34 : index
      %get3A_531 = tpu.vector_load %arg5[%get3A_529, %get3A_530] {strides = array<i32>} : memref<64x50xf32, #tpu.memory_space<vmem>>, vector<1x16xf32>,
      %get3A_532 = vector.shape_cast %get3A_531 : vector<1x16xf32> to vector<16xf32>
      %add3A_533 = arith.addf %get3A_532, %get3A_60 : vector<16xf32>
      %swap3A_534 = arith.constant 9 : i32
      %swap3A_535 = arith.index_cast %swap3A_534 : i32 to index
      %swap3A_536 = arith.constant 34 : index
      %swap3A_537 = tpu.vector_load %arg7[%swap3A_535, %swap3A_536] {strides = array<i32>} : memref<64x50xf32, #tpu.memory_space<vmem>>, vector<1x16xf32>,
      %swap3A_538 = vector.shape_cast %swap3A_537 : vector<1x16xf32> to vector<16xf32>
      %swap3A_539 = vector.shape_cast %add3A_533 : vector<16xf32> to vector<1x16xf32>
      tpu.vector_store %arg7[%swap3A_535, %swap3A_536], %swap3A_539 {strides = array<i32>} : memref<64x50xf32, #tpu.memory_space<vmem>>, vector<1x16xf32>,
      %get3A_540 = arith.constant 10 : i32
      %get3A_541 = arith.index_cast %get3A_540 : i32 to index
      %get3A_542 = arith.constant 0 : index
      %get3A_543 = tpu.vector_load %arg5[%get3A_541, %get3A_542] {strides = array<i32>} : memref<64x50xf32, #tpu.memory_space<vmem>>, vector<1x16xf32>,
      %get3A_544 = vector.shape_cast %get3A_543 : vector<1x16xf32> to vector<16xf32>
      %add3A_545 = arith.addf %get3A_544, %get3A_48 : vector<16xf32>
      %swap3A_546 = arith.constant 10 : i32
      %swap3A_547 = arith.index_cast %swap3A_546 : i32 to index
      %swap3A_548 = arith.constant 0 : index
      %swap3A_549 = tpu.vector_load %arg7[%swap3A_547, %swap3A_548] {strides = array<i32>} : memref<64x50xf32, #tpu.memory_space<vmem>>, vector<1x16xf32>,
      %swap3A_550 = vector.shape_cast %swap3A_549 : vector<1x16xf32> to vector<16xf32>
      %swap3A_551 = vector.shape_cast %add3A_545 : vector<16xf32> to vector<1x16xf32>
      tpu.vector_store %arg7[%swap3A_547, %swap3A_548], %swap3A_551 {strides = array<i32>} : memref<64x50xf32, #tpu.memory_space<vmem>>, vector<1x16xf32>,
      %get3A_552 = arith.constant 10 : i32
      %get3A_553 = arith.index_cast %get3A_552 : i32 to index
      %get3A_554 = arith.constant 16 : index
      %get3A_555 = tpu.vector_load %arg5[%get3A_553, %get3A_554] {strides = array<i32>} : memref<64x50xf32, #tpu.memory_space<vmem>>, vector<1x16xf32>,
      %get3A_556 = vector.shape_cast %get3A_555 : vector<1x16xf32> to vector<16xf32>
      %add3A_557 = arith.addf %get3A_556, %get3A_52 : vector<16xf32>
      %swap3A_558 = arith.constant 10 : i32
      %swap3A_559 = arith.index_cast %swap3A_558 : i32 to index
      %swap3A_560 = arith.constant 16 : index
      %swap3A_561 = tpu.vector_load %arg7[%swap3A_559, %swap3A_560] {strides = array<i32>} : memref<64x50xf32, #tpu.memory_space<vmem>>, vector<1x16xf32>,
      %swap3A_562 = vector.shape_cast %swap3A_561 : vector<1x16xf32> to vector<16xf32>
      %swap3A_563 = vector.shape_cast %add3A_557 : vector<16xf32> to vector<1x16xf32>
      tpu.vector_store %arg7[%swap3A_559, %swap3A_560], %swap3A_563 {strides = array<i32>} : memref<64x50xf32, #tpu.memory_space<vmem>>, vector<1x16xf32>,
      %get3A_564 = arith.constant 10 : i32
      %get3A_565 = arith.index_cast %get3A_564 : i32 to index
      %get3A_566 = arith.constant 32 : index
      %get3A_567 = tpu.vector_load %arg5[%get3A_565, %get3A_566] {strides = array<i32>} : memref<64x50xf32, #tpu.memory_space<vmem>>, vector<1x16xf32>,
      %get3A_568 = vector.shape_cast %get3A_567 : vector<1x16xf32> to vector<16xf32>
      %add3A_569 = arith.addf %get3A_568, %get3A_56 : vector<16xf32>
      %swap3A_570 = arith.constant 10 : i32
      %swap3A_571 = arith.index_cast %swap3A_570 : i32 to index
      %swap3A_572 = arith.constant 32 : index
      %swap3A_573 = tpu.vector_load %arg7[%swap3A_571, %swap3A_572] {strides = array<i32>} : memref<64x50xf32, #tpu.memory_space<vmem>>, vector<1x16xf32>,
      %swap3A_574 = vector.shape_cast %swap3A_573 : vector<1x16xf32> to vector<16xf32>
      %swap3A_575 = vector.shape_cast %add3A_569 : vector<16xf32> to vector<1x16xf32>
      tpu.vector_store %arg7[%swap3A_571, %swap3A_572], %swap3A_575 {strides = array<i32>} : memref<64x50xf32, #tpu.memory_space<vmem>>, vector<1x16xf32>,
      %get3A_576 = arith.constant 10 : i32
      %get3A_577 = arith.index_cast %get3A_576 : i32 to index
      %get3A_578 = arith.constant 34 : index
      %get3A_579 = tpu.vector_load %arg5[%get3A_577, %get3A_578] {strides = array<i32>} : memref<64x50xf32, #tpu.memory_space<vmem>>, vector<1x16xf32>,
      %get3A_580 = vector.shape_cast %get3A_579 : vector<1x16xf32> to vector<16xf32>
      %add3A_581 = arith.addf %get3A_580, %get3A_60 : vector<16xf32>
      %swap3A_582 = arith.constant 10 : i32
      %swap3A_583 = arith.index_cast %swap3A_582 : i32 to index
      %swap3A_584 = arith.constant 34 : index
      %swap3A_585 = tpu.vector_load %arg7[%swap3A_583, %swap3A_584] {strides = array<i32>} : memref<64x50xf32, #tpu.memory_space<vmem>>, vector<1x16xf32>,
      %swap3A_586 = vector.shape_cast %swap3A_585 : vector<1x16xf32> to vector<16xf32>
      %swap3A_587 = vector.shape_cast %add3A_581 : vector<16xf32> to vector<1x16xf32>
      tpu.vector_store %arg7[%swap3A_583, %swap3A_584], %swap3A_587 {strides = array<i32>} : memref<64x50xf32, #tpu.memory_space<vmem>>, vector<1x16xf32>,
      %get3A_588 = arith.constant 11 : i32
      %get3A_589 = arith.index_cast %get3A_588 : i32 to index
      %get3A_590 = arith.constant 0 : index
      %get3A_591 = tpu.vector_load %arg5[%get3A_589, %get3A_590] {strides = array<i32>} : memref<64x50xf32, #tpu.memory_space<vmem>>, vector<1x16xf32>,
      %get3A_592 = vector.shape_cast %get3A_591 : vector<1x16xf32> to vector<16xf32>
      %add3A_593 = arith.addf %get3A_592, %get3A_48 : vector<16xf32>
      %swap3A_594 = arith.constant 11 : i32
      %swap3A_595 = arith.index_cast %swap3A_594 : i32 to index
      %swap3A_596 = arith.constant 0 : index
      %swap3A_597 = tpu.vector_load %arg7[%swap3A_595, %swap3A_596] {strides = array<i32>} : memref<64x50xf32, #tpu.memory_space<vmem>>, vector<1x16xf32>,
      %swap3A_598 = vector.shape_cast %swap3A_597 : vector<1x16xf32> to vector<16xf32>
      %swap3A_599 = vector.shape_cast %add3A_593 : vector<16xf32> to vector<1x16xf32>
      tpu.vector_store %arg7[%swap3A_595, %swap3A_596], %swap3A_599 {strides = array<i32>} : memref<64x50xf32, #tpu.memory_space<vmem>>, vector<1x16xf32>,
      %get3A_600 = arith.constant 11 : i32
      %get3A_601 = arith.index_cast %get3A_600 : i32 to index
      %get3A_602 = arith.constant 16 : index
      %get3A_603 = tpu.vector_load %arg5[%get3A_601, %get3A_602] {strides = array<i32>} : memref<64x50xf32, #tpu.memory_space<vmem>>, vector<1x16xf32>,
      %get3A_604 = vector.shape_cast %get3A_603 : vector<1x16xf32> to vector<16xf32>
      %add3A_605 = arith.addf %get3A_604, %get3A_52 : vector<16xf32>
      %swap3A_606 = arith.constant 11 : i32
      %swap3A_607 = arith.index_cast %swap3A_606 : i32 to index
      %swap3A_608 = arith.constant 16 : index
      %swap3A_609 = tpu.vector_load %arg7[%swap3A_607, %swap3A_608] {strides = array<i32>} : memref<64x50xf32, #tpu.memory_space<vmem>>, vector<1x16xf32>,
      %swap3A_610 = vector.shape_cast %swap3A_609 : vector<1x16xf32> to vector<16xf32>
      %swap3A_611 = vector.shape_cast %add3A_605 : vector<16xf32> to vector<1x16xf32>
      tpu.vector_store %arg7[%swap3A_607, %swap3A_608], %swap3A_611 {strides = array<i32>} : memref<64x50xf32, #tpu.memory_space<vmem>>, vector<1x16xf32>,
      %get3A_612 = arith.constant 11 : i32
      %get3A_613 = arith.index_cast %get3A_612 : i32 to index
      %get3A_614 = arith.constant 32 : index
      %get3A_615 = tpu.vector_load %arg5[%get3A_613, %get3A_614] {strides = array<i32>} : memref<64x50xf32, #tpu.memory_space<vmem>>, vector<1x16xf32>,
      %get3A_616 = vector.shape_cast %get3A_615 : vector<1x16xf32> to vector<16xf32>
      %add3A_617 = arith.addf %get3A_616, %get3A_56 : vector<16xf32>
      %swap3A_618 = arith.constant 11 : i32
      %swap3A_619 = arith.index_cast %swap3A_618 : i32 to index
      %swap3A_620 = arith.constant 32 : index
      %swap3A_621 = tpu.vector_load %arg7[%swap3A_619, %swap3A_620] {strides = array<i32>} : memref<64x50xf32, #tpu.memory_space<vmem>>, vector<1x16xf32>,
      %swap3A_622 = vector.shape_cast %swap3A_621 : vector<1x16xf32> to vector<16xf32>
      %swap3A_623 = vector.shape_cast %add3A_617 : vector<16xf32> to vector<1x16xf32>
      tpu.vector_store %arg7[%swap3A_619, %swap3A_620], %swap3A_623 {strides = array<i32>} : memref<64x50xf32, #tpu.memory_space<vmem>>, vector<1x16xf32>,
      %get3A_624 = arith.constant 11 : i32
      %get3A_625 = arith.index_cast %get3A_624 : i32 to index
      %get3A_626 = arith.constant 34 : index
      %get3A_627 = tpu.vector_load %arg5[%get3A_625, %get3A_626] {strides = array<i32>} : memref<64x50xf32, #tpu.memory_space<vmem>>, vector<1x16xf32>,
      %get3A_628 = vector.shape_cast %get3A_627 : vector<1x16xf32> to vector<16xf32>
      %add3A_629 = arith.addf %get3A_628, %get3A_60 : vector<16xf32>
      %swap3A_630 = arith.constant 11 : i32
      %swap3A_631 = arith.index_cast %swap3A_630 : i32 to index
      %swap3A_632 = arith.constant 34 : index
      %swap3A_633 = tpu.vector_load %arg7[%swap3A_631, %swap3A_632] {strides = array<i32>} : memref<64x50xf32, #tpu.memory_space<vmem>>, vector<1x16xf32>,
      %swap3A_634 = vector.shape_cast %swap3A_633 : vector<1x16xf32> to vector<16xf32>
      %swap3A_635 = vector.shape_cast %add3A_629 : vector<16xf32> to vector<1x16xf32>
      tpu.vector_store %arg7[%swap3A_631, %swap3A_632], %swap3A_635 {strides = array<i32>} : memref<64x50xf32, #tpu.memory_space<vmem>>, vector<1x16xf32>,
      %get3A_636 = arith.constant 12 : i32
      %get3A_637 = arith.index_cast %get3A_636 : i32 to index
      %get3A_638 = arith.constant 0 : index
      %get3A_639 = tpu.vector_load %arg5[%get3A_637, %get3A_638] {strides = array<i32>} : memref<64x50xf32, #tpu.memory_space<vmem>>, vector<1x16xf32>,
      %get3A_640 = vector.shape_cast %get3A_639 : vector<1x16xf32> to vector<16xf32>
      %add3A_641 = arith.addf %get3A_640, %get3A_48 : vector<16xf32>
      %swap3A_642 = arith.constant 12 : i32
      %swap3A_643 = arith.index_cast %swap3A_642 : i32 to index
      %swap3A_644 = arith.constant 0 : index
      %swap3A_645 = tpu.vector_load %arg7[%swap3A_643, %swap3A_644] {strides = array<i32>} : memref<64x50xf32, #tpu.memory_space<vmem>>, vector<1x16xf32>,
      %swap3A_646 = vector.shape_cast %swap3A_645 : vector<1x16xf32> to vector<16xf32>
      %swap3A_647 = vector.shape_cast %add3A_641 : vector<16xf32> to vector<1x16xf32>
      tpu.vector_store %arg7[%swap3A_643, %swap3A_644], %swap3A_647 {strides = array<i32>} : memref<64x50xf32, #tpu.memory_space<vmem>>, vector<1x16xf32>,
      %get3A_648 = arith.constant 12 : i32
      %get3A_649 = arith.index_cast %get3A_648 : i32 to index
      %get3A_650 = arith.constant 16 : index
      %get3A_651 = tpu.vector_load %arg5[%get3A_649, %get3A_650] {strides = array<i32>} : memref<64x50xf32, #tpu.memory_space<vmem>>, vector<1x16xf32>,
      %get3A_652 = vector.shape_cast %get3A_651 : vector<1x16xf32> to vector<16xf32>
      %add3A_653 = arith.addf %get3A_652, %get3A_52 : vector<16xf32>
      %swap3A_654 = arith.constant 12 : i32
      %swap3A_655 = arith.index_cast %swap3A_654 : i32 to index
      %swap3A_656 = arith.constant 16 : index
      %swap3A_657 = tpu.vector_load %arg7[%swap3A_655, %swap3A_656] {strides = array<i32>} : memref<64x50xf32, #tpu.memory_space<vmem>>, vector<1x16xf32>,
      %swap3A_658 = vector.shape_cast %swap3A_657 : vector<1x16xf32> to vector<16xf32>
      %swap3A_659 = vector.shape_cast %add3A_653 : vector<16xf32> to vector<1x16xf32>
      tpu.vector_store %arg7[%swap3A_655, %swap3A_656], %swap3A_659 {strides = array<i32>} : memref<64x50xf32, #tpu.memory_space<vmem>>, vector<1x16xf32>,
      %get3A_660 = arith.constant 12 : i32
      %get3A_661 = arith.index_cast %get3A_660 : i32 to index
      %get3A_662 = arith.constant 32 : index
      %get3A_663 = tpu.vector_load %arg5[%get3A_661, %get3A_662] {strides = array<i32>} : memref<64x50xf32, #tpu.memory_space<vmem>>, vector<1x16xf32>,
      %get3A_664 = vector.shape_cast %get3A_663 : vector<1x16xf32> to vector<16xf32>
      %add3A_665 = arith.addf %get3A_664, %get3A_56 : vector<16xf32>
      %swap3A_666 = arith.constant 12 : i32
      %swap3A_667 = arith.index_cast %swap3A_666 : i32 to index
      %swap3A_668 = arith.constant 32 : index
      %swap3A_669 = tpu.vector_load %arg7[%swap3A_667, %swap3A_668] {strides = array<i32>} : memref<64x50xf32, #tpu.memory_space<vmem>>, vector<1x16xf32>,
      %swap3A_670 = vector.shape_cast %swap3A_669 : vector<1x16xf32> to vector<16xf32>
      %swap3A_671 = vector.shape_cast %add3A_665 : vector<16xf32> to vector<1x16xf32>
      tpu.vector_store %arg7[%swap3A_667, %swap3A_668], %swap3A_671 {strides = array<i32>} : memref<64x50xf32, #tpu.memory_space<vmem>>, vector<1x16xf32>,
      %get3A_672 = arith.constant 12 : i32
      %get3A_673 = arith.index_cast %get3A_672 : i32 to index
      %get3A_674 = arith.constant 34 : index
      %get3A_675 = tpu.vector_load %arg5[%get3A_673, %get3A_674] {strides = array<i32>} : memref<64x50xf32, #tpu.memory_space<vmem>>, vector<1x16xf32>,
      %get3A_676 = vector.shape_cast %get3A_675 : vector<1x16xf32> to vector<16xf32>
      %add3A_677 = arith.addf %get3A_676, %get3A_60 : vector<16xf32>
      %swap3A_678 = arith.constant 12 : i32
      %swap3A_679 = arith.index_cast %swap3A_678 : i32 to index
      %swap3A_680 = arith.constant 34 : index
      %swap3A_681 = tpu.vector_load %arg7[%swap3A_679, %swap3A_680] {strides = array<i32>} : memref<64x50xf32, #tpu.memory_space<vmem>>, vector<1x16xf32>,
      %swap3A_682 = vector.shape_cast %swap3A_681 : vector<1x16xf32> to vector<16xf32>
      %swap3A_683 = vector.shape_cast %add3A_677 : vector<16xf32> to vector<1x16xf32>
      tpu.vector_store %arg7[%swap3A_679, %swap3A_680], %swap3A_683 {strides = array<i32>} : memref<64x50xf32, #tpu.memory_space<vmem>>, vector<1x16xf32>,
      %get3A_684 = arith.constant 13 : i32
      %get3A_685 = arith.index_cast %get3A_684 : i32 to index
      %get3A_686 = arith.constant 0 : index
      %get3A_687 = tpu.vector_load %arg5[%get3A_685, %get3A_686] {strides = array<i32>} : memref<64x50xf32, #tpu.memory_space<vmem>>, vector<1x16xf32>,
      %get3A_688 = vector.shape_cast %get3A_687 : vector<1x16xf32> to vector<16xf32>
      %add3A_689 = arith.addf %get3A_688, %get3A_48 : vector<16xf32>
      %swap3A_690 = arith.constant 13 : i32
      %swap3A_691 = arith.index_cast %swap3A_690 : i32 to index
      %swap3A_692 = arith.constant 0 : index
      %swap3A_693 = tpu.vector_load %arg7[%swap3A_691, %swap3A_692] {strides = array<i32>} : memref<64x50xf32, #tpu.memory_space<vmem>>, vector<1x16xf32>,
      %swap3A_694 = vector.shape_cast %swap3A_693 : vector<1x16xf32> to vector<16xf32>
      %swap3A_695 = vector.shape_cast %add3A_689 : vector<16xf32> to vector<1x16xf32>
      tpu.vector_store %arg7[%swap3A_691, %swap3A_692], %swap3A_695 {strides = array<i32>} : memref<64x50xf32, #tpu.memory_space<vmem>>, vector<1x16xf32>,
      %get3A_696 = arith.constant 13 : i32
      %get3A_697 = arith.index_cast %get3A_696 : i32 to index
      %get3A_698 = arith.constant 16 : index
      %get3A_699 = tpu.vector_load %arg5[%get3A_697, %get3A_698] {strides = array<i32>} : memref<64x50xf32, #tpu.memory_space<vmem>>, vector<1x16xf32>,
      %get3A_700 = vector.shape_cast %get3A_699 : vector<1x16xf32> to vector<16xf32>
      %add3A_701 = arith.addf %get3A_700, %get3A_52 : vector<16xf32>
      %swap3A_702 = arith.constant 13 : i32
      %swap3A_703 = arith.index_cast %swap3A_702 : i32 to index
      %swap3A_704 = arith.constant 16 : index
      %swap3A_705 = tpu.vector_load %arg7[%swap3A_703, %swap3A_704] {strides = array<i32>} : memref<64x50xf32, #tpu.memory_space<vmem>>, vector<1x16xf32>,
      %swap3A_706 = vector.shape_cast %swap3A_705 : vector<1x16xf32> to vector<16xf32>
      %swap3A_707 = vector.shape_cast %add3A_701 : vector<16xf32> to vector<1x16xf32>
      tpu.vector_store %arg7[%swap3A_703, %swap3A_704], %swap3A_707 {strides = array<i32>} : memref<64x50xf32, #tpu.memory_space<vmem>>, vector<1x16xf32>,
      %get3A_708 = arith.constant 13 : i32
      %get3A_709 = arith.index_cast %get3A_708 : i32 to index
      %get3A_710 = arith.constant 32 : index
      %get3A_711 = tpu.vector_load %arg5[%get3A_709, %get3A_710] {strides = array<i32>} : memref<64x50xf32, #tpu.memory_space<vmem>>, vector<1x16xf32>,
      %get3A_712 = vector.shape_cast %get3A_711 : vector<1x16xf32> to vector<16xf32>
      %add3A_713 = arith.addf %get3A_712, %get3A_56 : vector<16xf32>
      %swap3A_714 = arith.constant 13 : i32
      %swap3A_715 = arith.index_cast %swap3A_714 : i32 to index
      %swap3A_716 = arith.constant 32 : index
      %swap3A_717 = tpu.vector_load %arg7[%swap3A_715, %swap3A_716] {strides = array<i32>} : memref<64x50xf32, #tpu.memory_space<vmem>>, vector<1x16xf32>,
      %swap3A_718 = vector.shape_cast %swap3A_717 : vector<1x16xf32> to vector<16xf32>
      %swap3A_719 = vector.shape_cast %add3A_713 : vector<16xf32> to vector<1x16xf32>
      tpu.vector_store %arg7[%swap3A_715, %swap3A_716], %swap3A_719 {strides = array<i32>} : memref<64x50xf32, #tpu.memory_space<vmem>>, vector<1x16xf32>,
      %get3A_720 = arith.constant 13 : i32
      %get3A_721 = arith.index_cast %get3A_720 : i32 to index
      %get3A_722 = arith.constant 34 : index
      %get3A_723 = tpu.vector_load %arg5[%get3A_721, %get3A_722] {strides = array<i32>} : memref<64x50xf32, #tpu.memory_space<vmem>>, vector<1x16xf32>,
      %get3A_724 = vector.shape_cast %get3A_723 : vector<1x16xf32> to vector<16xf32>
      %add3A_725 = arith.addf %get3A_724, %get3A_60 : vector<16xf32>
      %swap3A_726 = arith.constant 13 : i32
      %swap3A_727 = arith.index_cast %swap3A_726 : i32 to index
      %swap3A_728 = arith.constant 34 : index
      %swap3A_729 = tpu.vector_load %arg7[%swap3A_727, %swap3A_728] {strides = array<i32>} : memref<64x50xf32, #tpu.memory_space<vmem>>, vector<1x16xf32>,
      %swap3A_730 = vector.shape_cast %swap3A_729 : vector<1x16xf32> to vector<16xf32>
      %swap3A_731 = vector.shape_cast %add3A_725 : vector<16xf32> to vector<1x16xf32>
      tpu.vector_store %arg7[%swap3A_727, %swap3A_728], %swap3A_731 {strides = array<i32>} : memref<64x50xf32, #tpu.memory_space<vmem>>, vector<1x16xf32>,
      %get3A_732 = arith.constant 14 : i32
      %get3A_733 = arith.index_cast %get3A_732 : i32 to index
      %get3A_734 = arith.constant 0 : index
      %get3A_735 = tpu.vector_load %arg5[%get3A_733, %get3A_734] {strides = array<i32>} : memref<64x50xf32, #tpu.memory_space<vmem>>, vector<1x16xf32>,
      %get3A_736 = vector.shape_cast %get3A_735 : vector<1x16xf32> to vector<16xf32>
      %add3A_737 = arith.addf %get3A_736, %get3A_48 : vector<16xf32>
      %swap3A_738 = arith.constant 14 : i32
      %swap3A_739 = arith.index_cast %swap3A_738 : i32 to index
      %swap3A_740 = arith.constant 0 : index
      %swap3A_741 = tpu.vector_load %arg7[%swap3A_739, %swap3A_740] {strides = array<i32>} : memref<64x50xf32, #tpu.memory_space<vmem>>, vector<1x16xf32>,
      %swap3A_742 = vector.shape_cast %swap3A_741 : vector<1x16xf32> to vector<16xf32>
      %swap3A_743 = vector.shape_cast %add3A_737 : vector<16xf32> to vector<1x16xf32>
      tpu.vector_store %arg7[%swap3A_739, %swap3A_740], %swap3A_743 {strides = array<i32>} : memref<64x50xf32, #tpu.memory_space<vmem>>, vector<1x16xf32>,
      %get3A_744 = arith.constant 14 : i32
      %get3A_745 = arith.index_cast %get3A_744 : i32 to index
      %get3A_746 = arith.constant 16 : index
      %get3A_747 = tpu.vector_load %arg5[%get3A_745, %get3A_746] {strides = array<i32>} : memref<64x50xf32, #tpu.memory_space<vmem>>, vector<1x16xf32>,
      %get3A_748 = vector.shape_cast %get3A_747 : vector<1x16xf32> to vector<16xf32>
      %add3A_749 = arith.addf %get3A_748, %get3A_52 : vector<16xf32>
      %swap3A_750 = arith.constant 14 : i32
      %swap3A_751 = arith.index_cast %swap3A_750 : i32 to index
      %swap3A_752 = arith.constant 16 : index
      %swap3A_753 = tpu.vector_load %arg7[%swap3A_751, %swap3A_752] {strides = array<i32>} : memref<64x50xf32, #tpu.memory_space<vmem>>, vector<1x16xf32>,
      %swap3A_754 = vector.shape_cast %swap3A_753 : vector<1x16xf32> to vector<16xf32>
      %swap3A_755 = vector.shape_cast %add3A_749 : vector<16xf32> to vector<1x16xf32>
      tpu.vector_store %arg7[%swap3A_751, %swap3A_752], %swap3A_755 {strides = array<i32>} : memref<64x50xf32, #tpu.memory_space<vmem>>, vector<1x16xf32>,
      %get3A_756 = arith.constant 14 : i32
      %get3A_757 = arith.index_cast %get3A_756 : i32 to index
      %get3A_758 = arith.constant 32 : index
      %get3A_759 = tpu.vector_load %arg5[%get3A_757, %get3A_758] {strides = array<i32>} : memref<64x50xf32, #tpu.memory_space<vmem>>, vector<1x16xf32>,
      %get3A_760 = vector.shape_cast %get3A_759 : vector<1x16xf32> to vector<16xf32>
      %add3A_761 = arith.addf %get3A_760, %get3A_56 : vector<16xf32>
      %swap3A_762 = arith.constant 14 : i32
      %swap3A_763 = arith.index_cast %swap3A_762 : i32 to index
      %swap3A_764 = arith.constant 32 : index
      %swap3A_765 = tpu.vector_load %arg7[%swap3A_763, %swap3A_764] {strides = array<i32>} : memref<64x50xf32, #tpu.memory_space<vmem>>, vector<1x16xf32>,
      %swap3A_766 = vector.shape_cast %swap3A_765 : vector<1x16xf32> to vector<16xf32>
      %swap3A_767 = vector.shape_cast %add3A_761 : vector<16xf32> to vector<1x16xf32>
      tpu.vector_store %arg7[%swap3A_763, %swap3A_764], %swap3A_767 {strides = array<i32>} : memref<64x50xf32, #tpu.memory_space<vmem>>, vector<1x16xf32>,
      %get3A_768 = arith.constant 14 : i32
      %get3A_769 = arith.index_cast %get3A_768 : i32 to index
      %get3A_770 = arith.constant 34 : index
      %get3A_771 = tpu.vector_load %arg5[%get3A_769, %get3A_770] {strides = array<i32>} : memref<64x50xf32, #tpu.memory_space<vmem>>, vector<1x16xf32>,
      %get3A_772 = vector.shape_cast %get3A_771 : vector<1x16xf32> to vector<16xf32>
      %add3A_773 = arith.addf %get3A_772, %get3A_60 : vector<16xf32>
      %swap3A_774 = arith.constant 14 : i32
      %swap3A_775 = arith.index_cast %swap3A_774 : i32 to index
      %swap3A_776 = arith.constant 34 : index
      %swap3A_777 = tpu.vector_load %arg7[%swap3A_775, %swap3A_776] {strides = array<i32>} : memref<64x50xf32, #tpu.memory_space<vmem>>, vector<1x16xf32>,
      %swap3A_778 = vector.shape_cast %swap3A_777 : vector<1x16xf32> to vector<16xf32>
      %swap3A_779 = vector.shape_cast %add3A_773 : vector<16xf32> to vector<1x16xf32>
      tpu.vector_store %arg7[%swap3A_775, %swap3A_776], %swap3A_779 {strides = array<i32>} : memref<64x50xf32, #tpu.memory_space<vmem>>, vector<1x16xf32>,
      %get3A_780 = arith.constant 15 : i32
      %get3A_781 = arith.index_cast %get3A_780 : i32 to index
      %get3A_782 = arith.constant 0 : index
      %get3A_783 = tpu.vector_load %arg5[%get3A_781, %get3A_782] {strides = array<i32>} : memref<64x50xf32, #tpu.memory_space<vmem>>, vector<1x16xf32>,
      %get3A_784 = vector.shape_cast %get3A_783 : vector<1x16xf32> to vector<16xf32>
      %add3A_785 = arith.addf %get3A_784, %get3A_48 : vector<16xf32>
      %swap3A_786 = arith.constant 15 : i32
      %swap3A_787 = arith.index_cast %swap3A_786 : i32 to index
      %swap3A_788 = arith.constant 0 : index
      %swap3A_789 = tpu.vector_load %arg7[%swap3A_787, %swap3A_788] {strides = array<i32>} : memref<64x50xf32, #tpu.memory_space<vmem>>, vector<1x16xf32>,
      %swap3A_790 = vector.shape_cast %swap3A_789 : vector<1x16xf32> to vector<16xf32>
      %swap3A_791 = vector.shape_cast %add3A_785 : vector<16xf32> to vector<1x16xf32>
      tpu.vector_store %arg7[%swap3A_787, %swap3A_788], %swap3A_791 {strides = array<i32>} : memref<64x50xf32, #tpu.memory_space<vmem>>, vector<1x16xf32>,
      %get3A_792 = arith.constant 15 : i32
      %get3A_793 = arith.index_cast %get3A_792 : i32 to index
      %get3A_794 = arith.constant 16 : index
      %get3A_795 = tpu.vector_load %arg5[%get3A_793, %get3A_794] {strides = array<i32>} : memref<64x50xf32, #tpu.memory_space<vmem>>, vector<1x16xf32>,
      %get3A_796 = vector.shape_cast %get3A_795 : vector<1x16xf32> to vector<16xf32>
      %add3A_797 = arith.addf %get3A_796, %get3A_52 : vector<16xf32>
      %swap3A_798 = arith.constant 15 : i32
      %swap3A_799 = arith.index_cast %swap3A_798 : i32 to index
      %swap3A_800 = arith.constant 16 : index
      %swap3A_801 = tpu.vector_load %arg7[%swap3A_799, %swap3A_800] {strides = array<i32>} : memref<64x50xf32, #tpu.memory_space<vmem>>, vector<1x16xf32>,
      %swap3A_802 = vector.shape_cast %swap3A_801 : vector<1x16xf32> to vector<16xf32>
      %swap3A_803 = vector.shape_cast %add3A_797 : vector<16xf32> to vector<1x16xf32>
      tpu.vector_store %arg7[%swap3A_799, %swap3A_800], %swap3A_803 {strides = array<i32>} : memref<64x50xf32, #tpu.memory_space<vmem>>, vector<1x16xf32>,
      %get3A_804 = arith.constant 15 : i32
      %get3A_805 = arith.index_cast %get3A_804 : i32 to index
      %get3A_806 = arith.constant 32 : index
      %get3A_807 = tpu.vector_load %arg5[%get3A_805, %get3A_806] {strides = array<i32>} : memref<64x50xf32, #tpu.memory_space<vmem>>, vector<1x16xf32>,
      %get3A_808 = vector.shape_cast %get3A_807 : vector<1x16xf32> to vector<16xf32>
      %add3A_809 = arith.addf %get3A_808, %get3A_56 : vector<16xf32>
      %swap3A_810 = arith.constant 15 : i32
      %swap3A_811 = arith.index_cast %swap3A_810 : i32 to index
      %swap3A_812 = arith.constant 32 : index
      %swap3A_813 = tpu.vector_load %arg7[%swap3A_811, %swap3A_812] {strides = array<i32>} : memref<64x50xf32, #tpu.memory_space<vmem>>, vector<1x16xf32>,
      %swap3A_814 = vector.shape_cast %swap3A_813 : vector<1x16xf32> to vector<16xf32>
      %swap3A_815 = vector.shape_cast %add3A_809 : vector<16xf32> to vector<1x16xf32>
      tpu.vector_store %arg7[%swap3A_811, %swap3A_812], %swap3A_815 {strides = array<i32>} : memref<64x50xf32, #tpu.memory_space<vmem>>, vector<1x16xf32>,
      %get3A_816 = arith.constant 15 : i32
      %get3A_817 = arith.index_cast %get3A_816 : i32 to index
      %get3A_818 = arith.constant 34 : index
      %get3A_819 = tpu.vector_load %arg5[%get3A_817, %get3A_818] {strides = array<i32>} : memref<64x50xf32, #tpu.memory_space<vmem>>, vector<1x16xf32>,
      %get3A_820 = vector.shape_cast %get3A_819 : vector<1x16xf32> to vector<16xf32>
      %add3A_821 = arith.addf %get3A_820, %get3A_60 : vector<16xf32>
      %swap3A_822 = arith.constant 15 : i32
      %swap3A_823 = arith.index_cast %swap3A_822 : i32 to index
      %swap3A_824 = arith.constant 34 : index
      %swap3A_825 = tpu.vector_load %arg7[%swap3A_823, %swap3A_824] {strides = array<i32>} : memref<64x50xf32, #tpu.memory_space<vmem>>, vector<1x16xf32>,
      %swap3A_826 = vector.shape_cast %swap3A_825 : vector<1x16xf32> to vector<16xf32>
      %swap3A_827 = vector.shape_cast %add3A_821 : vector<16xf32> to vector<1x16xf32>
      tpu.vector_store %arg7[%swap3A_823, %swap3A_824], %swap3A_827 {strides = array<i32>} : memref<64x50xf32, #tpu.memory_space<vmem>>, vector<1x16xf32>,
      %get3A_828 = arith.constant 16 : i32
      %get3A_829 = arith.index_cast %get3A_828 : i32 to index
      %get3A_830 = arith.constant 0 : index
      %get3A_831 = tpu.vector_load %arg5[%get3A_829, %get3A_830] {strides = array<i32>} : memref<64x50xf32, #tpu.memory_space<vmem>>, vector<1x16xf32>,
      %get3A_832 = vector.shape_cast %get3A_831 : vector<1x16xf32> to vector<16xf32>
      %add3A_833 = arith.addf %get3A_832, %get3A_48 : vector<16xf32>
      %swap3A_834 = arith.constant 16 : i32
      %swap3A_835 = arith.index_cast %swap3A_834 : i32 to index
      %swap3A_836 = arith.constant 0 : index
      %swap3A_837 = tpu.vector_load %arg7[%swap3A_835, %swap3A_836] {strides = array<i32>} : memref<64x50xf32, #tpu.memory_space<vmem>>, vector<1x16xf32>,
      %swap3A_838 = vector.shape_cast %swap3A_837 : vector<1x16xf32> to vector<16xf32>
      %swap3A_839 = vector.shape_cast %add3A_833 : vector<16xf32> to vector<1x16xf32>
      tpu.vector_store %arg7[%swap3A_835, %swap3A_836], %swap3A_839 {strides = array<i32>} : memref<64x50xf32, #tpu.memory_space<vmem>>, vector<1x16xf32>,
      %get3A_840 = arith.constant 16 : i32
      %get3A_841 = arith.index_cast %get3A_840 : i32 to index
      %get3A_842 = arith.constant 16 : index
      %get3A_843 = tpu.vector_load %arg5[%get3A_841, %get3A_842] {strides = array<i32>} : memref<64x50xf32, #tpu.memory_space<vmem>>, vector<1x16xf32>,
      %get3A_844 = vector.shape_cast %get3A_843 : vector<1x16xf32> to vector<16xf32>
      %add3A_845 = arith.addf %get3A_844, %get3A_52 : vector<16xf32>
      %swap3A_846 = arith.constant 16 : i32
      %swap3A_847 = arith.index_cast %swap3A_846 : i32 to index
      %swap3A_848 = arith.constant 16 : index
      %swap3A_849 = tpu.vector_load %arg7[%swap3A_847, %swap3A_848] {strides = array<i32>} : memref<64x50xf32, #tpu.memory_space<vmem>>, vector<1x16xf32>,
      %swap3A_850 = vector.shape_cast %swap3A_849 : vector<1x16xf32> to vector<16xf32>
      %swap3A_851 = vector.shape_cast %add3A_845 : vector<16xf32> to vector<1x16xf32>
      tpu.vector_store %arg7[%swap3A_847, %swap3A_848], %swap3A_851 {strides = array<i32>} : memref<64x50xf32, #tpu.memory_space<vmem>>, vector<1x16xf32>,
      %get3A_852 = arith.constant 16 : i32
      %get3A_853 = arith.index_cast %get3A_852 : i32 to index
      %get3A_854 = arith.constant 32 : index
      %get3A_855 = tpu.vector_load %arg5[%get3A_853, %get3A_854] {strides = array<i32>} : memref<64x50xf32, #tpu.memory_space<vmem>>, vector<1x16xf32>,
      %get3A_856 = vector.shape_cast %get3A_855 : vector<1x16xf32> to vector<16xf32>
      %add3A_857 = arith.addf %get3A_856, %get3A_56 : vector<16xf32>
      %swap3A_858 = arith.constant 16 : i32
      %swap3A_859 = arith.index_cast %swap3A_858 : i32 to index
      %swap3A_860 = arith.constant 32 : index
      %swap3A_861 = tpu.vector_load %arg7[%swap3A_859, %swap3A_860] {strides = array<i32>} : memref<64x50xf32, #tpu.memory_space<vmem>>, vector<1x16xf32>,
      %swap3A_862 = vector.shape_cast %swap3A_861 : vector<1x16xf32> to vector<16xf32>
      %swap3A_863 = vector.shape_cast %add3A_857 : vector<16xf32> to vector<1x16xf32>
      tpu.vector_store %arg7[%swap3A_859, %swap3A_860], %swap3A_863 {strides = array<i32>} : memref<64x50xf32, #tpu.memory_space<vmem>>, vector<1x16xf32>,
      %get3A_864 = arith.constant 16 : i32
      %get3A_865 = arith.index_cast %get3A_864 : i32 to index
      %get3A_866 = arith.constant 34 : index
      %get3A_867 = tpu.vector_load %arg5[%get3A_865, %get3A_866] {strides = array<i32>} : memref<64x50xf32, #tpu.memory_space<vmem>>, vector<1x16xf32>,
      %get3A_868 = vector.shape_cast %get3A_867 : vector<1x16xf32> to vector<16xf32>
      %add3A_869 = arith.addf %get3A_868, %get3A_60 : vector<16xf32>
      %swap3A_870 = arith.constant 16 : i32
      %swap3A_871 = arith.index_cast %swap3A_870 : i32 to index
      %swap3A_872 = arith.constant 34 : index
      %swap3A_873 = tpu.vector_load %arg7[%swap3A_871, %swap3A_872] {strides = array<i32>} : memref<64x50xf32, #tpu.memory_space<vmem>>, vector<1x16xf32>,
      %swap3A_874 = vector.shape_cast %swap3A_873 : vector<1x16xf32> to vector<16xf32>
      %swap3A_875 = vector.shape_cast %add3A_869 : vector<16xf32> to vector<1x16xf32>
      tpu.vector_store %arg7[%swap3A_871, %swap3A_872], %swap3A_875 {strides = array<i32>} : memref<64x50xf32, #tpu.memory_space<vmem>>, vector<1x16xf32>,
      %get3A_876 = arith.constant 17 : i32
      %get3A_877 = arith.index_cast %get3A_876 : i32 to index
      %get3A_878 = arith.constant 0 : index
      %get3A_879 = tpu.vector_load %arg5[%get3A_877, %get3A_878] {strides = array<i32>} : memref<64x50xf32, #tpu.memory_space<vmem>>, vector<1x16xf32>,
      %get3A_880 = vector.shape_cast %get3A_879 : vector<1x16xf32> to vector<16xf32>
      %add3A_881 = arith.addf %get3A_880, %get3A_48 : vector<16xf32>
      %swap3A_882 = arith.constant 17 : i32
      %swap3A_883 = arith.index_cast %swap3A_882 : i32 to index
      %swap3A_884 = arith.constant 0 : index
      %swap3A_885 = tpu.vector_load %arg7[%swap3A_883, %swap3A_884] {strides = array<i32>} : memref<64x50xf32, #tpu.memory_space<vmem>>, vector<1x16xf32>,
      %swap3A_886 = vector.shape_cast %swap3A_885 : vector<1x16xf32> to vector<16xf32>
      %swap3A_887 = vector.shape_cast %add3A_881 : vector<16xf32> to vector<1x16xf32>
      tpu.vector_store %arg7[%swap3A_883, %swap3A_884], %swap3A_887 {strides = array<i32>} : memref<64x50xf32, #tpu.memory_space<vmem>>, vector<1x16xf32>,
      %get3A_888 = arith.constant 17 : i32
      %get3A_889 = arith.index_cast %get3A_888 : i32 to index
      %get3A_890 = arith.constant 16 : index
      %get3A_891 = tpu.vector_load %arg5[%get3A_889, %get3A_890] {strides = array<i32>} : memref<64x50xf32, #tpu.memory_space<vmem>>, vector<1x16xf32>,
      %get3A_892 = vector.shape_cast %get3A_891 : vector<1x16xf32> to vector<16xf32>
      %add3A_893 = arith.addf %get3A_892, %get3A_52 : vector<16xf32>
      %swap3A_894 = arith.constant 17 : i32
      %swap3A_895 = arith.index_cast %swap3A_894 : i32 to index
      %swap3A_896 = arith.constant 16 : index
      %swap3A_897 = tpu.vector_load %arg7[%swap3A_895, %swap3A_896] {strides = array<i32>} : memref<64x50xf32, #tpu.memory_space<vmem>>, vector<1x16xf32>,
      %swap3A_898 = vector.shape_cast %swap3A_897 : vector<1x16xf32> to vector<16xf32>
      %swap3A_899 = vector.shape_cast %add3A_893 : vector<16xf32> to vector<1x16xf32>
      tpu.vector_store %arg7[%swap3A_895, %swap3A_896], %swap3A_899 {strides = array<i32>} : memref<64x50xf32, #tpu.memory_space<vmem>>, vector<1x16xf32>,
      %get3A_900 = arith.constant 17 : i32
      %get3A_901 = arith.index_cast %get3A_900 : i32 to index
      %get3A_902 = arith.constant 32 : index
      %get3A_903 = tpu.vector_load %arg5[%get3A_901, %get3A_902] {strides = array<i32>} : memref<64x50xf32, #tpu.memory_space<vmem>>, vector<1x16xf32>,
      %get3A_904 = vector.shape_cast %get3A_903 : vector<1x16xf32> to vector<16xf32>
      %add3A_905 = arith.addf %get3A_904, %get3A_56 : vector<16xf32>
      %swap3A_906 = arith.constant 17 : i32
      %swap3A_907 = arith.index_cast %swap3A_906 : i32 to index
      %swap3A_908 = arith.constant 32 : index
      %swap3A_909 = tpu.vector_load %arg7[%swap3A_907, %swap3A_908] {strides = array<i32>} : memref<64x50xf32, #tpu.memory_space<vmem>>, vector<1x16xf32>,
      %swap3A_910 = vector.shape_cast %swap3A_909 : vector<1x16xf32> to vector<16xf32>
      %swap3A_911 = vector.shape_cast %add3A_905 : vector<16xf32> to vector<1x16xf32>
      tpu.vector_store %arg7[%swap3A_907, %swap3A_908], %swap3A_911 {strides = array<i32>} : memref<64x50xf32, #tpu.memory_space<vmem>>, vector<1x16xf32>,
      %get3A_912 = arith.constant 17 : i32
      %get3A_913 = arith.index_cast %get3A_912 : i32 to index
      %get3A_914 = arith.constant 34 : index
      %get3A_915 = tpu.vector_load %arg5[%get3A_913, %get3A_914] {strides = array<i32>} : memref<64x50xf32, #tpu.memory_space<vmem>>, vector<1x16xf32>,
      %get3A_916 = vector.shape_cast %get3A_915 : vector<1x16xf32> to vector<16xf32>
      %add3A_917 = arith.addf %get3A_916, %get3A_60 : vector<16xf32>
      %swap3A_918 = arith.constant 17 : i32
      %swap3A_919 = arith.index_cast %swap3A_918 : i32 to index
      %swap3A_920 = arith.constant 34 : index
      %swap3A_921 = tpu.vector_load %arg7[%swap3A_919, %swap3A_920] {strides = array<i32>} : memref<64x50xf32, #tpu.memory_space<vmem>>, vector<1x16xf32>,
      %swap3A_922 = vector.shape_cast %swap3A_921 : vector<1x16xf32> to vector<16xf32>
      %swap3A_923 = vector.shape_cast %add3A_917 : vector<16xf32> to vector<1x16xf32>
      tpu.vector_store %arg7[%swap3A_919, %swap3A_920], %swap3A_923 {strides = array<i32>} : memref<64x50xf32, #tpu.memory_space<vmem>>, vector<1x16xf32>,
      %get3A_924 = arith.constant 18 : i32
      %get3A_925 = arith.index_cast %get3A_924 : i32 to index
      %get3A_926 = arith.constant 0 : index
      %get3A_927 = tpu.vector_load %arg5[%get3A_925, %get3A_926] {strides = array<i32>} : memref<64x50xf32, #tpu.memory_space<vmem>>, vector<1x16xf32>,
      %get3A_928 = vector.shape_cast %get3A_927 : vector<1x16xf32> to vector<16xf32>
      %add3A_929 = arith.addf %get3A_928, %get3A_48 : vector<16xf32>
      %swap3A_930 = arith.constant 18 : i32
      %swap3A_931 = arith.index_cast %swap3A_930 : i32 to index
      %swap3A_932 = arith.constant 0 : index
      %swap3A_933 = tpu.vector_load %arg7[%swap3A_931, %swap3A_932] {strides = array<i32>} : memref<64x50xf32, #tpu.memory_space<vmem>>, vector<1x16xf32>,
      %swap3A_934 = vector.shape_cast %swap3A_933 : vector<1x16xf32> to vector<16xf32>
      %swap3A_935 = vector.shape_cast %add3A_929 : vector<16xf32> to vector<1x16xf32>
      tpu.vector_store %arg7[%swap3A_931, %swap3A_932], %swap3A_935 {strides = array<i32>} : memref<64x50xf32, #tpu.memory_space<vmem>>, vector<1x16xf32>,
      %get3A_936 = arith.constant 18 : i32
      %get3A_937 = arith.index_cast %get3A_936 : i32 to index
      %get3A_938 = arith.constant 16 : index
      %get3A_939 = tpu.vector_load %arg5[%get3A_937, %get3A_938] {strides = array<i32>} : memref<64x50xf32, #tpu.memory_space<vmem>>, vector<1x16xf32>,
      %get3A_940 = vector.shape_cast %get3A_939 : vector<1x16xf32> to vector<16xf32>
      %add3A_941 = arith.addf %get3A_940, %get3A_52 : vector<16xf32>
      %swap3A_942 = arith.constant 18 : i32
      %swap3A_943 = arith.index_cast %swap3A_942 : i32 to index
      %swap3A_944 = arith.constant 16 : index
      %swap3A_945 = tpu.vector_load %arg7[%swap3A_943, %swap3A_944] {strides = array<i32>} : memref<64x50xf32, #tpu.memory_space<vmem>>, vector<1x16xf32>,
      %swap3A_946 = vector.shape_cast %swap3A_945 : vector<1x16xf32> to vector<16xf32>
      %swap3A_947 = vector.shape_cast %add3A_941 : vector<16xf32> to vector<1x16xf32>
      tpu.vector_store %arg7[%swap3A_943, %swap3A_944], %swap3A_947 {strides = array<i32>} : memref<64x50xf32, #tpu.memory_space<vmem>>, vector<1x16xf32>,
      %get3A_948 = arith.constant 18 : i32
      %get3A_949 = arith.index_cast %get3A_948 : i32 to index
      %get3A_950 = arith.constant 32 : index
      %get3A_951 = tpu.vector_load %arg5[%get3A_949, %get3A_950] {strides = array<i32>} : memref<64x50xf32, #tpu.memory_space<vmem>>, vector<1x16xf32>,
      %get3A_952 = vector.shape_cast %get3A_951 : vector<1x16xf32> to vector<16xf32>
      %add3A_953 = arith.addf %get3A_952, %get3A_56 : vector<16xf32>
      %swap3A_954 = arith.constant 18 : i32
      %swap3A_955 = arith.index_cast %swap3A_954 : i32 to index
      %swap3A_956 = arith.constant 32 : index
      %swap3A_957 = tpu.vector_load %arg7[%swap3A_955, %swap3A_956] {strides = array<i32>} : memref<64x50xf32, #tpu.memory_space<vmem>>, vector<1x16xf32>,
      %swap3A_958 = vector.shape_cast %swap3A_957 : vector<1x16xf32> to vector<16xf32>
      %swap3A_959 = vector.shape_cast %add3A_953 : vector<16xf32> to vector<1x16xf32>
      tpu.vector_store %arg7[%swap3A_955, %swap3A_956], %swap3A_959 {strides = array<i32>} : memref<64x50xf32, #tpu.memory_space<vmem>>, vector<1x16xf32>,
      %get3A_960 = arith.constant 18 : i32
      %get3A_961 = arith.index_cast %get3A_960 : i32 to index
      %get3A_962 = arith.constant 34 : index
      %get3A_963 = tpu.vector_load %arg5[%get3A_961, %get3A_962] {strides = array<i32>} : memref<64x50xf32, #tpu.memory_space<vmem>>, vector<1x16xf32>,
      %get3A_964 = vector.shape_cast %get3A_963 : vector<1x16xf32> to vector<16xf32>
      %add3A_965 = arith.addf %get3A_964, %get3A_60 : vector<16xf32>
      %swap3A_966 = arith.constant 18 : i32
      %swap3A_967 = arith.index_cast %swap3A_966 : i32 to index
      %swap3A_968 = arith.constant 34 : index
      %swap3A_969 = tpu.vector_load %arg7[%swap3A_967, %swap3A_968] {strides = array<i32>} : memref<64x50xf32, #tpu.memory_space<vmem>>, vector<1x16xf32>,
      %swap3A_970 = vector.shape_cast %swap3A_969 : vector<1x16xf32> to vector<16xf32>
      %swap3A_971 = vector.shape_cast %add3A_965 : vector<16xf32> to vector<1x16xf32>
      tpu.vector_store %arg7[%swap3A_967, %swap3A_968], %swap3A_971 {strides = array<i32>} : memref<64x50xf32, #tpu.memory_space<vmem>>, vector<1x16xf32>,
      %get3A_972 = arith.constant 19 : i32
      %get3A_973 = arith.index_cast %get3A_972 : i32 to index
      %get3A_974 = arith.constant 0 : index
      %get3A_975 = tpu.vector_load %arg5[%get3A_973, %get3A_974] {strides = array<i32>} : memref<64x50xf32, #tpu.memory_space<vmem>>, vector<1x16xf32>,
      %get3A_976 = vector.shape_cast %get3A_975 : vector<1x16xf32> to vector<16xf32>
      %add3A_977 = arith.addf %get3A_976, %get3A_48 : vector<16xf32>
      %swap3A_978 = arith.constant 19 : i32
      %swap3A_979 = arith.index_cast %swap3A_978 : i32 to index
      %swap3A_980 = arith.constant 0 : index
      %swap3A_981 = tpu.vector_load %arg7[%swap3A_979, %swap3A_980] {strides = array<i32>} : memref<64x50xf32, #tpu.memory_space<vmem>>, vector<1x16xf32>,
      %swap3A_982 = vector.shape_cast %swap3A_981 : vector<1x16xf32> to vector<16xf32>
      %swap3A_983 = vector.shape_cast %add3A_977 : vector<16xf32> to vector<1x16xf32>
      tpu.vector_store %arg7[%swap3A_979, %swap3A_980], %swap3A_983 {strides = array<i32>} : memref<64x50xf32, #tpu.memory_space<vmem>>, vector<1x16xf32>,
      %get3A_984 = arith.constant 19 : i32
      %get3A_985 = arith.index_cast %get3A_984 : i32 to index
      %get3A_986 = arith.constant 16 : index
      %get3A_987 = tpu.vector_load %arg5[%get3A_985, %get3A_986] {strides = array<i32>} : memref<64x50xf32, #tpu.memory_space<vmem>>, vector<1x16xf32>,
      %get3A_988 = vector.shape_cast %get3A_987 : vector<1x16xf32> to vector<16xf32>
      %add3A_989 = arith.addf %get3A_988, %get3A_52 : vector<16xf32>
      %swap3A_990 = arith.constant 19 : i32
      %swap3A_991 = arith.index_cast %swap3A_990 : i32 to index
      %swap3A_992 = arith.constant 16 : index
      %swap3A_993 = tpu.vector_load %arg7[%swap3A_991, %swap3A_992] {strides = array<i32>} : memref<64x50xf32, #tpu.memory_space<vmem>>, vector<1x16xf32>,
      %swap3A_994 = vector.shape_cast %swap3A_993 : vector<1x16xf32> to vector<16xf32>
      %swap3A_995 = vector.shape_cast %add3A_989 : vector<16xf32> to vector<1x16xf32>
      tpu.vector_store %arg7[%swap3A_991, %swap3A_992], %swap3A_995 {strides = array<i32>} : memref<64x50xf32, #tpu.memory_space<vmem>>, vector<1x16xf32>,
      %get3A_996 = arith.constant 19 : i32
      %get3A_997 = arith.index_cast %get3A_996 : i32 to index
      %get3A_998 = arith.constant 32 : index
      %get3A_999 = tpu.vector_load %arg5[%get3A_997, %get3A_998] {strides = array<i32>} : memref<64x50xf32, #tpu.memory_space<vmem>>, vector<1x16xf32>,
      %get3A_1000 = vector.shape_cast %get3A_999 : vector<1x16xf32> to vector<16xf32>
      %add3A_1001 = arith.addf %get3A_1000, %get3A_56 : vector<16xf32>
      %swap3A_1002 = arith.constant 19 : i32
      %swap3A_1003 = arith.index_cast %swap3A_1002 : i32 to index
      %swap3A_1004 = arith.constant 32 : index
      %swap3A_1005 = tpu.vector_load %arg7[%swap3A_1003, %swap3A_1004] {strides = array<i32>} : memref<64x50xf32, #tpu.memory_space<vmem>>, vector<1x16xf32>,
      %swap3A_1006 = vector.shape_cast %swap3A_1005 : vector<1x16xf32> to vector<16xf32>
      %swap3A_1007 = vector.shape_cast %add3A_1001 : vector<16xf32> to vector<1x16xf32>
      tpu.vector_store %arg7[%swap3A_1003, %swap3A_1004], %swap3A_1007 {strides = array<i32>} : memref<64x50xf32, #tpu.memory_space<vmem>>, vector<1x16xf32>,
      %get3A_1008 = arith.constant 19 : i32
      %get3A_1009 = arith.index_cast %get3A_1008 : i32 to index
      %get3A_1010 = arith.constant 34 : index
      %get3A_1011 = tpu.vector_load %arg5[%get3A_1009, %get3A_1010] {strides = array<i32>} : memref<64x50xf32, #tpu.memory_space<vmem>>, vector<1x16xf32>,
      %get3A_1012 = vector.shape_cast %get3A_1011 : vector<1x16xf32> to vector<16xf32>
      %add3A_1013 = arith.addf %get3A_1012, %get3A_60 : vector<16xf32>
      %swap3A_1014 = arith.constant 19 : i32
      %swap3A_1015 = arith.index_cast %swap3A_1014 : i32 to index
      %swap3A_1016 = arith.constant 34 : index
      %swap3A_1017 = tpu.vector_load %arg7[%swap3A_1015, %swap3A_1016] {strides = array<i32>} : memref<64x50xf32, #tpu.memory_space<vmem>>, vector<1x16xf32>,
      %swap3A_1018 = vector.shape_cast %swap3A_1017 : vector<1x16xf32> to vector<16xf32>
      %swap3A_1019 = vector.shape_cast %add3A_1013 : vector<16xf32> to vector<1x16xf32>
      tpu.vector_store %arg7[%swap3A_1015, %swap3A_1016], %swap3A_1019 {strides = array<i32>} : memref<64x50xf32, #tpu.memory_space<vmem>>, vector<1x16xf32>,
      %get3A_1020 = arith.constant 20 : i32
      %get3A_1021 = arith.index_cast %get3A_1020 : i32 to index
      %get3A_1022 = arith.constant 0 : index
      %get3A_1023 = tpu.vector_load %arg5[%get3A_1021, %get3A_1022] {strides = array<i32>} : memref<64x50xf32, #tpu.memory_space<vmem>>, vector<1x16xf32>,
      %get3A_1024 = vector.shape_cast %get3A_1023 : vector<1x16xf32> to vector<16xf32>
      %add3A_1025 = arith.addf %get3A_1024, %get3A_48 : vector<16xf32>
      %swap3A_1026 = arith.constant 20 : i32
      %swap3A_1027 = arith.index_cast %swap3A_1026 : i32 to index
      %swap3A_1028 = arith.constant 0 : index
      %swap3A_1029 = tpu.vector_load %arg7[%swap3A_1027, %swap3A_1028] {strides = array<i32>} : memref<64x50xf32, #tpu.memory_space<vmem>>, vector<1x16xf32>,
      %swap3A_1030 = vector.shape_cast %swap3A_1029 : vector<1x16xf32> to vector<16xf32>
      %swap3A_1031 = vector.shape_cast %add3A_1025 : vector<16xf32> to vector<1x16xf32>
      tpu.vector_store %arg7[%swap3A_1027, %swap3A_1028], %swap3A_1031 {strides = array<i32>} : memref<64x50xf32, #tpu.memory_space<vmem>>, vector<1x16xf32>,
      %get3A_1032 = arith.constant 20 : i32
      %get3A_1033 = arith.index_cast %get3A_1032 : i32 to index
      %get3A_1034 = arith.constant 16 : index
      %get3A_1035 = tpu.vector_load %arg5[%get3A_1033, %get3A_1034] {strides = array<i32>} : memref<64x50xf32, #tpu.memory_space<vmem>>, vector<1x16xf32>,
      %get3A_1036 = vector.shape_cast %get3A_1035 : vector<1x16xf32> to vector<16xf32>
      %add3A_1037 = arith.addf %get3A_1036, %get3A_52 : vector<16xf32>
      %swap3A_1038 = arith.constant 20 : i32
      %swap3A_1039 = arith.index_cast %swap3A_1038 : i32 to index
      %swap3A_1040 = arith.constant 16 : index
      %swap3A_1041 = tpu.vector_load %arg7[%swap3A_1039, %swap3A_1040] {strides = array<i32>} : memref<64x50xf32, #tpu.memory_space<vmem>>, vector<1x16xf32>,
      %swap3A_1042 = vector.shape_cast %swap3A_1041 : vector<1x16xf32> to vector<16xf32>
      %swap3A_1043 = vector.shape_cast %add3A_1037 : vector<16xf32> to vector<1x16xf32>
      tpu.vector_store %arg7[%swap3A_1039, %swap3A_1040], %swap3A_1043 {strides = array<i32>} : memref<64x50xf32, #tpu.memory_space<vmem>>, vector<1x16xf32>,
      %get3A_1044 = arith.constant 20 : i32
      %get3A_1045 = arith.index_cast %get3A_1044 : i32 to index
      %get3A_1046 = arith.constant 32 : index
      %get3A_1047 = tpu.vector_load %arg5[%get3A_1045, %get3A_1046] {strides = array<i32>} : memref<64x50xf32, #tpu.memory_space<vmem>>, vector<1x16xf32>,
      %get3A_1048 = vector.shape_cast %get3A_1047 : vector<1x16xf32> to vector<16xf32>
      %add3A_1049 = arith.addf %get3A_1048, %get3A_56 : vector<16xf32>
      %swap3A_1050 = arith.constant 20 : i32
      %swap3A_1051 = arith.index_cast %swap3A_1050 : i32 to index
      %swap3A_1052 = arith.constant 32 : index
      %swap3A_1053 = tpu.vector_load %arg7[%swap3A_1051, %swap3A_1052] {strides = array<i32>} : memref<64x50xf32, #tpu.memory_space<vmem>>, vector<1x16xf32>,
      %swap3A_1054 = vector.shape_cast %swap3A_1053 : vector<1x16xf32> to vector<16xf32>
      %swap3A_1055 = vector.shape_cast %add3A_1049 : vector<16xf32> to vector<1x16xf32>
      tpu.vector_store %arg7[%swap3A_1051, %swap3A_1052], %swap3A_1055 {strides = array<i32>} : memref<64x50xf32, #tpu.memory_space<vmem>>, vector<1x16xf32>,
      %get3A_1056 = arith.constant 20 : i32
      %get3A_1057 = arith.index_cast %get3A_1056 : i32 to index
      %get3A_1058 = arith.constant 34 : index
      %get3A_1059 = tpu.vector_load %arg5[%get3A_1057, %get3A_1058] {strides = array<i32>} : memref<64x50xf32, #tpu.memory_space<vmem>>, vector<1x16xf32>,
      %get3A_1060 = vector.shape_cast %get3A_1059 : vector<1x16xf32> to vector<16xf32>
      %add3A_1061 = arith.addf %get3A_1060, %get3A_60 : vector<16xf32>
      %swap3A_1062 = arith.constant 20 : i32
      %swap3A_1063 = arith.index_cast %swap3A_1062 : i32 to index
      %swap3A_1064 = arith.constant 34 : index
      %swap3A_1065 = tpu.vector_load %arg7[%swap3A_1063, %swap3A_1064] {strides = array<i32>} : memref<64x50xf32, #tpu.memory_space<vmem>>, vector<1x16xf32>,
      %swap3A_1066 = vector.shape_cast %swap3A_1065 : vector<1x16xf32> to vector<16xf32>
      %swap3A_1067 = vector.shape_cast %add3A_1061 : vector<16xf32> to vector<1x16xf32>
      tpu.vector_store %arg7[%swap3A_1063, %swap3A_1064], %swap3A_1067 {strides = array<i32>} : memref<64x50xf32, #tpu.memory_space<vmem>>, vector<1x16xf32>,
      %get3A_1068 = arith.constant 21 : i32
      %get3A_1069 = arith.index_cast %get3A_1068 : i32 to index
      %get3A_1070 = arith.constant 0 : index
      %get3A_1071 = tpu.vector_load %arg5[%get3A_1069, %get3A_1070] {strides = array<i32>} : memref<64x50xf32, #tpu.memory_space<vmem>>, vector<1x16xf32>,
      %get3A_1072 = vector.shape_cast %get3A_1071 : vector<1x16xf32> to vector<16xf32>
      %add3A_1073 = arith.addf %get3A_1072, %get3A_48 : vector<16xf32>
      %swap3A_1074 = arith.constant 21 : i32
      %swap3A_1075 = arith.index_cast %swap3A_1074 : i32 to index
      %swap3A_1076 = arith.constant 0 : index
      %swap3A_1077 = tpu.vector_load %arg7[%swap3A_1075, %swap3A_1076] {strides = array<i32>} : memref<64x50xf32, #tpu.memory_space<vmem>>, vector<1x16xf32>,
      %swap3A_1078 = vector.shape_cast %swap3A_1077 : vector<1x16xf32> to vector<16xf32>
      %swap3A_1079 = vector.shape_cast %add3A_1073 : vector<16xf32> to vector<1x16xf32>
      tpu.vector_store %arg7[%swap3A_1075, %swap3A_1076], %swap3A_1079 {strides = array<i32>} : memref<64x50xf32, #tpu.memory_space<vmem>>, vector<1x16xf32>,
      %get3A_1080 = arith.constant 21 : i32
      %get3A_1081 = arith.index_cast %get3A_1080 : i32 to index
      %get3A_1082 = arith.constant 16 : index
      %get3A_1083 = tpu.vector_load %arg5[%get3A_1081, %get3A_1082] {strides = array<i32>} : memref<64x50xf32, #tpu.memory_space<vmem>>, vector<1x16xf32>,
      %get3A_1084 = vector.shape_cast %get3A_1083 : vector<1x16xf32> to vector<16xf32>
      %add3A_1085 = arith.addf %get3A_1084, %get3A_52 : vector<16xf32>
      %swap3A_1086 = arith.constant 21 : i32
      %swap3A_1087 = arith.index_cast %swap3A_1086 : i32 to index
      %swap3A_1088 = arith.constant 16 : index
      %swap3A_1089 = tpu.vector_load %arg7[%swap3A_1087, %swap3A_1088] {strides = array<i32>} : memref<64x50xf32, #tpu.memory_space<vmem>>, vector<1x16xf32>,
      %swap3A_1090 = vector.shape_cast %swap3A_1089 : vector<1x16xf32> to vector<16xf32>
      %swap3A_1091 = vector.shape_cast %add3A_1085 : vector<16xf32> to vector<1x16xf32>
      tpu.vector_store %arg7[%swap3A_1087, %swap3A_1088], %swap3A_1091 {strides = array<i32>} : memref<64x50xf32, #tpu.memory_space<vmem>>, vector<1x16xf32>,
      %get3A_1092 = arith.constant 21 : i32
      %get3A_1093 = arith.index_cast %get3A_1092 : i32 to index
      %get3A_1094 = arith.constant 32 : index
      %get3A_1095 = tpu.vector_load %arg5[%get3A_1093, %get3A_1094] {strides = array<i32>} : memref<64x50xf32, #tpu.memory_space<vmem>>, vector<1x16xf32>,
      %get3A_1096 = vector.shape_cast %get3A_1095 : vector<1x16xf32> to vector<16xf32>
      %add3A_1097 = arith.addf %get3A_1096, %get3A_56 : vector<16xf32>
      %swap3A_1098 = arith.constant 21 : i32
      %swap3A_1099 = arith.index_cast %swap3A_1098 : i32 to index
      %swap3A_1100 = arith.constant 32 : index
      %swap3A_1101 = tpu.vector_load %arg7[%swap3A_1099, %swap3A_1100] {strides = array<i32>} : memref<64x50xf32, #tpu.memory_space<vmem>>, vector<1x16xf32>,
      %swap3A_1102 = vector.shape_cast %swap3A_1101 : vector<1x16xf32> to vector<16xf32>
      %swap3A_1103 = vector.shape_cast %add3A_1097 : vector<16xf32> to vector<1x16xf32>
      tpu.vector_store %arg7[%swap3A_1099, %swap3A_1100], %swap3A_1103 {strides = array<i32>} : memref<64x50xf32, #tpu.memory_space<vmem>>, vector<1x16xf32>,
      %get3A_1104 = arith.constant 21 : i32
      %get3A_1105 = arith.index_cast %get3A_1104 : i32 to index
      %get3A_1106 = arith.constant 34 : index
      %get3A_1107 = tpu.vector_load %arg5[%get3A_1105, %get3A_1106] {strides = array<i32>} : memref<64x50xf32, #tpu.memory_space<vmem>>, vector<1x16xf32>,
      %get3A_1108 = vector.shape_cast %get3A_1107 : vector<1x16xf32> to vector<16xf32>
      %add3A_1109 = arith.addf %get3A_1108, %get3A_60 : vector<16xf32>
      %swap3A_1110 = arith.constant 21 : i32
      %swap3A_1111 = arith.index_cast %swap3A_1110 : i32 to index
      %swap3A_1112 = arith.constant 34 : index
      %swap3A_1113 = tpu.vector_load %arg7[%swap3A_1111, %swap3A_1112] {strides = array<i32>} : memref<64x50xf32, #tpu.memory_space<vmem>>, vector<1x16xf32>,
      %swap3A_1114 = vector.shape_cast %swap3A_1113 : vector<1x16xf32> to vector<16xf32>
      %swap3A_1115 = vector.shape_cast %add3A_1109 : vector<16xf32> to vector<1x16xf32>
      tpu.vector_store %arg7[%swap3A_1111, %swap3A_1112], %swap3A_1115 {strides = array<i32>} : memref<64x50xf32, #tpu.memory_space<vmem>>, vector<1x16xf32>,
      %get3A_1116 = arith.constant 22 : i32
      %get3A_1117 = arith.index_cast %get3A_1116 : i32 to index
      %get3A_1118 = arith.constant 0 : index
      %get3A_1119 = tpu.vector_load %arg5[%get3A_1117, %get3A_1118] {strides = array<i32>} : memref<64x50xf32, #tpu.memory_space<vmem>>, vector<1x16xf32>,
      %get3A_1120 = vector.shape_cast %get3A_1119 : vector<1x16xf32> to vector<16xf32>
      %add3A_1121 = arith.addf %get3A_1120, %get3A_48 : vector<16xf32>
      %swap3A_1122 = arith.constant 22 : i32
      %swap3A_1123 = arith.index_cast %swap3A_1122 : i32 to index
      %swap3A_1124 = arith.constant 0 : index
      %swap3A_1125 = tpu.vector_load %arg7[%swap3A_1123, %swap3A_1124] {strides = array<i32>} : memref<64x50xf32, #tpu.memory_space<vmem>>, vector<1x16xf32>,
      %swap3A_1126 = vector.shape_cast %swap3A_1125 : vector<1x16xf32> to vector<16xf32>
      %swap3A_1127 = vector.shape_cast %add3A_1121 : vector<16xf32> to vector<1x16xf32>
      tpu.vector_store %arg7[%swap3A_1123, %swap3A_1124], %swap3A_1127 {strides = array<i32>} : memref<64x50xf32, #tpu.memory_space<vmem>>, vector<1x16xf32>,
      %get3A_1128 = arith.constant 22 : i32
      %get3A_1129 = arith.index_cast %get3A_1128 : i32 to index
      %get3A_1130 = arith.constant 16 : index
      %get3A_1131 = tpu.vector_load %arg5[%get3A_1129, %get3A_1130] {strides = array<i32>} : memref<64x50xf32, #tpu.memory_space<vmem>>, vector<1x16xf32>,
      %get3A_1132 = vector.shape_cast %get3A_1131 : vector<1x16xf32> to vector<16xf32>
      %add3A_1133 = arith.addf %get3A_1132, %get3A_52 : vector<16xf32>
      %swap3A_1134 = arith.constant 22 : i32
      %swap3A_1135 = arith.index_cast %swap3A_1134 : i32 to index
      %swap3A_1136 = arith.constant 16 : index
      %swap3A_1137 = tpu.vector_load %arg7[%swap3A_1135, %swap3A_1136] {strides = array<i32>} : memref<64x50xf32, #tpu.memory_space<vmem>>, vector<1x16xf32>,
      %swap3A_1138 = vector.shape_cast %swap3A_1137 : vector<1x16xf32> to vector<16xf32>
      %swap3A_1139 = vector.shape_cast %add3A_1133 : vector<16xf32> to vector<1x16xf32>
      tpu.vector_store %arg7[%swap3A_1135, %swap3A_1136], %swap3A_1139 {strides = array<i32>} : memref<64x50xf32, #tpu.memory_space<vmem>>, vector<1x16xf32>,
      %get3A_1140 = arith.constant 22 : i32
      %get3A_1141 = arith.index_cast %get3A_1140 : i32 to index
      %get3A_1142 = arith.constant 32 : index
      %get3A_1143 = tpu.vector_load %arg5[%get3A_1141, %get3A_1142] {strides = array<i32>} : memref<64x50xf32, #tpu.memory_space<vmem>>, vector<1x16xf32>,
      %get3A_1144 = vector.shape_cast %get3A_1143 : vector<1x16xf32> to vector<16xf32>
      %add3A_1145 = arith.addf %get3A_1144, %get3A_56 : vector<16xf32>
      %swap3A_1146 = arith.constant 22 : i32
      %swap3A_1147 = arith.index_cast %swap3A_1146 : i32 to index
      %swap3A_1148 = arith.constant 32 : index
      %swap3A_1149 = tpu.vector_load %arg7[%swap3A_1147, %swap3A_1148] {strides = array<i32>} : memref<64x50xf32, #tpu.memory_space<vmem>>, vector<1x16xf32>,
      %swap3A_1150 = vector.shape_cast %swap3A_1149 : vector<1x16xf32> to vector<16xf32>
      %swap3A_1151 = vector.shape_cast %add3A_1145 : vector<16xf32> to vector<1x16xf32>
      tpu.vector_store %arg7[%swap3A_1147, %swap3A_1148], %swap3A_1151 {strides = array<i32>} : memref<64x50xf32, #tpu.memory_space<vmem>>, vector<1x16xf32>,
      %get3A_1152 = arith.constant 22 : i32
      %get3A_1153 = arith.index_cast %get3A_1152 : i32 to index
      %get3A_1154 = arith.constant 34 : index
      %get3A_1155 = tpu.vector_load %arg5[%get3A_1153, %get3A_1154] {strides = array<i32>} : memref<64x50xf32, #tpu.memory_space<vmem>>, vector<1x16xf32>,
      %get3A_1156 = vector.shape_cast %get3A_1155 : vector<1x16xf32> to vector<16xf32>
      %add3A_1157 = arith.addf %get3A_1156, %get3A_60 : vector<16xf32>
      %swap3A_1158 = arith.constant 22 : i32
      %swap3A_1159 = arith.index_cast %swap3A_1158 : i32 to index
      %swap3A_1160 = arith.constant 34 : index
      %swap3A_1161 = tpu.vector_load %arg7[%swap3A_1159, %swap3A_1160] {strides = array<i32>} : memref<64x50xf32, #tpu.memory_space<vmem>>, vector<1x16xf32>,
      %swap3A_1162 = vector.shape_cast %swap3A_1161 : vector<1x16xf32> to vector<16xf32>
      %swap3A_1163 = vector.shape_cast %add3A_1157 : vector<16xf32> to vector<1x16xf32>
      tpu.vector_store %arg7[%swap3A_1159, %swap3A_1160], %swap3A_1163 {strides = array<i32>} : memref<64x50xf32, #tpu.memory_space<vmem>>, vector<1x16xf32>,
      %get3A_1164 = arith.constant 23 : i32
      %get3A_1165 = arith.index_cast %get3A_1164 : i32 to index
      %get3A_1166 = arith.constant 0 : index
      %get3A_1167 = tpu.vector_load %arg5[%get3A_1165, %get3A_1166] {strides = array<i32>} : memref<64x50xf32, #tpu.memory_space<vmem>>, vector<1x16xf32>,
      %get3A_1168 = vector.shape_cast %get3A_1167 : vector<1x16xf32> to vector<16xf32>
      %add3A_1169 = arith.addf %get3A_1168, %get3A_48 : vector<16xf32>
      %swap3A_1170 = arith.constant 23 : i32
      %swap3A_1171 = arith.index_cast %swap3A_1170 : i32 to index
      %swap3A_1172 = arith.constant 0 : index
      %swap3A_1173 = tpu.vector_load %arg7[%swap3A_1171, %swap3A_1172] {strides = array<i32>} : memref<64x50xf32, #tpu.memory_space<vmem>>, vector<1x16xf32>,
      %swap3A_1174 = vector.shape_cast %swap3A_1173 : vector<1x16xf32> to vector<16xf32>
      %swap3A_1175 = vector.shape_cast %add3A_1169 : vector<16xf32> to vector<1x16xf32>
      tpu.vector_store %arg7[%swap3A_1171, %swap3A_1172], %swap3A_1175 {strides = array<i32>} : memref<64x50xf32, #tpu.memory_space<vmem>>, vector<1x16xf32>,
      %get3A_1176 = arith.constant 23 : i32
      %get3A_1177 = arith.index_cast %get3A_1176 : i32 to index
      %get3A_1178 = arith.constant 16 : index
      %get3A_1179 = tpu.vector_load %arg5[%get3A_1177, %get3A_1178] {strides = array<i32>} : memref<64x50xf32, #tpu.memory_space<vmem>>, vector<1x16xf32>,
      %get3A_1180 = vector.shape_cast %get3A_1179 : vector<1x16xf32> to vector<16xf32>
      %add3A_1181 = arith.addf %get3A_1180, %get3A_52 : vector<16xf32>
      %swap3A_1182 = arith.constant 23 : i32
      %swap3A_1183 = arith.index_cast %swap3A_1182 : i32 to index
      %swap3A_1184 = arith.constant 16 : index
      %swap3A_1185 = tpu.vector_load %arg7[%swap3A_1183, %swap3A_1184] {strides = array<i32>} : memref<64x50xf32, #tpu.memory_space<vmem>>, vector<1x16xf32>,
      %swap3A_1186 = vector.shape_cast %swap3A_1185 : vector<1x16xf32> to vector<16xf32>
      %swap3A_1187 = vector.shape_cast %add3A_1181 : vector<16xf32> to vector<1x16xf32>
      tpu.vector_store %arg7[%swap3A_1183, %swap3A_1184], %swap3A_1187 {strides = array<i32>} : memref<64x50xf32, #tpu.memory_space<vmem>>, vector<1x16xf32>,
      %get3A_1188 = arith.constant 23 : i32
      %get3A_1189 = arith.index_cast %get3A_1188 : i32 to index
      %get3A_1190 = arith.constant 32 : index
      %get3A_1191 = tpu.vector_load %arg5[%get3A_1189, %get3A_1190] {strides = array<i32>} : memref<64x50xf32, #tpu.memory_space<vmem>>, vector<1x16xf32>,
      %get3A_1192 = vector.shape_cast %get3A_1191 : vector<1x16xf32> to vector<16xf32>
      %add3A_1193 = arith.addf %get3A_1192, %get3A_56 : vector<16xf32>
      %swap3A_1194 = arith.constant 23 : i32
      %swap3A_1195 = arith.index_cast %swap3A_1194 : i32 to index
      %swap3A_1196 = arith.constant 32 : index
      %swap3A_1197 = tpu.vector_load %arg7[%swap3A_1195, %swap3A_1196] {strides = array<i32>} : memref<64x50xf32, #tpu.memory_space<vmem>>, vector<1x16xf32>,
      %swap3A_1198 = vector.shape_cast %swap3A_1197 : vector<1x16xf32> to vector<16xf32>
      %swap3A_1199 = vector.shape_cast %add3A_1193 : vector<16xf32> to vector<1x16xf32>
      tpu.vector_store %arg7[%swap3A_1195, %swap3A_1196], %swap3A_1199 {strides = array<i32>} : memref<64x50xf32, #tpu.memory_space<vmem>>, vector<1x16xf32>,
      %get3A_1200 = arith.constant 23 : i32
      %get3A_1201 = arith.index_cast %get3A_1200 : i32 to index
      %get3A_1202 = arith.constant 34 : index
      %get3A_1203 = tpu.vector_load %arg5[%get3A_1201, %get3A_1202] {strides = array<i32>} : memref<64x50xf32, #tpu.memory_space<vmem>>, vector<1x16xf32>,
      %get3A_1204 = vector.shape_cast %get3A_1203 : vector<1x16xf32> to vector<16xf32>
      %add3A_1205 = arith.addf %get3A_1204, %get3A_60 : vector<16xf32>
      %swap3A_1206 = arith.constant 23 : i32
      %swap3A_1207 = arith.index_cast %swap3A_1206 : i32 to index
      %swap3A_1208 = arith.constant 34 : index
      %swap3A_1209 = tpu.vector_load %arg7[%swap3A_1207, %swap3A_1208] {strides = array<i32>} : memref<64x50xf32, #tpu.memory_space<vmem>>, vector<1x16xf32>,
      %swap3A_1210 = vector.shape_cast %swap3A_1209 : vector<1x16xf32> to vector<16xf32>
      %swap3A_1211 = vector.shape_cast %add3A_1205 : vector<16xf32> to vector<1x16xf32>
      tpu.vector_store %arg7[%swap3A_1207, %swap3A_1208], %swap3A_1211 {strides = array<i32>} : memref<64x50xf32, #tpu.memory_space<vmem>>, vector<1x16xf32>,
      %get3A_1212 = arith.constant 24 : i32
      %get3A_1213 = arith.index_cast %get3A_1212 : i32 to index
      %get3A_1214 = arith.constant 0 : index
      %get3A_1215 = tpu.vector_load %arg5[%get3A_1213, %get3A_1214] {strides = array<i32>} : memref<64x50xf32, #tpu.memory_space<vmem>>, vector<1x16xf32>,
      %get3A_1216 = vector.shape_cast %get3A_1215 : vector<1x16xf32> to vector<16xf32>
      %add3A_1217 = arith.addf %get3A_1216, %get3A_48 : vector<16xf32>
      %swap3A_1218 = arith.constant 24 : i32
      %swap3A_1219 = arith.index_cast %swap3A_1218 : i32 to index
      %swap3A_1220 = arith.constant 0 : index
      %swap3A_1221 = tpu.vector_load %arg7[%swap3A_1219, %swap3A_1220] {strides = array<i32>} : memref<64x50xf32, #tpu.memory_space<vmem>>, vector<1x16xf32>,
      %swap3A_1222 = vector.shape_cast %swap3A_1221 : vector<1x16xf32> to vector<16xf32>
      %swap3A_1223 = vector.shape_cast %add3A_1217 : vector<16xf32> to vector<1x16xf32>
      tpu.vector_store %arg7[%swap3A_1219, %swap3A_1220], %swap3A_1223 {strides = array<i32>} : memref<64x50xf32, #tpu.memory_space<vmem>>, vector<1x16xf32>,
      %get3A_1224 = arith.constant 24 : i32
      %get3A_1225 = arith.index_cast %get3A_1224 : i32 to index
      %get3A_1226 = arith.constant 16 : index
      %get3A_1227 = tpu.vector_load %arg5[%get3A_1225, %get3A_1226] {strides = array<i32>} : memref<64x50xf32, #tpu.memory_space<vmem>>, vector<1x16xf32>,
      %get3A_1228 = vector.shape_cast %get3A_1227 : vector<1x16xf32> to vector<16xf32>
      %add3A_1229 = arith.addf %get3A_1228, %get3A_52 : vector<16xf32>
      %swap3A_1230 = arith.constant 24 : i32
      %swap3A_1231 = arith.index_cast %swap3A_1230 : i32 to index
      %swap3A_1232 = arith.constant 16 : index
      %swap3A_1233 = tpu.vector_load %arg7[%swap3A_1231, %swap3A_1232] {strides = array<i32>} : memref<64x50xf32, #tpu.memory_space<vmem>>, vector<1x16xf32>,
      %swap3A_1234 = vector.shape_cast %swap3A_1233 : vector<1x16xf32> to vector<16xf32>
      %swap3A_1235 = vector.shape_cast %add3A_1229 : vector<16xf32> to vector<1x16xf32>
      tpu.vector_store %arg7[%swap3A_1231, %swap3A_1232], %swap3A_1235 {strides = array<i32>} : memref<64x50xf32, #tpu.memory_space<vmem>>, vector<1x16xf32>,
      %get3A_1236 = arith.constant 24 : i32
      %get3A_1237 = arith.index_cast %get3A_1236 : i32 to index
      %get3A_1238 = arith.constant 32 : index
      %get3A_1239 = tpu.vector_load %arg5[%get3A_1237, %get3A_1238] {strides = array<i32>} : memref<64x50xf32, #tpu.memory_space<vmem>>, vector<1x16xf32>,
      %get3A_1240 = vector.shape_cast %get3A_1239 : vector<1x16xf32> to vector<16xf32>
      %add3A_1241 = arith.addf %get3A_1240, %get3A_56 : vector<16xf32>
      %swap3A_1242 = arith.constant 24 : i32
      %swap3A_1243 = arith.index_cast %swap3A_1242 : i32 to index
      %swap3A_1244 = arith.constant 32 : index
      %swap3A_1245 = tpu.vector_load %arg7[%swap3A_1243, %swap3A_1244] {strides = array<i32>} : memref<64x50xf32, #tpu.memory_space<vmem>>, vector<1x16xf32>,
      %swap3A_1246 = vector.shape_cast %swap3A_1245 : vector<1x16xf32> to vector<16xf32>
      %swap3A_1247 = vector.shape_cast %add3A_1241 : vector<16xf32> to vector<1x16xf32>
      tpu.vector_store %arg7[%swap3A_1243, %swap3A_1244], %swap3A_1247 {strides = array<i32>} : memref<64x50xf32, #tpu.memory_space<vmem>>, vector<1x16xf32>,
      %get3A_1248 = arith.constant 24 : i32
      %get3A_1249 = arith.index_cast %get3A_1248 : i32 to index
      %get3A_1250 = arith.constant 34 : index
      %get3A_1251 = tpu.vector_load %arg5[%get3A_1249, %get3A_1250] {strides = array<i32>} : memref<64x50xf32, #tpu.memory_space<vmem>>, vector<1x16xf32>,
      %get3A_1252 = vector.shape_cast %get3A_1251 : vector<1x16xf32> to vector<16xf32>
      %add3A_1253 = arith.addf %get3A_1252, %get3A_60 : vector<16xf32>
      %swap3A_1254 = arith.constant 24 : i32
      %swap3A_1255 = arith.index_cast %swap3A_1254 : i32 to index
      %swap3A_1256 = arith.constant 34 : index
      %swap3A_1257 = tpu.vector_load %arg7[%swap3A_1255, %swap3A_1256] {strides = array<i32>} : memref<64x50xf32, #tpu.memory_space<vmem>>, vector<1x16xf32>,
      %swap3A_1258 = vector.shape_cast %swap3A_1257 : vector<1x16xf32> to vector<16xf32>
      %swap3A_1259 = vector.shape_cast %add3A_1253 : vector<16xf32> to vector<1x16xf32>
      tpu.vector_store %arg7[%swap3A_1255, %swap3A_1256], %swap3A_1259 {strides = array<i32>} : memref<64x50xf32, #tpu.memory_space<vmem>>, vector<1x16xf32>,
      %get3A_1260 = arith.constant 25 : i32
      %get3A_1261 = arith.index_cast %get3A_1260 : i32 to index
      %get3A_1262 = arith.constant 0 : index
      %get3A_1263 = tpu.vector_load %arg5[%get3A_1261, %get3A_1262] {strides = array<i32>} : memref<64x50xf32, #tpu.memory_space<vmem>>, vector<1x16xf32>,
      %get3A_1264 = vector.shape_cast %get3A_1263 : vector<1x16xf32> to vector<16xf32>
      %add3A_1265 = arith.addf %get3A_1264, %get3A_48 : vector<16xf32>
      %swap3A_1266 = arith.constant 25 : i32
      %swap3A_1267 = arith.index_cast %swap3A_1266 : i32 to index
      %swap3A_1268 = arith.constant 0 : index
      %swap3A_1269 = tpu.vector_load %arg7[%swap3A_1267, %swap3A_1268] {strides = array<i32>} : memref<64x50xf32, #tpu.memory_space<vmem>>, vector<1x16xf32>,
      %swap3A_1270 = vector.shape_cast %swap3A_1269 : vector<1x16xf32> to vector<16xf32>
      %swap3A_1271 = vector.shape_cast %add3A_1265 : vector<16xf32> to vector<1x16xf32>
      tpu.vector_store %arg7[%swap3A_1267, %swap3A_1268], %swap3A_1271 {strides = array<i32>} : memref<64x50xf32, #tpu.memory_space<vmem>>, vector<1x16xf32>,
      %get3A_1272 = arith.constant 25 : i32
      %get3A_1273 = arith.index_cast %get3A_1272 : i32 to index
      %get3A_1274 = arith.constant 16 : index
      %get3A_1275 = tpu.vector_load %arg5[%get3A_1273, %get3A_1274] {strides = array<i32>} : memref<64x50xf32, #tpu.memory_space<vmem>>, vector<1x16xf32>,
      %get3A_1276 = vector.shape_cast %get3A_1275 : vector<1x16xf32> to vector<16xf32>
      %add3A_1277 = arith.addf %get3A_1276, %get3A_52 : vector<16xf32>
      %swap3A_1278 = arith.constant 25 : i32
      %swap3A_1279 = arith.index_cast %swap3A_1278 : i32 to index
      %swap3A_1280 = arith.constant 16 : index
      %swap3A_1281 = tpu.vector_load %arg7[%swap3A_1279, %swap3A_1280] {strides = array<i32>} : memref<64x50xf32, #tpu.memory_space<vmem>>, vector<1x16xf32>,
      %swap3A_1282 = vector.shape_cast %swap3A_1281 : vector<1x16xf32> to vector<16xf32>
      %swap3A_1283 = vector.shape_cast %add3A_1277 : vector<16xf32> to vector<1x16xf32>
      tpu.vector_store %arg7[%swap3A_1279, %swap3A_1280], %swap3A_1283 {strides = array<i32>} : memref<64x50xf32, #tpu.memory_space<vmem>>, vector<1x16xf32>,
      %get3A_1284 = arith.constant 25 : i32
      %get3A_1285 = arith.index_cast %get3A_1284 : i32 to index
      %get3A_1286 = arith.constant 32 : index
      %get3A_1287 = tpu.vector_load %arg5[%get3A_1285, %get3A_1286] {strides = array<i32>} : memref<64x50xf32, #tpu.memory_space<vmem>>, vector<1x16xf32>,
      %get3A_1288 = vector.shape_cast %get3A_1287 : vector<1x16xf32> to vector<16xf32>
      %add3A_1289 = arith.addf %get3A_1288, %get3A_56 : vector<16xf32>
      %swap3A_1290 = arith.constant 25 : i32
      %swap3A_1291 = arith.index_cast %swap3A_1290 : i32 to index
      %swap3A_1292 = arith.constant 32 : index
      %swap3A_1293 = tpu.vector_load %arg7[%swap3A_1291, %swap3A_1292] {strides = array<i32>} : memref<64x50xf32, #tpu.memory_space<vmem>>, vector<1x16xf32>,
      %swap3A_1294 = vector.shape_cast %swap3A_1293 : vector<1x16xf32> to vector<16xf32>
      %swap3A_1295 = vector.shape_cast %add3A_1289 : vector<16xf32> to vector<1x16xf32>
      tpu.vector_store %arg7[%swap3A_1291, %swap3A_1292], %swap3A_1295 {strides = array<i32>} : memref<64x50xf32, #tpu.memory_space<vmem>>, vector<1x16xf32>,
      %get3A_1296 = arith.constant 25 : i32
      %get3A_1297 = arith.index_cast %get3A_1296 : i32 to index
      %get3A_1298 = arith.constant 34 : index
      %get3A_1299 = tpu.vector_load %arg5[%get3A_1297, %get3A_1298] {strides = array<i32>} : memref<64x50xf32, #tpu.memory_space<vmem>>, vector<1x16xf32>,
      %get3A_1300 = vector.shape_cast %get3A_1299 : vector<1x16xf32> to vector<16xf32>
      %add3A_1301 = arith.addf %get3A_1300, %get3A_60 : vector<16xf32>
      %swap3A_1302 = arith.constant 25 : i32
      %swap3A_1303 = arith.index_cast %swap3A_1302 : i32 to index
      %swap3A_1304 = arith.constant 34 : index
      %swap3A_1305 = tpu.vector_load %arg7[%swap3A_1303, %swap3A_1304] {strides = array<i32>} : memref<64x50xf32, #tpu.memory_space<vmem>>, vector<1x16xf32>,
      %swap3A_1306 = vector.shape_cast %swap3A_1305 : vector<1x16xf32> to vector<16xf32>
      %swap3A_1307 = vector.shape_cast %add3A_1301 : vector<16xf32> to vector<1x16xf32>
      tpu.vector_store %arg7[%swap3A_1303, %swap3A_1304], %swap3A_1307 {strides = array<i32>} : memref<64x50xf32, #tpu.memory_space<vmem>>, vector<1x16xf32>,
      %get3A_1308 = arith.constant 26 : i32
      %get3A_1309 = arith.index_cast %get3A_1308 : i32 to index
      %get3A_1310 = arith.constant 0 : index
      %get3A_1311 = tpu.vector_load %arg5[%get3A_1309, %get3A_1310] {strides = array<i32>} : memref<64x50xf32, #tpu.memory_space<vmem>>, vector<1x16xf32>,
      %get3A_1312 = vector.shape_cast %get3A_1311 : vector<1x16xf32> to vector<16xf32>
      %add3A_1313 = arith.addf %get3A_1312, %get3A_48 : vector<16xf32>
      %swap3A_1314 = arith.constant 26 : i32
      %swap3A_1315 = arith.index_cast %swap3A_1314 : i32 to index
      %swap3A_1316 = arith.constant 0 : index
      %swap3A_1317 = tpu.vector_load %arg7[%swap3A_1315, %swap3A_1316] {strides = array<i32>} : memref<64x50xf32, #tpu.memory_space<vmem>>, vector<1x16xf32>,
      %swap3A_1318 = vector.shape_cast %swap3A_1317 : vector<1x16xf32> to vector<16xf32>
      %swap3A_1319 = vector.shape_cast %add3A_1313 : vector<16xf32> to vector<1x16xf32>
      tpu.vector_store %arg7[%swap3A_1315, %swap3A_1316], %swap3A_1319 {strides = array<i32>} : memref<64x50xf32, #tpu.memory_space<vmem>>, vector<1x16xf32>,
      %get3A_1320 = arith.constant 26 : i32
      %get3A_1321 = arith.index_cast %get3A_1320 : i32 to index
      %get3A_1322 = arith.constant 16 : index
      %get3A_1323 = tpu.vector_load %arg5[%get3A_1321, %get3A_1322] {strides = array<i32>} : memref<64x50xf32, #tpu.memory_space<vmem>>, vector<1x16xf32>,
      %get3A_1324 = vector.shape_cast %get3A_1323 : vector<1x16xf32> to vector<16xf32>
      %add3A_1325 = arith.addf %get3A_1324, %get3A_52 : vector<16xf32>
      %swap3A_1326 = arith.constant 26 : i32
      %swap3A_1327 = arith.index_cast %swap3A_1326 : i32 to index
      %swap3A_1328 = arith.constant 16 : index
      %swap3A_1329 = tpu.vector_load %arg7[%swap3A_1327, %swap3A_1328] {strides = array<i32>} : memref<64x50xf32, #tpu.memory_space<vmem>>, vector<1x16xf32>,
      %swap3A_1330 = vector.shape_cast %swap3A_1329 : vector<1x16xf32> to vector<16xf32>
      %swap3A_1331 = vector.shape_cast %add3A_1325 : vector<16xf32> to vector<1x16xf32>
      tpu.vector_store %arg7[%swap3A_1327, %swap3A_1328], %swap3A_1331 {strides = array<i32>} : memref<64x50xf32, #tpu.memory_space<vmem>>, vector<1x16xf32>,
      %get3A_1332 = arith.constant 26 : i32
      %get3A_1333 = arith.index_cast %get3A_1332 : i32 to index
      %get3A_1334 = arith.constant 32 : index
      %get3A_1335 = tpu.vector_load %arg5[%get3A_1333, %get3A_1334] {strides = array<i32>} : memref<64x50xf32, #tpu.memory_space<vmem>>, vector<1x16xf32>,
      %get3A_1336 = vector.shape_cast %get3A_1335 : vector<1x16xf32> to vector<16xf32>
      %add3A_1337 = arith.addf %get3A_1336, %get3A_56 : vector<16xf32>
      %swap3A_1338 = arith.constant 26 : i32
      %swap3A_1339 = arith.index_cast %swap3A_1338 : i32 to index
      %swap3A_1340 = arith.constant 32 : index
      %swap3A_1341 = tpu.vector_load %arg7[%swap3A_1339, %swap3A_1340] {strides = array<i32>} : memref<64x50xf32, #tpu.memory_space<vmem>>, vector<1x16xf32>,
      %swap3A_1342 = vector.shape_cast %swap3A_1341 : vector<1x16xf32> to vector<16xf32>
      %swap3A_1343 = vector.shape_cast %add3A_1337 : vector<16xf32> to vector<1x16xf32>
      tpu.vector_store %arg7[%swap3A_1339, %swap3A_1340], %swap3A_1343 {strides = array<i32>} : memref<64x50xf32, #tpu.memory_space<vmem>>, vector<1x16xf32>,
      %get3A_1344 = arith.constant 26 : i32
      %get3A_1345 = arith.index_cast %get3A_1344 : i32 to index
      %get3A_1346 = arith.constant 34 : index
      %get3A_1347 = tpu.vector_load %arg5[%get3A_1345, %get3A_1346] {strides = array<i32>} : memref<64x50xf32, #tpu.memory_space<vmem>>, vector<1x16xf32>,
      %get3A_1348 = vector.shape_cast %get3A_1347 : vector<1x16xf32> to vector<16xf32>
      %add3A_1349 = arith.addf %get3A_1348, %get3A_60 : vector<16xf32>
      %swap3A_1350 = arith.constant 26 : i32
      %swap3A_1351 = arith.index_cast %swap3A_1350 : i32 to index
      %swap3A_1352 = arith.constant 34 : index
      %swap3A_1353 = tpu.vector_load %arg7[%swap3A_1351, %swap3A_1352] {strides = array<i32>} : memref<64x50xf32, #tpu.memory_space<vmem>>, vector<1x16xf32>,
      %swap3A_1354 = vector.shape_cast %swap3A_1353 : vector<1x16xf32> to vector<16xf32>
      %swap3A_1355 = vector.shape_cast %add3A_1349 : vector<16xf32> to vector<1x16xf32>
      tpu.vector_store %arg7[%swap3A_1351, %swap3A_1352], %swap3A_1355 {strides = array<i32>} : memref<64x50xf32, #tpu.memory_space<vmem>>, vector<1x16xf32>,
      %get3A_1356 = arith.constant 27 : i32
      %get3A_1357 = arith.index_cast %get3A_1356 : i32 to index
      %get3A_1358 = arith.constant 0 : index
      %get3A_1359 = tpu.vector_load %arg5[%get3A_1357, %get3A_1358] {strides = array<i32>} : memref<64x50xf32, #tpu.memory_space<vmem>>, vector<1x16xf32>,
      %get3A_1360 = vector.shape_cast %get3A_1359 : vector<1x16xf32> to vector<16xf32>
      %add3A_1361 = arith.addf %get3A_1360, %get3A_48 : vector<16xf32>
      %swap3A_1362 = arith.constant 27 : i32
      %swap3A_1363 = arith.index_cast %swap3A_1362 : i32 to index
      %swap3A_1364 = arith.constant 0 : index
      %swap3A_1365 = tpu.vector_load %arg7[%swap3A_1363, %swap3A_1364] {strides = array<i32>} : memref<64x50xf32, #tpu.memory_space<vmem>>, vector<1x16xf32>,
      %swap3A_1366 = vector.shape_cast %swap3A_1365 : vector<1x16xf32> to vector<16xf32>
      %swap3A_1367 = vector.shape_cast %add3A_1361 : vector<16xf32> to vector<1x16xf32>
      tpu.vector_store %arg7[%swap3A_1363, %swap3A_1364], %swap3A_1367 {strides = array<i32>} : memref<64x50xf32, #tpu.memory_space<vmem>>, vector<1x16xf32>,
      %get3A_1368 = arith.constant 27 : i32
      %get3A_1369 = arith.index_cast %get3A_1368 : i32 to index
      %get3A_1370 = arith.constant 16 : index
      %get3A_1371 = tpu.vector_load %arg5[%get3A_1369, %get3A_1370] {strides = array<i32>} : memref<64x50xf32, #tpu.memory_space<vmem>>, vector<1x16xf32>,
      %get3A_1372 = vector.shape_cast %get3A_1371 : vector<1x16xf32> to vector<16xf32>
      %add3A_1373 = arith.addf %get3A_1372, %get3A_52 : vector<16xf32>
      %swap3A_1374 = arith.constant 27 : i32
      %swap3A_1375 = arith.index_cast %swap3A_1374 : i32 to index
      %swap3A_1376 = arith.constant 16 : index
      %swap3A_1377 = tpu.vector_load %arg7[%swap3A_1375, %swap3A_1376] {strides = array<i32>} : memref<64x50xf32, #tpu.memory_space<vmem>>, vector<1x16xf32>,
      %swap3A_1378 = vector.shape_cast %swap3A_1377 : vector<1x16xf32> to vector<16xf32>
      %swap3A_1379 = vector.shape_cast %add3A_1373 : vector<16xf32> to vector<1x16xf32>
      tpu.vector_store %arg7[%swap3A_1375, %swap3A_1376], %swap3A_1379 {strides = array<i32>} : memref<64x50xf32, #tpu.memory_space<vmem>>, vector<1x16xf32>,
      %get3A_1380 = arith.constant 27 : i32
      %get3A_1381 = arith.index_cast %get3A_1380 : i32 to index
      %get3A_1382 = arith.constant 32 : index
      %get3A_1383 = tpu.vector_load %arg5[%get3A_1381, %get3A_1382] {strides = array<i32>} : memref<64x50xf32, #tpu.memory_space<vmem>>, vector<1x16xf32>,
      %get3A_1384 = vector.shape_cast %get3A_1383 : vector<1x16xf32> to vector<16xf32>
      %add3A_1385 = arith.addf %get3A_1384, %get3A_56 : vector<16xf32>
      %swap3A_1386 = arith.constant 27 : i32
      %swap3A_1387 = arith.index_cast %swap3A_1386 : i32 to index
      %swap3A_1388 = arith.constant 32 : index
      %swap3A_1389 = tpu.vector_load %arg7[%swap3A_1387, %swap3A_1388] {strides = array<i32>} : memref<64x50xf32, #tpu.memory_space<vmem>>, vector<1x16xf32>,
      %swap3A_1390 = vector.shape_cast %swap3A_1389 : vector<1x16xf32> to vector<16xf32>
      %swap3A_1391 = vector.shape_cast %add3A_1385 : vector<16xf32> to vector<1x16xf32>
      tpu.vector_store %arg7[%swap3A_1387, %swap3A_1388], %swap3A_1391 {strides = array<i32>} : memref<64x50xf32, #tpu.memory_space<vmem>>, vector<1x16xf32>,
      %get3A_1392 = arith.constant 27 : i32
      %get3A_1393 = arith.index_cast %get3A_1392 : i32 to index
      %get3A_1394 = arith.constant 34 : index
      %get3A_1395 = tpu.vector_load %arg5[%get3A_1393, %get3A_1394] {strides = array<i32>} : memref<64x50xf32, #tpu.memory_space<vmem>>, vector<1x16xf32>,
      %get3A_1396 = vector.shape_cast %get3A_1395 : vector<1x16xf32> to vector<16xf32>
      %add3A_1397 = arith.addf %get3A_1396, %get3A_60 : vector<16xf32>
      %swap3A_1398 = arith.constant 27 : i32
      %swap3A_1399 = arith.index_cast %swap3A_1398 : i32 to index
      %swap3A_1400 = arith.constant 34 : index
      %swap3A_1401 = tpu.vector_load %arg7[%swap3A_1399, %swap3A_1400] {strides = array<i32>} : memref<64x50xf32, #tpu.memory_space<vmem>>, vector<1x16xf32>,
      %swap3A_1402 = vector.shape_cast %swap3A_1401 : vector<1x16xf32> to vector<16xf32>
      %swap3A_1403 = vector.shape_cast %add3A_1397 : vector<16xf32> to vector<1x16xf32>
      tpu.vector_store %arg7[%swap3A_1399, %swap3A_1400], %swap3A_1403 {strides = array<i32>} : memref<64x50xf32, #tpu.memory_space<vmem>>, vector<1x16xf32>,
      %get3A_1404 = arith.constant 28 : i32
      %get3A_1405 = arith.index_cast %get3A_1404 : i32 to index
      %get3A_1406 = arith.constant 0 : index
      %get3A_1407 = tpu.vector_load %arg5[%get3A_1405, %get3A_1406] {strides = array<i32>} : memref<64x50xf32, #tpu.memory_space<vmem>>, vector<1x16xf32>,
      %get3A_1408 = vector.shape_cast %get3A_1407 : vector<1x16xf32> to vector<16xf32>
      %add3A_1409 = arith.addf %get3A_1408, %get3A_48 : vector<16xf32>
      %swap3A_1410 = arith.constant 28 : i32
      %swap3A_1411 = arith.index_cast %swap3A_1410 : i32 to index
      %swap3A_1412 = arith.constant 0 : index
      %swap3A_1413 = tpu.vector_load %arg7[%swap3A_1411, %swap3A_1412] {strides = array<i32>} : memref<64x50xf32, #tpu.memory_space<vmem>>, vector<1x16xf32>,
      %swap3A_1414 = vector.shape_cast %swap3A_1413 : vector<1x16xf32> to vector<16xf32>
      %swap3A_1415 = vector.shape_cast %add3A_1409 : vector<16xf32> to vector<1x16xf32>
      tpu.vector_store %arg7[%swap3A_1411, %swap3A_1412], %swap3A_1415 {strides = array<i32>} : memref<64x50xf32, #tpu.memory_space<vmem>>, vector<1x16xf32>,
      %get3A_1416 = arith.constant 28 : i32
      %get3A_1417 = arith.index_cast %get3A_1416 : i32 to index
      %get3A_1418 = arith.constant 16 : index
      %get3A_1419 = tpu.vector_load %arg5[%get3A_1417, %get3A_1418] {strides = array<i32>} : memref<64x50xf32, #tpu.memory_space<vmem>>, vector<1x16xf32>,
      %get3A_1420 = vector.shape_cast %get3A_1419 : vector<1x16xf32> to vector<16xf32>
      %add3A_1421 = arith.addf %get3A_1420, %get3A_52 : vector<16xf32>
      %swap3A_1422 = arith.constant 28 : i32
      %swap3A_1423 = arith.index_cast %swap3A_1422 : i32 to index
      %swap3A_1424 = arith.constant 16 : index
      %swap3A_1425 = tpu.vector_load %arg7[%swap3A_1423, %swap3A_1424] {strides = array<i32>} : memref<64x50xf32, #tpu.memory_space<vmem>>, vector<1x16xf32>,
      %swap3A_1426 = vector.shape_cast %swap3A_1425 : vector<1x16xf32> to vector<16xf32>
      %swap3A_1427 = vector.shape_cast %add3A_1421 : vector<16xf32> to vector<1x16xf32>
      tpu.vector_store %arg7[%swap3A_1423, %swap3A_1424], %swap3A_1427 {strides = array<i32>} : memref<64x50xf32, #tpu.memory_space<vmem>>, vector<1x16xf32>,
      %get3A_1428 = arith.constant 28 : i32
      %get3A_1429 = arith.index_cast %get3A_1428 : i32 to index
      %get3A_1430 = arith.constant 32 : index
      %get3A_1431 = tpu.vector_load %arg5[%get3A_1429, %get3A_1430] {strides = array<i32>} : memref<64x50xf32, #tpu.memory_space<vmem>>, vector<1x16xf32>,
      %get3A_1432 = vector.shape_cast %get3A_1431 : vector<1x16xf32> to vector<16xf32>
      %add3A_1433 = arith.addf %get3A_1432, %get3A_56 : vector<16xf32>
      %swap3A_1434 = arith.constant 28 : i32
      %swap3A_1435 = arith.index_cast %swap3A_1434 : i32 to index
      %swap3A_1436 = arith.constant 32 : index
      %swap3A_1437 = tpu.vector_load %arg7[%swap3A_1435, %swap3A_1436] {strides = array<i32>} : memref<64x50xf32, #tpu.memory_space<vmem>>, vector<1x16xf32>,
      %swap3A_1438 = vector.shape_cast %swap3A_1437 : vector<1x16xf32> to vector<16xf32>
      %swap3A_1439 = vector.shape_cast %add3A_1433 : vector<16xf32> to vector<1x16xf32>
      tpu.vector_store %arg7[%swap3A_1435, %swap3A_1436], %swap3A_1439 {strides = array<i32>} : memref<64x50xf32, #tpu.memory_space<vmem>>, vector<1x16xf32>,
      %get3A_1440 = arith.constant 28 : i32
      %get3A_1441 = arith.index_cast %get3A_1440 : i32 to index
      %get3A_1442 = arith.constant 34 : index
      %get3A_1443 = tpu.vector_load %arg5[%get3A_1441, %get3A_1442] {strides = array<i32>} : memref<64x50xf32, #tpu.memory_space<vmem>>, vector<1x16xf32>,
      %get3A_1444 = vector.shape_cast %get3A_1443 : vector<1x16xf32> to vector<16xf32>
      %add3A_1445 = arith.addf %get3A_1444, %get3A_60 : vector<16xf32>
      %swap3A_1446 = arith.constant 28 : i32
      %swap3A_1447 = arith.index_cast %swap3A_1446 : i32 to index
      %swap3A_1448 = arith.constant 34 : index
      %swap3A_1449 = tpu.vector_load %arg7[%swap3A_1447, %swap3A_1448] {strides = array<i32>} : memref<64x50xf32, #tpu.memory_space<vmem>>, vector<1x16xf32>,
      %swap3A_1450 = vector.shape_cast %swap3A_1449 : vector<1x16xf32> to vector<16xf32>
      %swap3A_1451 = vector.shape_cast %add3A_1445 : vector<16xf32> to vector<1x16xf32>
      tpu.vector_store %arg7[%swap3A_1447, %swap3A_1448], %swap3A_1451 {strides = array<i32>} : memref<64x50xf32, #tpu.memory_space<vmem>>, vector<1x16xf32>,
      %get3A_1452 = arith.constant 29 : i32
      %get3A_1453 = arith.index_cast %get3A_1452 : i32 to index
      %get3A_1454 = arith.constant 0 : index
      %get3A_1455 = tpu.vector_load %arg5[%get3A_1453, %get3A_1454] {strides = array<i32>} : memref<64x50xf32, #tpu.memory_space<vmem>>, vector<1x16xf32>,
      %get3A_1456 = vector.shape_cast %get3A_1455 : vector<1x16xf32> to vector<16xf32>
      %add3A_1457 = arith.addf %get3A_1456, %get3A_48 : vector<16xf32>
      %swap3A_1458 = arith.constant 29 : i32
      %swap3A_1459 = arith.index_cast %swap3A_1458 : i32 to index
      %swap3A_1460 = arith.constant 0 : index
      %swap3A_1461 = tpu.vector_load %arg7[%swap3A_1459, %swap3A_1460] {strides = array<i32>} : memref<64x50xf32, #tpu.memory_space<vmem>>, vector<1x16xf32>,
      %swap3A_1462 = vector.shape_cast %swap3A_1461 : vector<1x16xf32> to vector<16xf32>
      %swap3A_1463 = vector.shape_cast %add3A_1457 : vector<16xf32> to vector<1x16xf32>
      tpu.vector_store %arg7[%swap3A_1459, %swap3A_1460], %swap3A_1463 {strides = array<i32>} : memref<64x50xf32, #tpu.memory_space<vmem>>, vector<1x16xf32>,
      %get3A_1464 = arith.constant 29 : i32
      %get3A_1465 = arith.index_cast %get3A_1464 : i32 to index
      %get3A_1466 = arith.constant 16 : index
      %get3A_1467 = tpu.vector_load %arg5[%get3A_1465, %get3A_1466] {strides = array<i32>} : memref<64x50xf32, #tpu.memory_space<vmem>>, vector<1x16xf32>,
      %get3A_1468 = vector.shape_cast %get3A_1467 : vector<1x16xf32> to vector<16xf32>
      %add3A_1469 = arith.addf %get3A_1468, %get3A_52 : vector<16xf32>
      %swap3A_1470 = arith.constant 29 : i32
      %swap3A_1471 = arith.index_cast %swap3A_1470 : i32 to index
      %swap3A_1472 = arith.constant 16 : index
      %swap3A_1473 = tpu.vector_load %arg7[%swap3A_1471, %swap3A_1472] {strides = array<i32>} : memref<64x50xf32, #tpu.memory_space<vmem>>, vector<1x16xf32>,
      %swap3A_1474 = vector.shape_cast %swap3A_1473 : vector<1x16xf32> to vector<16xf32>
      %swap3A_1475 = vector.shape_cast %add3A_1469 : vector<16xf32> to vector<1x16xf32>
      tpu.vector_store %arg7[%swap3A_1471, %swap3A_1472], %swap3A_1475 {strides = array<i32>} : memref<64x50xf32, #tpu.memory_space<vmem>>, vector<1x16xf32>,
      %get3A_1476 = arith.constant 29 : i32
      %get3A_1477 = arith.index_cast %get3A_1476 : i32 to index
      %get3A_1478 = arith.constant 32 : index
      %get3A_1479 = tpu.vector_load %arg5[%get3A_1477, %get3A_1478] {strides = array<i32>} : memref<64x50xf32, #tpu.memory_space<vmem>>, vector<1x16xf32>,
      %get3A_1480 = vector.shape_cast %get3A_1479 : vector<1x16xf32> to vector<16xf32>
      %add3A_1481 = arith.addf %get3A_1480, %get3A_56 : vector<16xf32>
      %swap3A_1482 = arith.constant 29 : i32
      %swap3A_1483 = arith.index_cast %swap3A_1482 : i32 to index
      %swap3A_1484 = arith.constant 32 : index
      %swap3A_1485 = tpu.vector_load %arg7[%swap3A_1483, %swap3A_1484] {strides = array<i32>} : memref<64x50xf32, #tpu.memory_space<vmem>>, vector<1x16xf32>,
      %swap3A_1486 = vector.shape_cast %swap3A_1485 : vector<1x16xf32> to vector<16xf32>
      %swap3A_1487 = vector.shape_cast %add3A_1481 : vector<16xf32> to vector<1x16xf32>
      tpu.vector_store %arg7[%swap3A_1483, %swap3A_1484], %swap3A_1487 {strides = array<i32>} : memref<64x50xf32, #tpu.memory_space<vmem>>, vector<1x16xf32>,
      %get3A_1488 = arith.constant 29 : i32
      %get3A_1489 = arith.index_cast %get3A_1488 : i32 to index
      %get3A_1490 = arith.constant 34 : index
      %get3A_1491 = tpu.vector_load %arg5[%get3A_1489, %get3A_1490] {strides = array<i32>} : memref<64x50xf32, #tpu.memory_space<vmem>>, vector<1x16xf32>,
      %get3A_1492 = vector.shape_cast %get3A_1491 : vector<1x16xf32> to vector<16xf32>
      %add3A_1493 = arith.addf %get3A_1492, %get3A_60 : vector<16xf32>
      %swap3A_1494 = arith.constant 29 : i32
      %swap3A_1495 = arith.index_cast %swap3A_1494 : i32 to index
      %swap3A_1496 = arith.constant 34 : index
      %swap3A_1497 = tpu.vector_load %arg7[%swap3A_1495, %swap3A_1496] {strides = array<i32>} : memref<64x50xf32, #tpu.memory_space<vmem>>, vector<1x16xf32>,
      %swap3A_1498 = vector.shape_cast %swap3A_1497 : vector<1x16xf32> to vector<16xf32>
      %swap3A_1499 = vector.shape_cast %add3A_1493 : vector<16xf32> to vector<1x16xf32>
      tpu.vector_store %arg7[%swap3A_1495, %swap3A_1496], %swap3A_1499 {strides = array<i32>} : memref<64x50xf32, #tpu.memory_space<vmem>>, vector<1x16xf32>,
      %get3A_1500 = arith.constant 30 : i32
      %get3A_1501 = arith.index_cast %get3A_1500 : i32 to index
      %get3A_1502 = arith.constant 0 : index
      %get3A_1503 = tpu.vector_load %arg5[%get3A_1501, %get3A_1502] {strides = array<i32>} : memref<64x50xf32, #tpu.memory_space<vmem>>, vector<1x16xf32>,
      %get3A_1504 = vector.shape_cast %get3A_1503 : vector<1x16xf32> to vector<16xf32>
      %add3A_1505 = arith.addf %get3A_1504, %get3A_48 : vector<16xf32>
      %swap3A_1506 = arith.constant 30 : i32
      %swap3A_1507 = arith.index_cast %swap3A_1506 : i32 to index
      %swap3A_1508 = arith.constant 0 : index
      %swap3A_1509 = tpu.vector_load %arg7[%swap3A_1507, %swap3A_1508] {strides = array<i32>} : memref<64x50xf32, #tpu.memory_space<vmem>>, vector<1x16xf32>,
      %swap3A_1510 = vector.shape_cast %swap3A_1509 : vector<1x16xf32> to vector<16xf32>
      %swap3A_1511 = vector.shape_cast %add3A_1505 : vector<16xf32> to vector<1x16xf32>
      tpu.vector_store %arg7[%swap3A_1507, %swap3A_1508], %swap3A_1511 {strides = array<i32>} : memref<64x50xf32, #tpu.memory_space<vmem>>, vector<1x16xf32>,
      %get3A_1512 = arith.constant 30 : i32
      %get3A_1513 = arith.index_cast %get3A_1512 : i32 to index
      %get3A_1514 = arith.constant 16 : index
      %get3A_1515 = tpu.vector_load %arg5[%get3A_1513, %get3A_1514] {strides = array<i32>} : memref<64x50xf32, #tpu.memory_space<vmem>>, vector<1x16xf32>,
      %get3A_1516 = vector.shape_cast %get3A_1515 : vector<1x16xf32> to vector<16xf32>
      %add3A_1517 = arith.addf %get3A_1516, %get3A_52 : vector<16xf32>
      %swap3A_1518 = arith.constant 30 : i32
      %swap3A_1519 = arith.index_cast %swap3A_1518 : i32 to index
      %swap3A_1520 = arith.constant 16 : index
      %swap3A_1521 = tpu.vector_load %arg7[%swap3A_1519, %swap3A_1520] {strides = array<i32>} : memref<64x50xf32, #tpu.memory_space<vmem>>, vector<1x16xf32>,
      %swap3A_1522 = vector.shape_cast %swap3A_1521 : vector<1x16xf32> to vector<16xf32>
      %swap3A_1523 = vector.shape_cast %add3A_1517 : vector<16xf32> to vector<1x16xf32>
      tpu.vector_store %arg7[%swap3A_1519, %swap3A_1520], %swap3A_1523 {strides = array<i32>} : memref<64x50xf32, #tpu.memory_space<vmem>>, vector<1x16xf32>,
      %get3A_1524 = arith.constant 30 : i32
      %get3A_1525 = arith.index_cast %get3A_1524 : i32 to index
      %get3A_1526 = arith.constant 32 : index
      %get3A_1527 = tpu.vector_load %arg5[%get3A_1525, %get3A_1526] {strides = array<i32>} : memref<64x50xf32, #tpu.memory_space<vmem>>, vector<1x16xf32>,
      %get3A_1528 = vector.shape_cast %get3A_1527 : vector<1x16xf32> to vector<16xf32>
      %add3A_1529 = arith.addf %get3A_1528, %get3A_56 : vector<16xf32>
      %swap3A_1530 = arith.constant 30 : i32
      %swap3A_1531 = arith.index_cast %swap3A_1530 : i32 to index
      %swap3A_1532 = arith.constant 32 : index
      %swap3A_1533 = tpu.vector_load %arg7[%swap3A_1531, %swap3A_1532] {strides = array<i32>} : memref<64x50xf32, #tpu.memory_space<vmem>>, vector<1x16xf32>,
      %swap3A_1534 = vector.shape_cast %swap3A_1533 : vector<1x16xf32> to vector<16xf32>
      %swap3A_1535 = vector.shape_cast %add3A_1529 : vector<16xf32> to vector<1x16xf32>
      tpu.vector_store %arg7[%swap3A_1531, %swap3A_1532], %swap3A_1535 {strides = array<i32>} : memref<64x50xf32, #tpu.memory_space<vmem>>, vector<1x16xf32>,
      %get3A_1536 = arith.constant 30 : i32
      %get3A_1537 = arith.index_cast %get3A_1536 : i32 to index
      %get3A_1538 = arith.constant 34 : index
      %get3A_1539 = tpu.vector_load %arg5[%get3A_1537, %get3A_1538] {strides = array<i32>} : memref<64x50xf32, #tpu.memory_space<vmem>>, vector<1x16xf32>,
      %get3A_1540 = vector.shape_cast %get3A_1539 : vector<1x16xf32> to vector<16xf32>
      %add3A_1541 = arith.addf %get3A_1540, %get3A_60 : vector<16xf32>
      %swap3A_1542 = arith.constant 30 : i32
      %swap3A_1543 = arith.index_cast %swap3A_1542 : i32 to index
      %swap3A_1544 = arith.constant 34 : index
      %swap3A_1545 = tpu.vector_load %arg7[%swap3A_1543, %swap3A_1544] {strides = array<i32>} : memref<64x50xf32, #tpu.memory_space<vmem>>, vector<1x16xf32>,
      %swap3A_1546 = vector.shape_cast %swap3A_1545 : vector<1x16xf32> to vector<16xf32>
      %swap3A_1547 = vector.shape_cast %add3A_1541 : vector<16xf32> to vector<1x16xf32>
      tpu.vector_store %arg7[%swap3A_1543, %swap3A_1544], %swap3A_1547 {strides = array<i32>} : memref<64x50xf32, #tpu.memory_space<vmem>>, vector<1x16xf32>,
      %get3A_1548 = arith.constant 31 : i32
      %get3A_1549 = arith.index_cast %get3A_1548 : i32 to index
      %get3A_1550 = arith.constant 0 : index
      %get3A_1551 = tpu.vector_load %arg5[%get3A_1549, %get3A_1550] {strides = array<i32>} : memref<64x50xf32, #tpu.memory_space<vmem>>, vector<1x16xf32>,
      %get3A_1552 = vector.shape_cast %get3A_1551 : vector<1x16xf32> to vector<16xf32>
      %add3A_1553 = arith.addf %get3A_1552, %get3A_48 : vector<16xf32>
      %swap3A_1554 = arith.constant 31 : i32
      %swap3A_1555 = arith.index_cast %swap3A_1554 : i32 to index
      %swap3A_1556 = arith.constant 0 : index
      %swap3A_1557 = tpu.vector_load %arg7[%swap3A_1555, %swap3A_1556] {strides = array<i32>} : memref<64x50xf32, #tpu.memory_space<vmem>>, vector<1x16xf32>,
      %swap3A_1558 = vector.shape_cast %swap3A_1557 : vector<1x16xf32> to vector<16xf32>
      %swap3A_1559 = vector.shape_cast %add3A_1553 : vector<16xf32> to vector<1x16xf32>
      tpu.vector_store %arg7[%swap3A_1555, %swap3A_1556], %swap3A_1559 {strides = array<i32>} : memref<64x50xf32, #tpu.memory_space<vmem>>, vector<1x16xf32>,
      %get3A_1560 = arith.constant 31 : i32
      %get3A_1561 = arith.index_cast %get3A_1560 : i32 to index
      %get3A_1562 = arith.constant 16 : index
      %get3A_1563 = tpu.vector_load %arg5[%get3A_1561, %get3A_1562] {strides = array<i32>} : memref<64x50xf32, #tpu.memory_space<vmem>>, vector<1x16xf32>,
      %get3A_1564 = vector.shape_cast %get3A_1563 : vector<1x16xf32> to vector<16xf32>
      %add3A_1565 = arith.addf %get3A_1564, %get3A_52 : vector<16xf32>
      %swap3A_1566 = arith.constant 31 : i32
      %swap3A_1567 = arith.index_cast %swap3A_1566 : i32 to index
      %swap3A_1568 = arith.constant 16 : index
      %swap3A_1569 = tpu.vector_load %arg7[%swap3A_1567, %swap3A_1568] {strides = array<i32>} : memref<64x50xf32, #tpu.memory_space<vmem>>, vector<1x16xf32>,
      %swap3A_1570 = vector.shape_cast %swap3A_1569 : vector<1x16xf32> to vector<16xf32>
      %swap3A_1571 = vector.shape_cast %add3A_1565 : vector<16xf32> to vector<1x16xf32>
      tpu.vector_store %arg7[%swap3A_1567, %swap3A_1568], %swap3A_1571 {strides = array<i32>} : memref<64x50xf32, #tpu.memory_space<vmem>>, vector<1x16xf32>,
      %get3A_1572 = arith.constant 31 : i32
      %get3A_1573 = arith.index_cast %get3A_1572 : i32 to index
      %get3A_1574 = arith.constant 32 : index
      %get3A_1575 = tpu.vector_load %arg5[%get3A_1573, %get3A_1574] {strides = array<i32>} : memref<64x50xf32, #tpu.memory_space<vmem>>, vector<1x16xf32>,
      %get3A_1576 = vector.shape_cast %get3A_1575 : vector<1x16xf32> to vector<16xf32>
      %add3A_1577 = arith.addf %get3A_1576, %get3A_56 : vector<16xf32>
      %swap3A_1578 = arith.constant 31 : i32
      %swap3A_1579 = arith.index_cast %swap3A_1578 : i32 to index
      %swap3A_1580 = arith.constant 32 : index
      %swap3A_1581 = tpu.vector_load %arg7[%swap3A_1579, %swap3A_1580] {strides = array<i32>} : memref<64x50xf32, #tpu.memory_space<vmem>>, vector<1x16xf32>,
      %swap3A_1582 = vector.shape_cast %swap3A_1581 : vector<1x16xf32> to vector<16xf32>
      %swap3A_1583 = vector.shape_cast %add3A_1577 : vector<16xf32> to vector<1x16xf32>
      tpu.vector_store %arg7[%swap3A_1579, %swap3A_1580], %swap3A_1583 {strides = array<i32>} : memref<64x50xf32, #tpu.memory_space<vmem>>, vector<1x16xf32>,
      %get3A_1584 = arith.constant 31 : i32
      %get3A_1585 = arith.index_cast %get3A_1584 : i32 to index
      %get3A_1586 = arith.constant 34 : index
      %get3A_1587 = tpu.vector_load %arg5[%get3A_1585, %get3A_1586] {strides = array<i32>} : memref<64x50xf32, #tpu.memory_space<vmem>>, vector<1x16xf32>,
      %get3A_1588 = vector.shape_cast %get3A_1587 : vector<1x16xf32> to vector<16xf32>
      %add3A_1589 = arith.addf %get3A_1588, %get3A_60 : vector<16xf32>
      %swap3A_1590 = arith.constant 31 : i32
      %swap3A_1591 = arith.index_cast %swap3A_1590 : i32 to index
      %swap3A_1592 = arith.constant 34 : index
      %swap3A_1593 = tpu.vector_load %arg7[%swap3A_1591, %swap3A_1592] {strides = array<i32>} : memref<64x50xf32, #tpu.memory_space<vmem>>, vector<1x16xf32>,
      %swap3A_1594 = vector.shape_cast %swap3A_1593 : vector<1x16xf32> to vector<16xf32>
      %swap3A_1595 = vector.shape_cast %add3A_1589 : vector<16xf32> to vector<1x16xf32>
      tpu.vector_store %arg7[%swap3A_1591, %swap3A_1592], %swap3A_1595 {strides = array<i32>} : memref<64x50xf32, #tpu.memory_space<vmem>>, vector<1x16xf32>,
      %get3A_1596 = arith.constant 32 : i32
      %get3A_1597 = arith.index_cast %get3A_1596 : i32 to index
      %get3A_1598 = arith.constant 0 : index
      %get3A_1599 = tpu.vector_load %arg5[%get3A_1597, %get3A_1598] {strides = array<i32>} : memref<64x50xf32, #tpu.memory_space<vmem>>, vector<1x16xf32>,
      %get3A_1600 = vector.shape_cast %get3A_1599 : vector<1x16xf32> to vector<16xf32>
      %add3A_1601 = arith.addf %get3A_1600, %get3A_48 : vector<16xf32>
      %swap3A_1602 = arith.constant 32 : i32
      %swap3A_1603 = arith.index_cast %swap3A_1602 : i32 to index
      %swap3A_1604 = arith.constant 0 : index
      %swap3A_1605 = tpu.vector_load %arg7[%swap3A_1603, %swap3A_1604] {strides = array<i32>} : memref<64x50xf32, #tpu.memory_space<vmem>>, vector<1x16xf32>,
      %swap3A_1606 = vector.shape_cast %swap3A_1605 : vector<1x16xf32> to vector<16xf32>
      %swap3A_1607 = vector.shape_cast %add3A_1601 : vector<16xf32> to vector<1x16xf32>
      tpu.vector_store %arg7[%swap3A_1603, %swap3A_1604], %swap3A_1607 {strides = array<i32>} : memref<64x50xf32, #tpu.memory_space<vmem>>, vector<1x16xf32>,
      %get3A_1608 = arith.constant 32 : i32
      %get3A_1609 = arith.index_cast %get3A_1608 : i32 to index
      %get3A_1610 = arith.constant 16 : index
      %get3A_1611 = tpu.vector_load %arg5[%get3A_1609, %get3A_1610] {strides = array<i32>} : memref<64x50xf32, #tpu.memory_space<vmem>>, vector<1x16xf32>,
      %get3A_1612 = vector.shape_cast %get3A_1611 : vector<1x16xf32> to vector<16xf32>
      %add3A_1613 = arith.addf %get3A_1612, %get3A_52 : vector<16xf32>
      %swap3A_1614 = arith.constant 32 : i32
      %swap3A_1615 = arith.index_cast %swap3A_1614 : i32 to index
      %swap3A_1616 = arith.constant 16 : index
      %swap3A_1617 = tpu.vector_load %arg7[%swap3A_1615, %swap3A_1616] {strides = array<i32>} : memref<64x50xf32, #tpu.memory_space<vmem>>, vector<1x16xf32>,
      %swap3A_1618 = vector.shape_cast %swap3A_1617 : vector<1x16xf32> to vector<16xf32>
      %swap3A_1619 = vector.shape_cast %add3A_1613 : vector<16xf32> to vector<1x16xf32>
      tpu.vector_store %arg7[%swap3A_1615, %swap3A_1616], %swap3A_1619 {strides = array<i32>} : memref<64x50xf32, #tpu.memory_space<vmem>>, vector<1x16xf32>,
      %get3A_1620 = arith.constant 32 : i32
      %get3A_1621 = arith.index_cast %get3A_1620 : i32 to index
      %get3A_1622 = arith.constant 32 : index
      %get3A_1623 = tpu.vector_load %arg5[%get3A_1621, %get3A_1622] {strides = array<i32>} : memref<64x50xf32, #tpu.memory_space<vmem>>, vector<1x16xf32>,
      %get3A_1624 = vector.shape_cast %get3A_1623 : vector<1x16xf32> to vector<16xf32>
      %add3A_1625 = arith.addf %get3A_1624, %get3A_56 : vector<16xf32>
      %swap3A_1626 = arith.constant 32 : i32
      %swap3A_1627 = arith.index_cast %swap3A_1626 : i32 to index
      %swap3A_1628 = arith.constant 32 : index
      %swap3A_1629 = tpu.vector_load %arg7[%swap3A_1627, %swap3A_1628] {strides = array<i32>} : memref<64x50xf32, #tpu.memory_space<vmem>>, vector<1x16xf32>,
      %swap3A_1630 = vector.shape_cast %swap3A_1629 : vector<1x16xf32> to vector<16xf32>
      %swap3A_1631 = vector.shape_cast %add3A_1625 : vector<16xf32> to vector<1x16xf32>
      tpu.vector_store %arg7[%swap3A_1627, %swap3A_1628], %swap3A_1631 {strides = array<i32>} : memref<64x50xf32, #tpu.memory_space<vmem>>, vector<1x16xf32>,
      %get3A_1632 = arith.constant 32 : i32
      %get3A_1633 = arith.index_cast %get3A_1632 : i32 to index
      %get3A_1634 = arith.constant 34 : index
      %get3A_1635 = tpu.vector_load %arg5[%get3A_1633, %get3A_1634] {strides = array<i32>} : memref<64x50xf32, #tpu.memory_space<vmem>>, vector<1x16xf32>,
      %get3A_1636 = vector.shape_cast %get3A_1635 : vector<1x16xf32> to vector<16xf32>
      %add3A_1637 = arith.addf %get3A_1636, %get3A_60 : vector<16xf32>
      %swap3A_1638 = arith.constant 32 : i32
      %swap3A_1639 = arith.index_cast %swap3A_1638 : i32 to index
      %swap3A_1640 = arith.constant 34 : index
      %swap3A_1641 = tpu.vector_load %arg7[%swap3A_1639, %swap3A_1640] {strides = array<i32>} : memref<64x50xf32, #tpu.memory_space<vmem>>, vector<1x16xf32>,
      %swap3A_1642 = vector.shape_cast %swap3A_1641 : vector<1x16xf32> to vector<16xf32>
      %swap3A_1643 = vector.shape_cast %add3A_1637 : vector<16xf32> to vector<1x16xf32>
      tpu.vector_store %arg7[%swap3A_1639, %swap3A_1640], %swap3A_1643 {strides = array<i32>} : memref<64x50xf32, #tpu.memory_space<vmem>>, vector<1x16xf32>,
      %get3A_1644 = arith.constant 33 : i32
      %get3A_1645 = arith.index_cast %get3A_1644 : i32 to index
      %get3A_1646 = arith.constant 0 : index
      %get3A_1647 = tpu.vector_load %arg5[%get3A_1645, %get3A_1646] {strides = array<i32>} : memref<64x50xf32, #tpu.memory_space<vmem>>, vector<1x16xf32>,
      %get3A_1648 = vector.shape_cast %get3A_1647 : vector<1x16xf32> to vector<16xf32>
      %add3A_1649 = arith.addf %get3A_1648, %get3A_48 : vector<16xf32>
      %swap3A_1650 = arith.constant 33 : i32
      %swap3A_1651 = arith.index_cast %swap3A_1650 : i32 to index
      %swap3A_1652 = arith.constant 0 : index
      %swap3A_1653 = tpu.vector_load %arg7[%swap3A_1651, %swap3A_1652] {strides = array<i32>} : memref<64x50xf32, #tpu.memory_space<vmem>>, vector<1x16xf32>,
      %swap3A_1654 = vector.shape_cast %swap3A_1653 : vector<1x16xf32> to vector<16xf32>
      %swap3A_1655 = vector.shape_cast %add3A_1649 : vector<16xf32> to vector<1x16xf32>
      tpu.vector_store %arg7[%swap3A_1651, %swap3A_1652], %swap3A_1655 {strides = array<i32>} : memref<64x50xf32, #tpu.memory_space<vmem>>, vector<1x16xf32>,
      %get3A_1656 = arith.constant 33 : i32
      %get3A_1657 = arith.index_cast %get3A_1656 : i32 to index
      %get3A_1658 = arith.constant 16 : index
      %get3A_1659 = tpu.vector_load %arg5[%get3A_1657, %get3A_1658] {strides = array<i32>} : memref<64x50xf32, #tpu.memory_space<vmem>>, vector<1x16xf32>,
      %get3A_1660 = vector.shape_cast %get3A_1659 : vector<1x16xf32> to vector<16xf32>
      %add3A_1661 = arith.addf %get3A_1660, %get3A_52 : vector<16xf32>
      %swap3A_1662 = arith.constant 33 : i32
      %swap3A_1663 = arith.index_cast %swap3A_1662 : i32 to index
      %swap3A_1664 = arith.constant 16 : index
      %swap3A_1665 = tpu.vector_load %arg7[%swap3A_1663, %swap3A_1664] {strides = array<i32>} : memref<64x50xf32, #tpu.memory_space<vmem>>, vector<1x16xf32>,
      %swap3A_1666 = vector.shape_cast %swap3A_1665 : vector<1x16xf32> to vector<16xf32>
      %swap3A_1667 = vector.shape_cast %add3A_1661 : vector<16xf32> to vector<1x16xf32>
      tpu.vector_store %arg7[%swap3A_1663, %swap3A_1664], %swap3A_1667 {strides = array<i32>} : memref<64x50xf32, #tpu.memory_space<vmem>>, vector<1x16xf32>,
      %get3A_1668 = arith.constant 33 : i32
      %get3A_1669 = arith.index_cast %get3A_1668 : i32 to index
      %get3A_1670 = arith.constant 32 : index
      %get3A_1671 = tpu.vector_load %arg5[%get3A_1669, %get3A_1670] {strides = array<i32>} : memref<64x50xf32, #tpu.memory_space<vmem>>, vector<1x16xf32>,
      %get3A_1672 = vector.shape_cast %get3A_1671 : vector<1x16xf32> to vector<16xf32>
      %add3A_1673 = arith.addf %get3A_1672, %get3A_56 : vector<16xf32>
      %swap3A_1674 = arith.constant 33 : i32
      %swap3A_1675 = arith.index_cast %swap3A_1674 : i32 to index
      %swap3A_1676 = arith.constant 32 : index
      %swap3A_1677 = tpu.vector_load %arg7[%swap3A_1675, %swap3A_1676] {strides = array<i32>} : memref<64x50xf32, #tpu.memory_space<vmem>>, vector<1x16xf32>,
      %swap3A_1678 = vector.shape_cast %swap3A_1677 : vector<1x16xf32> to vector<16xf32>
      %swap3A_1679 = vector.shape_cast %add3A_1673 : vector<16xf32> to vector<1x16xf32>
      tpu.vector_store %arg7[%swap3A_1675, %swap3A_1676], %swap3A_1679 {strides = array<i32>} : memref<64x50xf32, #tpu.memory_space<vmem>>, vector<1x16xf32>,
      %get3A_1680 = arith.constant 33 : i32
      %get3A_1681 = arith.index_cast %get3A_1680 : i32 to index
      %get3A_1682 = arith.constant 34 : index
      %get3A_1683 = tpu.vector_load %arg5[%get3A_1681, %get3A_1682] {strides = array<i32>} : memref<64x50xf32, #tpu.memory_space<vmem>>, vector<1x16xf32>,
      %get3A_1684 = vector.shape_cast %get3A_1683 : vector<1x16xf32> to vector<16xf32>
      %add3A_1685 = arith.addf %get3A_1684, %get3A_60 : vector<16xf32>
      %swap3A_1686 = arith.constant 33 : i32
      %swap3A_1687 = arith.index_cast %swap3A_1686 : i32 to index
      %swap3A_1688 = arith.constant 34 : index
      %swap3A_1689 = tpu.vector_load %arg7[%swap3A_1687, %swap3A_1688] {strides = array<i32>} : memref<64x50xf32, #tpu.memory_space<vmem>>, vector<1x16xf32>,
      %swap3A_1690 = vector.shape_cast %swap3A_1689 : vector<1x16xf32> to vector<16xf32>
      %swap3A_1691 = vector.shape_cast %add3A_1685 : vector<16xf32> to vector<1x16xf32>
      tpu.vector_store %arg7[%swap3A_1687, %swap3A_1688], %swap3A_1691 {strides = array<i32>} : memref<64x50xf32, #tpu.memory_space<vmem>>, vector<1x16xf32>,
      %get3A_1692 = arith.constant 34 : i32
      %get3A_1693 = arith.index_cast %get3A_1692 : i32 to index
      %get3A_1694 = arith.constant 0 : index
      %get3A_1695 = tpu.vector_load %arg5[%get3A_1693, %get3A_1694] {strides = array<i32>} : memref<64x50xf32, #tpu.memory_space<vmem>>, vector<1x16xf32>,
      %get3A_1696 = vector.shape_cast %get3A_1695 : vector<1x16xf32> to vector<16xf32>
      %add3A_1697 = arith.addf %get3A_1696, %get3A_48 : vector<16xf32>
      %swap3A_1698 = arith.constant 34 : i32
      %swap3A_1699 = arith.index_cast %swap3A_1698 : i32 to index
      %swap3A_1700 = arith.constant 0 : index
      %swap3A_1701 = tpu.vector_load %arg7[%swap3A_1699, %swap3A_1700] {strides = array<i32>} : memref<64x50xf32, #tpu.memory_space<vmem>>, vector<1x16xf32>,
      %swap3A_1702 = vector.shape_cast %swap3A_1701 : vector<1x16xf32> to vector<16xf32>
      %swap3A_1703 = vector.shape_cast %add3A_1697 : vector<16xf32> to vector<1x16xf32>
      tpu.vector_store %arg7[%swap3A_1699, %swap3A_1700], %swap3A_1703 {strides = array<i32>} : memref<64x50xf32, #tpu.memory_space<vmem>>, vector<1x16xf32>,
      %get3A_1704 = arith.constant 34 : i32
      %get3A_1705 = arith.index_cast %get3A_1704 : i32 to index
      %get3A_1706 = arith.constant 16 : index
      %get3A_1707 = tpu.vector_load %arg5[%get3A_1705, %get3A_1706] {strides = array<i32>} : memref<64x50xf32, #tpu.memory_space<vmem>>, vector<1x16xf32>,
      %get3A_1708 = vector.shape_cast %get3A_1707 : vector<1x16xf32> to vector<16xf32>
      %add3A_1709 = arith.addf %get3A_1708, %get3A_52 : vector<16xf32>
      %swap3A_1710 = arith.constant 34 : i32
      %swap3A_1711 = arith.index_cast %swap3A_1710 : i32 to index
      %swap3A_1712 = arith.constant 16 : index
      %swap3A_1713 = tpu.vector_load %arg7[%swap3A_1711, %swap3A_1712] {strides = array<i32>} : memref<64x50xf32, #tpu.memory_space<vmem>>, vector<1x16xf32>,
      %swap3A_1714 = vector.shape_cast %swap3A_1713 : vector<1x16xf32> to vector<16xf32>
      %swap3A_1715 = vector.shape_cast %add3A_1709 : vector<16xf32> to vector<1x16xf32>
      tpu.vector_store %arg7[%swap3A_1711, %swap3A_1712], %swap3A_1715 {strides = array<i32>} : memref<64x50xf32, #tpu.memory_space<vmem>>, vector<1x16xf32>,
      %get3A_1716 = arith.constant 34 : i32
      %get3A_1717 = arith.index_cast %get3A_1716 : i32 to index
      %get3A_1718 = arith.constant 32 : index
      %get3A_1719 = tpu.vector_load %arg5[%get3A_1717, %get3A_1718] {strides = array<i32>} : memref<64x50xf32, #tpu.memory_space<vmem>>, vector<1x16xf32>,
      %get3A_1720 = vector.shape_cast %get3A_1719 : vector<1x16xf32> to vector<16xf32>
      %add3A_1721 = arith.addf %get3A_1720, %get3A_56 : vector<16xf32>
      %swap3A_1722 = arith.constant 34 : i32
      %swap3A_1723 = arith.index_cast %swap3A_1722 : i32 to index
      %swap3A_1724 = arith.constant 32 : index
      %swap3A_1725 = tpu.vector_load %arg7[%swap3A_1723, %swap3A_1724] {strides = array<i32>} : memref<64x50xf32, #tpu.memory_space<vmem>>, vector<1x16xf32>,
      %swap3A_1726 = vector.shape_cast %swap3A_1725 : vector<1x16xf32> to vector<16xf32>
      %swap3A_1727 = vector.shape_cast %add3A_1721 : vector<16xf32> to vector<1x16xf32>
      tpu.vector_store %arg7[%swap3A_1723, %swap3A_1724], %swap3A_1727 {strides = array<i32>} : memref<64x50xf32, #tpu.memory_space<vmem>>, vector<1x16xf32>,
      %get3A_1728 = arith.constant 34 : i32
      %get3A_1729 = arith.index_cast %get3A_1728 : i32 to index
      %get3A_1730 = arith.constant 34 : index
      %get3A_1731 = tpu.vector_load %arg5[%get3A_1729, %get3A_1730] {strides = array<i32>} : memref<64x50xf32, #tpu.memory_space<vmem>>, vector<1x16xf32>,
      %get3A_1732 = vector.shape_cast %get3A_1731 : vector<1x16xf32> to vector<16xf32>
      %add3A_1733 = arith.addf %get3A_1732, %get3A_60 : vector<16xf32>
      %swap3A_1734 = arith.constant 34 : i32
      %swap3A_1735 = arith.index_cast %swap3A_1734 : i32 to index
      %swap3A_1736 = arith.constant 34 : index
      %swap3A_1737 = tpu.vector_load %arg7[%swap3A_1735, %swap3A_1736] {strides = array<i32>} : memref<64x50xf32, #tpu.memory_space<vmem>>, vector<1x16xf32>,
      %swap3A_1738 = vector.shape_cast %swap3A_1737 : vector<1x16xf32> to vector<16xf32>
      %swap3A_1739 = vector.shape_cast %add3A_1733 : vector<16xf32> to vector<1x16xf32>
      tpu.vector_store %arg7[%swap3A_1735, %swap3A_1736], %swap3A_1739 {strides = array<i32>} : memref<64x50xf32, #tpu.memory_space<vmem>>, vector<1x16xf32>,
      %get3A_1740 = arith.constant 35 : i32
      %get3A_1741 = arith.index_cast %get3A_1740 : i32 to index
      %get3A_1742 = arith.constant 0 : index
      %get3A_1743 = tpu.vector_load %arg5[%get3A_1741, %get3A_1742] {strides = array<i32>} : memref<64x50xf32, #tpu.memory_space<vmem>>, vector<1x16xf32>,
      %get3A_1744 = vector.shape_cast %get3A_1743 : vector<1x16xf32> to vector<16xf32>
      %add3A_1745 = arith.addf %get3A_1744, %get3A_48 : vector<16xf32>
      %swap3A_1746 = arith.constant 35 : i32
      %swap3A_1747 = arith.index_cast %swap3A_1746 : i32 to index
      %swap3A_1748 = arith.constant 0 : index
      %swap3A_1749 = tpu.vector_load %arg7[%swap3A_1747, %swap3A_1748] {strides = array<i32>} : memref<64x50xf32, #tpu.memory_space<vmem>>, vector<1x16xf32>,
      %swap3A_1750 = vector.shape_cast %swap3A_1749 : vector<1x16xf32> to vector<16xf32>
      %swap3A_1751 = vector.shape_cast %add3A_1745 : vector<16xf32> to vector<1x16xf32>
      tpu.vector_store %arg7[%swap3A_1747, %swap3A_1748], %swap3A_1751 {strides = array<i32>} : memref<64x50xf32, #tpu.memory_space<vmem>>, vector<1x16xf32>,
      %get3A_1752 = arith.constant 35 : i32
      %get3A_1753 = arith.index_cast %get3A_1752 : i32 to index
      %get3A_1754 = arith.constant 16 : index
      %get3A_1755 = tpu.vector_load %arg5[%get3A_1753, %get3A_1754] {strides = array<i32>} : memref<64x50xf32, #tpu.memory_space<vmem>>, vector<1x16xf32>,
      %get3A_1756 = vector.shape_cast %get3A_1755 : vector<1x16xf32> to vector<16xf32>
      %add3A_1757 = arith.addf %get3A_1756, %get3A_52 : vector<16xf32>
      %swap3A_1758 = arith.constant 35 : i32
      %swap3A_1759 = arith.index_cast %swap3A_1758 : i32 to index
      %swap3A_1760 = arith.constant 16 : index
      %swap3A_1761 = tpu.vector_load %arg7[%swap3A_1759, %swap3A_1760] {strides = array<i32>} : memref<64x50xf32, #tpu.memory_space<vmem>>, vector<1x16xf32>,
      %swap3A_1762 = vector.shape_cast %swap3A_1761 : vector<1x16xf32> to vector<16xf32>
      %swap3A_1763 = vector.shape_cast %add3A_1757 : vector<16xf32> to vector<1x16xf32>
      tpu.vector_store %arg7[%swap3A_1759, %swap3A_1760], %swap3A_1763 {strides = array<i32>} : memref<64x50xf32, #tpu.memory_space<vmem>>, vector<1x16xf32>,
      %get3A_1764 = arith.constant 35 : i32
      %get3A_1765 = arith.index_cast %get3A_1764 : i32 to index
      %get3A_1766 = arith.constant 32 : index
      %get3A_1767 = tpu.vector_load %arg5[%get3A_1765, %get3A_1766] {strides = array<i32>} : memref<64x50xf32, #tpu.memory_space<vmem>>, vector<1x16xf32>,
      %get3A_1768 = vector.shape_cast %get3A_1767 : vector<1x16xf32> to vector<16xf32>
      %add3A_1769 = arith.addf %get3A_1768, %get3A_56 : vector<16xf32>
      %swap3A_1770 = arith.constant 35 : i32
      %swap3A_1771 = arith.index_cast %swap3A_1770 : i32 to index
      %swap3A_1772 = arith.constant 32 : index
      %swap3A_1773 = tpu.vector_load %arg7[%swap3A_1771, %swap3A_1772] {strides = array<i32>} : memref<64x50xf32, #tpu.memory_space<vmem>>, vector<1x16xf32>,
      %swap3A_1774 = vector.shape_cast %swap3A_1773 : vector<1x16xf32> to vector<16xf32>
      %swap3A_1775 = vector.shape_cast %add3A_1769 : vector<16xf32> to vector<1x16xf32>
      tpu.vector_store %arg7[%swap3A_1771, %swap3A_1772], %swap3A_1775 {strides = array<i32>} : memref<64x50xf32, #tpu.memory_space<vmem>>, vector<1x16xf32>,
      %get3A_1776 = arith.constant 35 : i32
      %get3A_1777 = arith.index_cast %get3A_1776 : i32 to index
      %get3A_1778 = arith.constant 34 : index
      %get3A_1779 = tpu.vector_load %arg5[%get3A_1777, %get3A_1778] {strides = array<i32>} : memref<64x50xf32, #tpu.memory_space<vmem>>, vector<1x16xf32>,
      %get3A_1780 = vector.shape_cast %get3A_1779 : vector<1x16xf32> to vector<16xf32>
      %add3A_1781 = arith.addf %get3A_1780, %get3A_60 : vector<16xf32>
      %swap3A_1782 = arith.constant 35 : i32
      %swap3A_1783 = arith.index_cast %swap3A_1782 : i32 to index
      %swap3A_1784 = arith.constant 34 : index
      %swap3A_1785 = tpu.vector_load %arg7[%swap3A_1783, %swap3A_1784] {strides = array<i32>} : memref<64x50xf32, #tpu.memory_space<vmem>>, vector<1x16xf32>,
      %swap3A_1786 = vector.shape_cast %swap3A_1785 : vector<1x16xf32> to vector<16xf32>
      %swap3A_1787 = vector.shape_cast %add3A_1781 : vector<16xf32> to vector<1x16xf32>
      tpu.vector_store %arg7[%swap3A_1783, %swap3A_1784], %swap3A_1787 {strides = array<i32>} : memref<64x50xf32, #tpu.memory_space<vmem>>, vector<1x16xf32>,
      %get3A_1788 = arith.constant 36 : i32
      %get3A_1789 = arith.index_cast %get3A_1788 : i32 to index
      %get3A_1790 = arith.constant 0 : index
      %get3A_1791 = tpu.vector_load %arg5[%get3A_1789, %get3A_1790] {strides = array<i32>} : memref<64x50xf32, #tpu.memory_space<vmem>>, vector<1x16xf32>,
      %get3A_1792 = vector.shape_cast %get3A_1791 : vector<1x16xf32> to vector<16xf32>
      %add3A_1793 = arith.addf %get3A_1792, %get3A_48 : vector<16xf32>
      %swap3A_1794 = arith.constant 36 : i32
      %swap3A_1795 = arith.index_cast %swap3A_1794 : i32 to index
      %swap3A_1796 = arith.constant 0 : index
      %swap3A_1797 = tpu.vector_load %arg7[%swap3A_1795, %swap3A_1796] {strides = array<i32>} : memref<64x50xf32, #tpu.memory_space<vmem>>, vector<1x16xf32>,
      %swap3A_1798 = vector.shape_cast %swap3A_1797 : vector<1x16xf32> to vector<16xf32>
      %swap3A_1799 = vector.shape_cast %add3A_1793 : vector<16xf32> to vector<1x16xf32>
      tpu.vector_store %arg7[%swap3A_1795, %swap3A_1796], %swap3A_1799 {strides = array<i32>} : memref<64x50xf32, #tpu.memory_space<vmem>>, vector<1x16xf32>,
      %get3A_1800 = arith.constant 36 : i32
      %get3A_1801 = arith.index_cast %get3A_1800 : i32 to index
      %get3A_1802 = arith.constant 16 : index
      %get3A_1803 = tpu.vector_load %arg5[%get3A_1801, %get3A_1802] {strides = array<i32>} : memref<64x50xf32, #tpu.memory_space<vmem>>, vector<1x16xf32>,
      %get3A_1804 = vector.shape_cast %get3A_1803 : vector<1x16xf32> to vector<16xf32>
      %add3A_1805 = arith.addf %get3A_1804, %get3A_52 : vector<16xf32>
      %swap3A_1806 = arith.constant 36 : i32
      %swap3A_1807 = arith.index_cast %swap3A_1806 : i32 to index
      %swap3A_1808 = arith.constant 16 : index
      %swap3A_1809 = tpu.vector_load %arg7[%swap3A_1807, %swap3A_1808] {strides = array<i32>} : memref<64x50xf32, #tpu.memory_space<vmem>>, vector<1x16xf32>,
      %swap3A_1810 = vector.shape_cast %swap3A_1809 : vector<1x16xf32> to vector<16xf32>
      %swap3A_1811 = vector.shape_cast %add3A_1805 : vector<16xf32> to vector<1x16xf32>
      tpu.vector_store %arg7[%swap3A_1807, %swap3A_1808], %swap3A_1811 {strides = array<i32>} : memref<64x50xf32, #tpu.memory_space<vmem>>, vector<1x16xf32>,
      %get3A_1812 = arith.constant 36 : i32
      %get3A_1813 = arith.index_cast %get3A_1812 : i32 to index
      %get3A_1814 = arith.constant 32 : index
      %get3A_1815 = tpu.vector_load %arg5[%get3A_1813, %get3A_1814] {strides = array<i32>} : memref<64x50xf32, #tpu.memory_space<vmem>>, vector<1x16xf32>,
      %get3A_1816 = vector.shape_cast %get3A_1815 : vector<1x16xf32> to vector<16xf32>
      %add3A_1817 = arith.addf %get3A_1816, %get3A_56 : vector<16xf32>
      %swap3A_1818 = arith.constant 36 : i32
      %swap3A_1819 = arith.index_cast %swap3A_1818 : i32 to index
      %swap3A_1820 = arith.constant 32 : index
      %swap3A_1821 = tpu.vector_load %arg7[%swap3A_1819, %swap3A_1820] {strides = array<i32>} : memref<64x50xf32, #tpu.memory_space<vmem>>, vector<1x16xf32>,
      %swap3A_1822 = vector.shape_cast %swap3A_1821 : vector<1x16xf32> to vector<16xf32>
      %swap3A_1823 = vector.shape_cast %add3A_1817 : vector<16xf32> to vector<1x16xf32>
      tpu.vector_store %arg7[%swap3A_1819, %swap3A_1820], %swap3A_1823 {strides = array<i32>} : memref<64x50xf32, #tpu.memory_space<vmem>>, vector<1x16xf32>,
      %get3A_1824 = arith.constant 36 : i32
      %get3A_1825 = arith.index_cast %get3A_1824 : i32 to index
      %get3A_1826 = arith.constant 34 : index
      %get3A_1827 = tpu.vector_load %arg5[%get3A_1825, %get3A_1826] {strides = array<i32>} : memref<64x50xf32, #tpu.memory_space<vmem>>, vector<1x16xf32>,
      %get3A_1828 = vector.shape_cast %get3A_1827 : vector<1x16xf32> to vector<16xf32>
      %add3A_1829 = arith.addf %get3A_1828, %get3A_60 : vector<16xf32>
      %swap3A_1830 = arith.constant 36 : i32
      %swap3A_1831 = arith.index_cast %swap3A_1830 : i32 to index
      %swap3A_1832 = arith.constant 34 : index
      %swap3A_1833 = tpu.vector_load %arg7[%swap3A_1831, %swap3A_1832] {strides = array<i32>} : memref<64x50xf32, #tpu.memory_space<vmem>>, vector<1x16xf32>,
      %swap3A_1834 = vector.shape_cast %swap3A_1833 : vector<1x16xf32> to vector<16xf32>
      %swap3A_1835 = vector.shape_cast %add3A_1829 : vector<16xf32> to vector<1x16xf32>
      tpu.vector_store %arg7[%swap3A_1831, %swap3A_1832], %swap3A_1835 {strides = array<i32>} : memref<64x50xf32, #tpu.memory_space<vmem>>, vector<1x16xf32>,
      %get3A_1836 = arith.constant 37 : i32
      %get3A_1837 = arith.index_cast %get3A_1836 : i32 to index
      %get3A_1838 = arith.constant 0 : index
      %get3A_1839 = tpu.vector_load %arg5[%get3A_1837, %get3A_1838] {strides = array<i32>} : memref<64x50xf32, #tpu.memory_space<vmem>>, vector<1x16xf32>,
      %get3A_1840 = vector.shape_cast %get3A_1839 : vector<1x16xf32> to vector<16xf32>
      %add3A_1841 = arith.addf %get3A_1840, %get3A_48 : vector<16xf32>
      %swap3A_1842 = arith.constant 37 : i32
      %swap3A_1843 = arith.index_cast %swap3A_1842 : i32 to index
      %swap3A_1844 = arith.constant 0 : index
      %swap3A_1845 = tpu.vector_load %arg7[%swap3A_1843, %swap3A_1844] {strides = array<i32>} : memref<64x50xf32, #tpu.memory_space<vmem>>, vector<1x16xf32>,
      %swap3A_1846 = vector.shape_cast %swap3A_1845 : vector<1x16xf32> to vector<16xf32>
      %swap3A_1847 = vector.shape_cast %add3A_1841 : vector<16xf32> to vector<1x16xf32>
      tpu.vector_store %arg7[%swap3A_1843, %swap3A_1844], %swap3A_1847 {strides = array<i32>} : memref<64x50xf32, #tpu.memory_space<vmem>>, vector<1x16xf32>,
      %get3A_1848 = arith.constant 37 : i32
      %get3A_1849 = arith.index_cast %get3A_1848 : i32 to index
      %get3A_1850 = arith.constant 16 : index
      %get3A_1851 = tpu.vector_load %arg5[%get3A_1849, %get3A_1850] {strides = array<i32>} : memref<64x50xf32, #tpu.memory_space<vmem>>, vector<1x16xf32>,
      %get3A_1852 = vector.shape_cast %get3A_1851 : vector<1x16xf32> to vector<16xf32>
      %add3A_1853 = arith.addf %get3A_1852, %get3A_52 : vector<16xf32>
      %swap3A_1854 = arith.constant 37 : i32
      %swap3A_1855 = arith.index_cast %swap3A_1854 : i32 to index
      %swap3A_1856 = arith.constant 16 : index
      %swap3A_1857 = tpu.vector_load %arg7[%swap3A_1855, %swap3A_1856] {strides = array<i32>} : memref<64x50xf32, #tpu.memory_space<vmem>>, vector<1x16xf32>,
      %swap3A_1858 = vector.shape_cast %swap3A_1857 : vector<1x16xf32> to vector<16xf32>
      %swap3A_1859 = vector.shape_cast %add3A_1853 : vector<16xf32> to vector<1x16xf32>
      tpu.vector_store %arg7[%swap3A_1855, %swap3A_1856], %swap3A_1859 {strides = array<i32>} : memref<64x50xf32, #tpu.memory_space<vmem>>, vector<1x16xf32>,
      %get3A_1860 = arith.constant 37 : i32
      %get3A_1861 = arith.index_cast %get3A_1860 : i32 to index
      %get3A_1862 = arith.constant 32 : index
      %get3A_1863 = tpu.vector_load %arg5[%get3A_1861, %get3A_1862] {strides = array<i32>} : memref<64x50xf32, #tpu.memory_space<vmem>>, vector<1x16xf32>,
      %get3A_1864 = vector.shape_cast %get3A_1863 : vector<1x16xf32> to vector<16xf32>
      %add3A_1865 = arith.addf %get3A_1864, %get3A_56 : vector<16xf32>
      %swap3A_1866 = arith.constant 37 : i32
      %swap3A_1867 = arith.index_cast %swap3A_1866 : i32 to index
      %swap3A_1868 = arith.constant 32 : index
      %swap3A_1869 = tpu.vector_load %arg7[%swap3A_1867, %swap3A_1868] {strides = array<i32>} : memref<64x50xf32, #tpu.memory_space<vmem>>, vector<1x16xf32>,
      %swap3A_1870 = vector.shape_cast %swap3A_1869 : vector<1x16xf32> to vector<16xf32>
      %swap3A_1871 = vector.shape_cast %add3A_1865 : vector<16xf32> to vector<1x16xf32>
      tpu.vector_store %arg7[%swap3A_1867, %swap3A_1868], %swap3A_1871 {strides = array<i32>} : memref<64x50xf32, #tpu.memory_space<vmem>>, vector<1x16xf32>,
      %get3A_1872 = arith.constant 37 : i32
      %get3A_1873 = arith.index_cast %get3A_1872 : i32 to index
      %get3A_1874 = arith.constant 34 : index
      %get3A_1875 = tpu.vector_load %arg5[%get3A_1873, %get3A_1874] {strides = array<i32>} : memref<64x50xf32, #tpu.memory_space<vmem>>, vector<1x16xf32>,
      %get3A_1876 = vector.shape_cast %get3A_1875 : vector<1x16xf32> to vector<16xf32>
      %add3A_1877 = arith.addf %get3A_1876, %get3A_60 : vector<16xf32>
      %swap3A_1878 = arith.constant 37 : i32
      %swap3A_1879 = arith.index_cast %swap3A_1878 : i32 to index
      %swap3A_1880 = arith.constant 34 : index
      %swap3A_1881 = tpu.vector_load %arg7[%swap3A_1879, %swap3A_1880] {strides = array<i32>} : memref<64x50xf32, #tpu.memory_space<vmem>>, vector<1x16xf32>,
      %swap3A_1882 = vector.shape_cast %swap3A_1881 : vector<1x16xf32> to vector<16xf32>
      %swap3A_1883 = vector.shape_cast %add3A_1877 : vector<16xf32> to vector<1x16xf32>
      tpu.vector_store %arg7[%swap3A_1879, %swap3A_1880], %swap3A_1883 {strides = array<i32>} : memref<64x50xf32, #tpu.memory_space<vmem>>, vector<1x16xf32>,
      %get3A_1884 = arith.constant 38 : i32
      %get3A_1885 = arith.index_cast %get3A_1884 : i32 to index
      %get3A_1886 = arith.constant 0 : index
      %get3A_1887 = tpu.vector_load %arg5[%get3A_1885, %get3A_1886] {strides = array<i32>} : memref<64x50xf32, #tpu.memory_space<vmem>>, vector<1x16xf32>,
      %get3A_1888 = vector.shape_cast %get3A_1887 : vector<1x16xf32> to vector<16xf32>
      %add3A_1889 = arith.addf %get3A_1888, %get3A_48 : vector<16xf32>
      %swap3A_1890 = arith.constant 38 : i32
      %swap3A_1891 = arith.index_cast %swap3A_1890 : i32 to index
      %swap3A_1892 = arith.constant 0 : index
      %swap3A_1893 = tpu.vector_load %arg7[%swap3A_1891, %swap3A_1892] {strides = array<i32>} : memref<64x50xf32, #tpu.memory_space<vmem>>, vector<1x16xf32>,
      %swap3A_1894 = vector.shape_cast %swap3A_1893 : vector<1x16xf32> to vector<16xf32>
      %swap3A_1895 = vector.shape_cast %add3A_1889 : vector<16xf32> to vector<1x16xf32>
      tpu.vector_store %arg7[%swap3A_1891, %swap3A_1892], %swap3A_1895 {strides = array<i32>} : memref<64x50xf32, #tpu.memory_space<vmem>>, vector<1x16xf32>,
      %get3A_1896 = arith.constant 38 : i32
      %get3A_1897 = arith.index_cast %get3A_1896 : i32 to index
      %get3A_1898 = arith.constant 16 : index
      %get3A_1899 = tpu.vector_load %arg5[%get3A_1897, %get3A_1898] {strides = array<i32>} : memref<64x50xf32, #tpu.memory_space<vmem>>, vector<1x16xf32>,
      %get3A_1900 = vector.shape_cast %get3A_1899 : vector<1x16xf32> to vector<16xf32>
      %add3A_1901 = arith.addf %get3A_1900, %get3A_52 : vector<16xf32>
      %swap3A_1902 = arith.constant 38 : i32
      %swap3A_1903 = arith.index_cast %swap3A_1902 : i32 to index
      %swap3A_1904 = arith.constant 16 : index
      %swap3A_1905 = tpu.vector_load %arg7[%swap3A_1903, %swap3A_1904] {strides = array<i32>} : memref<64x50xf32, #tpu.memory_space<vmem>>, vector<1x16xf32>,
      %swap3A_1906 = vector.shape_cast %swap3A_1905 : vector<1x16xf32> to vector<16xf32>
      %swap3A_1907 = vector.shape_cast %add3A_1901 : vector<16xf32> to vector<1x16xf32>
      tpu.vector_store %arg7[%swap3A_1903, %swap3A_1904], %swap3A_1907 {strides = array<i32>} : memref<64x50xf32, #tpu.memory_space<vmem>>, vector<1x16xf32>,
      %get3A_1908 = arith.constant 38 : i32
      %get3A_1909 = arith.index_cast %get3A_1908 : i32 to index
      %get3A_1910 = arith.constant 32 : index
      %get3A_1911 = tpu.vector_load %arg5[%get3A_1909, %get3A_1910] {strides = array<i32>} : memref<64x50xf32, #tpu.memory_space<vmem>>, vector<1x16xf32>,
      %get3A_1912 = vector.shape_cast %get3A_1911 : vector<1x16xf32> to vector<16xf32>
      %add3A_1913 = arith.addf %get3A_1912, %get3A_56 : vector<16xf32>
      %swap3A_1914 = arith.constant 38 : i32
      %swap3A_1915 = arith.index_cast %swap3A_1914 : i32 to index
      %swap3A_1916 = arith.constant 32 : index
      %swap3A_1917 = tpu.vector_load %arg7[%swap3A_1915, %swap3A_1916] {strides = array<i32>} : memref<64x50xf32, #tpu.memory_space<vmem>>, vector<1x16xf32>,
      %swap3A_1918 = vector.shape_cast %swap3A_1917 : vector<1x16xf32> to vector<16xf32>
      %swap3A_1919 = vector.shape_cast %add3A_1913 : vector<16xf32> to vector<1x16xf32>
      tpu.vector_store %arg7[%swap3A_1915, %swap3A_1916], %swap3A_1919 {strides = array<i32>} : memref<64x50xf32, #tpu.memory_space<vmem>>, vector<1x16xf32>,
      %get3A_1920 = arith.constant 38 : i32
      %get3A_1921 = arith.index_cast %get3A_1920 : i32 to index
      %get3A_1922 = arith.constant 34 : index
      %get3A_1923 = tpu.vector_load %arg5[%get3A_1921, %get3A_1922] {strides = array<i32>} : memref<64x50xf32, #tpu.memory_space<vmem>>, vector<1x16xf32>,
      %get3A_1924 = vector.shape_cast %get3A_1923 : vector<1x16xf32> to vector<16xf32>
      %add3A_1925 = arith.addf %get3A_1924, %get3A_60 : vector<16xf32>
      %swap3A_1926 = arith.constant 38 : i32
      %swap3A_1927 = arith.index_cast %swap3A_1926 : i32 to index
      %swap3A_1928 = arith.constant 34 : index
      %swap3A_1929 = tpu.vector_load %arg7[%swap3A_1927, %swap3A_1928] {strides = array<i32>} : memref<64x50xf32, #tpu.memory_space<vmem>>, vector<1x16xf32>,
      %swap3A_1930 = vector.shape_cast %swap3A_1929 : vector<1x16xf32> to vector<16xf32>
      %swap3A_1931 = vector.shape_cast %add3A_1925 : vector<16xf32> to vector<1x16xf32>
      tpu.vector_store %arg7[%swap3A_1927, %swap3A_1928], %swap3A_1931 {strides = array<i32>} : memref<64x50xf32, #tpu.memory_space<vmem>>, vector<1x16xf32>,
      %get3A_1932 = arith.constant 39 : i32
      %get3A_1933 = arith.index_cast %get3A_1932 : i32 to index
      %get3A_1934 = arith.constant 0 : index
      %get3A_1935 = tpu.vector_load %arg5[%get3A_1933, %get3A_1934] {strides = array<i32>} : memref<64x50xf32, #tpu.memory_space<vmem>>, vector<1x16xf32>,
      %get3A_1936 = vector.shape_cast %get3A_1935 : vector<1x16xf32> to vector<16xf32>
      %add3A_1937 = arith.addf %get3A_1936, %get3A_48 : vector<16xf32>
      %swap3A_1938 = arith.constant 39 : i32
      %swap3A_1939 = arith.index_cast %swap3A_1938 : i32 to index
      %swap3A_1940 = arith.constant 0 : index
      %swap3A_1941 = tpu.vector_load %arg7[%swap3A_1939, %swap3A_1940] {strides = array<i32>} : memref<64x50xf32, #tpu.memory_space<vmem>>, vector<1x16xf32>,
      %swap3A_1942 = vector.shape_cast %swap3A_1941 : vector<1x16xf32> to vector<16xf32>
      %swap3A_1943 = vector.shape_cast %add3A_1937 : vector<16xf32> to vector<1x16xf32>
      tpu.vector_store %arg7[%swap3A_1939, %swap3A_1940], %swap3A_1943 {strides = array<i32>} : memref<64x50xf32, #tpu.memory_space<vmem>>, vector<1x16xf32>,
      %get3A_1944 = arith.constant 39 : i32
      %get3A_1945 = arith.index_cast %get3A_1944 : i32 to index
      %get3A_1946 = arith.constant 16 : index
      %get3A_1947 = tpu.vector_load %arg5[%get3A_1945, %get3A_1946] {strides = array<i32>} : memref<64x50xf32, #tpu.memory_space<vmem>>, vector<1x16xf32>,
      %get3A_1948 = vector.shape_cast %get3A_1947 : vector<1x16xf32> to vector<16xf32>
      %add3A_1949 = arith.addf %get3A_1948, %get3A_52 : vector<16xf32>
      %swap3A_1950 = arith.constant 39 : i32
      %swap3A_1951 = arith.index_cast %swap3A_1950 : i32 to index
      %swap3A_1952 = arith.constant 16 : index
      %swap3A_1953 = tpu.vector_load %arg7[%swap3A_1951, %swap3A_1952] {strides = array<i32>} : memref<64x50xf32, #tpu.memory_space<vmem>>, vector<1x16xf32>,
      %swap3A_1954 = vector.shape_cast %swap3A_1953 : vector<1x16xf32> to vector<16xf32>
      %swap3A_1955 = vector.shape_cast %add3A_1949 : vector<16xf32> to vector<1x16xf32>
      tpu.vector_store %arg7[%swap3A_1951, %swap3A_1952], %swap3A_1955 {strides = array<i32>} : memref<64x50xf32, #tpu.memory_space<vmem>>, vector<1x16xf32>,
      %get3A_1956 = arith.constant 39 : i32
      %get3A_1957 = arith.index_cast %get3A_1956 : i32 to index
      %get3A_1958 = arith.constant 32 : index
      %get3A_1959 = tpu.vector_load %arg5[%get3A_1957, %get3A_1958] {strides = array<i32>} : memref<64x50xf32, #tpu.memory_space<vmem>>, vector<1x16xf32>,
      %get3A_1960 = vector.shape_cast %get3A_1959 : vector<1x16xf32> to vector<16xf32>
      %add3A_1961 = arith.addf %get3A_1960, %get3A_56 : vector<16xf32>
      %swap3A_1962 = arith.constant 39 : i32
      %swap3A_1963 = arith.index_cast %swap3A_1962 : i32 to index
      %swap3A_1964 = arith.constant 32 : index
      %swap3A_1965 = tpu.vector_load %arg7[%swap3A_1963, %swap3A_1964] {strides = array<i32>} : memref<64x50xf32, #tpu.memory_space<vmem>>, vector<1x16xf32>,
      %swap3A_1966 = vector.shape_cast %swap3A_1965 : vector<1x16xf32> to vector<16xf32>
      %swap3A_1967 = vector.shape_cast %add3A_1961 : vector<16xf32> to vector<1x16xf32>
      tpu.vector_store %arg7[%swap3A_1963, %swap3A_1964], %swap3A_1967 {strides = array<i32>} : memref<64x50xf32, #tpu.memory_space<vmem>>, vector<1x16xf32>,
      %get3A_1968 = arith.constant 39 : i32
      %get3A_1969 = arith.index_cast %get3A_1968 : i32 to index
      %get3A_1970 = arith.constant 34 : index
      %get3A_1971 = tpu.vector_load %arg5[%get3A_1969, %get3A_1970] {strides = array<i32>} : memref<64x50xf32, #tpu.memory_space<vmem>>, vector<1x16xf32>,
      %get3A_1972 = vector.shape_cast %get3A_1971 : vector<1x16xf32> to vector<16xf32>
      %add3A_1973 = arith.addf %get3A_1972, %get3A_60 : vector<16xf32>
      %swap3A_1974 = arith.constant 39 : i32
      %swap3A_1975 = arith.index_cast %swap3A_1974 : i32 to index
      %swap3A_1976 = arith.constant 34 : index
      %swap3A_1977 = tpu.vector_load %arg7[%swap3A_1975, %swap3A_1976] {strides = array<i32>} : memref<64x50xf32, #tpu.memory_space<vmem>>, vector<1x16xf32>,
      %swap3A_1978 = vector.shape_cast %swap3A_1977 : vector<1x16xf32> to vector<16xf32>
      %swap3A_1979 = vector.shape_cast %add3A_1973 : vector<16xf32> to vector<1x16xf32>
      tpu.vector_store %arg7[%swap3A_1975, %swap3A_1976], %swap3A_1979 {strides = array<i32>} : memref<64x50xf32, #tpu.memory_space<vmem>>, vector<1x16xf32>,
      %get3A_1980 = arith.constant 40 : i32
      %get3A_1981 = arith.index_cast %get3A_1980 : i32 to index
      %get3A_1982 = arith.constant 0 : index
      %get3A_1983 = tpu.vector_load %arg5[%get3A_1981, %get3A_1982] {strides = array<i32>} : memref<64x50xf32, #tpu.memory_space<vmem>>, vector<1x16xf32>,
      %get3A_1984 = vector.shape_cast %get3A_1983 : vector<1x16xf32> to vector<16xf32>
      %add3A_1985 = arith.addf %get3A_1984, %get3A_48 : vector<16xf32>
      %swap3A_1986 = arith.constant 40 : i32
      %swap3A_1987 = arith.index_cast %swap3A_1986 : i32 to index
      %swap3A_1988 = arith.constant 0 : index
      %swap3A_1989 = tpu.vector_load %arg7[%swap3A_1987, %swap3A_1988] {strides = array<i32>} : memref<64x50xf32, #tpu.memory_space<vmem>>, vector<1x16xf32>,
      %swap3A_1990 = vector.shape_cast %swap3A_1989 : vector<1x16xf32> to vector<16xf32>
      %swap3A_1991 = vector.shape_cast %add3A_1985 : vector<16xf32> to vector<1x16xf32>
      tpu.vector_store %arg7[%swap3A_1987, %swap3A_1988], %swap3A_1991 {strides = array<i32>} : memref<64x50xf32, #tpu.memory_space<vmem>>, vector<1x16xf32>,
      %get3A_1992 = arith.constant 40 : i32
      %get3A_1993 = arith.index_cast %get3A_1992 : i32 to index
      %get3A_1994 = arith.constant 16 : index
      %get3A_1995 = tpu.vector_load %arg5[%get3A_1993, %get3A_1994] {strides = array<i32>} : memref<64x50xf32, #tpu.memory_space<vmem>>, vector<1x16xf32>,
      %get3A_1996 = vector.shape_cast %get3A_1995 : vector<1x16xf32> to vector<16xf32>
      %add3A_1997 = arith.addf %get3A_1996, %get3A_52 : vector<16xf32>
      %swap3A_1998 = arith.constant 40 : i32
      %swap3A_1999 = arith.index_cast %swap3A_1998 : i32 to index
      %swap3A_2000 = arith.constant 16 : index
      %swap3A_2001 = tpu.vector_load %arg7[%swap3A_1999, %swap3A_2000] {strides = array<i32>} : memref<64x50xf32, #tpu.memory_space<vmem>>, vector<1x16xf32>,
      %swap3A_2002 = vector.shape_cast %swap3A_2001 : vector<1x16xf32> to vector<16xf32>
      %swap3A_2003 = vector.shape_cast %add3A_1997 : vector<16xf32> to vector<1x16xf32>
      tpu.vector_store %arg7[%swap3A_1999, %swap3A_2000], %swap3A_2003 {strides = array<i32>} : memref<64x50xf32, #tpu.memory_space<vmem>>, vector<1x16xf32>,
      %get3A_2004 = arith.constant 40 : i32
      %get3A_2005 = arith.index_cast %get3A_2004 : i32 to index
      %get3A_2006 = arith.constant 32 : index
      %get3A_2007 = tpu.vector_load %arg5[%get3A_2005, %get3A_2006] {strides = array<i32>} : memref<64x50xf32, #tpu.memory_space<vmem>>, vector<1x16xf32>,
      %get3A_2008 = vector.shape_cast %get3A_2007 : vector<1x16xf32> to vector<16xf32>
      %add3A_2009 = arith.addf %get3A_2008, %get3A_56 : vector<16xf32>
      %swap3A_2010 = arith.constant 40 : i32
      %swap3A_2011 = arith.index_cast %swap3A_2010 : i32 to index
      %swap3A_2012 = arith.constant 32 : index
      %swap3A_2013 = tpu.vector_load %arg7[%swap3A_2011, %swap3A_2012] {strides = array<i32>} : memref<64x50xf32, #tpu.memory_space<vmem>>, vector<1x16xf32>,
      %swap3A_2014 = vector.shape_cast %swap3A_2013 : vector<1x16xf32> to vector<16xf32>
      %swap3A_2015 = vector.shape_cast %add3A_2009 : vector<16xf32> to vector<1x16xf32>
      tpu.vector_store %arg7[%swap3A_2011, %swap3A_2012], %swap3A_2015 {strides = array<i32>} : memref<64x50xf32, #tpu.memory_space<vmem>>, vector<1x16xf32>,
      %get3A_2016 = arith.constant 40 : i32
      %get3A_2017 = arith.index_cast %get3A_2016 : i32 to index
      %get3A_2018 = arith.constant 34 : index
      %get3A_2019 = tpu.vector_load %arg5[%get3A_2017, %get3A_2018] {strides = array<i32>} : memref<64x50xf32, #tpu.memory_space<vmem>>, vector<1x16xf32>,
      %get3A_2020 = vector.shape_cast %get3A_2019 : vector<1x16xf32> to vector<16xf32>
      %add3A_2021 = arith.addf %get3A_2020, %get3A_60 : vector<16xf32>
      %swap3A_2022 = arith.constant 40 : i32
      %swap3A_2023 = arith.index_cast %swap3A_2022 : i32 to index
      %swap3A_2024 = arith.constant 34 : index
      %swap3A_2025 = tpu.vector_load %arg7[%swap3A_2023, %swap3A_2024] {strides = array<i32>} : memref<64x50xf32, #tpu.memory_space<vmem>>, vector<1x16xf32>,
      %swap3A_2026 = vector.shape_cast %swap3A_2025 : vector<1x16xf32> to vector<16xf32>
      %swap3A_2027 = vector.shape_cast %add3A_2021 : vector<16xf32> to vector<1x16xf32>
      tpu.vector_store %arg7[%swap3A_2023, %swap3A_2024], %swap3A_2027 {strides = array<i32>} : memref<64x50xf32, #tpu.memory_space<vmem>>, vector<1x16xf32>,
      %get3A_2028 = arith.constant 41 : i32
      %get3A_2029 = arith.index_cast %get3A_2028 : i32 to index
      %get3A_2030 = arith.constant 0 : index
      %get3A_2031 = tpu.vector_load %arg5[%get3A_2029, %get3A_2030] {strides = array<i32>} : memref<64x50xf32, #tpu.memory_space<vmem>>, vector<1x16xf32>,
      %get3A_2032 = vector.shape_cast %get3A_2031 : vector<1x16xf32> to vector<16xf32>
      %add3A_2033 = arith.addf %get3A_2032, %get3A_48 : vector<16xf32>
      %swap3A_2034 = arith.constant 41 : i32
      %swap3A_2035 = arith.index_cast %swap3A_2034 : i32 to index
      %swap3A_2036 = arith.constant 0 : index
      %swap3A_2037 = tpu.vector_load %arg7[%swap3A_2035, %swap3A_2036] {strides = array<i32>} : memref<64x50xf32, #tpu.memory_space<vmem>>, vector<1x16xf32>,
      %swap3A_2038 = vector.shape_cast %swap3A_2037 : vector<1x16xf32> to vector<16xf32>
      %swap3A_2039 = vector.shape_cast %add3A_2033 : vector<16xf32> to vector<1x16xf32>
      tpu.vector_store %arg7[%swap3A_2035, %swap3A_2036], %swap3A_2039 {strides = array<i32>} : memref<64x50xf32, #tpu.memory_space<vmem>>, vector<1x16xf32>,
      %get3A_2040 = arith.constant 41 : i32
      %get3A_2041 = arith.index_cast %get3A_2040 : i32 to index
      %get3A_2042 = arith.constant 16 : index
      %get3A_2043 = tpu.vector_load %arg5[%get3A_2041, %get3A_2042] {strides = array<i32>} : memref<64x50xf32, #tpu.memory_space<vmem>>, vector<1x16xf32>,
      %get3A_2044 = vector.shape_cast %get3A_2043 : vector<1x16xf32> to vector<16xf32>
      %add3A_2045 = arith.addf %get3A_2044, %get3A_52 : vector<16xf32>
      %swap3A_2046 = arith.constant 41 : i32
      %swap3A_2047 = arith.index_cast %swap3A_2046 : i32 to index
      %swap3A_2048 = arith.constant 16 : index
      %swap3A_2049 = tpu.vector_load %arg7[%swap3A_2047, %swap3A_2048] {strides = array<i32>} : memref<64x50xf32, #tpu.memory_space<vmem>>, vector<1x16xf32>,
      %swap3A_2050 = vector.shape_cast %swap3A_2049 : vector<1x16xf32> to vector<16xf32>
      %swap3A_2051 = vector.shape_cast %add3A_2045 : vector<16xf32> to vector<1x16xf32>
      tpu.vector_store %arg7[%swap3A_2047, %swap3A_2048], %swap3A_2051 {strides = array<i32>} : memref<64x50xf32, #tpu.memory_space<vmem>>, vector<1x16xf32>,
      %get3A_2052 = arith.constant 41 : i32
      %get3A_2053 = arith.index_cast %get3A_2052 : i32 to index
      %get3A_2054 = arith.constant 32 : index
      %get3A_2055 = tpu.vector_load %arg5[%get3A_2053, %get3A_2054] {strides = array<i32>} : memref<64x50xf32, #tpu.memory_space<vmem>>, vector<1x16xf32>,
      %get3A_2056 = vector.shape_cast %get3A_2055 : vector<1x16xf32> to vector<16xf32>
      %add3A_2057 = arith.addf %get3A_2056, %get3A_56 : vector<16xf32>
      %swap3A_2058 = arith.constant 41 : i32
      %swap3A_2059 = arith.index_cast %swap3A_2058 : i32 to index
      %swap3A_2060 = arith.constant 32 : index
      %swap3A_2061 = tpu.vector_load %arg7[%swap3A_2059, %swap3A_2060] {strides = array<i32>} : memref<64x50xf32, #tpu.memory_space<vmem>>, vector<1x16xf32>,
      %swap3A_2062 = vector.shape_cast %swap3A_2061 : vector<1x16xf32> to vector<16xf32>
      %swap3A_2063 = vector.shape_cast %add3A_2057 : vector<16xf32> to vector<1x16xf32>
      tpu.vector_store %arg7[%swap3A_2059, %swap3A_2060], %swap3A_2063 {strides = array<i32>} : memref<64x50xf32, #tpu.memory_space<vmem>>, vector<1x16xf32>,
      %get3A_2064 = arith.constant 41 : i32
      %get3A_2065 = arith.index_cast %get3A_2064 : i32 to index
      %get3A_2066 = arith.constant 34 : index
      %get3A_2067 = tpu.vector_load %arg5[%get3A_2065, %get3A_2066] {strides = array<i32>} : memref<64x50xf32, #tpu.memory_space<vmem>>, vector<1x16xf32>,
      %get3A_2068 = vector.shape_cast %get3A_2067 : vector<1x16xf32> to vector<16xf32>
      %add3A_2069 = arith.addf %get3A_2068, %get3A_60 : vector<16xf32>
      %swap3A_2070 = arith.constant 41 : i32
      %swap3A_2071 = arith.index_cast %swap3A_2070 : i32 to index
      %swap3A_2072 = arith.constant 34 : index
      %swap3A_2073 = tpu.vector_load %arg7[%swap3A_2071, %swap3A_2072] {strides = array<i32>} : memref<64x50xf32, #tpu.memory_space<vmem>>, vector<1x16xf32>,
      %swap3A_2074 = vector.shape_cast %swap3A_2073 : vector<1x16xf32> to vector<16xf32>
      %swap3A_2075 = vector.shape_cast %add3A_2069 : vector<16xf32> to vector<1x16xf32>
      tpu.vector_store %arg7[%swap3A_2071, %swap3A_2072], %swap3A_2075 {strides = array<i32>} : memref<64x50xf32, #tpu.memory_space<vmem>>, vector<1x16xf32>,
      %get3A_2076 = arith.constant 42 : i32
      %get3A_2077 = arith.index_cast %get3A_2076 : i32 to index
      %get3A_2078 = arith.constant 0 : index
      %get3A_2079 = tpu.vector_load %arg5[%get3A_2077, %get3A_2078] {strides = array<i32>} : memref<64x50xf32, #tpu.memory_space<vmem>>, vector<1x16xf32>,
      %get3A_2080 = vector.shape_cast %get3A_2079 : vector<1x16xf32> to vector<16xf32>
      %add3A_2081 = arith.addf %get3A_2080, %get3A_48 : vector<16xf32>
      %swap3A_2082 = arith.constant 42 : i32
      %swap3A_2083 = arith.index_cast %swap3A_2082 : i32 to index
      %swap3A_2084 = arith.constant 0 : index
      %swap3A_2085 = tpu.vector_load %arg7[%swap3A_2083, %swap3A_2084] {strides = array<i32>} : memref<64x50xf32, #tpu.memory_space<vmem>>, vector<1x16xf32>,
      %swap3A_2086 = vector.shape_cast %swap3A_2085 : vector<1x16xf32> to vector<16xf32>
      %swap3A_2087 = vector.shape_cast %add3A_2081 : vector<16xf32> to vector<1x16xf32>
      tpu.vector_store %arg7[%swap3A_2083, %swap3A_2084], %swap3A_2087 {strides = array<i32>} : memref<64x50xf32, #tpu.memory_space<vmem>>, vector<1x16xf32>,
      %get3A_2088 = arith.constant 42 : i32
      %get3A_2089 = arith.index_cast %get3A_2088 : i32 to index
      %get3A_2090 = arith.constant 16 : index
      %get3A_2091 = tpu.vector_load %arg5[%get3A_2089, %get3A_2090] {strides = array<i32>} : memref<64x50xf32, #tpu.memory_space<vmem>>, vector<1x16xf32>,
      %get3A_2092 = vector.shape_cast %get3A_2091 : vector<1x16xf32> to vector<16xf32>
      %add3A_2093 = arith.addf %get3A_2092, %get3A_52 : vector<16xf32>
      %swap3A_2094 = arith.constant 42 : i32
      %swap3A_2095 = arith.index_cast %swap3A_2094 : i32 to index
      %swap3A_2096 = arith.constant 16 : index
      %swap3A_2097 = tpu.vector_load %arg7[%swap3A_2095, %swap3A_2096] {strides = array<i32>} : memref<64x50xf32, #tpu.memory_space<vmem>>, vector<1x16xf32>,
      %swap3A_2098 = vector.shape_cast %swap3A_2097 : vector<1x16xf32> to vector<16xf32>
      %swap3A_2099 = vector.shape_cast %add3A_2093 : vector<16xf32> to vector<1x16xf32>
      tpu.vector_store %arg7[%swap3A_2095, %swap3A_2096], %swap3A_2099 {strides = array<i32>} : memref<64x50xf32, #tpu.memory_space<vmem>>, vector<1x16xf32>,
      %get3A_2100 = arith.constant 42 : i32
      %get3A_2101 = arith.index_cast %get3A_2100 : i32 to index
      %get3A_2102 = arith.constant 32 : index
      %get3A_2103 = tpu.vector_load %arg5[%get3A_2101, %get3A_2102] {strides = array<i32>} : memref<64x50xf32, #tpu.memory_space<vmem>>, vector<1x16xf32>,
      %get3A_2104 = vector.shape_cast %get3A_2103 : vector<1x16xf32> to vector<16xf32>
      %add3A_2105 = arith.addf %get3A_2104, %get3A_56 : vector<16xf32>
      %swap3A_2106 = arith.constant 42 : i32
      %swap3A_2107 = arith.index_cast %swap3A_2106 : i32 to index
      %swap3A_2108 = arith.constant 32 : index
      %swap3A_2109 = tpu.vector_load %arg7[%swap3A_2107, %swap3A_2108] {strides = array<i32>} : memref<64x50xf32, #tpu.memory_space<vmem>>, vector<1x16xf32>,
      %swap3A_2110 = vector.shape_cast %swap3A_2109 : vector<1x16xf32> to vector<16xf32>
      %swap3A_2111 = vector.shape_cast %add3A_2105 : vector<16xf32> to vector<1x16xf32>
      tpu.vector_store %arg7[%swap3A_2107, %swap3A_2108], %swap3A_2111 {strides = array<i32>} : memref<64x50xf32, #tpu.memory_space<vmem>>, vector<1x16xf32>,
      %get3A_2112 = arith.constant 42 : i32
      %get3A_2113 = arith.index_cast %get3A_2112 : i32 to index
      %get3A_2114 = arith.constant 34 : index
      %get3A_2115 = tpu.vector_load %arg5[%get3A_2113, %get3A_2114] {strides = array<i32>} : memref<64x50xf32, #tpu.memory_space<vmem>>, vector<1x16xf32>,
      %get3A_2116 = vector.shape_cast %get3A_2115 : vector<1x16xf32> to vector<16xf32>
      %add3A_2117 = arith.addf %get3A_2116, %get3A_60 : vector<16xf32>
      %swap3A_2118 = arith.constant 42 : i32
      %swap3A_2119 = arith.index_cast %swap3A_2118 : i32 to index
      %swap3A_2120 = arith.constant 34 : index
      %swap3A_2121 = tpu.vector_load %arg7[%swap3A_2119, %swap3A_2120] {strides = array<i32>} : memref<64x50xf32, #tpu.memory_space<vmem>>, vector<1x16xf32>,
      %swap3A_2122 = vector.shape_cast %swap3A_2121 : vector<1x16xf32> to vector<16xf32>
      %swap3A_2123 = vector.shape_cast %add3A_2117 : vector<16xf32> to vector<1x16xf32>
      tpu.vector_store %arg7[%swap3A_2119, %swap3A_2120], %swap3A_2123 {strides = array<i32>} : memref<64x50xf32, #tpu.memory_space<vmem>>, vector<1x16xf32>,
      %get3A_2124 = arith.constant 43 : i32
      %get3A_2125 = arith.index_cast %get3A_2124 : i32 to index
      %get3A_2126 = arith.constant 0 : index
      %get3A_2127 = tpu.vector_load %arg5[%get3A_2125, %get3A_2126] {strides = array<i32>} : memref<64x50xf32, #tpu.memory_space<vmem>>, vector<1x16xf32>,
      %get3A_2128 = vector.shape_cast %get3A_2127 : vector<1x16xf32> to vector<16xf32>
      %add3A_2129 = arith.addf %get3A_2128, %get3A_48 : vector<16xf32>
      %swap3A_2130 = arith.constant 43 : i32
      %swap3A_2131 = arith.index_cast %swap3A_2130 : i32 to index
      %swap3A_2132 = arith.constant 0 : index
      %swap3A_2133 = tpu.vector_load %arg7[%swap3A_2131, %swap3A_2132] {strides = array<i32>} : memref<64x50xf32, #tpu.memory_space<vmem>>, vector<1x16xf32>,
      %swap3A_2134 = vector.shape_cast %swap3A_2133 : vector<1x16xf32> to vector<16xf32>
      %swap3A_2135 = vector.shape_cast %add3A_2129 : vector<16xf32> to vector<1x16xf32>
      tpu.vector_store %arg7[%swap3A_2131, %swap3A_2132], %swap3A_2135 {strides = array<i32>} : memref<64x50xf32, #tpu.memory_space<vmem>>, vector<1x16xf32>,
      %get3A_2136 = arith.constant 43 : i32
      %get3A_2137 = arith.index_cast %get3A_2136 : i32 to index
      %get3A_2138 = arith.constant 16 : index
      %get3A_2139 = tpu.vector_load %arg5[%get3A_2137, %get3A_2138] {strides = array<i32>} : memref<64x50xf32, #tpu.memory_space<vmem>>, vector<1x16xf32>,
      %get3A_2140 = vector.shape_cast %get3A_2139 : vector<1x16xf32> to vector<16xf32>
      %add3A_2141 = arith.addf %get3A_2140, %get3A_52 : vector<16xf32>
      %swap3A_2142 = arith.constant 43 : i32
      %swap3A_2143 = arith.index_cast %swap3A_2142 : i32 to index
      %swap3A_2144 = arith.constant 16 : index
      %swap3A_2145 = tpu.vector_load %arg7[%swap3A_2143, %swap3A_2144] {strides = array<i32>} : memref<64x50xf32, #tpu.memory_space<vmem>>, vector<1x16xf32>,
      %swap3A_2146 = vector.shape_cast %swap3A_2145 : vector<1x16xf32> to vector<16xf32>
      %swap3A_2147 = vector.shape_cast %add3A_2141 : vector<16xf32> to vector<1x16xf32>
      tpu.vector_store %arg7[%swap3A_2143, %swap3A_2144], %swap3A_2147 {strides = array<i32>} : memref<64x50xf32, #tpu.memory_space<vmem>>, vector<1x16xf32>,
      %get3A_2148 = arith.constant 43 : i32
      %get3A_2149 = arith.index_cast %get3A_2148 : i32 to index
      %get3A_2150 = arith.constant 32 : index
      %get3A_2151 = tpu.vector_load %arg5[%get3A_2149, %get3A_2150] {strides = array<i32>} : memref<64x50xf32, #tpu.memory_space<vmem>>, vector<1x16xf32>,
      %get3A_2152 = vector.shape_cast %get3A_2151 : vector<1x16xf32> to vector<16xf32>
      %add3A_2153 = arith.addf %get3A_2152, %get3A_56 : vector<16xf32>
      %swap3A_2154 = arith.constant 43 : i32
      %swap3A_2155 = arith.index_cast %swap3A_2154 : i32 to index
      %swap3A_2156 = arith.constant 32 : index
      %swap3A_2157 = tpu.vector_load %arg7[%swap3A_2155, %swap3A_2156] {strides = array<i32>} : memref<64x50xf32, #tpu.memory_space<vmem>>, vector<1x16xf32>,
      %swap3A_2158 = vector.shape_cast %swap3A_2157 : vector<1x16xf32> to vector<16xf32>
      %swap3A_2159 = vector.shape_cast %add3A_2153 : vector<16xf32> to vector<1x16xf32>
      tpu.vector_store %arg7[%swap3A_2155, %swap3A_2156], %swap3A_2159 {strides = array<i32>} : memref<64x50xf32, #tpu.memory_space<vmem>>, vector<1x16xf32>,
      %get3A_2160 = arith.constant 43 : i32
      %get3A_2161 = arith.index_cast %get3A_2160 : i32 to index
      %get3A_2162 = arith.constant 34 : index
      %get3A_2163 = tpu.vector_load %arg5[%get3A_2161, %get3A_2162] {strides = array<i32>} : memref<64x50xf32, #tpu.memory_space<vmem>>, vector<1x16xf32>,
      %get3A_2164 = vector.shape_cast %get3A_2163 : vector<1x16xf32> to vector<16xf32>
      %add3A_2165 = arith.addf %get3A_2164, %get3A_60 : vector<16xf32>
      %swap3A_2166 = arith.constant 43 : i32
      %swap3A_2167 = arith.index_cast %swap3A_2166 : i32 to index
      %swap3A_2168 = arith.constant 34 : index
      %swap3A_2169 = tpu.vector_load %arg7[%swap3A_2167, %swap3A_2168] {strides = array<i32>} : memref<64x50xf32, #tpu.memory_space<vmem>>, vector<1x16xf32>,
      %swap3A_2170 = vector.shape_cast %swap3A_2169 : vector<1x16xf32> to vector<16xf32>
      %swap3A_2171 = vector.shape_cast %add3A_2165 : vector<16xf32> to vector<1x16xf32>
      tpu.vector_store %arg7[%swap3A_2167, %swap3A_2168], %swap3A_2171 {strides = array<i32>} : memref<64x50xf32, #tpu.memory_space<vmem>>, vector<1x16xf32>,
      %get3A_2172 = arith.constant 44 : i32
      %get3A_2173 = arith.index_cast %get3A_2172 : i32 to index
      %get3A_2174 = arith.constant 0 : index
      %get3A_2175 = tpu.vector_load %arg5[%get3A_2173, %get3A_2174] {strides = array<i32>} : memref<64x50xf32, #tpu.memory_space<vmem>>, vector<1x16xf32>,
      %get3A_2176 = vector.shape_cast %get3A_2175 : vector<1x16xf32> to vector<16xf32>
      %add3A_2177 = arith.addf %get3A_2176, %get3A_48 : vector<16xf32>
      %swap3A_2178 = arith.constant 44 : i32
      %swap3A_2179 = arith.index_cast %swap3A_2178 : i32 to index
      %swap3A_2180 = arith.constant 0 : index
      %swap3A_2181 = tpu.vector_load %arg7[%swap3A_2179, %swap3A_2180] {strides = array<i32>} : memref<64x50xf32, #tpu.memory_space<vmem>>, vector<1x16xf32>,
      %swap3A_2182 = vector.shape_cast %swap3A_2181 : vector<1x16xf32> to vector<16xf32>
      %swap3A_2183 = vector.shape_cast %add3A_2177 : vector<16xf32> to vector<1x16xf32>
      tpu.vector_store %arg7[%swap3A_2179, %swap3A_2180], %swap3A_2183 {strides = array<i32>} : memref<64x50xf32, #tpu.memory_space<vmem>>, vector<1x16xf32>,
      %get3A_2184 = arith.constant 44 : i32
      %get3A_2185 = arith.index_cast %get3A_2184 : i32 to index
      %get3A_2186 = arith.constant 16 : index
      %get3A_2187 = tpu.vector_load %arg5[%get3A_2185, %get3A_2186] {strides = array<i32>} : memref<64x50xf32, #tpu.memory_space<vmem>>, vector<1x16xf32>,
      %get3A_2188 = vector.shape_cast %get3A_2187 : vector<1x16xf32> to vector<16xf32>
      %add3A_2189 = arith.addf %get3A_2188, %get3A_52 : vector<16xf32>
      %swap3A_2190 = arith.constant 44 : i32
      %swap3A_2191 = arith.index_cast %swap3A_2190 : i32 to index
      %swap3A_2192 = arith.constant 16 : index
      %swap3A_2193 = tpu.vector_load %arg7[%swap3A_2191, %swap3A_2192] {strides = array<i32>} : memref<64x50xf32, #tpu.memory_space<vmem>>, vector<1x16xf32>,
      %swap3A_2194 = vector.shape_cast %swap3A_2193 : vector<1x16xf32> to vector<16xf32>
      %swap3A_2195 = vector.shape_cast %add3A_2189 : vector<16xf32> to vector<1x16xf32>
      tpu.vector_store %arg7[%swap3A_2191, %swap3A_2192], %swap3A_2195 {strides = array<i32>} : memref<64x50xf32, #tpu.memory_space<vmem>>, vector<1x16xf32>,
      %get3A_2196 = arith.constant 44 : i32
      %get3A_2197 = arith.index_cast %get3A_2196 : i32 to index
      %get3A_2198 = arith.constant 32 : index
      %get3A_2199 = tpu.vector_load %arg5[%get3A_2197, %get3A_2198] {strides = array<i32>} : memref<64x50xf32, #tpu.memory_space<vmem>>, vector<1x16xf32>,
      %get3A_2200 = vector.shape_cast %get3A_2199 : vector<1x16xf32> to vector<16xf32>
      %add3A_2201 = arith.addf %get3A_2200, %get3A_56 : vector<16xf32>
      %swap3A_2202 = arith.constant 44 : i32
      %swap3A_2203 = arith.index_cast %swap3A_2202 : i32 to index
      %swap3A_2204 = arith.constant 32 : index
      %swap3A_2205 = tpu.vector_load %arg7[%swap3A_2203, %swap3A_2204] {strides = array<i32>} : memref<64x50xf32, #tpu.memory_space<vmem>>, vector<1x16xf32>,
      %swap3A_2206 = vector.shape_cast %swap3A_2205 : vector<1x16xf32> to vector<16xf32>
      %swap3A_2207 = vector.shape_cast %add3A_2201 : vector<16xf32> to vector<1x16xf32>
      tpu.vector_store %arg7[%swap3A_2203, %swap3A_2204], %swap3A_2207 {strides = array<i32>} : memref<64x50xf32, #tpu.memory_space<vmem>>, vector<1x16xf32>,
      %get3A_2208 = arith.constant 44 : i32
      %get3A_2209 = arith.index_cast %get3A_2208 : i32 to index
      %get3A_2210 = arith.constant 34 : index
      %get3A_2211 = tpu.vector_load %arg5[%get3A_2209, %get3A_2210] {strides = array<i32>} : memref<64x50xf32, #tpu.memory_space<vmem>>, vector<1x16xf32>,
      %get3A_2212 = vector.shape_cast %get3A_2211 : vector<1x16xf32> to vector<16xf32>
      %add3A_2213 = arith.addf %get3A_2212, %get3A_60 : vector<16xf32>
      %swap3A_2214 = arith.constant 44 : i32
      %swap3A_2215 = arith.index_cast %swap3A_2214 : i32 to index
      %swap3A_2216 = arith.constant 34 : index
      %swap3A_2217 = tpu.vector_load %arg7[%swap3A_2215, %swap3A_2216] {strides = array<i32>} : memref<64x50xf32, #tpu.memory_space<vmem>>, vector<1x16xf32>,
      %swap3A_2218 = vector.shape_cast %swap3A_2217 : vector<1x16xf32> to vector<16xf32>
      %swap3A_2219 = vector.shape_cast %add3A_2213 : vector<16xf32> to vector<1x16xf32>
      tpu.vector_store %arg7[%swap3A_2215, %swap3A_2216], %swap3A_2219 {strides = array<i32>} : memref<64x50xf32, #tpu.memory_space<vmem>>, vector<1x16xf32>,
      %get3A_2220 = arith.constant 45 : i32
      %get3A_2221 = arith.index_cast %get3A_2220 : i32 to index
      %get3A_2222 = arith.constant 0 : index
      %get3A_2223 = tpu.vector_load %arg5[%get3A_2221, %get3A_2222] {strides = array<i32>} : memref<64x50xf32, #tpu.memory_space<vmem>>, vector<1x16xf32>,
      %get3A_2224 = vector.shape_cast %get3A_2223 : vector<1x16xf32> to vector<16xf32>
      %add3A_2225 = arith.addf %get3A_2224, %get3A_48 : vector<16xf32>
      %swap3A_2226 = arith.constant 45 : i32
      %swap3A_2227 = arith.index_cast %swap3A_2226 : i32 to index
      %swap3A_2228 = arith.constant 0 : index
      %swap3A_2229 = tpu.vector_load %arg7[%swap3A_2227, %swap3A_2228] {strides = array<i32>} : memref<64x50xf32, #tpu.memory_space<vmem>>, vector<1x16xf32>,
      %swap3A_2230 = vector.shape_cast %swap3A_2229 : vector<1x16xf32> to vector<16xf32>
      %swap3A_2231 = vector.shape_cast %add3A_2225 : vector<16xf32> to vector<1x16xf32>
      tpu.vector_store %arg7[%swap3A_2227, %swap3A_2228], %swap3A_2231 {strides = array<i32>} : memref<64x50xf32, #tpu.memory_space<vmem>>, vector<1x16xf32>,
      %get3A_2232 = arith.constant 45 : i32
      %get3A_2233 = arith.index_cast %get3A_2232 : i32 to index
      %get3A_2234 = arith.constant 16 : index
      %get3A_2235 = tpu.vector_load %arg5[%get3A_2233, %get3A_2234] {strides = array<i32>} : memref<64x50xf32, #tpu.memory_space<vmem>>, vector<1x16xf32>,
      %get3A_2236 = vector.shape_cast %get3A_2235 : vector<1x16xf32> to vector<16xf32>
      %add3A_2237 = arith.addf %get3A_2236, %get3A_52 : vector<16xf32>
      %swap3A_2238 = arith.constant 45 : i32
      %swap3A_2239 = arith.index_cast %swap3A_2238 : i32 to index
      %swap3A_2240 = arith.constant 16 : index
      %swap3A_2241 = tpu.vector_load %arg7[%swap3A_2239, %swap3A_2240] {strides = array<i32>} : memref<64x50xf32, #tpu.memory_space<vmem>>, vector<1x16xf32>,
      %swap3A_2242 = vector.shape_cast %swap3A_2241 : vector<1x16xf32> to vector<16xf32>
      %swap3A_2243 = vector.shape_cast %add3A_2237 : vector<16xf32> to vector<1x16xf32>
      tpu.vector_store %arg7[%swap3A_2239, %swap3A_2240], %swap3A_2243 {strides = array<i32>} : memref<64x50xf32, #tpu.memory_space<vmem>>, vector<1x16xf32>,
      %get3A_2244 = arith.constant 45 : i32
      %get3A_2245 = arith.index_cast %get3A_2244 : i32 to index
      %get3A_2246 = arith.constant 32 : index
      %get3A_2247 = tpu.vector_load %arg5[%get3A_2245, %get3A_2246] {strides = array<i32>} : memref<64x50xf32, #tpu.memory_space<vmem>>, vector<1x16xf32>,
      %get3A_2248 = vector.shape_cast %get3A_2247 : vector<1x16xf32> to vector<16xf32>
      %add3A_2249 = arith.addf %get3A_2248, %get3A_56 : vector<16xf32>
      %swap3A_2250 = arith.constant 45 : i32
      %swap3A_2251 = arith.index_cast %swap3A_2250 : i32 to index
      %swap3A_2252 = arith.constant 32 : index
      %swap3A_2253 = tpu.vector_load %arg7[%swap3A_2251, %swap3A_2252] {strides = array<i32>} : memref<64x50xf32, #tpu.memory_space<vmem>>, vector<1x16xf32>,
      %swap3A_2254 = vector.shape_cast %swap3A_2253 : vector<1x16xf32> to vector<16xf32>
      %swap3A_2255 = vector.shape_cast %add3A_2249 : vector<16xf32> to vector<1x16xf32>
      tpu.vector_store %arg7[%swap3A_2251, %swap3A_2252], %swap3A_2255 {strides = array<i32>} : memref<64x50xf32, #tpu.memory_space<vmem>>, vector<1x16xf32>,
      %get3A_2256 = arith.constant 45 : i32
      %get3A_2257 = arith.index_cast %get3A_2256 : i32 to index
      %get3A_2258 = arith.constant 34 : index
      %get3A_2259 = tpu.vector_load %arg5[%get3A_2257, %get3A_2258] {strides = array<i32>} : memref<64x50xf32, #tpu.memory_space<vmem>>, vector<1x16xf32>,
      %get3A_2260 = vector.shape_cast %get3A_2259 : vector<1x16xf32> to vector<16xf32>
      %add3A_2261 = arith.addf %get3A_2260, %get3A_60 : vector<16xf32>
      %swap3A_2262 = arith.constant 45 : i32
      %swap3A_2263 = arith.index_cast %swap3A_2262 : i32 to index
      %swap3A_2264 = arith.constant 34 : index
      %swap3A_2265 = tpu.vector_load %arg7[%swap3A_2263, %swap3A_2264] {strides = array<i32>} : memref<64x50xf32, #tpu.memory_space<vmem>>, vector<1x16xf32>,
      %swap3A_2266 = vector.shape_cast %swap3A_2265 : vector<1x16xf32> to vector<16xf32>
      %swap3A_2267 = vector.shape_cast %add3A_2261 : vector<16xf32> to vector<1x16xf32>
      tpu.vector_store %arg7[%swap3A_2263, %swap3A_2264], %swap3A_2267 {strides = array<i32>} : memref<64x50xf32, #tpu.memory_space<vmem>>, vector<1x16xf32>,
      %get3A_2268 = arith.constant 46 : i32
      %get3A_2269 = arith.index_cast %get3A_2268 : i32 to index
      %get3A_2270 = arith.constant 0 : index
      %get3A_2271 = tpu.vector_load %arg5[%get3A_2269, %get3A_2270] {strides = array<i32>} : memref<64x50xf32, #tpu.memory_space<vmem>>, vector<1x16xf32>,
      %get3A_2272 = vector.shape_cast %get3A_2271 : vector<1x16xf32> to vector<16xf32>
      %add3A_2273 = arith.addf %get3A_2272, %get3A_48 : vector<16xf32>
      %swap3A_2274 = arith.constant 46 : i32
      %swap3A_2275 = arith.index_cast %swap3A_2274 : i32 to index
      %swap3A_2276 = arith.constant 0 : index
      %swap3A_2277 = tpu.vector_load %arg7[%swap3A_2275, %swap3A_2276] {strides = array<i32>} : memref<64x50xf32, #tpu.memory_space<vmem>>, vector<1x16xf32>,
      %swap3A_2278 = vector.shape_cast %swap3A_2277 : vector<1x16xf32> to vector<16xf32>
      %swap3A_2279 = vector.shape_cast %add3A_2273 : vector<16xf32> to vector<1x16xf32>
      tpu.vector_store %arg7[%swap3A_2275, %swap3A_2276], %swap3A_2279 {strides = array<i32>} : memref<64x50xf32, #tpu.memory_space<vmem>>, vector<1x16xf32>,
      %get3A_2280 = arith.constant 46 : i32
      %get3A_2281 = arith.index_cast %get3A_2280 : i32 to index
      %get3A_2282 = arith.constant 16 : index
      %get3A_2283 = tpu.vector_load %arg5[%get3A_2281, %get3A_2282] {strides = array<i32>} : memref<64x50xf32, #tpu.memory_space<vmem>>, vector<1x16xf32>,
      %get3A_2284 = vector.shape_cast %get3A_2283 : vector<1x16xf32> to vector<16xf32>
      %add3A_2285 = arith.addf %get3A_2284, %get3A_52 : vector<16xf32>
      %swap3A_2286 = arith.constant 46 : i32
      %swap3A_2287 = arith.index_cast %swap3A_2286 : i32 to index
      %swap3A_2288 = arith.constant 16 : index
      %swap3A_2289 = tpu.vector_load %arg7[%swap3A_2287, %swap3A_2288] {strides = array<i32>} : memref<64x50xf32, #tpu.memory_space<vmem>>, vector<1x16xf32>,
      %swap3A_2290 = vector.shape_cast %swap3A_2289 : vector<1x16xf32> to vector<16xf32>
      %swap3A_2291 = vector.shape_cast %add3A_2285 : vector<16xf32> to vector<1x16xf32>
      tpu.vector_store %arg7[%swap3A_2287, %swap3A_2288], %swap3A_2291 {strides = array<i32>} : memref<64x50xf32, #tpu.memory_space<vmem>>, vector<1x16xf32>,
      %get3A_2292 = arith.constant 46 : i32
      %get3A_2293 = arith.index_cast %get3A_2292 : i32 to index
      %get3A_2294 = arith.constant 32 : index
      %get3A_2295 = tpu.vector_load %arg5[%get3A_2293, %get3A_2294] {strides = array<i32>} : memref<64x50xf32, #tpu.memory_space<vmem>>, vector<1x16xf32>,
      %get3A_2296 = vector.shape_cast %get3A_2295 : vector<1x16xf32> to vector<16xf32>
      %add3A_2297 = arith.addf %get3A_2296, %get3A_56 : vector<16xf32>
      %swap3A_2298 = arith.constant 46 : i32
      %swap3A_2299 = arith.index_cast %swap3A_2298 : i32 to index
      %swap3A_2300 = arith.constant 32 : index
      %swap3A_2301 = tpu.vector_load %arg7[%swap3A_2299, %swap3A_2300] {strides = array<i32>} : memref<64x50xf32, #tpu.memory_space<vmem>>, vector<1x16xf32>,
      %swap3A_2302 = vector.shape_cast %swap3A_2301 : vector<1x16xf32> to vector<16xf32>
      %swap3A_2303 = vector.shape_cast %add3A_2297 : vector<16xf32> to vector<1x16xf32>
      tpu.vector_store %arg7[%swap3A_2299, %swap3A_2300], %swap3A_2303 {strides = array<i32>} : memref<64x50xf32, #tpu.memory_space<vmem>>, vector<1x16xf32>,
      %get3A_2304 = arith.constant 46 : i32
      %get3A_2305 = arith.index_cast %get3A_2304 : i32 to index
      %get3A_2306 = arith.constant 34 : index
      %get3A_2307 = tpu.vector_load %arg5[%get3A_2305, %get3A_2306] {strides = array<i32>} : memref<64x50xf32, #tpu.memory_space<vmem>>, vector<1x16xf32>,
      %get3A_2308 = vector.shape_cast %get3A_2307 : vector<1x16xf32> to vector<16xf32>
      %add3A_2309 = arith.addf %get3A_2308, %get3A_60 : vector<16xf32>
      %swap3A_2310 = arith.constant 46 : i32
      %swap3A_2311 = arith.index_cast %swap3A_2310 : i32 to index
      %swap3A_2312 = arith.constant 34 : index
      %swap3A_2313 = tpu.vector_load %arg7[%swap3A_2311, %swap3A_2312] {strides = array<i32>} : memref<64x50xf32, #tpu.memory_space<vmem>>, vector<1x16xf32>,
      %swap3A_2314 = vector.shape_cast %swap3A_2313 : vector<1x16xf32> to vector<16xf32>
      %swap3A_2315 = vector.shape_cast %add3A_2309 : vector<16xf32> to vector<1x16xf32>
      tpu.vector_store %arg7[%swap3A_2311, %swap3A_2312], %swap3A_2315 {strides = array<i32>} : memref<64x50xf32, #tpu.memory_space<vmem>>, vector<1x16xf32>,
      %get3A_2316 = arith.constant 47 : i32
      %get3A_2317 = arith.index_cast %get3A_2316 : i32 to index
      %get3A_2318 = arith.constant 0 : index
      %get3A_2319 = tpu.vector_load %arg5[%get3A_2317, %get3A_2318] {strides = array<i32>} : memref<64x50xf32, #tpu.memory_space<vmem>>, vector<1x16xf32>,
      %get3A_2320 = vector.shape_cast %get3A_2319 : vector<1x16xf32> to vector<16xf32>
      %add3A_2321 = arith.addf %get3A_2320, %get3A_48 : vector<16xf32>
      %swap3A_2322 = arith.constant 47 : i32
      %swap3A_2323 = arith.index_cast %swap3A_2322 : i32 to index
      %swap3A_2324 = arith.constant 0 : index
      %swap3A_2325 = tpu.vector_load %arg7[%swap3A_2323, %swap3A_2324] {strides = array<i32>} : memref<64x50xf32, #tpu.memory_space<vmem>>, vector<1x16xf32>,
      %swap3A_2326 = vector.shape_cast %swap3A_2325 : vector<1x16xf32> to vector<16xf32>
      %swap3A_2327 = vector.shape_cast %add3A_2321 : vector<16xf32> to vector<1x16xf32>
      tpu.vector_store %arg7[%swap3A_2323, %swap3A_2324], %swap3A_2327 {strides = array<i32>} : memref<64x50xf32, #tpu.memory_space<vmem>>, vector<1x16xf32>,
      %get3A_2328 = arith.constant 47 : i32
      %get3A_2329 = arith.index_cast %get3A_2328 : i32 to index
      %get3A_2330 = arith.constant 16 : index
      %get3A_2331 = tpu.vector_load %arg5[%get3A_2329, %get3A_2330] {strides = array<i32>} : memref<64x50xf32, #tpu.memory_space<vmem>>, vector<1x16xf32>,
      %get3A_2332 = vector.shape_cast %get3A_2331 : vector<1x16xf32> to vector<16xf32>
      %add3A_2333 = arith.addf %get3A_2332, %get3A_52 : vector<16xf32>
      %swap3A_2334 = arith.constant 47 : i32
      %swap3A_2335 = arith.index_cast %swap3A_2334 : i32 to index
      %swap3A_2336 = arith.constant 16 : index
      %swap3A_2337 = tpu.vector_load %arg7[%swap3A_2335, %swap3A_2336] {strides = array<i32>} : memref<64x50xf32, #tpu.memory_space<vmem>>, vector<1x16xf32>,
      %swap3A_2338 = vector.shape_cast %swap3A_2337 : vector<1x16xf32> to vector<16xf32>
      %swap3A_2339 = vector.shape_cast %add3A_2333 : vector<16xf32> to vector<1x16xf32>
      tpu.vector_store %arg7[%swap3A_2335, %swap3A_2336], %swap3A_2339 {strides = array<i32>} : memref<64x50xf32, #tpu.memory_space<vmem>>, vector<1x16xf32>,
      %get3A_2340 = arith.constant 47 : i32
      %get3A_2341 = arith.index_cast %get3A_2340 : i32 to index
      %get3A_2342 = arith.constant 32 : index
      %get3A_2343 = tpu.vector_load %arg5[%get3A_2341, %get3A_2342] {strides = array<i32>} : memref<64x50xf32, #tpu.memory_space<vmem>>, vector<1x16xf32>,
      %get3A_2344 = vector.shape_cast %get3A_2343 : vector<1x16xf32> to vector<16xf32>
      %add3A_2345 = arith.addf %get3A_2344, %get3A_56 : vector<16xf32>
      %swap3A_2346 = arith.constant 47 : i32
      %swap3A_2347 = arith.index_cast %swap3A_2346 : i32 to index
      %swap3A_2348 = arith.constant 32 : index
      %swap3A_2349 = tpu.vector_load %arg7[%swap3A_2347, %swap3A_2348] {strides = array<i32>} : memref<64x50xf32, #tpu.memory_space<vmem>>, vector<1x16xf32>,
      %swap3A_2350 = vector.shape_cast %swap3A_2349 : vector<1x16xf32> to vector<16xf32>
      %swap3A_2351 = vector.shape_cast %add3A_2345 : vector<16xf32> to vector<1x16xf32>
      tpu.vector_store %arg7[%swap3A_2347, %swap3A_2348], %swap3A_2351 {strides = array<i32>} : memref<64x50xf32, #tpu.memory_space<vmem>>, vector<1x16xf32>,
      %get3A_2352 = arith.constant 47 : i32
      %get3A_2353 = arith.index_cast %get3A_2352 : i32 to index
      %get3A_2354 = arith.constant 34 : index
      %get3A_2355 = tpu.vector_load %arg5[%get3A_2353, %get3A_2354] {strides = array<i32>} : memref<64x50xf32, #tpu.memory_space<vmem>>, vector<1x16xf32>,
      %get3A_2356 = vector.shape_cast %get3A_2355 : vector<1x16xf32> to vector<16xf32>
      %add3A_2357 = arith.addf %get3A_2356, %get3A_60 : vector<16xf32>
      %swap3A_2358 = arith.constant 47 : i32
      %swap3A_2359 = arith.index_cast %swap3A_2358 : i32 to index
      %swap3A_2360 = arith.constant 34 : index
      %swap3A_2361 = tpu.vector_load %arg7[%swap3A_2359, %swap3A_2360] {strides = array<i32>} : memref<64x50xf32, #tpu.memory_space<vmem>>, vector<1x16xf32>,
      %swap3A_2362 = vector.shape_cast %swap3A_2361 : vector<1x16xf32> to vector<16xf32>
      %swap3A_2363 = vector.shape_cast %add3A_2357 : vector<16xf32> to vector<1x16xf32>
      tpu.vector_store %arg7[%swap3A_2359, %swap3A_2360], %swap3A_2363 {strides = array<i32>} : memref<64x50xf32, #tpu.memory_space<vmem>>, vector<1x16xf32>,
      %get3A_2364 = arith.constant 48 : i32
      %get3A_2365 = arith.index_cast %get3A_2364 : i32 to index
      %get3A_2366 = arith.constant 0 : index
      %get3A_2367 = tpu.vector_load %arg5[%get3A_2365, %get3A_2366] {strides = array<i32>} : memref<64x50xf32, #tpu.memory_space<vmem>>, vector<1x16xf32>,
      %get3A_2368 = vector.shape_cast %get3A_2367 : vector<1x16xf32> to vector<16xf32>
      %add3A_2369 = arith.addf %get3A_2368, %get3A_48 : vector<16xf32>
      %swap3A_2370 = arith.constant 48 : i32
      %swap3A_2371 = arith.index_cast %swap3A_2370 : i32 to index
      %swap3A_2372 = arith.constant 0 : index
      %swap3A_2373 = tpu.vector_load %arg7[%swap3A_2371, %swap3A_2372] {strides = array<i32>} : memref<64x50xf32, #tpu.memory_space<vmem>>, vector<1x16xf32>,
      %swap3A_2374 = vector.shape_cast %swap3A_2373 : vector<1x16xf32> to vector<16xf32>
      %swap3A_2375 = vector.shape_cast %add3A_2369 : vector<16xf32> to vector<1x16xf32>
      tpu.vector_store %arg7[%swap3A_2371, %swap3A_2372], %swap3A_2375 {strides = array<i32>} : memref<64x50xf32, #tpu.memory_space<vmem>>, vector<1x16xf32>,
      %get3A_2376 = arith.constant 48 : i32
      %get3A_2377 = arith.index_cast %get3A_2376 : i32 to index
      %get3A_2378 = arith.constant 16 : index
      %get3A_2379 = tpu.vector_load %arg5[%get3A_2377, %get3A_2378] {strides = array<i32>} : memref<64x50xf32, #tpu.memory_space<vmem>>, vector<1x16xf32>,
      %get3A_2380 = vector.shape_cast %get3A_2379 : vector<1x16xf32> to vector<16xf32>
      %add3A_2381 = arith.addf %get3A_2380, %get3A_52 : vector<16xf32>
      %swap3A_2382 = arith.constant 48 : i32
      %swap3A_2383 = arith.index_cast %swap3A_2382 : i32 to index
      %swap3A_2384 = arith.constant 16 : index
      %swap3A_2385 = tpu.vector_load %arg7[%swap3A_2383, %swap3A_2384] {strides = array<i32>} : memref<64x50xf32, #tpu.memory_space<vmem>>, vector<1x16xf32>,
      %swap3A_2386 = vector.shape_cast %swap3A_2385 : vector<1x16xf32> to vector<16xf32>
      %swap3A_2387 = vector.shape_cast %add3A_2381 : vector<16xf32> to vector<1x16xf32>
      tpu.vector_store %arg7[%swap3A_2383, %swap3A_2384], %swap3A_2387 {strides = array<i32>} : memref<64x50xf32, #tpu.memory_space<vmem>>, vector<1x16xf32>,
      %get3A_2388 = arith.constant 48 : i32
      %get3A_2389 = arith.index_cast %get3A_2388 : i32 to index
      %get3A_2390 = arith.constant 32 : index
      %get3A_2391 = tpu.vector_load %arg5[%get3A_2389, %get3A_2390] {strides = array<i32>} : memref<64x50xf32, #tpu.memory_space<vmem>>, vector<1x16xf32>,
      %get3A_2392 = vector.shape_cast %get3A_2391 : vector<1x16xf32> to vector<16xf32>
      %add3A_2393 = arith.addf %get3A_2392, %get3A_56 : vector<16xf32>
      %swap3A_2394 = arith.constant 48 : i32
      %swap3A_2395 = arith.index_cast %swap3A_2394 : i32 to index
      %swap3A_2396 = arith.constant 32 : index
      %swap3A_2397 = tpu.vector_load %arg7[%swap3A_2395, %swap3A_2396] {strides = array<i32>} : memref<64x50xf32, #tpu.memory_space<vmem>>, vector<1x16xf32>,
      %swap3A_2398 = vector.shape_cast %swap3A_2397 : vector<1x16xf32> to vector<16xf32>
      %swap3A_2399 = vector.shape_cast %add3A_2393 : vector<16xf32> to vector<1x16xf32>
      tpu.vector_store %arg7[%swap3A_2395, %swap3A_2396], %swap3A_2399 {strides = array<i32>} : memref<64x50xf32, #tpu.memory_space<vmem>>, vector<1x16xf32>,
      %get3A_2400 = arith.constant 48 : i32
      %get3A_2401 = arith.index_cast %get3A_2400 : i32 to index
      %get3A_2402 = arith.constant 34 : index
      %get3A_2403 = tpu.vector_load %arg5[%get3A_2401, %get3A_2402] {strides = array<i32>} : memref<64x50xf32, #tpu.memory_space<vmem>>, vector<1x16xf32>,
      %get3A_2404 = vector.shape_cast %get3A_2403 : vector<1x16xf32> to vector<16xf32>
      %add3A_2405 = arith.addf %get3A_2404, %get3A_60 : vector<16xf32>
      %swap3A_2406 = arith.constant 48 : i32
      %swap3A_2407 = arith.index_cast %swap3A_2406 : i32 to index
      %swap3A_2408 = arith.constant 34 : index
      %swap3A_2409 = tpu.vector_load %arg7[%swap3A_2407, %swap3A_2408] {strides = array<i32>} : memref<64x50xf32, #tpu.memory_space<vmem>>, vector<1x16xf32>,
      %swap3A_2410 = vector.shape_cast %swap3A_2409 : vector<1x16xf32> to vector<16xf32>
      %swap3A_2411 = vector.shape_cast %add3A_2405 : vector<16xf32> to vector<1x16xf32>
      tpu.vector_store %arg7[%swap3A_2407, %swap3A_2408], %swap3A_2411 {strides = array<i32>} : memref<64x50xf32, #tpu.memory_space<vmem>>, vector<1x16xf32>,
      %get3A_2412 = arith.constant 49 : i32
      %get3A_2413 = arith.index_cast %get3A_2412 : i32 to index
      %get3A_2414 = arith.constant 0 : index
      %get3A_2415 = tpu.vector_load %arg5[%get3A_2413, %get3A_2414] {strides = array<i32>} : memref<64x50xf32, #tpu.memory_space<vmem>>, vector<1x16xf32>,
      %get3A_2416 = vector.shape_cast %get3A_2415 : vector<1x16xf32> to vector<16xf32>
      %add3A_2417 = arith.addf %get3A_2416, %get3A_48 : vector<16xf32>
      %swap3A_2418 = arith.constant 49 : i32
      %swap3A_2419 = arith.index_cast %swap3A_2418 : i32 to index
      %swap3A_2420 = arith.constant 0 : index
      %swap3A_2421 = tpu.vector_load %arg7[%swap3A_2419, %swap3A_2420] {strides = array<i32>} : memref<64x50xf32, #tpu.memory_space<vmem>>, vector<1x16xf32>,
      %swap3A_2422 = vector.shape_cast %swap3A_2421 : vector<1x16xf32> to vector<16xf32>
      %swap3A_2423 = vector.shape_cast %add3A_2417 : vector<16xf32> to vector<1x16xf32>
      tpu.vector_store %arg7[%swap3A_2419, %swap3A_2420], %swap3A_2423 {strides = array<i32>} : memref<64x50xf32, #tpu.memory_space<vmem>>, vector<1x16xf32>,
      %get3A_2424 = arith.constant 49 : i32
      %get3A_2425 = arith.index_cast %get3A_2424 : i32 to index
      %get3A_2426 = arith.constant 16 : index
      %get3A_2427 = tpu.vector_load %arg5[%get3A_2425, %get3A_2426] {strides = array<i32>} : memref<64x50xf32, #tpu.memory_space<vmem>>, vector<1x16xf32>,
      %get3A_2428 = vector.shape_cast %get3A_2427 : vector<1x16xf32> to vector<16xf32>
      %add3A_2429 = arith.addf %get3A_2428, %get3A_52 : vector<16xf32>
      %swap3A_2430 = arith.constant 49 : i32
      %swap3A_2431 = arith.index_cast %swap3A_2430 : i32 to index
      %swap3A_2432 = arith.constant 16 : index
      %swap3A_2433 = tpu.vector_load %arg7[%swap3A_2431, %swap3A_2432] {strides = array<i32>} : memref<64x50xf32, #tpu.memory_space<vmem>>, vector<1x16xf32>,
      %swap3A_2434 = vector.shape_cast %swap3A_2433 : vector<1x16xf32> to vector<16xf32>
      %swap3A_2435 = vector.shape_cast %add3A_2429 : vector<16xf32> to vector<1x16xf32>
      tpu.vector_store %arg7[%swap3A_2431, %swap3A_2432], %swap3A_2435 {strides = array<i32>} : memref<64x50xf32, #tpu.memory_space<vmem>>, vector<1x16xf32>,
      %get3A_2436 = arith.constant 49 : i32
      %get3A_2437 = arith.index_cast %get3A_2436 : i32 to index
      %get3A_2438 = arith.constant 32 : index
      %get3A_2439 = tpu.vector_load %arg5[%get3A_2437, %get3A_2438] {strides = array<i32>} : memref<64x50xf32, #tpu.memory_space<vmem>>, vector<1x16xf32>,
      %get3A_2440 = vector.shape_cast %get3A_2439 : vector<1x16xf32> to vector<16xf32>
      %add3A_2441 = arith.addf %get3A_2440, %get3A_56 : vector<16xf32>
      %swap3A_2442 = arith.constant 49 : i32
      %swap3A_2443 = arith.index_cast %swap3A_2442 : i32 to index
      %swap3A_2444 = arith.constant 32 : index
      %swap3A_2445 = tpu.vector_load %arg7[%swap3A_2443, %swap3A_2444] {strides = array<i32>} : memref<64x50xf32, #tpu.memory_space<vmem>>, vector<1x16xf32>,
      %swap3A_2446 = vector.shape_cast %swap3A_2445 : vector<1x16xf32> to vector<16xf32>
      %swap3A_2447 = vector.shape_cast %add3A_2441 : vector<16xf32> to vector<1x16xf32>
      tpu.vector_store %arg7[%swap3A_2443, %swap3A_2444], %swap3A_2447 {strides = array<i32>} : memref<64x50xf32, #tpu.memory_space<vmem>>, vector<1x16xf32>,
      %get3A_2448 = arith.constant 49 : i32
      %get3A_2449 = arith.index_cast %get3A_2448 : i32 to index
      %get3A_2450 = arith.constant 34 : index
      %get3A_2451 = tpu.vector_load %arg5[%get3A_2449, %get3A_2450] {strides = array<i32>} : memref<64x50xf32, #tpu.memory_space<vmem>>, vector<1x16xf32>,
      %get3A_2452 = vector.shape_cast %get3A_2451 : vector<1x16xf32> to vector<16xf32>
      %add3A_2453 = arith.addf %get3A_2452, %get3A_60 : vector<16xf32>
      %swap3A_2454 = arith.constant 49 : i32
      %swap3A_2455 = arith.index_cast %swap3A_2454 : i32 to index
      %swap3A_2456 = arith.constant 34 : index
      %swap3A_2457 = tpu.vector_load %arg7[%swap3A_2455, %swap3A_2456] {strides = array<i32>} : memref<64x50xf32, #tpu.memory_space<vmem>>, vector<1x16xf32>,
      %swap3A_2458 = vector.shape_cast %swap3A_2457 : vector<1x16xf32> to vector<16xf32>
      %swap3A_2459 = vector.shape_cast %add3A_2453 : vector<16xf32> to vector<1x16xf32>
      tpu.vector_store %arg7[%swap3A_2455, %swap3A_2456], %swap3A_2459 {strides = array<i32>} : memref<64x50xf32, #tpu.memory_space<vmem>>, vector<1x16xf32>,
      %get3A_2460 = arith.constant 50 : i32
      %get3A_2461 = arith.index_cast %get3A_2460 : i32 to index
      %get3A_2462 = arith.constant 0 : index
      %get3A_2463 = tpu.vector_load %arg5[%get3A_2461, %get3A_2462] {strides = array<i32>} : memref<64x50xf32, #tpu.memory_space<vmem>>, vector<1x16xf32>,
      %get3A_2464 = vector.shape_cast %get3A_2463 : vector<1x16xf32> to vector<16xf32>
      %add3A_2465 = arith.addf %get3A_2464, %get3A_48 : vector<16xf32>
      %swap3A_2466 = arith.constant 50 : i32
      %swap3A_2467 = arith.index_cast %swap3A_2466 : i32 to index
      %swap3A_2468 = arith.constant 0 : index
      %swap3A_2469 = tpu.vector_load %arg7[%swap3A_2467, %swap3A_2468] {strides = array<i32>} : memref<64x50xf32, #tpu.memory_space<vmem>>, vector<1x16xf32>,
      %swap3A_2470 = vector.shape_cast %swap3A_2469 : vector<1x16xf32> to vector<16xf32>
      %swap3A_2471 = vector.shape_cast %add3A_2465 : vector<16xf32> to vector<1x16xf32>
      tpu.vector_store %arg7[%swap3A_2467, %swap3A_2468], %swap3A_2471 {strides = array<i32>} : memref<64x50xf32, #tpu.memory_space<vmem>>, vector<1x16xf32>,
      %get3A_2472 = arith.constant 50 : i32
      %get3A_2473 = arith.index_cast %get3A_2472 : i32 to index
      %get3A_2474 = arith.constant 16 : index
      %get3A_2475 = tpu.vector_load %arg5[%get3A_2473, %get3A_2474] {strides = array<i32>} : memref<64x50xf32, #tpu.memory_space<vmem>>, vector<1x16xf32>,
      %get3A_2476 = vector.shape_cast %get3A_2475 : vector<1x16xf32> to vector<16xf32>
      %add3A_2477 = arith.addf %get3A_2476, %get3A_52 : vector<16xf32>
      %swap3A_2478 = arith.constant 50 : i32
      %swap3A_2479 = arith.index_cast %swap3A_2478 : i32 to index
      %swap3A_2480 = arith.constant 16 : index
      %swap3A_2481 = tpu.vector_load %arg7[%swap3A_2479, %swap3A_2480] {strides = array<i32>} : memref<64x50xf32, #tpu.memory_space<vmem>>, vector<1x16xf32>,
      %swap3A_2482 = vector.shape_cast %swap3A_2481 : vector<1x16xf32> to vector<16xf32>
      %swap3A_2483 = vector.shape_cast %add3A_2477 : vector<16xf32> to vector<1x16xf32>
      tpu.vector_store %arg7[%swap3A_2479, %swap3A_2480], %swap3A_2483 {strides = array<i32>} : memref<64x50xf32, #tpu.memory_space<vmem>>, vector<1x16xf32>,
      %get3A_2484 = arith.constant 50 : i32
      %get3A_2485 = arith.index_cast %get3A_2484 : i32 to index
      %get3A_2486 = arith.constant 32 : index
      %get3A_2487 = tpu.vector_load %arg5[%get3A_2485, %get3A_2486] {strides = array<i32>} : memref<64x50xf32, #tpu.memory_space<vmem>>, vector<1x16xf32>,
      %get3A_2488 = vector.shape_cast %get3A_2487 : vector<1x16xf32> to vector<16xf32>
      %add3A_2489 = arith.addf %get3A_2488, %get3A_56 : vector<16xf32>
      %swap3A_2490 = arith.constant 50 : i32
      %swap3A_2491 = arith.index_cast %swap3A_2490 : i32 to index
      %swap3A_2492 = arith.constant 32 : index
      %swap3A_2493 = tpu.vector_load %arg7[%swap3A_2491, %swap3A_2492] {strides = array<i32>} : memref<64x50xf32, #tpu.memory_space<vmem>>, vector<1x16xf32>,
      %swap3A_2494 = vector.shape_cast %swap3A_2493 : vector<1x16xf32> to vector<16xf32>
      %swap3A_2495 = vector.shape_cast %add3A_2489 : vector<16xf32> to vector<1x16xf32>
      tpu.vector_store %arg7[%swap3A_2491, %swap3A_2492], %swap3A_2495 {strides = array<i32>} : memref<64x50xf32, #tpu.memory_space<vmem>>, vector<1x16xf32>,
      %get3A_2496 = arith.constant 50 : i32
      %get3A_2497 = arith.index_cast %get3A_2496 : i32 to index
      %get3A_2498 = arith.constant 34 : index
      %get3A_2499 = tpu.vector_load %arg5[%get3A_2497, %get3A_2498] {strides = array<i32>} : memref<64x50xf32, #tpu.memory_space<vmem>>, vector<1x16xf32>,
      %get3A_2500 = vector.shape_cast %get3A_2499 : vector<1x16xf32> to vector<16xf32>
      %add3A_2501 = arith.addf %get3A_2500, %get3A_60 : vector<16xf32>
      %swap3A_2502 = arith.constant 50 : i32
      %swap3A_2503 = arith.index_cast %swap3A_2502 : i32 to index
      %swap3A_2504 = arith.constant 34 : index
      %swap3A_2505 = tpu.vector_load %arg7[%swap3A_2503, %swap3A_2504] {strides = array<i32>} : memref<64x50xf32, #tpu.memory_space<vmem>>, vector<1x16xf32>,
      %swap3A_2506 = vector.shape_cast %swap3A_2505 : vector<1x16xf32> to vector<16xf32>
      %swap3A_2507 = vector.shape_cast %add3A_2501 : vector<16xf32> to vector<1x16xf32>
      tpu.vector_store %arg7[%swap3A_2503, %swap3A_2504], %swap3A_2507 {strides = array<i32>} : memref<64x50xf32, #tpu.memory_space<vmem>>, vector<1x16xf32>,
      %get3A_2508 = arith.constant 51 : i32
      %get3A_2509 = arith.index_cast %get3A_2508 : i32 to index
      %get3A_2510 = arith.constant 0 : index
      %get3A_2511 = tpu.vector_load %arg5[%get3A_2509, %get3A_2510] {strides = array<i32>} : memref<64x50xf32, #tpu.memory_space<vmem>>, vector<1x16xf32>,
      %get3A_2512 = vector.shape_cast %get3A_2511 : vector<1x16xf32> to vector<16xf32>
      %add3A_2513 = arith.addf %get3A_2512, %get3A_48 : vector<16xf32>
      %swap3A_2514 = arith.constant 51 : i32
      %swap3A_2515 = arith.index_cast %swap3A_2514 : i32 to index
      %swap3A_2516 = arith.constant 0 : index
      %swap3A_2517 = tpu.vector_load %arg7[%swap3A_2515, %swap3A_2516] {strides = array<i32>} : memref<64x50xf32, #tpu.memory_space<vmem>>, vector<1x16xf32>,
      %swap3A_2518 = vector.shape_cast %swap3A_2517 : vector<1x16xf32> to vector<16xf32>
      %swap3A_2519 = vector.shape_cast %add3A_2513 : vector<16xf32> to vector<1x16xf32>
      tpu.vector_store %arg7[%swap3A_2515, %swap3A_2516], %swap3A_2519 {strides = array<i32>} : memref<64x50xf32, #tpu.memory_space<vmem>>, vector<1x16xf32>,
      %get3A_2520 = arith.constant 51 : i32
      %get3A_2521 = arith.index_cast %get3A_2520 : i32 to index
      %get3A_2522 = arith.constant 16 : index
      %get3A_2523 = tpu.vector_load %arg5[%get3A_2521, %get3A_2522] {strides = array<i32>} : memref<64x50xf32, #tpu.memory_space<vmem>>, vector<1x16xf32>,
      %get3A_2524 = vector.shape_cast %get3A_2523 : vector<1x16xf32> to vector<16xf32>
      %add3A_2525 = arith.addf %get3A_2524, %get3A_52 : vector<16xf32>
      %swap3A_2526 = arith.constant 51 : i32
      %swap3A_2527 = arith.index_cast %swap3A_2526 : i32 to index
      %swap3A_2528 = arith.constant 16 : index
      %swap3A_2529 = tpu.vector_load %arg7[%swap3A_2527, %swap3A_2528] {strides = array<i32>} : memref<64x50xf32, #tpu.memory_space<vmem>>, vector<1x16xf32>,
      %swap3A_2530 = vector.shape_cast %swap3A_2529 : vector<1x16xf32> to vector<16xf32>
      %swap3A_2531 = vector.shape_cast %add3A_2525 : vector<16xf32> to vector<1x16xf32>
      tpu.vector_store %arg7[%swap3A_2527, %swap3A_2528], %swap3A_2531 {strides = array<i32>} : memref<64x50xf32, #tpu.memory_space<vmem>>, vector<1x16xf32>,
      %get3A_2532 = arith.constant 51 : i32
      %get3A_2533 = arith.index_cast %get3A_2532 : i32 to index
      %get3A_2534 = arith.constant 32 : index
      %get3A_2535 = tpu.vector_load %arg5[%get3A_2533, %get3A_2534] {strides = array<i32>} : memref<64x50xf32, #tpu.memory_space<vmem>>, vector<1x16xf32>,
      %get3A_2536 = vector.shape_cast %get3A_2535 : vector<1x16xf32> to vector<16xf32>
      %add3A_2537 = arith.addf %get3A_2536, %get3A_56 : vector<16xf32>
      %swap3A_2538 = arith.constant 51 : i32
      %swap3A_2539 = arith.index_cast %swap3A_2538 : i32 to index
      %swap3A_2540 = arith.constant 32 : index
      %swap3A_2541 = tpu.vector_load %arg7[%swap3A_2539, %swap3A_2540] {strides = array<i32>} : memref<64x50xf32, #tpu.memory_space<vmem>>, vector<1x16xf32>,
      %swap3A_2542 = vector.shape_cast %swap3A_2541 : vector<1x16xf32> to vector<16xf32>
      %swap3A_2543 = vector.shape_cast %add3A_2537 : vector<16xf32> to vector<1x16xf32>
      tpu.vector_store %arg7[%swap3A_2539, %swap3A_2540], %swap3A_2543 {strides = array<i32>} : memref<64x50xf32, #tpu.memory_space<vmem>>, vector<1x16xf32>,
      %get3A_2544 = arith.constant 51 : i32
      %get3A_2545 = arith.index_cast %get3A_2544 : i32 to index
      %get3A_2546 = arith.constant 34 : index
      %get3A_2547 = tpu.vector_load %arg5[%get3A_2545, %get3A_2546] {strides = array<i32>} : memref<64x50xf32, #tpu.memory_space<vmem>>, vector<1x16xf32>,
      %get3A_2548 = vector.shape_cast %get3A_2547 : vector<1x16xf32> to vector<16xf32>
      %add3A_2549 = arith.addf %get3A_2548, %get3A_60 : vector<16xf32>
      %swap3A_2550 = arith.constant 51 : i32
      %swap3A_2551 = arith.index_cast %swap3A_2550 : i32 to index
      %swap3A_2552 = arith.constant 34 : index
      %swap3A_2553 = tpu.vector_load %arg7[%swap3A_2551, %swap3A_2552] {strides = array<i32>} : memref<64x50xf32, #tpu.memory_space<vmem>>, vector<1x16xf32>,
      %swap3A_2554 = vector.shape_cast %swap3A_2553 : vector<1x16xf32> to vector<16xf32>
      %swap3A_2555 = vector.shape_cast %add3A_2549 : vector<16xf32> to vector<1x16xf32>
      tpu.vector_store %arg7[%swap3A_2551, %swap3A_2552], %swap3A_2555 {strides = array<i32>} : memref<64x50xf32, #tpu.memory_space<vmem>>, vector<1x16xf32>,
      %get3A_2556 = arith.constant 52 : i32
      %get3A_2557 = arith.index_cast %get3A_2556 : i32 to index
      %get3A_2558 = arith.constant 0 : index
      %get3A_2559 = tpu.vector_load %arg5[%get3A_2557, %get3A_2558] {strides = array<i32>} : memref<64x50xf32, #tpu.memory_space<vmem>>, vector<1x16xf32>,
      %get3A_2560 = vector.shape_cast %get3A_2559 : vector<1x16xf32> to vector<16xf32>
      %add3A_2561 = arith.addf %get3A_2560, %get3A_48 : vector<16xf32>
      %swap3A_2562 = arith.constant 52 : i32
      %swap3A_2563 = arith.index_cast %swap3A_2562 : i32 to index
      %swap3A_2564 = arith.constant 0 : index
      %swap3A_2565 = tpu.vector_load %arg7[%swap3A_2563, %swap3A_2564] {strides = array<i32>} : memref<64x50xf32, #tpu.memory_space<vmem>>, vector<1x16xf32>,
      %swap3A_2566 = vector.shape_cast %swap3A_2565 : vector<1x16xf32> to vector<16xf32>
      %swap3A_2567 = vector.shape_cast %add3A_2561 : vector<16xf32> to vector<1x16xf32>
      tpu.vector_store %arg7[%swap3A_2563, %swap3A_2564], %swap3A_2567 {strides = array<i32>} : memref<64x50xf32, #tpu.memory_space<vmem>>, vector<1x16xf32>,
      %get3A_2568 = arith.constant 52 : i32
      %get3A_2569 = arith.index_cast %get3A_2568 : i32 to index
      %get3A_2570 = arith.constant 16 : index
      %get3A_2571 = tpu.vector_load %arg5[%get3A_2569, %get3A_2570] {strides = array<i32>} : memref<64x50xf32, #tpu.memory_space<vmem>>, vector<1x16xf32>,
      %get3A_2572 = vector.shape_cast %get3A_2571 : vector<1x16xf32> to vector<16xf32>
      %add3A_2573 = arith.addf %get3A_2572, %get3A_52 : vector<16xf32>
      %swap3A_2574 = arith.constant 52 : i32
      %swap3A_2575 = arith.index_cast %swap3A_2574 : i32 to index
      %swap3A_2576 = arith.constant 16 : index
      %swap3A_2577 = tpu.vector_load %arg7[%swap3A_2575, %swap3A_2576] {strides = array<i32>} : memref<64x50xf32, #tpu.memory_space<vmem>>, vector<1x16xf32>,
      %swap3A_2578 = vector.shape_cast %swap3A_2577 : vector<1x16xf32> to vector<16xf32>
      %swap3A_2579 = vector.shape_cast %add3A_2573 : vector<16xf32> to vector<1x16xf32>
      tpu.vector_store %arg7[%swap3A_2575, %swap3A_2576], %swap3A_2579 {strides = array<i32>} : memref<64x50xf32, #tpu.memory_space<vmem>>, vector<1x16xf32>,
      %get3A_2580 = arith.constant 52 : i32
      %get3A_2581 = arith.index_cast %get3A_2580 : i32 to index
      %get3A_2582 = arith.constant 32 : index
      %get3A_2583 = tpu.vector_load %arg5[%get3A_2581, %get3A_2582] {strides = array<i32>} : memref<64x50xf32, #tpu.memory_space<vmem>>, vector<1x16xf32>,
      %get3A_2584 = vector.shape_cast %get3A_2583 : vector<1x16xf32> to vector<16xf32>
      %add3A_2585 = arith.addf %get3A_2584, %get3A_56 : vector<16xf32>
      %swap3A_2586 = arith.constant 52 : i32
      %swap3A_2587 = arith.index_cast %swap3A_2586 : i32 to index
      %swap3A_2588 = arith.constant 32 : index
      %swap3A_2589 = tpu.vector_load %arg7[%swap3A_2587, %swap3A_2588] {strides = array<i32>} : memref<64x50xf32, #tpu.memory_space<vmem>>, vector<1x16xf32>,
      %swap3A_2590 = vector.shape_cast %swap3A_2589 : vector<1x16xf32> to vector<16xf32>
      %swap3A_2591 = vector.shape_cast %add3A_2585 : vector<16xf32> to vector<1x16xf32>
      tpu.vector_store %arg7[%swap3A_2587, %swap3A_2588], %swap3A_2591 {strides = array<i32>} : memref<64x50xf32, #tpu.memory_space<vmem>>, vector<1x16xf32>,
      %get3A_2592 = arith.constant 52 : i32
      %get3A_2593 = arith.index_cast %get3A_2592 : i32 to index
      %get3A_2594 = arith.constant 34 : index
      %get3A_2595 = tpu.vector_load %arg5[%get3A_2593, %get3A_2594] {strides = array<i32>} : memref<64x50xf32, #tpu.memory_space<vmem>>, vector<1x16xf32>,
      %get3A_2596 = vector.shape_cast %get3A_2595 : vector<1x16xf32> to vector<16xf32>
      %add3A_2597 = arith.addf %get3A_2596, %get3A_60 : vector<16xf32>
      %swap3A_2598 = arith.constant 52 : i32
      %swap3A_2599 = arith.index_cast %swap3A_2598 : i32 to index
      %swap3A_2600 = arith.constant 34 : index
      %swap3A_2601 = tpu.vector_load %arg7[%swap3A_2599, %swap3A_2600] {strides = array<i32>} : memref<64x50xf32, #tpu.memory_space<vmem>>, vector<1x16xf32>,
      %swap3A_2602 = vector.shape_cast %swap3A_2601 : vector<1x16xf32> to vector<16xf32>
      %swap3A_2603 = vector.shape_cast %add3A_2597 : vector<16xf32> to vector<1x16xf32>
      tpu.vector_store %arg7[%swap3A_2599, %swap3A_2600], %swap3A_2603 {strides = array<i32>} : memref<64x50xf32, #tpu.memory_space<vmem>>, vector<1x16xf32>,
      %get3A_2604 = arith.constant 53 : i32
      %get3A_2605 = arith.index_cast %get3A_2604 : i32 to index
      %get3A_2606 = arith.constant 0 : index
      %get3A_2607 = tpu.vector_load %arg5[%get3A_2605, %get3A_2606] {strides = array<i32>} : memref<64x50xf32, #tpu.memory_space<vmem>>, vector<1x16xf32>,
      %get3A_2608 = vector.shape_cast %get3A_2607 : vector<1x16xf32> to vector<16xf32>
      %add3A_2609 = arith.addf %get3A_2608, %get3A_48 : vector<16xf32>
      %swap3A_2610 = arith.constant 53 : i32
      %swap3A_2611 = arith.index_cast %swap3A_2610 : i32 to index
      %swap3A_2612 = arith.constant 0 : index
      %swap3A_2613 = tpu.vector_load %arg7[%swap3A_2611, %swap3A_2612] {strides = array<i32>} : memref<64x50xf32, #tpu.memory_space<vmem>>, vector<1x16xf32>,
      %swap3A_2614 = vector.shape_cast %swap3A_2613 : vector<1x16xf32> to vector<16xf32>
      %swap3A_2615 = vector.shape_cast %add3A_2609 : vector<16xf32> to vector<1x16xf32>
      tpu.vector_store %arg7[%swap3A_2611, %swap3A_2612], %swap3A_2615 {strides = array<i32>} : memref<64x50xf32, #tpu.memory_space<vmem>>, vector<1x16xf32>,
      %get3A_2616 = arith.constant 53 : i32
      %get3A_2617 = arith.index_cast %get3A_2616 : i32 to index
      %get3A_2618 = arith.constant 16 : index
      %get3A_2619 = tpu.vector_load %arg5[%get3A_2617, %get3A_2618] {strides = array<i32>} : memref<64x50xf32, #tpu.memory_space<vmem>>, vector<1x16xf32>,
      %get3A_2620 = vector.shape_cast %get3A_2619 : vector<1x16xf32> to vector<16xf32>
      %add3A_2621 = arith.addf %get3A_2620, %get3A_52 : vector<16xf32>
      %swap3A_2622 = arith.constant 53 : i32
      %swap3A_2623 = arith.index_cast %swap3A_2622 : i32 to index
      %swap3A_2624 = arith.constant 16 : index
      %swap3A_2625 = tpu.vector_load %arg7[%swap3A_2623, %swap3A_2624] {strides = array<i32>} : memref<64x50xf32, #tpu.memory_space<vmem>>, vector<1x16xf32>,
      %swap3A_2626 = vector.shape_cast %swap3A_2625 : vector<1x16xf32> to vector<16xf32>
      %swap3A_2627 = vector.shape_cast %add3A_2621 : vector<16xf32> to vector<1x16xf32>
      tpu.vector_store %arg7[%swap3A_2623, %swap3A_2624], %swap3A_2627 {strides = array<i32>} : memref<64x50xf32, #tpu.memory_space<vmem>>, vector<1x16xf32>,
      %get3A_2628 = arith.constant 53 : i32
      %get3A_2629 = arith.index_cast %get3A_2628 : i32 to index
      %get3A_2630 = arith.constant 32 : index
      %get3A_2631 = tpu.vector_load %arg5[%get3A_2629, %get3A_2630] {strides = array<i32>} : memref<64x50xf32, #tpu.memory_space<vmem>>, vector<1x16xf32>,
      %get3A_2632 = vector.shape_cast %get3A_2631 : vector<1x16xf32> to vector<16xf32>
      %add3A_2633 = arith.addf %get3A_2632, %get3A_56 : vector<16xf32>
      %swap3A_2634 = arith.constant 53 : i32
      %swap3A_2635 = arith.index_cast %swap3A_2634 : i32 to index
      %swap3A_2636 = arith.constant 32 : index
      %swap3A_2637 = tpu.vector_load %arg7[%swap3A_2635, %swap3A_2636] {strides = array<i32>} : memref<64x50xf32, #tpu.memory_space<vmem>>, vector<1x16xf32>,
      %swap3A_2638 = vector.shape_cast %swap3A_2637 : vector<1x16xf32> to vector<16xf32>
      %swap3A_2639 = vector.shape_cast %add3A_2633 : vector<16xf32> to vector<1x16xf32>
      tpu.vector_store %arg7[%swap3A_2635, %swap3A_2636], %swap3A_2639 {strides = array<i32>} : memref<64x50xf32, #tpu.memory_space<vmem>>, vector<1x16xf32>,
      %get3A_2640 = arith.constant 53 : i32
      %get3A_2641 = arith.index_cast %get3A_2640 : i32 to index
      %get3A_2642 = arith.constant 34 : index
      %get3A_2643 = tpu.vector_load %arg5[%get3A_2641, %get3A_2642] {strides = array<i32>} : memref<64x50xf32, #tpu.memory_space<vmem>>, vector<1x16xf32>,
      %get3A_2644 = vector.shape_cast %get3A_2643 : vector<1x16xf32> to vector<16xf32>
      %add3A_2645 = arith.addf %get3A_2644, %get3A_60 : vector<16xf32>
      %swap3A_2646 = arith.constant 53 : i32
      %swap3A_2647 = arith.index_cast %swap3A_2646 : i32 to index
      %swap3A_2648 = arith.constant 34 : index
      %swap3A_2649 = tpu.vector_load %arg7[%swap3A_2647, %swap3A_2648] {strides = array<i32>} : memref<64x50xf32, #tpu.memory_space<vmem>>, vector<1x16xf32>,
      %swap3A_2650 = vector.shape_cast %swap3A_2649 : vector<1x16xf32> to vector<16xf32>
      %swap3A_2651 = vector.shape_cast %add3A_2645 : vector<16xf32> to vector<1x16xf32>
      tpu.vector_store %arg7[%swap3A_2647, %swap3A_2648], %swap3A_2651 {strides = array<i32>} : memref<64x50xf32, #tpu.memory_space<vmem>>, vector<1x16xf32>,
      %get3A_2652 = arith.constant 54 : i32
      %get3A_2653 = arith.index_cast %get3A_2652 : i32 to index
      %get3A_2654 = arith.constant 0 : index
      %get3A_2655 = tpu.vector_load %arg5[%get3A_2653, %get3A_2654] {strides = array<i32>} : memref<64x50xf32, #tpu.memory_space<vmem>>, vector<1x16xf32>,
      %get3A_2656 = vector.shape_cast %get3A_2655 : vector<1x16xf32> to vector<16xf32>
      %add3A_2657 = arith.addf %get3A_2656, %get3A_48 : vector<16xf32>
      %swap3A_2658 = arith.constant 54 : i32
      %swap3A_2659 = arith.index_cast %swap3A_2658 : i32 to index
      %swap3A_2660 = arith.constant 0 : index
      %swap3A_2661 = tpu.vector_load %arg7[%swap3A_2659, %swap3A_2660] {strides = array<i32>} : memref<64x50xf32, #tpu.memory_space<vmem>>, vector<1x16xf32>,
      %swap3A_2662 = vector.shape_cast %swap3A_2661 : vector<1x16xf32> to vector<16xf32>
      %swap3A_2663 = vector.shape_cast %add3A_2657 : vector<16xf32> to vector<1x16xf32>
      tpu.vector_store %arg7[%swap3A_2659, %swap3A_2660], %swap3A_2663 {strides = array<i32>} : memref<64x50xf32, #tpu.memory_space<vmem>>, vector<1x16xf32>,
      %get3A_2664 = arith.constant 54 : i32
      %get3A_2665 = arith.index_cast %get3A_2664 : i32 to index
      %get3A_2666 = arith.constant 16 : index
      %get3A_2667 = tpu.vector_load %arg5[%get3A_2665, %get3A_2666] {strides = array<i32>} : memref<64x50xf32, #tpu.memory_space<vmem>>, vector<1x16xf32>,
      %get3A_2668 = vector.shape_cast %get3A_2667 : vector<1x16xf32> to vector<16xf32>
      %add3A_2669 = arith.addf %get3A_2668, %get3A_52 : vector<16xf32>
      %swap3A_2670 = arith.constant 54 : i32
      %swap3A_2671 = arith.index_cast %swap3A_2670 : i32 to index
      %swap3A_2672 = arith.constant 16 : index
      %swap3A_2673 = tpu.vector_load %arg7[%swap3A_2671, %swap3A_2672] {strides = array<i32>} : memref<64x50xf32, #tpu.memory_space<vmem>>, vector<1x16xf32>,
      %swap3A_2674 = vector.shape_cast %swap3A_2673 : vector<1x16xf32> to vector<16xf32>
      %swap3A_2675 = vector.shape_cast %add3A_2669 : vector<16xf32> to vector<1x16xf32>
      tpu.vector_store %arg7[%swap3A_2671, %swap3A_2672], %swap3A_2675 {strides = array<i32>} : memref<64x50xf32, #tpu.memory_space<vmem>>, vector<1x16xf32>,
      %get3A_2676 = arith.constant 54 : i32
      %get3A_2677 = arith.index_cast %get3A_2676 : i32 to index
      %get3A_2678 = arith.constant 32 : index
      %get3A_2679 = tpu.vector_load %arg5[%get3A_2677, %get3A_2678] {strides = array<i32>} : memref<64x50xf32, #tpu.memory_space<vmem>>, vector<1x16xf32>,
      %get3A_2680 = vector.shape_cast %get3A_2679 : vector<1x16xf32> to vector<16xf32>
      %add3A_2681 = arith.addf %get3A_2680, %get3A_56 : vector<16xf32>
      %swap3A_2682 = arith.constant 54 : i32
      %swap3A_2683 = arith.index_cast %swap3A_2682 : i32 to index
      %swap3A_2684 = arith.constant 32 : index
      %swap3A_2685 = tpu.vector_load %arg7[%swap3A_2683, %swap3A_2684] {strides = array<i32>} : memref<64x50xf32, #tpu.memory_space<vmem>>, vector<1x16xf32>,
      %swap3A_2686 = vector.shape_cast %swap3A_2685 : vector<1x16xf32> to vector<16xf32>
      %swap3A_2687 = vector.shape_cast %add3A_2681 : vector<16xf32> to vector<1x16xf32>
      tpu.vector_store %arg7[%swap3A_2683, %swap3A_2684], %swap3A_2687 {strides = array<i32>} : memref<64x50xf32, #tpu.memory_space<vmem>>, vector<1x16xf32>,
      %get3A_2688 = arith.constant 54 : i32
      %get3A_2689 = arith.index_cast %get3A_2688 : i32 to index
      %get3A_2690 = arith.constant 34 : index
      %get3A_2691 = tpu.vector_load %arg5[%get3A_2689, %get3A_2690] {strides = array<i32>} : memref<64x50xf32, #tpu.memory_space<vmem>>, vector<1x16xf32>,
      %get3A_2692 = vector.shape_cast %get3A_2691 : vector<1x16xf32> to vector<16xf32>
      %add3A_2693 = arith.addf %get3A_2692, %get3A_60 : vector<16xf32>
      %swap3A_2694 = arith.constant 54 : i32
      %swap3A_2695 = arith.index_cast %swap3A_2694 : i32 to index
      %swap3A_2696 = arith.constant 34 : index
      %swap3A_2697 = tpu.vector_load %arg7[%swap3A_2695, %swap3A_2696] {strides = array<i32>} : memref<64x50xf32, #tpu.memory_space<vmem>>, vector<1x16xf32>,
      %swap3A_2698 = vector.shape_cast %swap3A_2697 : vector<1x16xf32> to vector<16xf32>
      %swap3A_2699 = vector.shape_cast %add3A_2693 : vector<16xf32> to vector<1x16xf32>
      tpu.vector_store %arg7[%swap3A_2695, %swap3A_2696], %swap3A_2699 {strides = array<i32>} : memref<64x50xf32, #tpu.memory_space<vmem>>, vector<1x16xf32>,
      %get3A_2700 = arith.constant 55 : i32
      %get3A_2701 = arith.index_cast %get3A_2700 : i32 to index
      %get3A_2702 = arith.constant 0 : index
      %get3A_2703 = tpu.vector_load %arg5[%get3A_2701, %get3A_2702] {strides = array<i32>} : memref<64x50xf32, #tpu.memory_space<vmem>>, vector<1x16xf32>,
      %get3A_2704 = vector.shape_cast %get3A_2703 : vector<1x16xf32> to vector<16xf32>
      %add3A_2705 = arith.addf %get3A_2704, %get3A_48 : vector<16xf32>
      %swap3A_2706 = arith.constant 55 : i32
      %swap3A_2707 = arith.index_cast %swap3A_2706 : i32 to index
      %swap3A_2708 = arith.constant 0 : index
      %swap3A_2709 = tpu.vector_load %arg7[%swap3A_2707, %swap3A_2708] {strides = array<i32>} : memref<64x50xf32, #tpu.memory_space<vmem>>, vector<1x16xf32>,
      %swap3A_2710 = vector.shape_cast %swap3A_2709 : vector<1x16xf32> to vector<16xf32>
      %swap3A_2711 = vector.shape_cast %add3A_2705 : vector<16xf32> to vector<1x16xf32>
      tpu.vector_store %arg7[%swap3A_2707, %swap3A_2708], %swap3A_2711 {strides = array<i32>} : memref<64x50xf32, #tpu.memory_space<vmem>>, vector<1x16xf32>,
      %get3A_2712 = arith.constant 55 : i32
      %get3A_2713 = arith.index_cast %get3A_2712 : i32 to index
      %get3A_2714 = arith.constant 16 : index
      %get3A_2715 = tpu.vector_load %arg5[%get3A_2713, %get3A_2714] {strides = array<i32>} : memref<64x50xf32, #tpu.memory_space<vmem>>, vector<1x16xf32>,
      %get3A_2716 = vector.shape_cast %get3A_2715 : vector<1x16xf32> to vector<16xf32>
      %add3A_2717 = arith.addf %get3A_2716, %get3A_52 : vector<16xf32>
      %swap3A_2718 = arith.constant 55 : i32
      %swap3A_2719 = arith.index_cast %swap3A_2718 : i32 to index
      %swap3A_2720 = arith.constant 16 : index
      %swap3A_2721 = tpu.vector_load %arg7[%swap3A_2719, %swap3A_2720] {strides = array<i32>} : memref<64x50xf32, #tpu.memory_space<vmem>>, vector<1x16xf32>,
      %swap3A_2722 = vector.shape_cast %swap3A_2721 : vector<1x16xf32> to vector<16xf32>
      %swap3A_2723 = vector.shape_cast %add3A_2717 : vector<16xf32> to vector<1x16xf32>
      tpu.vector_store %arg7[%swap3A_2719, %swap3A_2720], %swap3A_2723 {strides = array<i32>} : memref<64x50xf32, #tpu.memory_space<vmem>>, vector<1x16xf32>,
      %get3A_2724 = arith.constant 55 : i32
      %get3A_2725 = arith.index_cast %get3A_2724 : i32 to index
      %get3A_2726 = arith.constant 32 : index
      %get3A_2727 = tpu.vector_load %arg5[%get3A_2725, %get3A_2726] {strides = array<i32>} : memref<64x50xf32, #tpu.memory_space<vmem>>, vector<1x16xf32>,
      %get3A_2728 = vector.shape_cast %get3A_2727 : vector<1x16xf32> to vector<16xf32>
      %add3A_2729 = arith.addf %get3A_2728, %get3A_56 : vector<16xf32>
      %swap3A_2730 = arith.constant 55 : i32
      %swap3A_2731 = arith.index_cast %swap3A_2730 : i32 to index
      %swap3A_2732 = arith.constant 32 : index
      %swap3A_2733 = tpu.vector_load %arg7[%swap3A_2731, %swap3A_2732] {strides = array<i32>} : memref<64x50xf32, #tpu.memory_space<vmem>>, vector<1x16xf32>,
      %swap3A_2734 = vector.shape_cast %swap3A_2733 : vector<1x16xf32> to vector<16xf32>
      %swap3A_2735 = vector.shape_cast %add3A_2729 : vector<16xf32> to vector<1x16xf32>
      tpu.vector_store %arg7[%swap3A_2731, %swap3A_2732], %swap3A_2735 {strides = array<i32>} : memref<64x50xf32, #tpu.memory_space<vmem>>, vector<1x16xf32>,
      %get3A_2736 = arith.constant 55 : i32
      %get3A_2737 = arith.index_cast %get3A_2736 : i32 to index
      %get3A_2738 = arith.constant 34 : index
      %get3A_2739 = tpu.vector_load %arg5[%get3A_2737, %get3A_2738] {strides = array<i32>} : memref<64x50xf32, #tpu.memory_space<vmem>>, vector<1x16xf32>,
      %get3A_2740 = vector.shape_cast %get3A_2739 : vector<1x16xf32> to vector<16xf32>
      %add3A_2741 = arith.addf %get3A_2740, %get3A_60 : vector<16xf32>
      %swap3A_2742 = arith.constant 55 : i32
      %swap3A_2743 = arith.index_cast %swap3A_2742 : i32 to index
      %swap3A_2744 = arith.constant 34 : index
      %swap3A_2745 = tpu.vector_load %arg7[%swap3A_2743, %swap3A_2744] {strides = array<i32>} : memref<64x50xf32, #tpu.memory_space<vmem>>, vector<1x16xf32>,
      %swap3A_2746 = vector.shape_cast %swap3A_2745 : vector<1x16xf32> to vector<16xf32>
      %swap3A_2747 = vector.shape_cast %add3A_2741 : vector<16xf32> to vector<1x16xf32>
      tpu.vector_store %arg7[%swap3A_2743, %swap3A_2744], %swap3A_2747 {strides = array<i32>} : memref<64x50xf32, #tpu.memory_space<vmem>>, vector<1x16xf32>,
      %get3A_2748 = arith.constant 56 : i32
      %get3A_2749 = arith.index_cast %get3A_2748 : i32 to index
      %get3A_2750 = arith.constant 0 : index
      %get3A_2751 = tpu.vector_load %arg5[%get3A_2749, %get3A_2750] {strides = array<i32>} : memref<64x50xf32, #tpu.memory_space<vmem>>, vector<1x16xf32>,
      %get3A_2752 = vector.shape_cast %get3A_2751 : vector<1x16xf32> to vector<16xf32>
      %add3A_2753 = arith.addf %get3A_2752, %get3A_48 : vector<16xf32>
      %swap3A_2754 = arith.constant 56 : i32
      %swap3A_2755 = arith.index_cast %swap3A_2754 : i32 to index
      %swap3A_2756 = arith.constant 0 : index
      %swap3A_2757 = tpu.vector_load %arg7[%swap3A_2755, %swap3A_2756] {strides = array<i32>} : memref<64x50xf32, #tpu.memory_space<vmem>>, vector<1x16xf32>,
      %swap3A_2758 = vector.shape_cast %swap3A_2757 : vector<1x16xf32> to vector<16xf32>
      %swap3A_2759 = vector.shape_cast %add3A_2753 : vector<16xf32> to vector<1x16xf32>
      tpu.vector_store %arg7[%swap3A_2755, %swap3A_2756], %swap3A_2759 {strides = array<i32>} : memref<64x50xf32, #tpu.memory_space<vmem>>, vector<1x16xf32>,
      %get3A_2760 = arith.constant 56 : i32
      %get3A_2761 = arith.index_cast %get3A_2760 : i32 to index
      %get3A_2762 = arith.constant 16 : index
      %get3A_2763 = tpu.vector_load %arg5[%get3A_2761, %get3A_2762] {strides = array<i32>} : memref<64x50xf32, #tpu.memory_space<vmem>>, vector<1x16xf32>,
      %get3A_2764 = vector.shape_cast %get3A_2763 : vector<1x16xf32> to vector<16xf32>
      %add3A_2765 = arith.addf %get3A_2764, %get3A_52 : vector<16xf32>
      %swap3A_2766 = arith.constant 56 : i32
      %swap3A_2767 = arith.index_cast %swap3A_2766 : i32 to index
      %swap3A_2768 = arith.constant 16 : index
      %swap3A_2769 = tpu.vector_load %arg7[%swap3A_2767, %swap3A_2768] {strides = array<i32>} : memref<64x50xf32, #tpu.memory_space<vmem>>, vector<1x16xf32>,
      %swap3A_2770 = vector.shape_cast %swap3A_2769 : vector<1x16xf32> to vector<16xf32>
      %swap3A_2771 = vector.shape_cast %add3A_2765 : vector<16xf32> to vector<1x16xf32>
      tpu.vector_store %arg7[%swap3A_2767, %swap3A_2768], %swap3A_2771 {strides = array<i32>} : memref<64x50xf32, #tpu.memory_space<vmem>>, vector<1x16xf32>,
      %get3A_2772 = arith.constant 56 : i32
      %get3A_2773 = arith.index_cast %get3A_2772 : i32 to index
      %get3A_2774 = arith.constant 32 : index
      %get3A_2775 = tpu.vector_load %arg5[%get3A_2773, %get3A_2774] {strides = array<i32>} : memref<64x50xf32, #tpu.memory_space<vmem>>, vector<1x16xf32>,
      %get3A_2776 = vector.shape_cast %get3A_2775 : vector<1x16xf32> to vector<16xf32>
      %add3A_2777 = arith.addf %get3A_2776, %get3A_56 : vector<16xf32>
      %swap3A_2778 = arith.constant 56 : i32
      %swap3A_2779 = arith.index_cast %swap3A_2778 : i32 to index
      %swap3A_2780 = arith.constant 32 : index
      %swap3A_2781 = tpu.vector_load %arg7[%swap3A_2779, %swap3A_2780] {strides = array<i32>} : memref<64x50xf32, #tpu.memory_space<vmem>>, vector<1x16xf32>,
      %swap3A_2782 = vector.shape_cast %swap3A_2781 : vector<1x16xf32> to vector<16xf32>
      %swap3A_2783 = vector.shape_cast %add3A_2777 : vector<16xf32> to vector<1x16xf32>
      tpu.vector_store %arg7[%swap3A_2779, %swap3A_2780], %swap3A_2783 {strides = array<i32>} : memref<64x50xf32, #tpu.memory_space<vmem>>, vector<1x16xf32>,
      %get3A_2784 = arith.constant 56 : i32
      %get3A_2785 = arith.index_cast %get3A_2784 : i32 to index
      %get3A_2786 = arith.constant 34 : index
      %get3A_2787 = tpu.vector_load %arg5[%get3A_2785, %get3A_2786] {strides = array<i32>} : memref<64x50xf32, #tpu.memory_space<vmem>>, vector<1x16xf32>,
      %get3A_2788 = vector.shape_cast %get3A_2787 : vector<1x16xf32> to vector<16xf32>
      %add3A_2789 = arith.addf %get3A_2788, %get3A_60 : vector<16xf32>
      %swap3A_2790 = arith.constant 56 : i32
      %swap3A_2791 = arith.index_cast %swap3A_2790 : i32 to index
      %swap3A_2792 = arith.constant 34 : index
      %swap3A_2793 = tpu.vector_load %arg7[%swap3A_2791, %swap3A_2792] {strides = array<i32>} : memref<64x50xf32, #tpu.memory_space<vmem>>, vector<1x16xf32>,
      %swap3A_2794 = vector.shape_cast %swap3A_2793 : vector<1x16xf32> to vector<16xf32>
      %swap3A_2795 = vector.shape_cast %add3A_2789 : vector<16xf32> to vector<1x16xf32>
      tpu.vector_store %arg7[%swap3A_2791, %swap3A_2792], %swap3A_2795 {strides = array<i32>} : memref<64x50xf32, #tpu.memory_space<vmem>>, vector<1x16xf32>,
      %get3A_2796 = arith.constant 57 : i32
      %get3A_2797 = arith.index_cast %get3A_2796 : i32 to index
      %get3A_2798 = arith.constant 0 : index
      %get3A_2799 = tpu.vector_load %arg5[%get3A_2797, %get3A_2798] {strides = array<i32>} : memref<64x50xf32, #tpu.memory_space<vmem>>, vector<1x16xf32>,
      %get3A_2800 = vector.shape_cast %get3A_2799 : vector<1x16xf32> to vector<16xf32>
      %add3A_2801 = arith.addf %get3A_2800, %get3A_48 : vector<16xf32>
      %swap3A_2802 = arith.constant 57 : i32
      %swap3A_2803 = arith.index_cast %swap3A_2802 : i32 to index
      %swap3A_2804 = arith.constant 0 : index
      %swap3A_2805 = tpu.vector_load %arg7[%swap3A_2803, %swap3A_2804] {strides = array<i32>} : memref<64x50xf32, #tpu.memory_space<vmem>>, vector<1x16xf32>,
      %swap3A_2806 = vector.shape_cast %swap3A_2805 : vector<1x16xf32> to vector<16xf32>
      %swap3A_2807 = vector.shape_cast %add3A_2801 : vector<16xf32> to vector<1x16xf32>
      tpu.vector_store %arg7[%swap3A_2803, %swap3A_2804], %swap3A_2807 {strides = array<i32>} : memref<64x50xf32, #tpu.memory_space<vmem>>, vector<1x16xf32>,
      %get3A_2808 = arith.constant 57 : i32
      %get3A_2809 = arith.index_cast %get3A_2808 : i32 to index
      %get3A_2810 = arith.constant 16 : index
      %get3A_2811 = tpu.vector_load %arg5[%get3A_2809, %get3A_2810] {strides = array<i32>} : memref<64x50xf32, #tpu.memory_space<vmem>>, vector<1x16xf32>,
      %get3A_2812 = vector.shape_cast %get3A_2811 : vector<1x16xf32> to vector<16xf32>
      %add3A_2813 = arith.addf %get3A_2812, %get3A_52 : vector<16xf32>
      %swap3A_2814 = arith.constant 57 : i32
      %swap3A_2815 = arith.index_cast %swap3A_2814 : i32 to index
      %swap3A_2816 = arith.constant 16 : index
      %swap3A_2817 = tpu.vector_load %arg7[%swap3A_2815, %swap3A_2816] {strides = array<i32>} : memref<64x50xf32, #tpu.memory_space<vmem>>, vector<1x16xf32>,
      %swap3A_2818 = vector.shape_cast %swap3A_2817 : vector<1x16xf32> to vector<16xf32>
      %swap3A_2819 = vector.shape_cast %add3A_2813 : vector<16xf32> to vector<1x16xf32>
      tpu.vector_store %arg7[%swap3A_2815, %swap3A_2816], %swap3A_2819 {strides = array<i32>} : memref<64x50xf32, #tpu.memory_space<vmem>>, vector<1x16xf32>,
      %get3A_2820 = arith.constant 57 : i32
      %get3A_2821 = arith.index_cast %get3A_2820 : i32 to index
      %get3A_2822 = arith.constant 32 : index
      %get3A_2823 = tpu.vector_load %arg5[%get3A_2821, %get3A_2822] {strides = array<i32>} : memref<64x50xf32, #tpu.memory_space<vmem>>, vector<1x16xf32>,
      %get3A_2824 = vector.shape_cast %get3A_2823 : vector<1x16xf32> to vector<16xf32>
      %add3A_2825 = arith.addf %get3A_2824, %get3A_56 : vector<16xf32>
      %swap3A_2826 = arith.constant 57 : i32
      %swap3A_2827 = arith.index_cast %swap3A_2826 : i32 to index
      %swap3A_2828 = arith.constant 32 : index
      %swap3A_2829 = tpu.vector_load %arg7[%swap3A_2827, %swap3A_2828] {strides = array<i32>} : memref<64x50xf32, #tpu.memory_space<vmem>>, vector<1x16xf32>,
      %swap3A_2830 = vector.shape_cast %swap3A_2829 : vector<1x16xf32> to vector<16xf32>
      %swap3A_2831 = vector.shape_cast %add3A_2825 : vector<16xf32> to vector<1x16xf32>
      tpu.vector_store %arg7[%swap3A_2827, %swap3A_2828], %swap3A_2831 {strides = array<i32>} : memref<64x50xf32, #tpu.memory_space<vmem>>, vector<1x16xf32>,
      %get3A_2832 = arith.constant 57 : i32
      %get3A_2833 = arith.index_cast %get3A_2832 : i32 to index
      %get3A_2834 = arith.constant 34 : index
      %get3A_2835 = tpu.vector_load %arg5[%get3A_2833, %get3A_2834] {strides = array<i32>} : memref<64x50xf32, #tpu.memory_space<vmem>>, vector<1x16xf32>,
      %get3A_2836 = vector.shape_cast %get3A_2835 : vector<1x16xf32> to vector<16xf32>
      %add3A_2837 = arith.addf %get3A_2836, %get3A_60 : vector<16xf32>
      %swap3A_2838 = arith.constant 57 : i32
      %swap3A_2839 = arith.index_cast %swap3A_2838 : i32 to index
      %swap3A_2840 = arith.constant 34 : index
      %swap3A_2841 = tpu.vector_load %arg7[%swap3A_2839, %swap3A_2840] {strides = array<i32>} : memref<64x50xf32, #tpu.memory_space<vmem>>, vector<1x16xf32>,
      %swap3A_2842 = vector.shape_cast %swap3A_2841 : vector<1x16xf32> to vector<16xf32>
      %swap3A_2843 = vector.shape_cast %add3A_2837 : vector<16xf32> to vector<1x16xf32>
      tpu.vector_store %arg7[%swap3A_2839, %swap3A_2840], %swap3A_2843 {strides = array<i32>} : memref<64x50xf32, #tpu.memory_space<vmem>>, vector<1x16xf32>,
      %get3A_2844 = arith.constant 58 : i32
      %get3A_2845 = arith.index_cast %get3A_2844 : i32 to index
      %get3A_2846 = arith.constant 0 : index
      %get3A_2847 = tpu.vector_load %arg5[%get3A_2845, %get3A_2846] {strides = array<i32>} : memref<64x50xf32, #tpu.memory_space<vmem>>, vector<1x16xf32>,
      %get3A_2848 = vector.shape_cast %get3A_2847 : vector<1x16xf32> to vector<16xf32>
      %add3A_2849 = arith.addf %get3A_2848, %get3A_48 : vector<16xf32>
      %swap3A_2850 = arith.constant 58 : i32
      %swap3A_2851 = arith.index_cast %swap3A_2850 : i32 to index
      %swap3A_2852 = arith.constant 0 : index
      %swap3A_2853 = tpu.vector_load %arg7[%swap3A_2851, %swap3A_2852] {strides = array<i32>} : memref<64x50xf32, #tpu.memory_space<vmem>>, vector<1x16xf32>,
      %swap3A_2854 = vector.shape_cast %swap3A_2853 : vector<1x16xf32> to vector<16xf32>
      %swap3A_2855 = vector.shape_cast %add3A_2849 : vector<16xf32> to vector<1x16xf32>
      tpu.vector_store %arg7[%swap3A_2851, %swap3A_2852], %swap3A_2855 {strides = array<i32>} : memref<64x50xf32, #tpu.memory_space<vmem>>, vector<1x16xf32>,
      %get3A_2856 = arith.constant 58 : i32
      %get3A_2857 = arith.index_cast %get3A_2856 : i32 to index
      %get3A_2858 = arith.constant 16 : index
      %get3A_2859 = tpu.vector_load %arg5[%get3A_2857, %get3A_2858] {strides = array<i32>} : memref<64x50xf32, #tpu.memory_space<vmem>>, vector<1x16xf32>,
      %get3A_2860 = vector.shape_cast %get3A_2859 : vector<1x16xf32> to vector<16xf32>
      %add3A_2861 = arith.addf %get3A_2860, %get3A_52 : vector<16xf32>
      %swap3A_2862 = arith.constant 58 : i32
      %swap3A_2863 = arith.index_cast %swap3A_2862 : i32 to index
      %swap3A_2864 = arith.constant 16 : index
      %swap3A_2865 = tpu.vector_load %arg7[%swap3A_2863, %swap3A_2864] {strides = array<i32>} : memref<64x50xf32, #tpu.memory_space<vmem>>, vector<1x16xf32>,
      %swap3A_2866 = vector.shape_cast %swap3A_2865 : vector<1x16xf32> to vector<16xf32>
      %swap3A_2867 = vector.shape_cast %add3A_2861 : vector<16xf32> to vector<1x16xf32>
      tpu.vector_store %arg7[%swap3A_2863, %swap3A_2864], %swap3A_2867 {strides = array<i32>} : memref<64x50xf32, #tpu.memory_space<vmem>>, vector<1x16xf32>,
      %get3A_2868 = arith.constant 58 : i32
      %get3A_2869 = arith.index_cast %get3A_2868 : i32 to index
      %get3A_2870 = arith.constant 32 : index
      %get3A_2871 = tpu.vector_load %arg5[%get3A_2869, %get3A_2870] {strides = array<i32>} : memref<64x50xf32, #tpu.memory_space<vmem>>, vector<1x16xf32>,
      %get3A_2872 = vector.shape_cast %get3A_2871 : vector<1x16xf32> to vector<16xf32>
      %add3A_2873 = arith.addf %get3A_2872, %get3A_56 : vector<16xf32>
      %swap3A_2874 = arith.constant 58 : i32
      %swap3A_2875 = arith.index_cast %swap3A_2874 : i32 to index
      %swap3A_2876 = arith.constant 32 : index
      %swap3A_2877 = tpu.vector_load %arg7[%swap3A_2875, %swap3A_2876] {strides = array<i32>} : memref<64x50xf32, #tpu.memory_space<vmem>>, vector<1x16xf32>,
      %swap3A_2878 = vector.shape_cast %swap3A_2877 : vector<1x16xf32> to vector<16xf32>
      %swap3A_2879 = vector.shape_cast %add3A_2873 : vector<16xf32> to vector<1x16xf32>
      tpu.vector_store %arg7[%swap3A_2875, %swap3A_2876], %swap3A_2879 {strides = array<i32>} : memref<64x50xf32, #tpu.memory_space<vmem>>, vector<1x16xf32>,
      %get3A_2880 = arith.constant 58 : i32
      %get3A_2881 = arith.index_cast %get3A_2880 : i32 to index
      %get3A_2882 = arith.constant 34 : index
      %get3A_2883 = tpu.vector_load %arg5[%get3A_2881, %get3A_2882] {strides = array<i32>} : memref<64x50xf32, #tpu.memory_space<vmem>>, vector<1x16xf32>,
      %get3A_2884 = vector.shape_cast %get3A_2883 : vector<1x16xf32> to vector<16xf32>
      %add3A_2885 = arith.addf %get3A_2884, %get3A_60 : vector<16xf32>
      %swap3A_2886 = arith.constant 58 : i32
      %swap3A_2887 = arith.index_cast %swap3A_2886 : i32 to index
      %swap3A_2888 = arith.constant 34 : index
      %swap3A_2889 = tpu.vector_load %arg7[%swap3A_2887, %swap3A_2888] {strides = array<i32>} : memref<64x50xf32, #tpu.memory_space<vmem>>, vector<1x16xf32>,
      %swap3A_2890 = vector.shape_cast %swap3A_2889 : vector<1x16xf32> to vector<16xf32>
      %swap3A_2891 = vector.shape_cast %add3A_2885 : vector<16xf32> to vector<1x16xf32>
      tpu.vector_store %arg7[%swap3A_2887, %swap3A_2888], %swap3A_2891 {strides = array<i32>} : memref<64x50xf32, #tpu.memory_space<vmem>>, vector<1x16xf32>,
      %get3A_2892 = arith.constant 59 : i32
      %get3A_2893 = arith.index_cast %get3A_2892 : i32 to index
      %get3A_2894 = arith.constant 0 : index
      %get3A_2895 = tpu.vector_load %arg5[%get3A_2893, %get3A_2894] {strides = array<i32>} : memref<64x50xf32, #tpu.memory_space<vmem>>, vector<1x16xf32>,
      %get3A_2896 = vector.shape_cast %get3A_2895 : vector<1x16xf32> to vector<16xf32>
      %add3A_2897 = arith.addf %get3A_2896, %get3A_48 : vector<16xf32>
      %swap3A_2898 = arith.constant 59 : i32
      %swap3A_2899 = arith.index_cast %swap3A_2898 : i32 to index
      %swap3A_2900 = arith.constant 0 : index
      %swap3A_2901 = tpu.vector_load %arg7[%swap3A_2899, %swap3A_2900] {strides = array<i32>} : memref<64x50xf32, #tpu.memory_space<vmem>>, vector<1x16xf32>,
      %swap3A_2902 = vector.shape_cast %swap3A_2901 : vector<1x16xf32> to vector<16xf32>
      %swap3A_2903 = vector.shape_cast %add3A_2897 : vector<16xf32> to vector<1x16xf32>
      tpu.vector_store %arg7[%swap3A_2899, %swap3A_2900], %swap3A_2903 {strides = array<i32>} : memref<64x50xf32, #tpu.memory_space<vmem>>, vector<1x16xf32>,
      %get3A_2904 = arith.constant 59 : i32
      %get3A_2905 = arith.index_cast %get3A_2904 : i32 to index
      %get3A_2906 = arith.constant 16 : index
      %get3A_2907 = tpu.vector_load %arg5[%get3A_2905, %get3A_2906] {strides = array<i32>} : memref<64x50xf32, #tpu.memory_space<vmem>>, vector<1x16xf32>,
      %get3A_2908 = vector.shape_cast %get3A_2907 : vector<1x16xf32> to vector<16xf32>
      %add3A_2909 = arith.addf %get3A_2908, %get3A_52 : vector<16xf32>
      %swap3A_2910 = arith.constant 59 : i32
      %swap3A_2911 = arith.index_cast %swap3A_2910 : i32 to index
      %swap3A_2912 = arith.constant 16 : index
      %swap3A_2913 = tpu.vector_load %arg7[%swap3A_2911, %swap3A_2912] {strides = array<i32>} : memref<64x50xf32, #tpu.memory_space<vmem>>, vector<1x16xf32>,
      %swap3A_2914 = vector.shape_cast %swap3A_2913 : vector<1x16xf32> to vector<16xf32>
      %swap3A_2915 = vector.shape_cast %add3A_2909 : vector<16xf32> to vector<1x16xf32>
      tpu.vector_store %arg7[%swap3A_2911, %swap3A_2912], %swap3A_2915 {strides = array<i32>} : memref<64x50xf32, #tpu.memory_space<vmem>>, vector<1x16xf32>,
      %get3A_2916 = arith.constant 59 : i32
      %get3A_2917 = arith.index_cast %get3A_2916 : i32 to index
      %get3A_2918 = arith.constant 32 : index
      %get3A_2919 = tpu.vector_load %arg5[%get3A_2917, %get3A_2918] {strides = array<i32>} : memref<64x50xf32, #tpu.memory_space<vmem>>, vector<1x16xf32>,
      %get3A_2920 = vector.shape_cast %get3A_2919 : vector<1x16xf32> to vector<16xf32>
      %add3A_2921 = arith.addf %get3A_2920, %get3A_56 : vector<16xf32>
      %swap3A_2922 = arith.constant 59 : i32
      %swap3A_2923 = arith.index_cast %swap3A_2922 : i32 to index
      %swap3A_2924 = arith.constant 32 : index
      %swap3A_2925 = tpu.vector_load %arg7[%swap3A_2923, %swap3A_2924] {strides = array<i32>} : memref<64x50xf32, #tpu.memory_space<vmem>>, vector<1x16xf32>,
      %swap3A_2926 = vector.shape_cast %swap3A_2925 : vector<1x16xf32> to vector<16xf32>
      %swap3A_2927 = vector.shape_cast %add3A_2921 : vector<16xf32> to vector<1x16xf32>
      tpu.vector_store %arg7[%swap3A_2923, %swap3A_2924], %swap3A_2927 {strides = array<i32>} : memref<64x50xf32, #tpu.memory_space<vmem>>, vector<1x16xf32>,
      %get3A_2928 = arith.constant 59 : i32
      %get3A_2929 = arith.index_cast %get3A_2928 : i32 to index
      %get3A_2930 = arith.constant 34 : index
      %get3A_2931 = tpu.vector_load %arg5[%get3A_2929, %get3A_2930] {strides = array<i32>} : memref<64x50xf32, #tpu.memory_space<vmem>>, vector<1x16xf32>,
      %get3A_2932 = vector.shape_cast %get3A_2931 : vector<1x16xf32> to vector<16xf32>
      %add3A_2933 = arith.addf %get3A_2932, %get3A_60 : vector<16xf32>
      %swap3A_2934 = arith.constant 59 : i32
      %swap3A_2935 = arith.index_cast %swap3A_2934 : i32 to index
      %swap3A_2936 = arith.constant 34 : index
      %swap3A_2937 = tpu.vector_load %arg7[%swap3A_2935, %swap3A_2936] {strides = array<i32>} : memref<64x50xf32, #tpu.memory_space<vmem>>, vector<1x16xf32>,
      %swap3A_2938 = vector.shape_cast %swap3A_2937 : vector<1x16xf32> to vector<16xf32>
      %swap3A_2939 = vector.shape_cast %add3A_2933 : vector<16xf32> to vector<1x16xf32>
      tpu.vector_store %arg7[%swap3A_2935, %swap3A_2936], %swap3A_2939 {strides = array<i32>} : memref<64x50xf32, #tpu.memory_space<vmem>>, vector<1x16xf32>,
      %get3A_2940 = arith.constant 60 : i32
      %get3A_2941 = arith.index_cast %get3A_2940 : i32 to index
      %get3A_2942 = arith.constant 0 : index
      %get3A_2943 = tpu.vector_load %arg5[%get3A_2941, %get3A_2942] {strides = array<i32>} : memref<64x50xf32, #tpu.memory_space<vmem>>, vector<1x16xf32>,
      %get3A_2944 = vector.shape_cast %get3A_2943 : vector<1x16xf32> to vector<16xf32>
      %add3A_2945 = arith.addf %get3A_2944, %get3A_48 : vector<16xf32>
      %swap3A_2946 = arith.constant 60 : i32
      %swap3A_2947 = arith.index_cast %swap3A_2946 : i32 to index
      %swap3A_2948 = arith.constant 0 : index
      %swap3A_2949 = tpu.vector_load %arg7[%swap3A_2947, %swap3A_2948] {strides = array<i32>} : memref<64x50xf32, #tpu.memory_space<vmem>>, vector<1x16xf32>,
      %swap3A_2950 = vector.shape_cast %swap3A_2949 : vector<1x16xf32> to vector<16xf32>
      %swap3A_2951 = vector.shape_cast %add3A_2945 : vector<16xf32> to vector<1x16xf32>
      tpu.vector_store %arg7[%swap3A_2947, %swap3A_2948], %swap3A_2951 {strides = array<i32>} : memref<64x50xf32, #tpu.memory_space<vmem>>, vector<1x16xf32>,
      %get3A_2952 = arith.constant 60 : i32
      %get3A_2953 = arith.index_cast %get3A_2952 : i32 to index
      %get3A_2954 = arith.constant 16 : index
      %get3A_2955 = tpu.vector_load %arg5[%get3A_2953, %get3A_2954] {strides = array<i32>} : memref<64x50xf32, #tpu.memory_space<vmem>>, vector<1x16xf32>,
      %get3A_2956 = vector.shape_cast %get3A_2955 : vector<1x16xf32> to vector<16xf32>
      %add3A_2957 = arith.addf %get3A_2956, %get3A_52 : vector<16xf32>
      %swap3A_2958 = arith.constant 60 : i32
      %swap3A_2959 = arith.index_cast %swap3A_2958 : i32 to index
      %swap3A_2960 = arith.constant 16 : index
      %swap3A_2961 = tpu.vector_load %arg7[%swap3A_2959, %swap3A_2960] {strides = array<i32>} : memref<64x50xf32, #tpu.memory_space<vmem>>, vector<1x16xf32>,
      %swap3A_2962 = vector.shape_cast %swap3A_2961 : vector<1x16xf32> to vector<16xf32>
      %swap3A_2963 = vector.shape_cast %add3A_2957 : vector<16xf32> to vector<1x16xf32>
      tpu.vector_store %arg7[%swap3A_2959, %swap3A_2960], %swap3A_2963 {strides = array<i32>} : memref<64x50xf32, #tpu.memory_space<vmem>>, vector<1x16xf32>,
      %get3A_2964 = arith.constant 60 : i32
      %get3A_2965 = arith.index_cast %get3A_2964 : i32 to index
      %get3A_2966 = arith.constant 32 : index
      %get3A_2967 = tpu.vector_load %arg5[%get3A_2965, %get3A_2966] {strides = array<i32>} : memref<64x50xf32, #tpu.memory_space<vmem>>, vector<1x16xf32>,
      %get3A_2968 = vector.shape_cast %get3A_2967 : vector<1x16xf32> to vector<16xf32>
      %add3A_2969 = arith.addf %get3A_2968, %get3A_56 : vector<16xf32>
      %swap3A_2970 = arith.constant 60 : i32
      %swap3A_2971 = arith.index_cast %swap3A_2970 : i32 to index
      %swap3A_2972 = arith.constant 32 : index
      %swap3A_2973 = tpu.vector_load %arg7[%swap3A_2971, %swap3A_2972] {strides = array<i32>} : memref<64x50xf32, #tpu.memory_space<vmem>>, vector<1x16xf32>,
      %swap3A_2974 = vector.shape_cast %swap3A_2973 : vector<1x16xf32> to vector<16xf32>
      %swap3A_2975 = vector.shape_cast %add3A_2969 : vector<16xf32> to vector<1x16xf32>
      tpu.vector_store %arg7[%swap3A_2971, %swap3A_2972], %swap3A_2975 {strides = array<i32>} : memref<64x50xf32, #tpu.memory_space<vmem>>, vector<1x16xf32>,
      %get3A_2976 = arith.constant 60 : i32
      %get3A_2977 = arith.index_cast %get3A_2976 : i32 to index
      %get3A_2978 = arith.constant 34 : index
      %get3A_2979 = tpu.vector_load %arg5[%get3A_2977, %get3A_2978] {strides = array<i32>} : memref<64x50xf32, #tpu.memory_space<vmem>>, vector<1x16xf32>,
      %get3A_2980 = vector.shape_cast %get3A_2979 : vector<1x16xf32> to vector<16xf32>
      %add3A_2981 = arith.addf %get3A_2980, %get3A_60 : vector<16xf32>
      %swap3A_2982 = arith.constant 60 : i32
      %swap3A_2983 = arith.index_cast %swap3A_2982 : i32 to index
      %swap3A_2984 = arith.constant 34 : index
      %swap3A_2985 = tpu.vector_load %arg7[%swap3A_2983, %swap3A_2984] {strides = array<i32>} : memref<64x50xf32, #tpu.memory_space<vmem>>, vector<1x16xf32>,
      %swap3A_2986 = vector.shape_cast %swap3A_2985 : vector<1x16xf32> to vector<16xf32>
      %swap3A_2987 = vector.shape_cast %add3A_2981 : vector<16xf32> to vector<1x16xf32>
      tpu.vector_store %arg7[%swap3A_2983, %swap3A_2984], %swap3A_2987 {strides = array<i32>} : memref<64x50xf32, #tpu.memory_space<vmem>>, vector<1x16xf32>,
      %get3A_2988 = arith.constant 61 : i32
      %get3A_2989 = arith.index_cast %get3A_2988 : i32 to index
      %get3A_2990 = arith.constant 0 : index
      %get3A_2991 = tpu.vector_load %arg5[%get3A_2989, %get3A_2990] {strides = array<i32>} : memref<64x50xf32, #tpu.memory_space<vmem>>, vector<1x16xf32>,
      %get3A_2992 = vector.shape_cast %get3A_2991 : vector<1x16xf32> to vector<16xf32>
      %add3A_2993 = arith.addf %get3A_2992, %get3A_48 : vector<16xf32>
      %swap3A_2994 = arith.constant 61 : i32
      %swap3A_2995 = arith.index_cast %swap3A_2994 : i32 to index
      %swap3A_2996 = arith.constant 0 : index
      %swap3A_2997 = tpu.vector_load %arg7[%swap3A_2995, %swap3A_2996] {strides = array<i32>} : memref<64x50xf32, #tpu.memory_space<vmem>>, vector<1x16xf32>,
      %swap3A_2998 = vector.shape_cast %swap3A_2997 : vector<1x16xf32> to vector<16xf32>
      %swap3A_2999 = vector.shape_cast %add3A_2993 : vector<16xf32> to vector<1x16xf32>
      tpu.vector_store %arg7[%swap3A_2995, %swap3A_2996], %swap3A_2999 {strides = array<i32>} : memref<64x50xf32, #tpu.memory_space<vmem>>, vector<1x16xf32>,
      %get3A_3000 = arith.constant 61 : i32
      %get3A_3001 = arith.index_cast %get3A_3000 : i32 to index
      %get3A_3002 = arith.constant 16 : index
      %get3A_3003 = tpu.vector_load %arg5[%get3A_3001, %get3A_3002] {strides = array<i32>} : memref<64x50xf32, #tpu.memory_space<vmem>>, vector<1x16xf32>,
      %get3A_3004 = vector.shape_cast %get3A_3003 : vector<1x16xf32> to vector<16xf32>
      %add3A_3005 = arith.addf %get3A_3004, %get3A_52 : vector<16xf32>
      %swap3A_3006 = arith.constant 61 : i32
      %swap3A_3007 = arith.index_cast %swap3A_3006 : i32 to index
      %swap3A_3008 = arith.constant 16 : index
      %swap3A_3009 = tpu.vector_load %arg7[%swap3A_3007, %swap3A_3008] {strides = array<i32>} : memref<64x50xf32, #tpu.memory_space<vmem>>, vector<1x16xf32>,
      %swap3A_3010 = vector.shape_cast %swap3A_3009 : vector<1x16xf32> to vector<16xf32>
      %swap3A_3011 = vector.shape_cast %add3A_3005 : vector<16xf32> to vector<1x16xf32>
      tpu.vector_store %arg7[%swap3A_3007, %swap3A_3008], %swap3A_3011 {strides = array<i32>} : memref<64x50xf32, #tpu.memory_space<vmem>>, vector<1x16xf32>,
      %get3A_3012 = arith.constant 61 : i32
      %get3A_3013 = arith.index_cast %get3A_3012 : i32 to index
      %get3A_3014 = arith.constant 32 : index
      %get3A_3015 = tpu.vector_load %arg5[%get3A_3013, %get3A_3014] {strides = array<i32>} : memref<64x50xf32, #tpu.memory_space<vmem>>, vector<1x16xf32>,
      %get3A_3016 = vector.shape_cast %get3A_3015 : vector<1x16xf32> to vector<16xf32>
      %add3A_3017 = arith.addf %get3A_3016, %get3A_56 : vector<16xf32>
      %swap3A_3018 = arith.constant 61 : i32
      %swap3A_3019 = arith.index_cast %swap3A_3018 : i32 to index
      %swap3A_3020 = arith.constant 32 : index
      %swap3A_3021 = tpu.vector_load %arg7[%swap3A_3019, %swap3A_3020] {strides = array<i32>} : memref<64x50xf32, #tpu.memory_space<vmem>>, vector<1x16xf32>,
      %swap3A_3022 = vector.shape_cast %swap3A_3021 : vector<1x16xf32> to vector<16xf32>
      %swap3A_3023 = vector.shape_cast %add3A_3017 : vector<16xf32> to vector<1x16xf32>
      tpu.vector_store %arg7[%swap3A_3019, %swap3A_3020], %swap3A_3023 {strides = array<i32>} : memref<64x50xf32, #tpu.memory_space<vmem>>, vector<1x16xf32>,
      %get3A_3024 = arith.constant 61 : i32
      %get3A_3025 = arith.index_cast %get3A_3024 : i32 to index
      %get3A_3026 = arith.constant 34 : index
      %get3A_3027 = tpu.vector_load %arg5[%get3A_3025, %get3A_3026] {strides = array<i32>} : memref<64x50xf32, #tpu.memory_space<vmem>>, vector<1x16xf32>,
      %get3A_3028 = vector.shape_cast %get3A_3027 : vector<1x16xf32> to vector<16xf32>
      %add3A_3029 = arith.addf %get3A_3028, %get3A_60 : vector<16xf32>
      %swap3A_3030 = arith.constant 61 : i32
      %swap3A_3031 = arith.index_cast %swap3A_3030 : i32 to index
      %swap3A_3032 = arith.constant 34 : index
      %swap3A_3033 = tpu.vector_load %arg7[%swap3A_3031, %swap3A_3032] {strides = array<i32>} : memref<64x50xf32, #tpu.memory_space<vmem>>, vector<1x16xf32>,
      %swap3A_3034 = vector.shape_cast %swap3A_3033 : vector<1x16xf32> to vector<16xf32>
      %swap3A_3035 = vector.shape_cast %add3A_3029 : vector<16xf32> to vector<1x16xf32>
      tpu.vector_store %arg7[%swap3A_3031, %swap3A_3032], %swap3A_3035 {strides = array<i32>} : memref<64x50xf32, #tpu.memory_space<vmem>>, vector<1x16xf32>,
      %get3A_3036 = arith.constant 62 : i32
      %get3A_3037 = arith.index_cast %get3A_3036 : i32 to index
      %get3A_3038 = arith.constant 0 : index
      %get3A_3039 = tpu.vector_load %arg5[%get3A_3037, %get3A_3038] {strides = array<i32>} : memref<64x50xf32, #tpu.memory_space<vmem>>, vector<1x16xf32>,
      %get3A_3040 = vector.shape_cast %get3A_3039 : vector<1x16xf32> to vector<16xf32>
      %add3A_3041 = arith.addf %get3A_3040, %get3A_48 : vector<16xf32>
      %swap3A_3042 = arith.constant 62 : i32
      %swap3A_3043 = arith.index_cast %swap3A_3042 : i32 to index
      %swap3A_3044 = arith.constant 0 : index
      %swap3A_3045 = tpu.vector_load %arg7[%swap3A_3043, %swap3A_3044] {strides = array<i32>} : memref<64x50xf32, #tpu.memory_space<vmem>>, vector<1x16xf32>,
      %swap3A_3046 = vector.shape_cast %swap3A_3045 : vector<1x16xf32> to vector<16xf32>
      %swap3A_3047 = vector.shape_cast %add3A_3041 : vector<16xf32> to vector<1x16xf32>
      tpu.vector_store %arg7[%swap3A_3043, %swap3A_3044], %swap3A_3047 {strides = array<i32>} : memref<64x50xf32, #tpu.memory_space<vmem>>, vector<1x16xf32>,
      %get3A_3048 = arith.constant 62 : i32
      %get3A_3049 = arith.index_cast %get3A_3048 : i32 to index
      %get3A_3050 = arith.constant 16 : index
      %get3A_3051 = tpu.vector_load %arg5[%get3A_3049, %get3A_3050] {strides = array<i32>} : memref<64x50xf32, #tpu.memory_space<vmem>>, vector<1x16xf32>,
      %get3A_3052 = vector.shape_cast %get3A_3051 : vector<1x16xf32> to vector<16xf32>
      %add3A_3053 = arith.addf %get3A_3052, %get3A_52 : vector<16xf32>
      %swap3A_3054 = arith.constant 62 : i32
      %swap3A_3055 = arith.index_cast %swap3A_3054 : i32 to index
      %swap3A_3056 = arith.constant 16 : index
      %swap3A_3057 = tpu.vector_load %arg7[%swap3A_3055, %swap3A_3056] {strides = array<i32>} : memref<64x50xf32, #tpu.memory_space<vmem>>, vector<1x16xf32>,
      %swap3A_3058 = vector.shape_cast %swap3A_3057 : vector<1x16xf32> to vector<16xf32>
      %swap3A_3059 = vector.shape_cast %add3A_3053 : vector<16xf32> to vector<1x16xf32>
      tpu.vector_store %arg7[%swap3A_3055, %swap3A_3056], %swap3A_3059 {strides = array<i32>} : memref<64x50xf32, #tpu.memory_space<vmem>>, vector<1x16xf32>,
      %get3A_3060 = arith.constant 62 : i32
      %get3A_3061 = arith.index_cast %get3A_3060 : i32 to index
      %get3A_3062 = arith.constant 32 : index
      %get3A_3063 = tpu.vector_load %arg5[%get3A_3061, %get3A_3062] {strides = array<i32>} : memref<64x50xf32, #tpu.memory_space<vmem>>, vector<1x16xf32>,
      %get3A_3064 = vector.shape_cast %get3A_3063 : vector<1x16xf32> to vector<16xf32>
      %add3A_3065 = arith.addf %get3A_3064, %get3A_56 : vector<16xf32>
      %swap3A_3066 = arith.constant 62 : i32
      %swap3A_3067 = arith.index_cast %swap3A_3066 : i32 to index
      %swap3A_3068 = arith.constant 32 : index
      %swap3A_3069 = tpu.vector_load %arg7[%swap3A_3067, %swap3A_3068] {strides = array<i32>} : memref<64x50xf32, #tpu.memory_space<vmem>>, vector<1x16xf32>,
      %swap3A_3070 = vector.shape_cast %swap3A_3069 : vector<1x16xf32> to vector<16xf32>
      %swap3A_3071 = vector.shape_cast %add3A_3065 : vector<16xf32> to vector<1x16xf32>
      tpu.vector_store %arg7[%swap3A_3067, %swap3A_3068], %swap3A_3071 {strides = array<i32>} : memref<64x50xf32, #tpu.memory_space<vmem>>, vector<1x16xf32>,
      %get3A_3072 = arith.constant 62 : i32
      %get3A_3073 = arith.index_cast %get3A_3072 : i32 to index
      %get3A_3074 = arith.constant 34 : index
      %get3A_3075 = tpu.vector_load %arg5[%get3A_3073, %get3A_3074] {strides = array<i32>} : memref<64x50xf32, #tpu.memory_space<vmem>>, vector<1x16xf32>,
      %get3A_3076 = vector.shape_cast %get3A_3075 : vector<1x16xf32> to vector<16xf32>
      %add3A_3077 = arith.addf %get3A_3076, %get3A_60 : vector<16xf32>
      %swap3A_3078 = arith.constant 62 : i32
      %swap3A_3079 = arith.index_cast %swap3A_3078 : i32 to index
      %swap3A_3080 = arith.constant 34 : index
      %swap3A_3081 = tpu.vector_load %arg7[%swap3A_3079, %swap3A_3080] {strides = array<i32>} : memref<64x50xf32, #tpu.memory_space<vmem>>, vector<1x16xf32>,
      %swap3A_3082 = vector.shape_cast %swap3A_3081 : vector<1x16xf32> to vector<16xf32>
      %swap3A_3083 = vector.shape_cast %add3A_3077 : vector<16xf32> to vector<1x16xf32>
      tpu.vector_store %arg7[%swap3A_3079, %swap3A_3080], %swap3A_3083 {strides = array<i32>} : memref<64x50xf32, #tpu.memory_space<vmem>>, vector<1x16xf32>,
      %get3A_3084 = arith.constant 63 : i32
      %get3A_3085 = arith.index_cast %get3A_3084 : i32 to index
      %get3A_3086 = arith.constant 0 : index
      %get3A_3087 = tpu.vector_load %arg5[%get3A_3085, %get3A_3086] {strides = array<i32>} : memref<64x50xf32, #tpu.memory_space<vmem>>, vector<1x16xf32>,
      %get3A_3088 = vector.shape_cast %get3A_3087 : vector<1x16xf32> to vector<16xf32>
      %add3A_3089 = arith.addf %get3A_3088, %get3A_48 : vector<16xf32>
      %swap3A_3090 = arith.constant 63 : i32
      %swap3A_3091 = arith.index_cast %swap3A_3090 : i32 to index
      %swap3A_3092 = arith.constant 0 : index
      %swap3A_3093 = tpu.vector_load %arg7[%swap3A_3091, %swap3A_3092] {strides = array<i32>} : memref<64x50xf32, #tpu.memory_space<vmem>>, vector<1x16xf32>,
      %swap3A_3094 = vector.shape_cast %swap3A_3093 : vector<1x16xf32> to vector<16xf32>
      %swap3A_3095 = vector.shape_cast %add3A_3089 : vector<16xf32> to vector<1x16xf32>
      tpu.vector_store %arg7[%swap3A_3091, %swap3A_3092], %swap3A_3095 {strides = array<i32>} : memref<64x50xf32, #tpu.memory_space<vmem>>, vector<1x16xf32>,
      %get3A_3096 = arith.constant 63 : i32
      %get3A_3097 = arith.index_cast %get3A_3096 : i32 to index
      %get3A_3098 = arith.constant 16 : index
      %get3A_3099 = tpu.vector_load %arg5[%get3A_3097, %get3A_3098] {strides = array<i32>} : memref<64x50xf32, #tpu.memory_space<vmem>>, vector<1x16xf32>,
      %get3A_3100 = vector.shape_cast %get3A_3099 : vector<1x16xf32> to vector<16xf32>
      %add3A_3101 = arith.addf %get3A_3100, %get3A_52 : vector<16xf32>
      %swap3A_3102 = arith.constant 63 : i32
      %swap3A_3103 = arith.index_cast %swap3A_3102 : i32 to index
      %swap3A_3104 = arith.constant 16 : index
      %swap3A_3105 = tpu.vector_load %arg7[%swap3A_3103, %swap3A_3104] {strides = array<i32>} : memref<64x50xf32, #tpu.memory_space<vmem>>, vector<1x16xf32>,
      %swap3A_3106 = vector.shape_cast %swap3A_3105 : vector<1x16xf32> to vector<16xf32>
      %swap3A_3107 = vector.shape_cast %add3A_3101 : vector<16xf32> to vector<1x16xf32>
      tpu.vector_store %arg7[%swap3A_3103, %swap3A_3104], %swap3A_3107 {strides = array<i32>} : memref<64x50xf32, #tpu.memory_space<vmem>>, vector<1x16xf32>,
      %get3A_3108 = arith.constant 63 : i32
      %get3A_3109 = arith.index_cast %get3A_3108 : i32 to index
      %get3A_3110 = arith.constant 32 : index
      %get3A_3111 = tpu.vector_load %arg5[%get3A_3109, %get3A_3110] {strides = array<i32>} : memref<64x50xf32, #tpu.memory_space<vmem>>, vector<1x16xf32>,
      %get3A_3112 = vector.shape_cast %get3A_3111 : vector<1x16xf32> to vector<16xf32>
      %add3A_3113 = arith.addf %get3A_3112, %get3A_56 : vector<16xf32>
      %swap3A_3114 = arith.constant 63 : i32
      %swap3A_3115 = arith.index_cast %swap3A_3114 : i32 to index
      %swap3A_3116 = arith.constant 32 : index
      %swap3A_3117 = tpu.vector_load %arg7[%swap3A_3115, %swap3A_3116] {strides = array<i32>} : memref<64x50xf32, #tpu.memory_space<vmem>>, vector<1x16xf32>,
      %swap3A_3118 = vector.shape_cast %swap3A_3117 : vector<1x16xf32> to vector<16xf32>
      %swap3A_3119 = vector.shape_cast %add3A_3113 : vector<16xf32> to vector<1x16xf32>
      tpu.vector_store %arg7[%swap3A_3115, %swap3A_3116], %swap3A_3119 {strides = array<i32>} : memref<64x50xf32, #tpu.memory_space<vmem>>, vector<1x16xf32>,
      %get3A_3120 = arith.constant 63 : i32
      %get3A_3121 = arith.index_cast %get3A_3120 : i32 to index
      %get3A_3122 = arith.constant 34 : index
      %get3A_3123 = tpu.vector_load %arg5[%get3A_3121, %get3A_3122] {strides = array<i32>} : memref<64x50xf32, #tpu.memory_space<vmem>>, vector<1x16xf32>,
      %get3A_3124 = vector.shape_cast %get3A_3123 : vector<1x16xf32> to vector<16xf32>
      %add3A_3125 = arith.addf %get3A_3124, %get3A_60 : vector<16xf32>
      %swap3A_3126 = arith.constant 63 : i32
      %swap3A_3127 = arith.index_cast %swap3A_3126 : i32 to index
      %swap3A_3128 = arith.constant 34 : index
      %swap3A_3129 = tpu.vector_load %arg7[%swap3A_3127, %swap3A_3128] {strides = array<i32>} : memref<64x50xf32, #tpu.memory_space<vmem>>, vector<1x16xf32>,
      %swap3A_3130 = vector.shape_cast %swap3A_3129 : vector<1x16xf32> to vector<16xf32>
      %swap3A_3131 = vector.shape_cast %add3A_3125 : vector<16xf32> to vector<1x16xf32>
      tpu.vector_store %arg7[%swap3A_3127, %swap3A_3128], %swap3A_3131 {strides = array<i32>} : memref<64x50xf32, #tpu.memory_space<vmem>>, vector<1x16xf32>,
      %swap3A_3132 = arith.index_cast %add3A_45 : i32 to index
      %swap3A_3133 = arith.constant 0 : index
      %swap3A_3134 = tpu.vector_load %arg7[%swap3A_3132, %swap3A_3133] {strides = array<i32>} : memref<64x50xf32, #tpu.memory_space<vmem>>, vector<1x16xf32>,
      %swap3A_3135 = vector.shape_cast %swap3A_3134 : vector<1x16xf32> to vector<16xf32>
      %swap3A_3136 = vector.shape_cast %broadcast_in_dim3A_38 : vector<16xf32> to vector<1x16xf32>
      tpu.vector_store %arg7[%swap3A_3132, %swap3A_3133], %swap3A_3136 {strides = array<i32>} : memref<64x50xf32, #tpu.memory_space<vmem>>, vector<1x16xf32>,
      %swap3A_3137 = arith.index_cast %add3A_45 : i32 to index
      %swap3A_3138 = arith.constant 16 : index
      %swap3A_3139 = tpu.vector_load %arg7[%swap3A_3137, %swap3A_3138] {strides = array<i32>} : memref<64x50xf32, #tpu.memory_space<vmem>>, vector<1x16xf32>,
      %swap3A_3140 = vector.shape_cast %swap3A_3139 : vector<1x16xf32> to vector<16xf32>
      %swap3A_3141 = vector.shape_cast %broadcast_in_dim3A_38 : vector<16xf32> to vector<1x16xf32>
      tpu.vector_store %arg7[%swap3A_3137, %swap3A_3138], %swap3A_3141 {strides = array<i32>} : memref<64x50xf32, #tpu.memory_space<vmem>>, vector<1x16xf32>,
      %swap3A_3142 = arith.index_cast %add3A_45 : i32 to index
      %swap3A_3143 = arith.constant 32 : index
      %swap3A_3144 = tpu.vector_load %arg7[%swap3A_3142, %swap3A_3143] {strides = array<i32>} : memref<64x50xf32, #tpu.memory_space<vmem>>, vector<1x16xf32>,
      %swap3A_3145 = vector.shape_cast %swap3A_3144 : vector<1x16xf32> to vector<16xf32>
      %swap3A_3146 = vector.shape_cast %broadcast_in_dim3A_38 : vector<16xf32> to vector<1x16xf32>
      tpu.vector_store %arg7[%swap3A_3142, %swap3A_3143], %swap3A_3146 {strides = array<i32>} : memref<64x50xf32, #tpu.memory_space<vmem>>, vector<1x16xf32>,
      %swap3A_3147 = arith.index_cast %add3A_45 : i32 to index
      %swap3A_3148 = arith.constant 34 : index
      %swap3A_3149 = tpu.vector_load %arg7[%swap3A_3147, %swap3A_3148] {strides = array<i32>} : memref<64x50xf32, #tpu.memory_space<vmem>>, vector<1x16xf32>,
      %swap3A_3150 = vector.shape_cast %swap3A_3149 : vector<1x16xf32> to vector<16xf32>
      %swap3A_3151 = vector.shape_cast %broadcast_in_dim3A_38 : vector<16xf32> to vector<1x16xf32>
      tpu.vector_store %arg7[%swap3A_3147, %swap3A_3148], %swap3A_3151 {strides = array<i32>} : memref<64x50xf32, #tpu.memory_space<vmem>>, vector<1x16xf32>,
      %mul3A_3152 = arith.constant 64 : i32
      %mul3A_3153 = arith.muli %add3A_45, %mul3A_3152 : i32
      "tpu.region"() ({
        %run_scoped3A = tpu.sem_alloc : memref<!tpu.dma_semaphore, #tpu.memory_space<semaphore_mem>>
        %dma_start3A = arith.constant 0 : i32
        %dma_start3A_3154 = tpu.memref_slice %arg4[%select_n3A, %mul3A_3153, %dma_start3A] : memref<8x4096x50xf32, #tpu.memory_space<hbm>> -> memref<1x64x50xf32, #tpu.memory_space<hbm>>
        %dma_start3A_3155 = tpu.memref_squeeze %dma_start3A_3154 : memref<1x64x50xf32, #tpu.memory_space<hbm>> -> memref<64x50xf32, #tpu.memory_space<hbm>>
        %dma_start3A_3156 = arith.constant 0 : i32
        %dma_start3A_3157 = tpu.memref_slice %arg4[%select_n3A, %mul3A_3153, %dma_start3A_3156] : memref<8x4096x50xf32, #tpu.memory_space<hbm>> -> memref<1x64x50xf32, #tpu.memory_space<hbm>>
        %dma_start3A_3158 = tpu.memref_squeeze %dma_start3A_3157 : memref<1x64x50xf32, #tpu.memory_space<hbm>> -> memref<64x50xf32, #tpu.memory_space<hbm>>
        tpu.enqueue_dma source(%arg7 : memref<64x50xf32, #tpu.memory_space<vmem>>) target(%dma_start3A_3158 : memref<64x50xf32, #tpu.memory_space<hbm>>) target_semaphore(%run_scoped3A : memref<!tpu.dma_semaphore, #tpu.memory_space<semaphore_mem>>)
        %dma_wait3A = arith.constant 0 : i32
        %dma_wait3A_3159 = tpu.memref_slice %arg4[%select_n3A, %mul3A_3153, %dma_wait3A] : memref<8x4096x50xf32, #tpu.memory_space<hbm>> -> memref<1x64x50xf32, #tpu.memory_space<hbm>>
        %dma_wait3A_3160 = tpu.memref_squeeze %dma_wait3A_3159 : memref<1x64x50xf32, #tpu.memory_space<hbm>> -> memref<64x50xf32, #tpu.memory_space<hbm>>
        %dma_wait3A_3161 = arith.constant 0 : i32
        %dma_wait3A_3162 = tpu.memref_slice %arg4[%select_n3A, %mul3A_3153, %dma_wait3A_3161] : memref<8x4096x50xf32, #tpu.memory_space<hbm>> -> memref<1x64x50xf32, #tpu.memory_space<hbm>>
        %dma_wait3A_3163 = tpu.memref_squeeze %dma_wait3A_3162 : memref<1x64x50xf32, #tpu.memory_space<hbm>> -> memref<64x50xf32, #tpu.memory_space<hbm>>
        tpu.wait_dma2 semaphore(%run_scoped3A : memref<!tpu.dma_semaphore, #tpu.memory_space<semaphore_mem>>) src(%arg7 : memref<64x50xf32, #tpu.memory_space<vmem>>) dst(%dma_wait3A_3163 : memref<64x50xf32, #tpu.memory_space<hbm>>)
        tpu.yield
      }) : () -> ()
    }
    %scan3A_43 = arith.constant 16 : i32
    return
  }
}

module attributes {stable_mosaic.version = 14 : i64} {
  func.func @_mm_body(%arg0: memref<8x64x512xf32, #tpu.memory_space<vmem>>, %arg1: memref<512x1xf32, #tpu.memory_space<vmem>>, %arg2: memref<50x1024xf32, #tpu.memory_space<vmem>>, %arg3: memref<512x50xf32, #tpu.memory_space<vmem>>, %arg4: memref<512x50xf32, #tpu.memory_space<vmem>>) attributes {dimension_semantics = [], scalar_prefetch = 0 : i64, scratch_operands = 0 : i64, tpu.core_type = #tpu.core_type<tc>} {
    %get3A = arith.constant 0 : index
    %get3A_0 = arith.constant 0 : index
    %get3A_1 = arith.constant 0 : index
    %get3A_2 = vector.load %arg0[%get3A, %get3A_0, %get3A_1] : memref<8x64x512xf32, #tpu.memory_space<vmem>>, vector<8x64x512xf32>
    %reshape3A = vector.shape_cast %get3A_2 : vector<8x64x512xf32> to vector<512x512xf32>
    %get3A_3 = arith.constant 0 : index
    %get3A_4 = arith.constant 0 : index
    %get3A_5 = vector.load %arg2[%get3A_3, %get3A_4] : memref<50x1024xf32, #tpu.memory_space<vmem>>, vector<50x512xf32>
    %dot_general3A = arith.constant dense<0.000000e+00> : vector<512x50xf32>
    %dot_general3A_6 = tpu.matmul %reshape3A, %get3A_5, %dot_general3A {dimension_numbers = #tpu.dot_dimension_numbers<[1], [1], [0], [0], [0, 0, 1, 0], [], []>, transpose_lhs_hint = false} : vector<512x512xf32>, vector<50x512xf32>, vector<512x50xf32> -> vector<512x50xf32>
    %get3A_7 = arith.constant 0 : index
    %get3A_8 = arith.constant 512 : index
    %get3A_9 = vector.load %arg2[%get3A_7, %get3A_8] : memref<50x1024xf32, #tpu.memory_space<vmem>>, vector<50x512xf32>
    %dot_general3A_10 = arith.constant dense<0.000000e+00> : vector<512x50xf32>
    %dot_general3A_11 = tpu.matmul %reshape3A, %get3A_9, %dot_general3A_10 {dimension_numbers = #tpu.dot_dimension_numbers<[1], [1], [0], [0], [0, 0, 1, 0], [], []>, transpose_lhs_hint = false} : vector<512x512xf32>, vector<50x512xf32>, vector<512x50xf32> -> vector<512x50xf32>
    %get3A_12 = arith.constant 0 : index
    %get3A_13 = arith.constant 0 : index
    %get3A_14 = vector.load %arg1[%get3A_12, %get3A_13] : memref<512x1xf32, #tpu.memory_space<vmem>>, vector<512x1xf32>
    %gt3A = arith.constant 0.000000e+00 : f32
    %gt3A_15 = vector.broadcast %gt3A : f32 to vector<512x1xf32>
    %gt3A_16 = arith.cmpf ogt, %get3A_14, %gt3A_15 : vector<512x1xf32>
    %jit3A = arith.constant 0xFF800000 : f32
    %broadcast_in_dim3A = vector.shape_cast %gt3A_16 : vector<512x1xi1> to vector<512x1xi1>
    %broadcast_in_dim3A_17 = vector.broadcast %broadcast_in_dim3A : vector<512x1xi1> to vector<512x50xi1>
    %broadcast_in_dim3A_18 = vector.broadcast %jit3A : f32 to vector<512x50xf32>
    %select_n3A = arith.select %broadcast_in_dim3A_17, %dot_general3A_6, %broadcast_in_dim3A_18 : vector<512x50xi1>, vector<512x50xf32>
    %swap3A = arith.constant 0 : index
    %swap3A_19 = arith.constant 0 : index
    %swap3A_20 = vector.load %arg3[%swap3A, %swap3A_19] : memref<512x50xf32, #tpu.memory_space<vmem>>, vector<512x50xf32>
    tpu.vector_store %arg3[%swap3A, %swap3A_19], %select_n3A {strides = array<i32>} : memref<512x50xf32, #tpu.memory_space<vmem>>, vector<512x50xf32>,
    %get3A_21 = arith.constant 0 : index
    %get3A_22 = arith.constant 0 : index
    %get3A_23 = vector.load %arg1[%get3A_21, %get3A_22] : memref<512x1xf32, #tpu.memory_space<vmem>>, vector<512x1xf32>
    %gt3A_24 = arith.constant 0.000000e+00 : f32
    %gt3A_25 = vector.broadcast %gt3A_24 : f32 to vector<512x1xf32>
    %gt3A_26 = arith.cmpf ogt, %get3A_23, %gt3A_25 : vector<512x1xf32>
    %jit3A_27 = arith.constant 0xFF800000 : f32
    %broadcast_in_dim3A_28 = vector.shape_cast %gt3A_26 : vector<512x1xi1> to vector<512x1xi1>
    %broadcast_in_dim3A_29 = vector.broadcast %broadcast_in_dim3A_28 : vector<512x1xi1> to vector<512x50xi1>
    %broadcast_in_dim3A_30 = vector.broadcast %jit3A_27 : f32 to vector<512x50xf32>
    %select_n3A_31 = arith.select %broadcast_in_dim3A_29, %dot_general3A_11, %broadcast_in_dim3A_30 : vector<512x50xi1>, vector<512x50xf32>
    %swap3A_32 = arith.constant 0 : index
    %swap3A_33 = arith.constant 0 : index
    %swap3A_34 = vector.load %arg4[%swap3A_32, %swap3A_33] : memref<512x50xf32, #tpu.memory_space<vmem>>, vector<512x50xf32>
    tpu.vector_store %arg4[%swap3A_32, %swap3A_33], %select_n3A_31 {strides = array<i32>} : memref<512x50xf32, #tpu.memory_space<vmem>>, vector<512x50xf32>,
    return
  }
}

</mosaic_0001>

<sc_bundles>
// kernel: kernel.4.cloned.1.call-start
scs
__scs_entry_jumppad:
0x0: {  	(pc) =	sbr.rel $0x88, $3  }
0x1: {  	(tag) =	ssettag $0x0;
	lr =	simm.s32 $0x1  }
0x2: {  	[smem:$0x3F9E] =	sst lr;
	_ =	strace $0xD0000000  }
0x3: {  	_ = 	snop  }
0x4: {  	_ = 	snop  }
0x5: {  	_ = 	snop  }
0x6: {  	_ = 	snop  }
0x7: {  	_ = 	snop  }
__scs_overlays_trampoline_lowered:
0x8: {  	[smem:$0x3FAD] =	sst s0  }
0x9: {  	[smem:$0x3FAE] =	sst s1  }
0xa: {  	[smem:$0x3FAF] =	sst s2  }
0xb: {  	[smem:$0x3FB0] =	sst s3  }
0xc: {  	[smem:$0x3FB1] =	sst s4  }
0xd: {  	[smem:$0x3FB2] =	sst s5  }
0xe: {  	[smem:$0x3FB3] =	sst s6  }
0xf: {  	[smem:$0x3FB4] =	sst s7  }
0x10: {  	[smem:$0x3FB5] =	sst s8  }
0x11: {  	[smem:$0x3FB6] =	sst s9;
	s0 =	simm.s32 @!p0 $0x0  }
0x12: {  	s1 =	sld [smem:$0x3F9C];
	s0 =	simm.s32 @p0 $0x1  }
0x13: {  	[smem:$0x3FB7] =	sst s0;
	s0 =	simm.s32 @!p1 $0x0  }
0x14: {  	s2 =	sld [smem:$0x3F9B];
	s0 =	simm.s32 @p1 $0x1  }
0x15: {  	[smem:$0x3FB8] =	sst s0;
	s0 =	simm.s32 @!p2 $0x0  }
0x16: {  	s3 =	sld [smem:$0x3FDB];
	s0 =	simm.s32 @p2 $0x1  }
0x17: {  	s4 =	simm.s32 $0x1BF5;
	[smem:$0x3FBA] =	sst s0  }
0x18: {  	s0 =	sld [smem:$0x3F9D];
	_ =	swait.ge [sflag:s4], $0x0  }
0x19: {  	s7 =	sld [smem:$0x3F9E]  }
0x1a: {  	s8 =	sadd.s32 $0xFFFFE003, lr  }
0x1b: {  	s9 =	sadd.s32 $0xFFFFFEF7, lr;
	s5 =	simm.s32 $0xFFFFFFFF;
	p2 =	slt.u32 s8, $0xFFFFF086  }
0x1c: {  	p1 =	slt.u32 s9, $0xF7A;
	s5 =	simm.s32 @!p2 $0x0  }
0x1d: {  	s5 =	simm.s32 @p1 $0x1;
	p0 =	seq.s32 s7, s2  }
0x1e: {  	s7 =	smul.u32 @!p0 $0xF7A, s2;
	p2 =	seq.s32 @!p0 s5, $0x0  }
0x1f: {  	s9 =	smul.u32 $0xF7A, s1;
	s8 =	simm.s32 @!p0 $0x1BF5;
	p2 =	por !p2, p0  }
0x20: {  	[sflag:s8] =	ssyncset.s32 @!p0 $0xFFFFF086;
	s6 =	sadd.s32 @!p0 s3, s7;
	s7 =	simm.s32 @!p0 $0x108  }
0x21: {  	s3 =	sadd.s32 s3, s9;
	s6 =	sadd.s32 @!p0 $0x88, s6;
	s7 =	simm.s32 @p2 $0x1082  }
0x22: {  	[simem:s7], [sflag:s8] =	dma.local @!p0 [hbm:s6], $0xF7A  }
0x23: {  	s9 =	sor.u32 $0xD0000000, s2;
	s6 =	simm.s32 $0x108;
	_ =	swait.ge @!p0 [sflag:s8], $0x0  }
0x24: {  	s3 =	sadd.s32 $0x88, s3;
	s6 =	simm.s32 @!p1 $0x1082;
	[sflag:s4] =	ssyncset.s32 $0xFFFFF086  }
0x25: {  	[simem:s6], [sflag:s4] =	dma.local [hbm:s3], $0xF7A  }
0x26: {  	[smem:$0x3F9E] =	sst s1;
	(tag) =	ssettag s2;
	_ =	strace s9  }
0x27: {  	s1 =	sld [smem:$0x3FAE]  }
0x28: {  	s2 =	sld [smem:$0x3FAF]  }
0x29: {  	s4 =	sld [smem:$0x3FB1]  }
0x2a: {  	p0 =	seq.s32 s5, $0x0;
	s5 =	sld [smem:$0x3FB2]  }
0x2b: {  	s6 =	sld [smem:$0x3FB3]  }
0x2c: {  	s7 =	sld [smem:$0x3FB4]  }
0x2d: {  	s3 =	simm.s32 $0x108;
	s8 =	sld [smem:$0x3FB5]  }
0x2e: {  	s3 =	simm.s32 @!p0 $0x1082;
	s9 =	sld [smem:$0x3FB6]  }
0x2f: {  	lr =	sadd.s32 s0, s3;
	s0 =	sld [smem:$0x3FAD]  }
0x30: {  	s3 =	sld [smem:$0x3FB0]  }
0x31: {  	[smem:$0x3FB9] =	sst s10  }
0x32: {  	s10 =	sld [smem:$0x3FB7];
	_ =	sdelay $0x3  }
0x33: {  	p0 =	seq.s32 s10, $0x1;
	s10 =	sld [smem:$0x3FB9];
	_ =	sdelay $0x3  }
0x34: {  	[smem:$0x3FB9] =	sst s10  }
0x35: {  	s10 =	sld [smem:$0x3FB8];
	_ =	sdelay $0x3  }
0x36: {  	p1 =	seq.s32 s10, $0x1;
	s10 =	sld [smem:$0x3FB9];
	_ =	sdelay $0x3  }
0x37: {  	[smem:$0x3FB9] =	sst s10  }
0x38: {  	s10 =	sld [smem:$0x3FBA]  }
0x39: {  	_ = 	snop;
	(pc) =	sbr.ind lr, $3  }
0x3a: {  	_ = 	snop  }
0x3b: {  	_ = 	snop  }
0x3c: {  	p2 =	seq.s32 s10, $0x1;
	s10 =	sld [smem:$0x3FB9]  }
0x3d: {  	_ =	shalt  }
0x3e: {  	_ =	shalt  }
0x3f: {  	_ =	shalt  }
0x40: {  	_ =	shalt  }
0x41: {  	_ =	shalt  }
0x42: {  	_ =	shalt  }
0x43: {  	_ =	shalt  }
0x44: {  	_ =	shalt  }
0x45: {  	_ =	shalt  }
0x46: {  	_ =	shalt  }
0x47: {  	_ =	shalt  }
0x48: {  	_ =	shalt  }
0x49: {  	_ =	shalt  }
0x4a: {  	_ =	shalt  }
0x4b: {  	_ =	shalt  }
0x4c: {  	_ =	shalt  }
0x4d: {  	_ =	shalt  }
0x4e: {  	_ =	shalt  }
0x4f: {  	_ =	shalt  }
0x50: {  	_ =	shalt  }
0x51: {  	_ =	shalt  }
0x52: {  	_ =	shalt  }
0x53: {  	_ =	shalt  }
0x54: {  	_ =	shalt  }
0x55: {  	_ =	shalt  }
0x56: {  	_ =	shalt  }
0x57: {  	_ =	shalt  }
0x58: {  	_ =	shalt  }
0x59: {  	_ =	shalt  }
0x5a: {  	_ =	shalt  }
0x5b: {  	_ =	shalt  }
0x5c: {  	_ =	shalt  }
0x5d: {  	_ =	shalt  }
0x5e: {  	_ =	shalt  }
0x5f: {  	_ =	shalt  }
0x60: {  	_ =	shalt  }
0x61: {  	_ =	shalt  }
0x62: {  	_ =	shalt  }
0x63: {  	_ =	shalt  }
0x64: {  	_ =	shalt  }
0x65: {  	_ =	shalt  }
0x66: {  	_ =	shalt  }
0x67: {  	_ =	shalt  }
0x68: {  	_ =	shalt  }
0x69: {  	_ =	shalt  }
0x6a: {  	_ =	shalt  }
0x6b: {  	_ =	shalt  }
0x6c: {  	_ =	shalt  }
0x6d: {  	_ =	shalt  }
0x6e: {  	_ =	shalt  }
0x6f: {  	_ =	shalt  }
0x70: {  	_ =	shalt  }
0x71: {  	_ =	shalt  }
0x72: {  	_ =	shalt  }
0x73: {  	_ =	shalt  }
0x74: {  	_ =	shalt  }
0x75: {  	_ =	shalt  }
0x76: {  	_ =	shalt  }
0x77: {  	_ =	shalt  }
0x78: {  	_ =	shalt  }
0x79: {  	_ =	shalt  }
0x7a: {  	_ =	shalt  }
0x7b: {  	_ =	shalt  }
0x7c: {  	_ =	shalt  }
0x7d: {  	_ =	shalt  }
0x7e: {  	_ =	shalt  }
0x7f: {  	_ =	shalt  }
0x80: {  	_ =	shalt  }
0x81: {  	_ =	shalt  }
0x82: {  	_ =	shalt  }
0x83: {  	_ =	shalt  }
0x84: {  	_ =	shalt  }
0x85: {  	_ =	shalt  }
0x86: {  	_ =	shalt  }
0x87: {  	_ =	shalt  }
.Lfunc_end0:
.L_simem_size_0:
called_computation_lowered:
.L_overlay_start_0:
0x88: {  	s2 =	sld [smem:$0x3FD9]  }
0x89: {  	s3 =	sld [smem:$0x3FFE];
	_ =	sdelay $0x1  }
0x8a: {  	s1 =	srdreg.scid  }
0x8b: {  	s0 =	sand.u32 $0x1, s1  }
0x8c: {  	s17 =	sshll.u32 s0, $0xA;
	s2 =	sadd.s32 s3, s2  }
0x8d: {  	s2 =	sadd.s32 s2, s17  }
0x8e: {  	[smem:$0x3FC5] =	sst s2  }
0x8f: {  	_ = 	snop  }
0x90: {  	s2 =	sld [smem:$0x3FD0];
	(tm) =	ssettm $0x1  }
0x91: {  	s18 =	sld [smem:$0x3FFB];
	_ =	sdelay $0x3  }
0x92: {  	_ =	strace s18  }
0x93: {  	s3 =	sld [smem:$0x3FFC];
	_ =	sdelay $0x3  }
0x94: {  	_ =	strace s3  }
0x95: {  	s3 =	sld [smem:$0x3FFD];
	_ =	sdelay $0x3  }
0x96: {  	_ =	strace s3  }
0x97: {  	_ =	strace $0x8FFFFFFF  }
0x98: {  	s19 =	sld [smem:$0x3FDB];
	_ =	sdelay $0x1  }
0x99: {  	s4 =	simm.s32 $_scs_section_size  }
0x9a: {  	s5 =	simm.s32 $_size__tile_overlayer_lowered;
	s6 =	simm.s32 $_tile_overlayer_lowered  }
0x9b: {  	s22 =	simm.s32 $0x1BFF;
	s21 =	sshll.u32 s6, $0x1;
	s3 =	sadd.s32 s4, s19  }
0x9c: {  	s7 =	simm.s32 $0x0;
	s20 =	sshll.u32 s5, $0x1;
	s5 =	sadd.s32 s21, s3  }
0x9d: {  	[timem:s7], [sflag:s22] =	dma.local [hbm:s5], s20  }
0x9e: {  	_ =	swait.ge [sflag:s22], s20  }
0x9f: {  	s4 =	ssub.s32 $0x0, s20;
	[sflag:s22] =	ssyncset.done $0x0  }
0xa0: {  	[sflag:s22] =	ssyncadd.s32 s4;
	_ =	sdelay $0x1  }
0xa1: {  	s23 =	simm.s32 $0x1B8B  }
0xa2: {  	_ =	swait.ge [sflag:s23], $0x1  }
0xa3: {  	[sflag:s23] =	ssyncset.done $0x0  }
0xa4: {  	s25 =	simm.s32 $0x1B8E;
	s24 =	sld [smem:$0x3FFE];
	[sflag:s23] =	ssyncadd.s32 $0xFFFFFFFF  }
0xa5: {  	s26 =	simm.s32 $execute0_lowered;
	[smem:$0x3FD2] =	sst s25  }
0xa6: {  	s5 =	sshll.u32 s26, $0x1;
	_ =	strace $0x80000046;
	[dreg:$0x1] =	wrdreg $0xFFFFFFFF  }
0xa7: {  	s28 =	simm.s32 $_size_execute0_lowered;
	s3 =	sadd.s32 s3, s5;
	[dreg:$0x0] =	wrdreg $0x0  }
0xa8: {  	s5 =	sshll.u32 s28, $0x1;
	[dreg:$0x2] =	wrdreg s3  }
0xa9: {  	[dreg:$0x3] =	wrdreg s5  }
0xaa: {  	[dreg:$0x4] =	wrdreg $0xC0  }
0xab: {  	_ =	task [dreg:s7], $0x5FFFF  }
0xac: {  	[dreg:$0x1] =	wrdreg $0xFFFFFFFF  }
0xad: {  	[dreg:$0x0] =	wrdreg $0x60  }
0xae: {  	[dreg:$0x2] =	wrdreg s2  }
0xaf: {  	[dreg:$0x3] =	wrdreg s24  }
0xb0: {  	[dreg:$0x4] =	wrdreg $0x9  }
0xb1: {  	_ =	task.clear_ibuf [dreg:s7], $0x5FFFF;
	_ =	strace $0x90000046  }
0xb2: {  	s29 =	simm.s32 $0x9;
	_ =	strace $0x80000048  }
0xb3: {  	_ =	swait.ge [sflag:s29], $0x1  }
0xb4: {  	[sflag:s29] =	ssyncadd.s32 $0xFFFFFFFF  }
0xb5: {  	_ =	strace $0x90000048  }
0xb6: {  	_ =	sfence  }
0xb7: {  	s30 =	sld [smem:$0x0];
	_ =	sdelay $0x2  }
0xb8: {  	s31 =	sshll.u32 s1, $0xD;
	s1 =	sshrl.u32 s1, $0x2  }
0xb9: {  	s3 =	sand.u32 $0x4000, s31;
	s1 =	sadd.s32 s1, s30  }
0xba: {  	s0 =	sor.u32 s3, s0;
	s1 =	sshll.u32 s1, $0x11  }
0xbb: {  	s0 =	sor.u32 s1, s0  }
0xbc: {  	s0 =	sadd.s32 $0x8F2B, s0  }
0xbd: {  	[sflag:s0] =	ssyncadd.remote.s32 $0x1  }
0xbe: {  	_ =	sfence.sel $0xFFFF  }
0xbf: {  	[dreg:$0x0] =	wrdreg $0xFFFFFFFF;
	(pc) =	sbr.abs _section_cstart, $3  }
0xc0: {  	[dreg:$0x1] =	wrdreg $0xFFFFFFFF  }
0xc1: {  	_ =	task.clear_ibuf [dreg:s7], $0x2FFFF;
	_ =	strace $0x9FFFFFFF  }
0xc2: {  	(tm) =	ssettm $0x7FFFFFFF  }
0xc3: {  	_ =	shalt  }
tec
execute0_lowered:
.L_overlay_start_1:
0x0: {  	(tag) =	ssettag $0x1  }
0x1: {  	s3 =	rddreg [dreg:$0x0]  }
0x2: {  	s4 =	rddreg [dreg:$0x1]  }
0x3: {  	s0 =	rddreg [dreg:$0x2];
	s2 =	simm.s32 $0x0;
	s1 =	stileid.u32  }
0x4: {  	s7 =	srdreg.scid;
	[smem:$0x7FF] =	sst s2  }
0x5: {  	s5 =	sshrl.u32 s1, $0x1;
	s8 =	sshll.u32 s1, $0x1;
	s7 =	sand.u32 $0x1, s7  }
0x6: {  	s28 =	sand.u32 $0x1, s1;
	s6 =	sshll.u32 s5, $0xA;
	s8 =	sand.u32 $0x2, s8  }
0x7: {  	s5 =	sshll.u32 s5, $0x10;
	s10 =	ssub.s32 $0x2, s7;
	_ =	strace $0x80000047  }
0x8: {  	s29 =	sshll.u32 s28, $0xE;
	s30 =	sshll.u32 s7, $0xD;
	s9 =	sadd.s32 s6, s4  }
0x9: {  	s8 =	sor.u32 s7, s8;
	s5 =	sadd.s32 s5, s4;
	s25 =	sshrl.u32 s10, $0x1  }
0xa: {  	s3 =	sadd.s32 s3, s6;
	s6 =	sshll.u32 s28, $0xF;
	s7 =	sshll.u32 s7, $0xE  }
0xb: {  	s8 =	sshll.u32 s8, $0x8;
	s10 =	ssub.s32 s10, s25;
	s6 =	sadd.s32 s6, s5  }
0xc: {  	s26 =	sadd.s32 s8, s9;
	s8 =	sor.u32 s30, s29;
	s5 =	smax.u32 s10, $0x1  }
0xd: {  	s6 =	sadd.s32 s7, s6;
	s7 =	simm.s32 $0x1;
	s8 =	sshrl.u32 s8, $0x2  }
0xe: {  	s9 =	simm.s32 $0x2800;
	s10 =	simm.s32 $0x0;
	s31 =	sadd.s32 $0x2800, s8  }
0xf: {  	v0 =	vimm.f32 $-Inf;
	s4 =	sadd.s32 $0xE00, s26;
	s6 =	sadd.s32 $0x2E00, s6;
	s8 =	simm.s32 $0x2000;
	v1 =	vmov s31  }
.LBB2_1:
0x10: {  	[tilespmem:s2], [sflag:$0x1] =	stream.linear.gather [hbm4b:s3+s2], $0x2000, $0x38;
	[tilespmem:$0x4800] =	vst v63  }
0x11: {  	_ =	swait.ge [sflag:s7], $0x2000  }
0x12: {  	[sflag:s7] =	ssyncset.done $0x0  }
0x13: {  	[sflag:s7] =	ssyncadd.s32 $0xFFFFE000  }
0x14: {  	[tilespmem:s8], [sflag:$0x1] =	stream.linear.gather [hbm4b:s4+s2], $0x800, $0x38;
	[tilespmem:$0x4800] =	vst v63  }
0x15: {  	_ =	swait.ge [sflag:s7], $0x800  }
0x16: {  	[sflag:s7] =	ssyncset.done $0x0  }
0x17: {  	s11 =	smov.u32 s6;
	s12 =	simm.s32 $0x0;
	[sflag:s7] =	ssyncadd.s32 $0xFFFFF800  }
.LBB2_2:
0x18: {  	v6 =	vld [tilespmem:$0x0]  }
0x19: {  	v7 =	vld [tilespmem:$0x10]  }
0x1a: {  	v8 =	vld [tilespmem:$0x20]  }
0x1b: {  	s13 =	sshra.s32 s12, $0x2;
	v9 =	vld [tilespmem:$0x22]  }
0x1c: {  	v5 =	vld [tilespmem:s13+$0x2000]  }
0x1d: {  	v4 =	vld [tilespmem:s13+$0x2010]  }
0x1e: {  	v3 =	vld [tilespmem:s13+$0x2020]  }
0x1f: {  	v10 =	vld [tilespmem:$0x80]  }
0x20: {  	v11 =	vld [tilespmem:$0x90]  }
0x21: {  	v12 =	vld [tilespmem:$0xA0];
	v6 =	vadd.f32 v6, v5  }
0x22: {  	v52 =	vld [tilespmem:$0x100];
	v7 =	vadd.f32 v7, v4  }
0x23: {  	v2 =	vld [tilespmem:s13+$0x2022];
	v49 =	vadd.f32 v8, v3;
	[tilespmem:$0x2800] =	vst v6  }
0x24: {  	v50 =	vld [tilespmem:$0xA2];
	v53 =	vadd.f32 v10, v5;
	[tilespmem:$0x2810] =	vst v7  }
0x25: {  	v54 =	vld [tilespmem:$0x110];
	v55 =	vadd.f32 v11, v4;
	[tilespmem:$0x2820] =	vst v49  }
0x26: {  	v56 =	vadd.f32 v12, v3;
	[tilespmem:$0x2880] =	vst v53  }
0x27: {  	v58 =	vadd.f32 v52, v5;
	[tilespmem:$0x2890] =	vst v55  }
0x28: {  	v51 =	vadd.f32 v9, v2;
	[tilespmem:$0x28A0] =	vst v56  }
0x29: {  	v57 =	vadd.f32 v50, v2;
	[tilespmem:$0x2900] =	vst v58  }
0x2a: {  	v59 =	vadd.f32 v54, v4;
	[tilespmem:$0x2822] =	vst v51  }
0x2b: {  	[tilespmem:$0x28A2] =	vst v57  }
0x2c: {  	[tilespmem:$0x2910] =	vst v59  }
0x2d: {  	v60 =	vld [tilespmem:$0x120]  }
0x2e: {  	v61 =	vld [tilespmem:$0x180]  }
0x2f: {  	v62 =	vld [tilespmem:$0x190]  }
0x30: {  	v63 =	vld [tilespmem:$0x1A0]  }
0x31: {  	v17 =	vld [tilespmem:$0x200]  }
0x32: {  	v19 =	vld [tilespmem:$0x210];
	v6 =	vadd.f32 v60, v3  }
0x33: {  	v21 =	vld [tilespmem:$0x220];
	v18 =	vadd.f32 v61, v5  }
0x34: {  	v25 =	vld [tilespmem:$0x280];
	v20 =	vadd.f32 v62, v4;
	[tilespmem:$0x2920] =	vst v6  }
0x35: {  	v27 =	vld [tilespmem:$0x290];
	v22 =	vadd.f32 v63, v3;
	[tilespmem:$0x2980] =	vst v18  }
0x36: {  	v29 =	vld [tilespmem:$0x2A0];
	v26 =	vadd.f32 v17, v5;
	[tilespmem:$0x2990] =	vst v20  }
0x37: {  	v33 =	vld [tilespmem:$0x300];
	v28 =	vadd.f32 v19, v4;
	[tilespmem:$0x29A0] =	vst v22  }
0x38: {  	v35 =	vld [tilespmem:$0x310];
	v30 =	vadd.f32 v21, v3;
	[tilespmem:$0x2A00] =	vst v26  }
0x39: {  	v37 =	vld [tilespmem:$0x320];
	v34 =	vadd.f32 v25, v5;
	[tilespmem:$0x2A10] =	vst v28  }
0x3a: {  	v41 =	vld [tilespmem:$0x380];
	v36 =	vadd.f32 v27, v4;
	[tilespmem:$0x2A20] =	vst v30  }
0x3b: {  	v43 =	vld [tilespmem:$0x390];
	v38 =	vadd.f32 v29, v3;
	[tilespmem:$0x2A80] =	vst v34  }
0x3c: {  	v45 =	vld [tilespmem:$0x3A0];
	v42 =	vadd.f32 v33, v5;
	[tilespmem:$0x2A90] =	vst v36  }
0x3d: {  	v49 =	vld [tilespmem:$0x400];
	v44 =	vadd.f32 v35, v4;
	[tilespmem:$0x2AA0] =	vst v38  }
0x3e: {  	v51 =	vld [tilespmem:$0x410];
	v46 =	vadd.f32 v37, v3;
	[tilespmem:$0x2B00] =	vst v42  }
0x3f: {  	v53 =	vld [tilespmem:$0x420];
	v50 =	vadd.f32 v41, v5;
	[tilespmem:$0x2B10] =	vst v44  }
0x40: {  	v7 =	vld [tilespmem:$0x122];
	v52 =	vadd.f32 v43, v4;
	[tilespmem:$0x2B20] =	vst v46  }
0x41: {  	v16 =	vld [tilespmem:$0x1A2];
	v54 =	vadd.f32 v45, v3;
	[tilespmem:$0x2B80] =	vst v50  }
0x42: {  	v23 =	vld [tilespmem:$0x222];
	v58 =	vadd.f32 v49, v5;
	[tilespmem:$0x2B90] =	vst v52  }
0x43: {  	v31 =	vld [tilespmem:$0x2A2];
	v60 =	vadd.f32 v51, v4;
	[tilespmem:$0x2BA0] =	vst v54  }
0x44: {  	v39 =	vld [tilespmem:$0x322];
	v62 =	vadd.f32 v53, v3;
	[tilespmem:$0x2C00] =	vst v58  }
0x45: {  	v47 =	vld [tilespmem:$0x3A2];
	v7 =	vadd.f32 v7, v2;
	[tilespmem:$0x2C10] =	vst v60  }
0x46: {  	v55 =	vld [tilespmem:$0x422];
	v24 =	vadd.f32 v16, v2;
	[tilespmem:$0x2C20] =	vst v62  }
0x47: {  	v57 =	vld [tilespmem:$0x480];
	v32 =	vadd.f32 v23, v2;
	[tilespmem:$0x2922] =	vst v7  }
0x48: {  	v59 =	vld [tilespmem:$0x490];
	v40 =	vadd.f32 v31, v2;
	[tilespmem:$0x29A2] =	vst v24  }
0x49: {  	v48 =	vadd.f32 v39, v2;
	v61 =	vld [tilespmem:$0x4A0];
	[tilespmem:$0x2A22] =	vst v32  }
0x4a: {  	v56 =	vadd.f32 v47, v2;
	v17 =	vld [tilespmem:$0x500];
	[tilespmem:$0x2AA2] =	vst v40  }
0x4b: {  	v16 =	vadd.f32 v55, v2;
	v19 =	vld [tilespmem:$0x510];
	[tilespmem:$0x2B22] =	vst v48  }
0x4c: {  	v21 =	vld [tilespmem:$0x520];
	v18 =	vadd.f32 v57, v5;
	[tilespmem:$0x2BA2] =	vst v56  }
0x4d: {  	v25 =	vld [tilespmem:$0x580];
	v20 =	vadd.f32 v59, v4;
	[tilespmem:$0x2C22] =	vst v16  }
0x4e: {  	v27 =	vld [tilespmem:$0x590];
	[tilespmem:$0x2C80] =	vst v18;
	v22 =	vadd.f32 v61, v3  }
0x4f: {  	v29 =	vld [tilespmem:$0x5A0];
	[tilespmem:$0x2C90] =	vst v20;
	v26 =	vadd.f32 v17, v5  }
0x50: {  	v33 =	vld [tilespmem:$0x600];
	v28 =	vadd.f32 v19, v4;
	[tilespmem:$0x2CA0] =	vst v22  }
0x51: {  	v35 =	vld [tilespmem:$0x610];
	v30 =	vadd.f32 v21, v3;
	[tilespmem:$0x2D00] =	vst v26  }
0x52: {  	v37 =	vld [tilespmem:$0x620];
	v34 =	vadd.f32 v25, v5;
	[tilespmem:$0x2D10] =	vst v28  }
0x53: {  	v41 =	vld [tilespmem:$0x680];
	v36 =	vadd.f32 v27, v4;
	[tilespmem:$0x2D20] =	vst v30  }
0x54: {  	v43 =	vld [tilespmem:$0x690];
	v38 =	vadd.f32 v29, v3;
	[tilespmem:$0x2D80] =	vst v34  }
0x55: {  	v45 =	vld [tilespmem:$0x6A0];
	v42 =	vadd.f32 v33, v5;
	[tilespmem:$0x2D90] =	vst v36  }
0x56: {  	v49 =	vld [tilespmem:$0x700];
	v44 =	vadd.f32 v35, v4;
	[tilespmem:$0x2DA0] =	vst v38  }
0x57: {  	v51 =	vld [tilespmem:$0x710];
	v46 =	vadd.f32 v37, v3;
	[tilespmem:$0x2E00] =	vst v42  }
0x58: {  	v53 =	vld [tilespmem:$0x720];
	v50 =	vadd.f32 v41, v5;
	[tilespmem:$0x2E10] =	vst v44  }
0x59: {  	v63 =	vld [tilespmem:$0x4A2];
	v52 =	vadd.f32 v43, v4;
	[tilespmem:$0x2E20] =	vst v46  }
0x5a: {  	v23 =	vld [tilespmem:$0x522];
	v54 =	vadd.f32 v45, v3;
	[tilespmem:$0x2E80] =	vst v50  }
0x5b: {  	v31 =	vld [tilespmem:$0x5A2];
	v58 =	vadd.f32 v49, v5;
	[tilespmem:$0x2E90] =	vst v52  }
0x5c: {  	v39 =	vld [tilespmem:$0x622];
	v60 =	vadd.f32 v51, v4;
	[tilespmem:$0x2EA0] =	vst v54  }
0x5d: {  	v47 =	vld [tilespmem:$0x6A2];
	v62 =	vadd.f32 v53, v3;
	[tilespmem:$0x2F00] =	vst v58  }
0x5e: {  	v55 =	vld [tilespmem:$0x722];
	v24 =	vadd.f32 v63, v2;
	[tilespmem:$0x2F10] =	vst v60  }
0x5f: {  	v57 =	vld [tilespmem:$0x780];
	v32 =	vadd.f32 v23, v2;
	[tilespmem:$0x2F20] =	vst v62  }
0x60: {  	v59 =	vld [tilespmem:$0x790];
	v40 =	vadd.f32 v31, v2;
	[tilespmem:$0x2CA2] =	vst v24  }
0x61: {  	v48 =	vadd.f32 v39, v2;
	v61 =	vld [tilespmem:$0x7A0];
	[tilespmem:$0x2D22] =	vst v32  }
0x62: {  	v56 =	vadd.f32 v47, v2;
	v17 =	vld [tilespmem:$0x800];
	[tilespmem:$0x2DA2] =	vst v40  }
0x63: {  	v16 =	vadd.f32 v55, v2;
	v19 =	vld [tilespmem:$0x810];
	[tilespmem:$0x2E22] =	vst v48  }
0x64: {  	v21 =	vld [tilespmem:$0x820];
	v18 =	vadd.f32 v57, v5;
	[tilespmem:$0x2EA2] =	vst v56  }
0x65: {  	v25 =	vld [tilespmem:$0x880];
	v20 =	vadd.f32 v59, v4;
	[tilespmem:$0x2F22] =	vst v16  }
0x66: {  	v27 =	vld [tilespmem:$0x890];
	[tilespmem:$0x2F80] =	vst v18;
	v22 =	vadd.f32 v61, v3  }
0x67: {  	v29 =	vld [tilespmem:$0x8A0];
	[tilespmem:$0x2F90] =	vst v20;
	v26 =	vadd.f32 v17, v5  }
0x68: {  	v33 =	vld [tilespmem:$0x900];
	v28 =	vadd.f32 v19, v4;
	[tilespmem:$0x2FA0] =	vst v22  }
0x69: {  	v35 =	vld [tilespmem:$0x910];
	v30 =	vadd.f32 v21, v3;
	[tilespmem:$0x3000] =	vst v26  }
0x6a: {  	v37 =	vld [tilespmem:$0x920];
	v34 =	vadd.f32 v25, v5;
	[tilespmem:$0x3010] =	vst v28  }
0x6b: {  	v41 =	vld [tilespmem:$0x980];
	v36 =	vadd.f32 v27, v4;
	[tilespmem:$0x3020] =	vst v30  }
0x6c: {  	v43 =	vld [tilespmem:$0x990];
	v38 =	vadd.f32 v29, v3;
	[tilespmem:$0x3080] =	vst v34  }
0x6d: {  	v45 =	vld [tilespmem:$0x9A0];
	v42 =	vadd.f32 v33, v5;
	[tilespmem:$0x3090] =	vst v36  }
0x6e: {  	v49 =	vld [tilespmem:$0xA00];
	v44 =	vadd.f32 v35, v4;
	[tilespmem:$0x30A0] =	vst v38  }
0x6f: {  	v51 =	vld [tilespmem:$0xA10];
	v46 =	vadd.f32 v37, v3;
	[tilespmem:$0x3100] =	vst v42  }
0x70: {  	v53 =	vld [tilespmem:$0xA20];
	v50 =	vadd.f32 v41, v5;
	[tilespmem:$0x3110] =	vst v44  }
0x71: {  	v63 =	vld [tilespmem:$0x7A2];
	v52 =	vadd.f32 v43, v4;
	[tilespmem:$0x3120] =	vst v46  }
0x72: {  	v23 =	vld [tilespmem:$0x822];
	v54 =	vadd.f32 v45, v3;
	[tilespmem:$0x3180] =	vst v50  }
0x73: {  	v31 =	vld [tilespmem:$0x8A2];
	v58 =	vadd.f32 v49, v5;
	[tilespmem:$0x3190] =	vst v52  }
0x74: {  	v39 =	vld [tilespmem:$0x922];
	v60 =	vadd.f32 v51, v4;
	[tilespmem:$0x31A0] =	vst v54  }
0x75: {  	v47 =	vld [tilespmem:$0x9A2];
	v62 =	vadd.f32 v53, v3;
	[tilespmem:$0x3200] =	vst v58  }
0x76: {  	v55 =	vld [tilespmem:$0xA22];
	v24 =	vadd.f32 v63, v2;
	[tilespmem:$0x3210] =	vst v60  }
0x77: {  	v57 =	vld [tilespmem:$0xA80];
	v32 =	vadd.f32 v23, v2;
	[tilespmem:$0x3220] =	vst v62  }
0x78: {  	v59 =	vld [tilespmem:$0xA90];
	v40 =	vadd.f32 v31, v2;
	[tilespmem:$0x2FA2] =	vst v24  }
0x79: {  	v48 =	vadd.f32 v39, v2;
	v61 =	vld [tilespmem:$0xAA0];
	[tilespmem:$0x3022] =	vst v32  }
0x7a: {  	v56 =	vadd.f32 v47, v2;
	v17 =	vld [tilespmem:$0xB00];
	[tilespmem:$0x30A2] =	vst v40  }
0x7b: {  	v16 =	vadd.f32 v55, v2;
	v19 =	vld [tilespmem:$0xB10];
	[tilespmem:$0x3122] =	vst v48  }
0x7c: {  	v21 =	vld [tilespmem:$0xB20];
	v18 =	vadd.f32 v57, v5;
	[tilespmem:$0x31A2] =	vst v56  }
0x7d: {  	v25 =	vld [tilespmem:$0xB80];
	v20 =	vadd.f32 v59, v4;
	[tilespmem:$0x3222] =	vst v16  }
0x7e: {  	v27 =	vld [tilespmem:$0xB90];
	[tilespmem:$0x3280] =	vst v18;
	v22 =	vadd.f32 v61, v3  }
0x7f: {  	v29 =	vld [tilespmem:$0xBA0];
	[tilespmem:$0x3290] =	vst v20;
	v26 =	vadd.f32 v17, v5  }
0x80: {  	v33 =	vld [tilespmem:$0xC00];
	v28 =	vadd.f32 v19, v4;
	[tilespmem:$0x32A0] =	vst v22  }
0x81: {  	v35 =	vld [tilespmem:$0xC10];
	v30 =	vadd.f32 v21, v3;
	[tilespmem:$0x3300] =	vst v26  }
0x82: {  	v37 =	vld [tilespmem:$0xC20];
	v34 =	vadd.f32 v25, v5;
	[tilespmem:$0x3310] =	vst v28  }
0x83: {  	v41 =	vld [tilespmem:$0xC80];
	v36 =	vadd.f32 v27, v4;
	[tilespmem:$0x3320] =	vst v30  }
0x84: {  	v43 =	vld [tilespmem:$0xC90];
	v38 =	vadd.f32 v29, v3;
	[tilespmem:$0x3380] =	vst v34  }
0x85: {  	v45 =	vld [tilespmem:$0xCA0];
	v42 =	vadd.f32 v33, v5;
	[tilespmem:$0x3390] =	vst v36  }
0x86: {  	v49 =	vld [tilespmem:$0xD00];
	v44 =	vadd.f32 v35, v4;
	[tilespmem:$0x33A0] =	vst v38  }
0x87: {  	v51 =	vld [tilespmem:$0xD10];
	v46 =	vadd.f32 v37, v3;
	[tilespmem:$0x3400] =	vst v42  }
0x88: {  	v53 =	vld [tilespmem:$0xD20];
	v50 =	vadd.f32 v41, v5;
	[tilespmem:$0x3410] =	vst v44  }
0x89: {  	v63 =	vld [tilespmem:$0xAA2];
	v52 =	vadd.f32 v43, v4;
	[tilespmem:$0x3420] =	vst v46  }
0x8a: {  	v23 =	vld [tilespmem:$0xB22];
	v54 =	vadd.f32 v45, v3;
	[tilespmem:$0x3480] =	vst v50  }
0x8b: {  	v31 =	vld [tilespmem:$0xBA2];
	v58 =	vadd.f32 v49, v5;
	[tilespmem:$0x3490] =	vst v52  }
0x8c: {  	v39 =	vld [tilespmem:$0xC22];
	v60 =	vadd.f32 v51, v4;
	[tilespmem:$0x34A0] =	vst v54  }
0x8d: {  	v47 =	vld [tilespmem:$0xCA2];
	v62 =	vadd.f32 v53, v3;
	[tilespmem:$0x3500] =	vst v58  }
0x8e: {  	v55 =	vld [tilespmem:$0xD22];
	v24 =	vadd.f32 v63, v2;
	[tilespmem:$0x3510] =	vst v60  }
0x8f: {  	v57 =	vld [tilespmem:$0xD80];
	v32 =	vadd.f32 v23, v2;
	[tilespmem:$0x3520] =	vst v62  }
0x90: {  	v59 =	vld [tilespmem:$0xD90];
	v40 =	vadd.f32 v31, v2;
	[tilespmem:$0x32A2] =	vst v24  }
0x91: {  	v48 =	vadd.f32 v39, v2;
	v61 =	vld [tilespmem:$0xDA0];
	[tilespmem:$0x3322] =	vst v32  }
0x92: {  	v56 =	vadd.f32 v47, v2;
	v17 =	vld [tilespmem:$0xE00];
	[tilespmem:$0x33A2] =	vst v40  }
0x93: {  	v16 =	vadd.f32 v55, v2;
	v19 =	vld [tilespmem:$0xE10];
	[tilespmem:$0x3422] =	vst v48  }
0x94: {  	v21 =	vld [tilespmem:$0xE20];
	v18 =	vadd.f32 v57, v5;
	[tilespmem:$0x34A2] =	vst v56  }
0x95: {  	v25 =	vld [tilespmem:$0xE80];
	v20 =	vadd.f32 v59, v4;
	[tilespmem:$0x3522] =	vst v16  }
0x96: {  	v27 =	vld [tilespmem:$0xE90];
	[tilespmem:$0x3580] =	vst v18;
	v22 =	vadd.f32 v61, v3  }
0x97: {  	v29 =	vld [tilespmem:$0xEA0];
	[tilespmem:$0x3590] =	vst v20;
	v26 =	vadd.f32 v17, v5  }
0x98: {  	v33 =	vld [tilespmem:$0xF00];
	v28 =	vadd.f32 v19, v4;
	[tilespmem:$0x35A0] =	vst v22  }
0x99: {  	v35 =	vld [tilespmem:$0xF10];
	v30 =	vadd.f32 v21, v3;
	[tilespmem:$0x3600] =	vst v26  }
0x9a: {  	v37 =	vld [tilespmem:$0xF20];
	v34 =	vadd.f32 v25, v5;
	[tilespmem:$0x3610] =	vst v28  }
0x9b: {  	v41 =	vld [tilespmem:$0xF80];
	v36 =	vadd.f32 v27, v4;
	[tilespmem:$0x3620] =	vst v30  }
0x9c: {  	v43 =	vld [tilespmem:$0xF90];
	v38 =	vadd.f32 v29, v3;
	[tilespmem:$0x3680] =	vst v34  }
0x9d: {  	v45 =	vld [tilespmem:$0xFA0];
	v42 =	vadd.f32 v33, v5;
	[tilespmem:$0x3690] =	vst v36  }
0x9e: {  	v49 =	vld [tilespmem:$0x1000];
	v44 =	vadd.f32 v35, v4;
	[tilespmem:$0x36A0] =	vst v38  }
0x9f: {  	v51 =	vld [tilespmem:$0x1010];
	v46 =	vadd.f32 v37, v3;
	[tilespmem:$0x3700] =	vst v42  }
0xa0: {  	v53 =	vld [tilespmem:$0x1020];
	v50 =	vadd.f32 v41, v5;
	[tilespmem:$0x3710] =	vst v44  }
0xa1: {  	v63 =	vld [tilespmem:$0xDA2];
	v52 =	vadd.f32 v43, v4;
	[tilespmem:$0x3720] =	vst v46  }
0xa2: {  	v23 =	vld [tilespmem:$0xE22];
	v54 =	vadd.f32 v45, v3;
	[tilespmem:$0x3780] =	vst v50  }
0xa3: {  	v31 =	vld [tilespmem:$0xEA2];
	v58 =	vadd.f32 v49, v5;
	[tilespmem:$0x3790] =	vst v52  }
0xa4: {  	v39 =	vld [tilespmem:$0xF22];
	v60 =	vadd.f32 v51, v4;
	[tilespmem:$0x37A0] =	vst v54  }
0xa5: {  	v47 =	vld [tilespmem:$0xFA2];
	v62 =	vadd.f32 v53, v3;
	[tilespmem:$0x3800] =	vst v58  }
0xa6: {  	v55 =	vld [tilespmem:$0x1022];
	v24 =	vadd.f32 v63, v2;
	[tilespmem:$0x3810] =	vst v60  }
0xa7: {  	v57 =	vld [tilespmem:$0x1080];
	v32 =	vadd.f32 v23, v2;
	[tilespmem:$0x3820] =	vst v62  }
0xa8: {  	v59 =	vld [tilespmem:$0x1090];
	v40 =	vadd.f32 v31, v2;
	[tilespmem:$0x35A2] =	vst v24  }
0xa9: {  	v48 =	vadd.f32 v39, v2;
	v61 =	vld [tilespmem:$0x10A0];
	[tilespmem:$0x3622] =	vst v32  }
0xaa: {  	v56 =	vadd.f32 v47, v2;
	v17 =	vld [tilespmem:$0x1100];
	[tilespmem:$0x36A2] =	vst v40  }
0xab: {  	v16 =	vadd.f32 v55, v2;
	v19 =	vld [tilespmem:$0x1110];
	[tilespmem:$0x3722] =	vst v48  }
0xac: {  	v21 =	vld [tilespmem:$0x1120];
	v18 =	vadd.f32 v57, v5;
	[tilespmem:$0x37A2] =	vst v56  }
0xad: {  	v25 =	vld [tilespmem:$0x1180];
	v20 =	vadd.f32 v59, v4;
	[tilespmem:$0x3822] =	vst v16  }
0xae: {  	v27 =	vld [tilespmem:$0x1190];
	[tilespmem:$0x3880] =	vst v18;
	v22 =	vadd.f32 v61, v3  }
0xaf: {  	v29 =	vld [tilespmem:$0x11A0];
	[tilespmem:$0x3890] =	vst v20;
	v26 =	vadd.f32 v17, v5  }
0xb0: {  	v33 =	vld [tilespmem:$0x1200];
	v28 =	vadd.f32 v19, v4;
	[tilespmem:$0x38A0] =	vst v22  }
0xb1: {  	v35 =	vld [tilespmem:$0x1210];
	v30 =	vadd.f32 v21, v3;
	[tilespmem:$0x3900] =	vst v26  }
0xb2: {  	v37 =	vld [tilespmem:$0x1220];
	v34 =	vadd.f32 v25, v5;
	[tilespmem:$0x3910] =	vst v28  }
0xb3: {  	v41 =	vld [tilespmem:$0x1280];
	v36 =	vadd.f32 v27, v4;
	[tilespmem:$0x3920] =	vst v30  }
0xb4: {  	v43 =	vld [tilespmem:$0x1290];
	v38 =	vadd.f32 v29, v3;
	[tilespmem:$0x3980] =	vst v34  }
0xb5: {  	v45 =	vld [tilespmem:$0x12A0];
	v42 =	vadd.f32 v33, v5;
	[tilespmem:$0x3990] =	vst v36  }
0xb6: {  	v49 =	vld [tilespmem:$0x1300];
	v44 =	vadd.f32 v35, v4;
	[tilespmem:$0x39A0] =	vst v38  }
0xb7: {  	v51 =	vld [tilespmem:$0x1310];
	v46 =	vadd.f32 v37, v3;
	[tilespmem:$0x3A00] =	vst v42  }
0xb8: {  	v53 =	vld [tilespmem:$0x1320];
	v50 =	vadd.f32 v41, v5;
	[tilespmem:$0x3A10] =	vst v44  }
0xb9: {  	v63 =	vld [tilespmem:$0x10A2];
	v52 =	vadd.f32 v43, v4;
	[tilespmem:$0x3A20] =	vst v46  }
0xba: {  	v23 =	vld [tilespmem:$0x1122];
	v54 =	vadd.f32 v45, v3;
	[tilespmem:$0x3A80] =	vst v50  }
0xbb: {  	v31 =	vld [tilespmem:$0x11A2];
	v58 =	vadd.f32 v49, v5;
	[tilespmem:$0x3A90] =	vst v52  }
0xbc: {  	v39 =	vld [tilespmem:$0x1222];
	v60 =	vadd.f32 v51, v4;
	[tilespmem:$0x3AA0] =	vst v54  }
0xbd: {  	v47 =	vld [tilespmem:$0x12A2];
	v62 =	vadd.f32 v53, v3;
	[tilespmem:$0x3B00] =	vst v58  }
0xbe: {  	v55 =	vld [tilespmem:$0x1322];
	v24 =	vadd.f32 v63, v2;
	[tilespmem:$0x3B10] =	vst v60  }
0xbf: {  	v57 =	vld [tilespmem:$0x1380];
	v32 =	vadd.f32 v23, v2;
	[tilespmem:$0x3B20] =	vst v62  }
0xc0: {  	v59 =	vld [tilespmem:$0x1390];
	v40 =	vadd.f32 v31, v2;
	[tilespmem:$0x38A2] =	vst v24  }
0xc1: {  	v48 =	vadd.f32 v39, v2;
	v61 =	vld [tilespmem:$0x13A0];
	[tilespmem:$0x3922] =	vst v32  }
0xc2: {  	v56 =	vadd.f32 v47, v2;
	v17 =	vld [tilespmem:$0x1400];
	[tilespmem:$0x39A2] =	vst v40  }
0xc3: {  	v16 =	vadd.f32 v55, v2;
	v19 =	vld [tilespmem:$0x1410];
	[tilespmem:$0x3A22] =	vst v48  }
0xc4: {  	v21 =	vld [tilespmem:$0x1420];
	v18 =	vadd.f32 v57, v5;
	[tilespmem:$0x3AA2] =	vst v56  }
0xc5: {  	v25 =	vld [tilespmem:$0x1480];
	v20 =	vadd.f32 v59, v4;
	[tilespmem:$0x3B22] =	vst v16  }
0xc6: {  	v27 =	vld [tilespmem:$0x1490];
	[tilespmem:$0x3B80] =	vst v18;
	v22 =	vadd.f32 v61, v3  }
0xc7: {  	v29 =	vld [tilespmem:$0x14A0];
	[tilespmem:$0x3B90] =	vst v20;
	v26 =	vadd.f32 v17, v5  }
0xc8: {  	v33 =	vld [tilespmem:$0x1500];
	v28 =	vadd.f32 v19, v4;
	[tilespmem:$0x3BA0] =	vst v22  }
0xc9: {  	v35 =	vld [tilespmem:$0x1510];
	v30 =	vadd.f32 v21, v3;
	[tilespmem:$0x3C00] =	vst v26  }
0xca: {  	v37 =	vld [tilespmem:$0x1520];
	v34 =	vadd.f32 v25, v5;
	[tilespmem:$0x3C10] =	vst v28  }
0xcb: {  	v41 =	vld [tilespmem:$0x1580];
	v36 =	vadd.f32 v27, v4;
	[tilespmem:$0x3C20] =	vst v30  }
0xcc: {  	v43 =	vld [tilespmem:$0x1590];
	v38 =	vadd.f32 v29, v3;
	[tilespmem:$0x3C80] =	vst v34  }
0xcd: {  	v45 =	vld [tilespmem:$0x15A0];
	v42 =	vadd.f32 v33, v5;
	[tilespmem:$0x3C90] =	vst v36  }
0xce: {  	v49 =	vld [tilespmem:$0x1600];
	v44 =	vadd.f32 v35, v4;
	[tilespmem:$0x3CA0] =	vst v38  }
0xcf: {  	v51 =	vld [tilespmem:$0x1610];
	v46 =	vadd.f32 v37, v3;
	[tilespmem:$0x3D00] =	vst v42  }
0xd0: {  	v53 =	vld [tilespmem:$0x1620];
	v50 =	vadd.f32 v41, v5;
	[tilespmem:$0x3D10] =	vst v44  }
0xd1: {  	v63 =	vld [tilespmem:$0x13A2];
	v52 =	vadd.f32 v43, v4;
	[tilespmem:$0x3D20] =	vst v46  }
0xd2: {  	v23 =	vld [tilespmem:$0x1422];
	v54 =	vadd.f32 v45, v3;
	[tilespmem:$0x3D80] =	vst v50  }
0xd3: {  	v31 =	vld [tilespmem:$0x14A2];
	v58 =	vadd.f32 v49, v5;
	[tilespmem:$0x3D90] =	vst v52  }
0xd4: {  	v39 =	vld [tilespmem:$0x1522];
	v60 =	vadd.f32 v51, v4;
	[tilespmem:$0x3DA0] =	vst v54  }
0xd5: {  	v47 =	vld [tilespmem:$0x15A2];
	v62 =	vadd.f32 v53, v3;
	[tilespmem:$0x3E00] =	vst v58  }
0xd6: {  	v55 =	vld [tilespmem:$0x1622];
	v24 =	vadd.f32 v63, v2;
	[tilespmem:$0x3E10] =	vst v60  }
0xd7: {  	v57 =	vld [tilespmem:$0x1680];
	v32 =	vadd.f32 v23, v2;
	[tilespmem:$0x3E20] =	vst v62  }
0xd8: {  	v59 =	vld [tilespmem:$0x1690];
	v40 =	vadd.f32 v31, v2;
	[tilespmem:$0x3BA2] =	vst v24  }
0xd9: {  	v48 =	vadd.f32 v39, v2;
	v61 =	vld [tilespmem:$0x16A0];
	[tilespmem:$0x3C22] =	vst v32  }
0xda: {  	v56 =	vadd.f32 v47, v2;
	v17 =	vld [tilespmem:$0x1700];
	[tilespmem:$0x3CA2] =	vst v40  }
0xdb: {  	v16 =	vadd.f32 v55, v2;
	v19 =	vld [tilespmem:$0x1710];
	[tilespmem:$0x3D22] =	vst v48  }
0xdc: {  	v21 =	vld [tilespmem:$0x1720];
	v18 =	vadd.f32 v57, v5;
	[tilespmem:$0x3DA2] =	vst v56  }
0xdd: {  	v25 =	vld [tilespmem:$0x1780];
	v20 =	vadd.f32 v59, v4;
	[tilespmem:$0x3E22] =	vst v16  }
0xde: {  	v27 =	vld [tilespmem:$0x1790];
	[tilespmem:$0x3E80] =	vst v18;
	v22 =	vadd.f32 v61, v3  }
0xdf: {  	v29 =	vld [tilespmem:$0x17A0];
	[tilespmem:$0x3E90] =	vst v20;
	v26 =	vadd.f32 v17, v5  }
0xe0: {  	v33 =	vld [tilespmem:$0x1800];
	v28 =	vadd.f32 v19, v4;
	[tilespmem:$0x3EA0] =	vst v22  }
0xe1: {  	v35 =	vld [tilespmem:$0x1810];
	v30 =	vadd.f32 v21, v3;
	[tilespmem:$0x3F00] =	vst v26  }
0xe2: {  	v37 =	vld [tilespmem:$0x1820];
	v34 =	vadd.f32 v25, v5;
	[tilespmem:$0x3F10] =	vst v28  }
0xe3: {  	v41 =	vld [tilespmem:$0x1880];
	v36 =	vadd.f32 v27, v4;
	[tilespmem:$0x3F20] =	vst v30  }
0xe4: {  	v43 =	vld [tilespmem:$0x1890];
	v38 =	vadd.f32 v29, v3;
	[tilespmem:$0x3F80] =	vst v34  }
0xe5: {  	v45 =	vld [tilespmem:$0x18A0];
	v42 =	vadd.f32 v33, v5;
	[tilespmem:$0x3F90] =	vst v36  }
0xe6: {  	v49 =	vld [tilespmem:$0x1900];
	v44 =	vadd.f32 v35, v4;
	[tilespmem:$0x3FA0] =	vst v38  }
0xe7: {  	v51 =	vld [tilespmem:$0x1910];
	v46 =	vadd.f32 v37, v3;
	[tilespmem:$0x4000] =	vst v42  }
0xe8: {  	v53 =	vld [tilespmem:$0x1920];
	v50 =	vadd.f32 v41, v5;
	[tilespmem:$0x4010] =	vst v44  }
0xe9: {  	v63 =	vld [tilespmem:$0x16A2];
	v52 =	vadd.f32 v43, v4;
	[tilespmem:$0x4020] =	vst v46  }
0xea: {  	v23 =	vld [tilespmem:$0x1722];
	v54 =	vadd.f32 v45, v3;
	[tilespmem:$0x4080] =	vst v50  }
0xeb: {  	v31 =	vld [tilespmem:$0x17A2];
	v58 =	vadd.f32 v49, v5;
	[tilespmem:$0x4090] =	vst v52  }
0xec: {  	v39 =	vld [tilespmem:$0x1822];
	v60 =	vadd.f32 v51, v4;
	[tilespmem:$0x40A0] =	vst v54  }
0xed: {  	v47 =	vld [tilespmem:$0x18A2];
	v62 =	vadd.f32 v53, v3;
	[tilespmem:$0x4100] =	vst v58  }
0xee: {  	v55 =	vld [tilespmem:$0x1922];
	v24 =	vadd.f32 v63, v2;
	[tilespmem:$0x4110] =	vst v60  }
0xef: {  	v57 =	vld [tilespmem:$0x1980];
	v32 =	vadd.f32 v23, v2;
	[tilespmem:$0x4120] =	vst v62  }
0xf0: {  	v59 =	vld [tilespmem:$0x1990];
	v40 =	vadd.f32 v31, v2;
	[tilespmem:$0x3EA2] =	vst v24  }
0xf1: {  	v48 =	vadd.f32 v39, v2;
	v61 =	vld [tilespmem:$0x19A0];
	[tilespmem:$0x3F22] =	vst v32  }
0xf2: {  	v56 =	vadd.f32 v47, v2;
	v17 =	vld [tilespmem:$0x1A00];
	[tilespmem:$0x3FA2] =	vst v40  }
0xf3: {  	v16 =	vadd.f32 v55, v2;
	v19 =	vld [tilespmem:$0x1A10];
	[tilespmem:$0x4022] =	vst v48  }
0xf4: {  	v21 =	vld [tilespmem:$0x1A20];
	v18 =	vadd.f32 v57, v5;
	[tilespmem:$0x40A2] =	vst v56  }
0xf5: {  	v25 =	vld [tilespmem:$0x1A80];
	v20 =	vadd.f32 v59, v4;
	[tilespmem:$0x4122] =	vst v16  }
0xf6: {  	v27 =	vld [tilespmem:$0x1A90];
	[tilespmem:$0x4180] =	vst v18;
	v22 =	vadd.f32 v61, v3  }
0xf7: {  	v29 =	vld [tilespmem:$0x1AA0];
	[tilespmem:$0x4190] =	vst v20;
	v26 =	vadd.f32 v17, v5  }
0xf8: {  	v33 =	vld [tilespmem:$0x1B00];
	v28 =	vadd.f32 v19, v4;
	[tilespmem:$0x41A0] =	vst v22  }
0xf9: {  	v35 =	vld [tilespmem:$0x1B10];
	v30 =	vadd.f32 v21, v3;
	[tilespmem:$0x4200] =	vst v26  }
0xfa: {  	v37 =	vld [tilespmem:$0x1B20];
	v34 =	vadd.f32 v25, v5;
	[tilespmem:$0x4210] =	vst v28  }
0xfb: {  	v41 =	vld [tilespmem:$0x1B80];
	v36 =	vadd.f32 v27, v4;
	[tilespmem:$0x4220] =	vst v30  }
0xfc: {  	v43 =	vld [tilespmem:$0x1B90];
	v38 =	vadd.f32 v29, v3;
	[tilespmem:$0x4280] =	vst v34  }
0xfd: {  	v45 =	vld [tilespmem:$0x1BA0];
	v42 =	vadd.f32 v33, v5;
	[tilespmem:$0x4290] =	vst v36  }
0xfe: {  	v49 =	vld [tilespmem:$0x1C00];
	v44 =	vadd.f32 v35, v4;
	[tilespmem:$0x42A0] =	vst v38  }
0xff: {  	v51 =	vld [tilespmem:$0x1C10];
	v46 =	vadd.f32 v37, v3;
	[tilespmem:$0x4300] =	vst v42  }
0x100: {  	v53 =	vld [tilespmem:$0x1C20];
	v50 =	vadd.f32 v41, v5;
	[tilespmem:$0x4310] =	vst v44  }
0x101: {  	v63 =	vld [tilespmem:$0x19A2];
	v52 =	vadd.f32 v43, v4;
	[tilespmem:$0x4320] =	vst v46  }
0x102: {  	v23 =	vld [tilespmem:$0x1A22];
	v54 =	vadd.f32 v45, v3;
	[tilespmem:$0x4380] =	vst v50  }
0x103: {  	v31 =	vld [tilespmem:$0x1AA2];
	v58 =	vadd.f32 v49, v5;
	[tilespmem:$0x4390] =	vst v52  }
0x104: {  	v39 =	vld [tilespmem:$0x1B22];
	v60 =	vadd.f32 v51, v4;
	[tilespmem:$0x43A0] =	vst v54  }
0x105: {  	v47 =	vld [tilespmem:$0x1BA2];
	v62 =	vadd.f32 v53, v3;
	[tilespmem:$0x4400] =	vst v58  }
0x106: {  	v55 =	vld [tilespmem:$0x1C22];
	v24 =	vadd.f32 v63, v2;
	[tilespmem:$0x4410] =	vst v60  }
0x107: {  	v57 =	vld [tilespmem:$0x1C80];
	v32 =	vadd.f32 v23, v2;
	[tilespmem:$0x4420] =	vst v62  }
0x108: {  	v59 =	vld [tilespmem:$0x1C90];
	v40 =	vadd.f32 v31, v2;
	[tilespmem:$0x41A2] =	vst v24  }
0x109: {  	v16 =	vld [tilespmem:$0x1D00];
	v48 =	vadd.f32 v39, v2;
	[tilespmem:$0x4222] =	vst v32  }
0x10a: {  	v18 =	vld [tilespmem:$0x1D10];
	v56 =	vadd.f32 v47, v2;
	[tilespmem:$0x42A2] =	vst v40  }
0x10b: {  	v20 =	vld [tilespmem:$0x1D20];
	v15 =	vadd.f32 v55, v2;
	[tilespmem:$0x4322] =	vst v48  }
0x10c: {  	v61 =	vld [tilespmem:$0x1CA0];
	v17 =	vadd.f32 v57, v5;
	[tilespmem:$0x43A2] =	vst v56  }
0x10d: {  	v63 =	vld [tilespmem:$0x1CA2];
	v19 =	vadd.f32 v59, v4;
	[tilespmem:$0x4422] =	vst v15  }
0x10e: {  	v22 =	vld [tilespmem:$0x1D22];
	v25 =	vadd.f32 v16, v5;
	[tilespmem:$0x4480] =	vst v17  }
0x10f: {  	v26 =	vld [tilespmem:$0x1D90];
	[tilespmem:$0x4490] =	vst v19;
	v27 =	vadd.f32 v18, v4  }
0x110: {  	v28 =	vld [tilespmem:$0x1DA0];
	v29 =	vadd.f32 v20, v3;
	[tilespmem:$0x4500] =	vst v25  }
0x111: {  	v34 =	vld [tilespmem:$0x1E10];
	v21 =	vadd.f32 v61, v3;
	[tilespmem:$0x4510] =	vst v27  }
0x112: {  	v36 =	vld [tilespmem:$0x1E20];
	v23 =	vadd.f32 v63, v2;
	[tilespmem:$0x4520] =	vst v29  }
0x113: {  	v42 =	vld [tilespmem:$0x1E90];
	[tilespmem:$0x44A0] =	vst v21;
	v31 =	vadd.f32 v22, v2  }
0x114: {  	v44 =	vld [tilespmem:$0x1EA0];
	v35 =	vadd.f32 v26, v4;
	[tilespmem:$0x44A2] =	vst v23  }
0x115: {  	v50 =	vld [tilespmem:$0x1F10];
	v37 =	vadd.f32 v28, v3;
	[tilespmem:$0x4522] =	vst v31  }
0x116: {  	v52 =	vld [tilespmem:$0x1F20];
	v43 =	vadd.f32 v34, v4;
	[tilespmem:$0x4590] =	vst v35  }
0x117: {  	v58 =	vld [tilespmem:$0x1F90];
	v45 =	vadd.f32 v36, v3;
	[tilespmem:$0x45A0] =	vst v37  }
0x118: {  	v60 =	vld [tilespmem:$0x1FA0];
	v51 =	vadd.f32 v42, v4;
	[tilespmem:$0x4610] =	vst v43  }
0x119: {  	v24 =	vld [tilespmem:$0x1D80];
	v53 =	vadd.f32 v44, v3;
	[tilespmem:$0x4620] =	vst v45  }
0x11a: {  	v30 =	vld [tilespmem:$0x1DA2];
	v59 =	vadd.f32 v50, v4;
	[tilespmem:$0x4690] =	vst v51  }
0x11b: {  	v32 =	vld [tilespmem:$0x1E00];
	v61 =	vadd.f32 v52, v3;
	[tilespmem:$0x46A0] =	vst v53  }
0x11c: {  	v38 =	vld [tilespmem:$0x1E22];
	v4 =	vadd.f32 v58, v4;
	[tilespmem:$0x4710] =	vst v59  }
0x11d: {  	v40 =	vld [tilespmem:$0x1E80];
	v3 =	vadd.f32 v60, v3;
	[tilespmem:$0x4720] =	vst v61  }
0x11e: {  	v46 =	vld [tilespmem:$0x1EA2];
	v33 =	vadd.f32 v24, v5;
	[tilespmem:$0x4790] =	vst v4  }
0x11f: {  	v48 =	vld [tilespmem:$0x1F00];
	v39 =	vadd.f32 v30, v2;
	[tilespmem:$0x47A0] =	vst v3  }
0x120: {  	v54 =	vld [tilespmem:$0x1F22];
	v41 =	vadd.f32 v32, v5;
	[tilespmem:$0x4580] =	vst v33  }
0x121: {  	v56 =	vld [tilespmem:$0x1F80];
	v47 =	vadd.f32 v38, v2;
	[tilespmem:$0x45A2] =	vst v39  }
0x122: {  	v62 =	vld [tilespmem:$0x1FA2];
	v49 =	vadd.f32 v40, v5;
	[tilespmem:$0x4600] =	vst v41  }
0x123: {  	v55 =	vadd.f32 v46, v2;
	[tilespmem:$0x4622] =	vst v47  }
0x124: {  	v57 =	vadd.f32 v48, v5;
	[tilespmem:$0x4680] =	vst v49  }
0x125: {  	v63 =	vadd.f32 v54, v2;
	[tilespmem:$0x46A2] =	vst v55  }
0x126: {  	v5 =	vadd.f32 v56, v5;
	[tilespmem:$0x4700] =	vst v57  }
0x127: {  	v2 =	vadd.f32 v62, v2;
	[tilespmem:$0x4722] =	vst v63  }
0x128: {  	[tilespmem:$0x4780] =	vst v5  }
0x129: {  	[tilespmem:$0x47A2] =	vst v2  }
0x12a: {  	[tilespmem:v1+s13+$0x0 ss:$0x1] =	vst.idx.msk $0xffff, v0  }
0x12b: {  	[tilespmem:v1+s13+$0x10 ss:$0x1] =	vst.idx.msk $0xffff, v0  }
0x12c: {  	p0 =	sne.s32 s12, $0x1E00;
	[tilespmem:v1+s13+$0x20 ss:$0x1] =	vst.idx.msk $0xffff, v0  }
.Ltmp0:
0x12d: {  	[tilespmem:v1+s13+$0x22 ss:$0x1] =	vst.idx.msk $0xffff, v0;
	(pc) =	sbr.rel @p0 .LBB2_2-.Ltmp0, $4  }
0x12e: {  	[hbm4b:s11+s2] =	stream.linear.scatter [tilespmem:s9], [sflag:$0x1], $0x2000, $0x38;
	[tilespmem:$0x4800] =	vst v63  }
0x12f: {  	_ =	swait.ge [sflag:s7], $0x2000  }
0x130: {  	[sflag:s7] =	ssyncset.done $0x0  }
0x131: {  	s12 =	sadd.s32 $0x200, s12;
	s11 =	sadd.s32 $0x400, s11;
	[sflag:s7] =	ssyncadd.s32 $0xFFFFE000  }
0x132: {  	s10 =	sadd.s32 $0x1, s10  }
0x133: {  	p0 =	sne.s32 s10, s5  }
.Ltmp1:
0x134: {  	_ = 	snop;
	(pc) =	sbr.rel @p0 .LBB2_1-.Ltmp1, $1  }
0x135: {  	_ =	sdelay $0x3  }
0x136: {  	_ =	sfence.sel $0x180000  }
0x137: {  	[bflag:$0x0] =	sbarrier.arrive $0xFFFF  }
0x138: {  	p0 =	sne.s32 s1, $0x0;
	_ =	strace $0x90000047  }
0x139: {  	s0 =	sadd.s32 @!p0 $0x100000, s0;
	[bflag:$0x2] =	sbarrier.arrive $0xFFFF  }
0x13a: {  	[sflag:s0] =	ssyncadd.tile.s32 @!p0 $0x1;
	_ =	shalt  }
.Lfunc_end2:
_tile_overlayer_lowered:
.L_overlay_start_2:
0x13b: {  	(tag) =	ssettag $0x2  }
0x13c: {  	s0 =	rddreg [dreg:$0x0];
	s2 =	stileid.u32  }
0x13d: {  	s1 =	rddreg [dreg:$0x1];
	p0 =	sne.s32 s2, $0x0  }
0x13e: {  	s3 =	rddreg [dreg:$0x2];
	[bflag:$0x3] =	sbarrier.arrive $0xFFFF;
	s2 =	simm.s32 @!p0 $0x1C01  }
0x13f: {  	[timem:s3], [sflag:s2] =	dma.local @!p0 [hbm:s0], s1  }
0x140: {  	s0 =	simm.s32 @!p0 $0x1  }
0x141: {  	_ =	swait.ge @!p0 [sflag:s0], s1  }
0x142: {  	s1 =	ssub.s32 @!p0 $0x0, s1;
	[sflag:s0] =	ssyncset.done @!p0 $0x0  }
0x143: {  	[sflag:s0] =	ssyncadd.s32 @!p0 s1  }
0x144: {  	[bflag:$0x3] =	sbarrier.arrive $0xFFFF  }
0x145: {  	_ =	shalt  }

</sc_bundles>
